<compile_context>
chip_gen: v7x
topology: tpu7x:2x2x1
jax: 0.10.2.dev20260603
libtpu: 0.0.44.dev20260713+nightly
codegen_flags: <defaults>
</compile_context>

<pallas_src>
import functools

import jax
import jax.numpy as jnp
from jax import lax
from jax.experimental import pallas as pl
from jax.experimental.pallas import tpu as pltpu
from jax.experimental.pallas import tpu_sc as plsc

BK = 256
NSPLIT = 1
GCH = 32
CCH = 16



def _router_body(x_ref, wr_ref, br_ref, emb_ref,
                 q_ref, probs_ref, idx_ref, gates_ref, rank_ref, counts_ref,
                 carry_ref):
    t = pl.program_id(0)
    x = x_ref[...]
    q = jnp.dot(x, wr_ref[...], preferred_element_type=jnp.float32) + br_ref[...]
    q_ref[...] = q
    emb = emb_ref[...]
    diff = q[:, None, :] - emb[None, :, :]
    scores = -jnp.sum(diff * diff, axis=-1)

    m = jnp.max(scores, axis=-1, keepdims=True)
    ex = jnp.exp(scores - m)
    probs_ref[...] = ex / jnp.sum(ex, axis=-1, keepdims=True)

    ncols = scores.shape[-1]
    col = jax.lax.broadcasted_iota(jnp.int32, scores.shape, 1)
    s1 = jnp.max(scores, axis=-1, keepdims=True)
    a1 = jnp.min(jnp.where(scores == s1, col, ncols), axis=-1, keepdims=True)
    masked = jnp.where(col == a1, -jnp.inf, scores)
    s2 = jnp.max(masked, axis=-1, keepdims=True)
    a2 = jnp.min(jnp.where(masked == s2, col, ncols), axis=-1, keepdims=True)

    e21 = jnp.exp(s2 - s1)
    g1 = 1.0 / (1.0 + e21)
    g2 = e21 / (1.0 + e21)
    idx_ref[...] = jnp.concatenate([a1, a2], axis=-1)
    gates_ref[...] = jnp.concatenate([g1, g2], axis=-1)

    @pl.when(t == 0)
    def _init():
        carry_ref[...] = jnp.zeros_like(carry_ref)

    tb = scores.shape[0]
    cnt = (jnp.where(col == a1, 1.0, 0.0) +
           jnp.where(col == a2, 1.0, 0.0))
    r_i = jax.lax.broadcasted_iota(jnp.int32, (tb, tb), 0)
    c_i = jax.lax.broadcasted_iota(jnp.int32, (tb, tb), 1)
    tri = jnp.where(r_i >= c_i, 1.0, 0.0)
    ccum = jnp.dot(tri, cnt, preferred_element_type=jnp.float32)
    excl = ccum - cnt + carry_ref[...]
    rank1 = jnp.sum(jnp.where(col == a1, excl, 0.0), axis=-1, keepdims=True)
    rank2 = jnp.sum(jnp.where(col == a2, excl, 0.0), axis=-1, keepdims=True)
    rank_ref[...] = jnp.concatenate([rank1, rank2], axis=-1)
    new_carry = carry_ref[...] + ccum[tb - 1:tb, :]
    carry_ref[...] = new_carry
    counts_ref[...] = new_carry


def _router(x, Wr, br, expert_emb, tb):
    B, D = x.shape
    EMB = Wr.shape[1]
    E = expert_emb.shape[0]
    nt = B // tb
    return pl.pallas_call(
        _router_body,
        grid=(nt,),
        in_specs=[
            pl.BlockSpec((tb, D), lambda t: (t, 0)),
            pl.BlockSpec((D, EMB), lambda t: (0, 0)),
            pl.BlockSpec((EMB,), lambda t: (0,)),
            pl.BlockSpec((E, EMB), lambda t: (0, 0)),
        ],
        out_specs=[
            pl.BlockSpec((tb, EMB), lambda t: (t, 0)),
            pl.BlockSpec((tb, E), lambda t: (t, 0)),
            pl.BlockSpec((tb, 2), lambda t: (t, 0)),
            pl.BlockSpec((tb, 2), lambda t: (t, 0)),
            pl.BlockSpec((tb, 2), lambda t: (t, 0)),
            pl.BlockSpec((1, E), lambda t: (0, 0)),
        ],
        out_shape=[
            jax.ShapeDtypeStruct((B, EMB), jnp.float32),
            jax.ShapeDtypeStruct((B, E), jnp.float32),
            jax.ShapeDtypeStruct((B, 2), jnp.int32),
            jax.ShapeDtypeStruct((B, 2), jnp.float32),
            jax.ShapeDtypeStruct((B, 2), jnp.float32),
            jax.ShapeDtypeStruct((1, E), jnp.float32),
        ],
        scratch_shapes=[pltpu.VMEM((1, E), jnp.float32)],
    )(x, Wr, br, expert_emb)



def _plan_body(idx_ref, rank_ref, counts_ref, pos_ref, be_ref):
    E = counts_ref.shape[1]
    counts = counts_ref[...]
    pc = jnp.floor((counts + (BK - 1)) / BK) * BK
    r_i = jax.lax.broadcasted_iota(jnp.int32, (E, E), 0)
    c_i = jax.lax.broadcasted_iota(jnp.int32, (E, E), 1)
    tri = jnp.where(r_i <= c_i, 1.0, 0.0)
    ends = jnp.dot(pc, tri, preferred_element_type=jnp.float32)
    offs = ends - pc
    idx2 = idx_ref[...]
    acc = rank_ref[...]
    for e in range(E):
        acc = acc + jnp.where(idx2 == e, offs[:, e:e + 1], 0.0)
    pos_ref[...] = acc.astype(jnp.int32)
    nb = be_ref.shape[1]
    frow = jax.lax.broadcasted_iota(jnp.int32, (1, nb), 1).astype(jnp.float32) * BK
    bacc = jnp.zeros((1, nb), jnp.float32)
    for e in range(E):
        bacc = bacc + jnp.where(frow >= ends[:, e:e + 1], 1.0, 0.0)
    be_ref[...] = jnp.minimum(bacc, E - 1).astype(jnp.int32)


def _dispatch_plan(idx2, rank2, counts, padded):
    B = idx2.shape[0]
    E = counts.shape[1]
    nb = padded // BK
    pos2, be = pl.pallas_call(
        _plan_body,
        grid=(1,),
        in_specs=[
            pl.BlockSpec((B, 2), lambda i: (0, 0)),
            pl.BlockSpec((B, 2), lambda i: (0, 0)),
            pl.BlockSpec((1, E), lambda i: (0, 0)),
        ],
        out_specs=[
            pl.BlockSpec((B, 2), lambda i: (0, 0)),
            pl.BlockSpec((1, nb), lambda i: (0, 0)),
        ],
        out_shape=[
            jax.ShapeDtypeStruct((B, 2), jnp.int32),
            jax.ShapeDtypeStruct((1, nb), jnp.int32),
        ],
    )(idx2, rank2, counts)
    pos = pos2.reshape(-1)
    return pos, be.reshape(-1), pos2[:, 0], pos2[:, 1]



def _sc_dispatch(x, p1, p2, pos, gflat, padded, tok_off, nt):
    D = x.shape[1]
    info = plsc.get_sparse_core_info()
    nw = info.num_cores * info.num_subcores
    tpw = nt // nw
    ch = min(GCH, tpw)
    nch = tpw // ch
    mesh = plsc.VectorSubcoreMesh(core_axis_name="c", subcore_axis_name="s")

    buf_t = [
        pltpu.VMEM((ch, D), jnp.float32),
        pltpu.VMEM((ch,), jnp.int32),
        pltpu.VMEM((ch,), jnp.int32),
        pltpu.VMEM((2 * ch,), jnp.int32),
        pltpu.VMEM((2 * ch,), jnp.float32),
        pltpu.SemaphoreType.DMA,
        pltpu.SemaphoreType.DMA,
    ]

    ns = min(2, nch)

    @functools.partial(
        pl.kernel, mesh=mesh,
        out_type=[
            jax.ShapeDtypeStruct((padded, D), jnp.float32),
            jax.ShapeDtypeStruct((padded,), jnp.float32),
        ],
        scratch_types=buf_t * ns,
    )
    def k(x_hbm, p1_hbm, p2_hbm, pos_hbm, g_hbm, xs_hbm, gs_hbm, *scr):
        sets = [scr[i * 7:(i + 1) * 7] for i in range(ns)]
        wid = lax.axis_index("s") * info.num_cores + lax.axis_index("c")
        base = wid * tpw
        ld, st = {}, {}

        def start_load(c):
            xb, i1, i2, ip, gb, sl, _ = sets[c % ns]
            o = base + c * ch
            ld[c] = [
                pltpu.async_copy(x_hbm.at[pl.ds(tok_off + o, ch)], xb, sl),
                pltpu.async_copy(p1_hbm.at[pl.ds(o, ch)], i1, sl),
                pltpu.async_copy(p2_hbm.at[pl.ds(o, ch)], i2, sl),
                pltpu.async_copy(pos_hbm.at[pl.ds(2 * o, 2 * ch)], ip, sl),
                pltpu.async_copy(g_hbm.at[pl.ds(2 * o, 2 * ch)], gb, sl),
            ]

        def start_store(c):
            xb, i1, i2, ip, gb, _, ss = sets[c % ns]
            st[c] = [
                pltpu.async_copy(xb, xs_hbm.at[i1], ss),
                pltpu.async_copy(xb, xs_hbm.at[i2], ss),
                pltpu.async_copy(gb, gs_hbm.at[ip], ss),
            ]

        start_load(0)
        for c in range(nch):
            for d in ld.pop(c):
                d.wait()
            start_store(c)
            n = c + 1
            if n < nch:
                if n >= ns:
                    for d in st.pop(n - ns):
                        d.wait()
                start_load(n)
        for c in sorted(st):
            for d in st.pop(c):
                d.wait()

    return k(x, p1, p2, pos, gflat)


def _sc_combine(ys, p1, p2):
    B = p1.shape[0]
    D = ys.shape[1]
    info = plsc.get_sparse_core_info()
    nw = info.num_cores * info.num_subcores
    tpw = B // nw
    ch = min(CCH, tpw)
    nch = tpw // ch
    nvec = D // 16
    mesh = plsc.VectorSubcoreMesh(core_axis_name="c", subcore_axis_name="s")

    buf_t = [
        pltpu.VMEM((ch,), jnp.int32),
        pltpu.VMEM((ch,), jnp.int32),
        pltpu.VMEM((ch, D), jnp.float32),
        pltpu.VMEM((ch, D), jnp.float32),
        pltpu.SemaphoreType.DMA,
        pltpu.SemaphoreType.DMA,
    ]

    ns = min(2, nch)

    @functools.partial(
        pl.kernel, mesh=mesh,
        out_type=jax.ShapeDtypeStruct((B, D), jnp.float32),
        scratch_types=buf_t * ns,
    )
    def k(ys_hbm, p1_hbm, p2_hbm, out_hbm, *scr):
        sets = [scr[i * 6:(i + 1) * 6] for i in range(ns)]
        wid = lax.axis_index("s") * info.num_cores + lax.axis_index("c")
        base = wid * tpw
        ld, st = {}, {}

        def start_load(c):
            i1, i2, a, b, sl, _ = sets[c % ns]
            o = base + c * ch
            pltpu.sync_copy(p1_hbm.at[pl.ds(o, ch)], i1)
            pltpu.sync_copy(p2_hbm.at[pl.ds(o, ch)], i2)
            ld[c] = [
                pltpu.async_copy(ys_hbm.at[i1], a, sl),
                pltpu.async_copy(ys_hbm.at[i2], b, sl),
            ]

        def start_store(c):
            i1, i2, a, b, _, ss = sets[c % ns]
            o = base + c * ch
            st[c] = [pltpu.async_copy(a, out_hbm.at[pl.ds(o, ch)], ss)]

        start_load(0)
        for c in range(nch):
            if c + 1 < nch:
                if c - 1 >= 0:
                    for d in st.pop(c - 1):
                        d.wait()
                start_load(c + 1)
            for d in ld.pop(c):
                d.wait()
            _, _, a, b, _, _ = sets[c % ns]

            def rbody(r, _, a=a, b=b):
                def body(j, _):
                    sl = pl.ds(j * 16, 16)
                    a[r, sl] = a[r, sl] + b[r, sl]
                    return 0
                return lax.fori_loop(0, nvec, body, 0, unroll=8)
            lax.fori_loop(0, ch, rbody, 0)
            start_store(c)
        for c in sorted(st):
            for d in st.pop(c):
                d.wait()

    return k(ys, p1, p2)



def _experts_body(be_ref, xs_ref, w1_ref, b1_ref, w2_ref, b2_ref,
                  w3_ref, b3_ref, g_ref, out_ref):
    x = xs_ref[...]
    h1 = jnp.maximum(
        jnp.dot(x, w1_ref[0], preferred_element_type=jnp.float32) + b1_ref[0], 0.0)
    h2 = jnp.maximum(
        jnp.dot(h1, w2_ref[0], preferred_element_type=jnp.float32) + b2_ref[0], 0.0)
    y = jnp.dot(h2, w3_ref[0], preferred_element_type=jnp.float32) + b3_ref[0]
    out_ref[...] = y * g_ref[...]


def _experts(xs, W1, b1, W2, b2, W3, b3, gates_sorted, block_expert):
    padded, D = xs.shape
    E, _, H = W1.shape
    Ho = W2.shape[2]
    C = W3.shape[2]
    nb = padded // BK
    grid_spec = pltpu.PrefetchScalarGridSpec(
        num_scalar_prefetch=1,
        grid=(nb,),
        in_specs=[
            pl.BlockSpec((BK, D), lambda i, be: (i, 0)),
            pl.BlockSpec((1, D, H), lambda i, be: (be[i], 0, 0)),
            pl.BlockSpec((1, 1, H), lambda i, be: (be[i], 0, 0)),
            pl.BlockSpec((1, H, Ho), lambda i, be: (be[i], 0, 0)),
            pl.BlockSpec((1, 1, Ho), lambda i, be: (be[i], 0, 0)),
            pl.BlockSpec((1, Ho, C), lambda i, be: (be[i], 0, 0)),
            pl.BlockSpec((1, 1, C), lambda i, be: (be[i], 0, 0)),
            pl.BlockSpec((BK, 1), lambda i, be: (i, 0)),
        ],
        out_specs=pl.BlockSpec((BK, C), lambda i, be: (i, 0)),
    )
    return pl.pallas_call(
        _experts_body,
        grid_spec=grid_spec,
        out_shape=jax.ShapeDtypeStruct((padded, C), jnp.float32),
    )(block_expert, xs, W1, b1[:, None, :], W2, b2[:, None, :],
      W3, b3[:, None, :], gates_sorted[:, None])



def kernel(inputs, Wr, br, expert_emb, W1, b1, W2, b2, W3, b3):
    B = inputs.shape[0]
    E = expert_emb.shape[0]
    tb = 512 if B % 512 == 0 else B
    query, probs, idx2, gates2, rank2, counts = _router(
        inputs, Wr, br, expert_emb, tb)
    padded = 2 * B + E * BK
    pos, block_expert, p1, p2 = _dispatch_plan(idx2, rank2, counts, padded)
    xs, gs = _sc_dispatch(inputs, p1, p2, pos, gates2.reshape(-1), padded, 0, B)
    ys = _experts(xs, W1, b1, W2, b2, W3, b3, gs, block_expert)
    combined = _sc_combine(ys, p1, p2)
    return combined, query, probs

# --- scband reference (transcript-rebuilt; emitter-appended) ---
"""Pipeline reference for scband-mo-emodel-90735479095898 (READ-ONLY COPY).

The authoritative reference and input builder live on the scoring server;
editing this copy changes nothing except your own understanding.
"""

import jax, jax.numpy as jnp
import numpy as np

INPUT_DIM = 1024
NUM_CLASSES = 1024
NUM_EXPERTS = 8
TOP_K = 2
EMB_DIM = 128
HID = 1024
N_TOKENS = 4096


def setup_inputs(seed: int = 0) -> dict:
    key = jax.random.key(seed)
    ks = jax.random.split(key, 11)
    x = jax.random.normal(ks[0], (N_TOKENS, INPUT_DIM), dtype=jnp.float32)
    Wr = jax.random.normal(ks[1], (INPUT_DIM, EMB_DIM), dtype=jnp.float32) * (1.0 / np.sqrt(INPUT_DIM))
    br = jnp.zeros((EMB_DIM,), dtype=jnp.float32)
    expert_emb = jax.random.normal(ks[2], (NUM_EXPERTS, EMB_DIM), dtype=jnp.float32) * (1.0 / np.sqrt(EMB_DIM))
    W1 = jax.random.normal(ks[3], (NUM_EXPERTS, INPUT_DIM, HID), dtype=jnp.float32) * (1.0 / np.sqrt(INPUT_DIM))
    b1 = jnp.zeros((NUM_EXPERTS, HID), dtype=jnp.float32)
    W2 = jax.random.normal(ks[4], (NUM_EXPERTS, HID, HID // 2), dtype=jnp.float32) * (1.0 / np.sqrt(HID))
    b2 = jnp.zeros((NUM_EXPERTS, HID // 2), dtype=jnp.float32)
    W3 = jax.random.normal(ks[5], (NUM_EXPERTS, HID // 2, NUM_CLASSES), dtype=jnp.float32) * (1.0 / np.sqrt(HID // 2))
    b3 = jnp.zeros((NUM_EXPERTS, NUM_CLASSES), dtype=jnp.float32)
    return {"inputs": x, "Wr": Wr, "br": br, "expert_emb": expert_emb,
            "W1": W1, "b1": b1, "W2": W2, "b2": b2, "W3": W3, "b3": b3}


def reference(inputs, Wr, br, expert_emb, W1, b1, W2, b2, W3, b3):
    # Router: query vector per token
    query = inputs @ Wr + br  # [B, EMB]
    # Negative squared euclidean distance scores to expert embeddings
    diff = query[:, None, :] - expert_emb[None, :, :]  # [B, E, EMB]
    scores = -jnp.sum(diff * diff, axis=-1)  # [B, E]
    gating_probs = jax.nn.softmax(scores, axis=-1)  # [B, E]
    # Top-k selection and renormalized gates
    top_k_scores, top_k_indices = jax.lax.top_k(scores, TOP_K)  # [B, k]
    top_k_gates = jax.nn.softmax(top_k_scores, axis=-1)  # [B, k]
    # Dense computation of all expert outputs (as the reference module does)
    h1 = jax.nn.relu(jnp.einsum('bd,edh->ebh', inputs, W1) + b1[:, None, :])  # [E, B, HID]
    h2 = jax.nn.relu(jnp.einsum('ebh,eho->ebo', h1, W2) + b2[:, None, :])  # [E, B, HID//2]
    expert_out = jnp.einsum('ebo,eoc->ebc', h2, W3) + b3[:, None, :]  # [E, B, C]
    expert_out_t = jnp.transpose(expert_out, (1, 0, 2))  # [B, E, C]
    # Gather top-k expert outputs per token (batch_dims=1 gather)
    selected = jnp.take_along_axis(expert_out_t, top_k_indices[:, :, None], axis=1)  # [B, k, C]
    combined = jnp.sum(selected * top_k_gates[:, :, None], axis=1)  # [B, C]
    return combined, query, gating_probs


if False:  # reference __main__ guard neutralized (emitter)
    out = reference(**setup_inputs())
    print([o.shape for o in out])

if __name__ == "__main__":
    import jax
    _d = setup_inputs()
    print(jax.jit(kernel)(*tuple(_d.values())))

</pallas_src>

<mosaic_0001>
#map = affine_map<(d0, d1) -> (0, 0)>
#map1 = affine_map<(d0, d1) -> (0)>
module attributes {stable_mosaic.version = 14 : i64} {
  func.func @k(%arg0: i32, %arg1: i32, %arg2: memref<10240x1024xf32, #tpu.memory_space<hbm>>, %arg3: memref<4096xi32, #tpu.memory_space<hbm>>, %arg4: memref<4096xi32, #tpu.memory_space<hbm>>, %arg5: memref<4096x1024xf32, #tpu.memory_space<hbm>>, %arg6: memref<16xi32, #tpu.memory_space<vmem>>, %arg7: memref<16xi32, #tpu.memory_space<vmem>>, %arg8: memref<16x1024xf32, #tpu.memory_space<vmem>>, %arg9: memref<16x1024xf32, #tpu.memory_space<vmem>>, %arg10: memref<!tpu.dma_semaphore, #tpu.memory_space<semaphore_mem>>, %arg11: memref<!tpu.dma_semaphore, #tpu.memory_space<semaphore_mem>>, %arg12: memref<16xi32, #tpu.memory_space<vmem>>, %arg13: memref<16xi32, #tpu.memory_space<vmem>>, %arg14: memref<16x1024xf32, #tpu.memory_space<vmem>>, %arg15: memref<16x1024xf32, #tpu.memory_space<vmem>>, %arg16: memref<!tpu.dma_semaphore, #tpu.memory_space<semaphore_mem>>, %arg17: memref<!tpu.dma_semaphore, #tpu.memory_space<semaphore_mem>>) attributes {dimension_semantics = [#tpu.dimension_semantics<core_parallel>, #tpu.dimension_semantics<subcore_parallel>], iteration_bounds = array<i64: 2, 16>, scalar_prefetch = 0 : i64, scratch_operands = 12 : i64, tpu.core_type = #tpu.core_type<sc_vector_subcore>, window_params = [{transform_indices = #map}, {transform_indices = #map1}, {transform_indices = #map1}, {transform_indices = #map}]} {
    %mul3A = arith.constant 2 : i32
    %mul3A_0 = arith.muli %arg1, %mul3A : i32
    %add3A = arith.addi %mul3A_0, %arg0 : i32
    %mul3A_1 = arith.constant 128 : i32
    %mul3A_2 = arith.muli %add3A, %mul3A_1 : i32
    %add3A_3 = arith.constant 0 : i32
    %add3A_4 = arith.addi %mul3A_2, %add3A_3 : i32
    "tpu.region"() ({
      %run_scoped3A = tpu.sem_alloc : memref<!tpu.dma_semaphore, #tpu.memory_space<semaphore_mem>>
      %dma_start3A_248 = tpu.memref_slice %arg3[%add3A_4] : memref<4096xi32, #tpu.memory_space<hbm>> -> memref<16xi32, #tpu.memory_space<hbm>>
      %dma_start3A_249 = tpu.memref_slice %arg3[%add3A_4] : memref<4096xi32, #tpu.memory_space<hbm>> -> memref<16xi32, #tpu.memory_space<hbm>>
      tpu.enqueue_dma source(%dma_start3A_249 : memref<16xi32, #tpu.memory_space<hbm>>) target(%arg6 : memref<16xi32, #tpu.memory_space<vmem>>) target_semaphore(%run_scoped3A : memref<!tpu.dma_semaphore, #tpu.memory_space<semaphore_mem>>)
      %dma_wait3A_250 = tpu.memref_slice %arg3[%add3A_4] : memref<4096xi32, #tpu.memory_space<hbm>> -> memref<16xi32, #tpu.memory_space<hbm>>
      %dma_wait3A_251 = tpu.memref_slice %arg3[%add3A_4] : memref<4096xi32, #tpu.memory_space<hbm>> -> memref<16xi32, #tpu.memory_space<hbm>>
      tpu.wait_dma2 semaphore(%run_scoped3A : memref<!tpu.dma_semaphore, #tpu.memory_space<semaphore_mem>>) src(%dma_wait3A_251 : memref<16xi32, #tpu.memory_space<hbm>>) dst(%arg6 : memref<16xi32, #tpu.memory_space<vmem>>)
      tpu.yield
    }) : () -> ()
    "tpu.region"() ({
      %run_scoped3A = tpu.sem_alloc : memref<!tpu.dma_semaphore, #tpu.memory_space<semaphore_mem>>
      %dma_start3A_248 = tpu.memref_slice %arg4[%add3A_4] : memref<4096xi32, #tpu.memory_space<hbm>> -> memref<16xi32, #tpu.memory_space<hbm>>
      %dma_start3A_249 = tpu.memref_slice %arg4[%add3A_4] : memref<4096xi32, #tpu.memory_space<hbm>> -> memref<16xi32, #tpu.memory_space<hbm>>
      tpu.enqueue_dma source(%dma_start3A_249 : memref<16xi32, #tpu.memory_space<hbm>>) target(%arg7 : memref<16xi32, #tpu.memory_space<vmem>>) target_semaphore(%run_scoped3A : memref<!tpu.dma_semaphore, #tpu.memory_space<semaphore_mem>>)
      %dma_wait3A_250 = tpu.memref_slice %arg4[%add3A_4] : memref<4096xi32, #tpu.memory_space<hbm>> -> memref<16xi32, #tpu.memory_space<hbm>>
      %dma_wait3A_251 = tpu.memref_slice %arg4[%add3A_4] : memref<4096xi32, #tpu.memory_space<hbm>> -> memref<16xi32, #tpu.memory_space<hbm>>
      tpu.wait_dma2 semaphore(%run_scoped3A : memref<!tpu.dma_semaphore, #tpu.memory_space<semaphore_mem>>) src(%dma_wait3A_251 : memref<16xi32, #tpu.memory_space<hbm>>) dst(%arg7 : memref<16xi32, #tpu.memory_space<vmem>>)
      tpu.yield
    }) : () -> ()
    %dma_start3A = arith.constant 0 : i32
    %dma_start3A_5 = arith.constant 0 : i32
    %dma_start3A_6 = tpu.memref_slice %arg2[%dma_start3A, %dma_start3A_5] : memref<10240x1024xf32, #tpu.memory_space<hbm>> -> memref<10240x1024xf32, #tpu.memory_space<hbm>>
    tpu.enqueue_indirect_dma source(%dma_start3A_6 : memref<10240x1024xf32, #tpu.memory_space<hbm>>) target(%arg8 : memref<16x1024xf32, #tpu.memory_space<vmem>>) offsets(%arg6 : memref<16xi32, #tpu.memory_space<vmem>>) semaphore(%arg10 : memref<!tpu.dma_semaphore, #tpu.memory_space<semaphore_mem>>)
    %dma_start3A_7 = arith.constant 0 : i32
    %dma_start3A_8 = arith.constant 0 : i32
    %dma_start3A_9 = tpu.memref_slice %arg2[%dma_start3A_7, %dma_start3A_8] : memref<10240x1024xf32, #tpu.memory_space<hbm>> -> memref<10240x1024xf32, #tpu.memory_space<hbm>>
    tpu.enqueue_indirect_dma source(%dma_start3A_9 : memref<10240x1024xf32, #tpu.memory_space<hbm>>) target(%arg9 : memref<16x1024xf32, #tpu.memory_space<vmem>>) offsets(%arg7 : memref<16xi32, #tpu.memory_space<vmem>>) semaphore(%arg10 : memref<!tpu.dma_semaphore, #tpu.memory_space<semaphore_mem>>)
    %add3A_10 = arith.constant 16 : i32
    %add3A_11 = arith.addi %mul3A_2, %add3A_10 : i32
    "tpu.region"() ({
      %run_scoped3A = tpu.sem_alloc : memref<!tpu.dma_semaphore, #tpu.memory_space<semaphore_mem>>
      %dma_start3A_248 = tpu.memref_slice %arg3[%add3A_11] : memref<4096xi32, #tpu.memory_space<hbm>> -> memref<16xi32, #tpu.memory_space<hbm>>
      %dma_start3A_249 = tpu.memref_slice %arg3[%add3A_11] : memref<4096xi32, #tpu.memory_space<hbm>> -> memref<16xi32, #tpu.memory_space<hbm>>
      tpu.enqueue_dma source(%dma_start3A_249 : memref<16xi32, #tpu.memory_space<hbm>>) target(%arg12 : memref<16xi32, #tpu.memory_space<vmem>>) target_semaphore(%run_scoped3A : memref<!tpu.dma_semaphore, #tpu.memory_space<semaphore_mem>>)
      %dma_wait3A_250 = tpu.memref_slice %arg3[%add3A_11] : memref<4096xi32, #tpu.memory_space<hbm>> -> memref<16xi32, #tpu.memory_space<hbm>>
      %dma_wait3A_251 = tpu.memref_slice %arg3[%add3A_11] : memref<4096xi32, #tpu.memory_space<hbm>> -> memref<16xi32, #tpu.memory_space<hbm>>
      tpu.wait_dma2 semaphore(%run_scoped3A : memref<!tpu.dma_semaphore, #tpu.memory_space<semaphore_mem>>) src(%dma_wait3A_251 : memref<16xi32, #tpu.memory_space<hbm>>) dst(%arg12 : memref<16xi32, #tpu.memory_space<vmem>>)
      tpu.yield
    }) : () -> ()
    "tpu.region"() ({
      %run_scoped3A = tpu.sem_alloc : memref<!tpu.dma_semaphore, #tpu.memory_space<semaphore_mem>>
      %dma_start3A_248 = tpu.memref_slice %arg4[%add3A_11] : memref<4096xi32, #tpu.memory_space<hbm>> -> memref<16xi32, #tpu.memory_space<hbm>>
      %dma_start3A_249 = tpu.memref_slice %arg4[%add3A_11] : memref<4096xi32, #tpu.memory_space<hbm>> -> memref<16xi32, #tpu.memory_space<hbm>>
      tpu.enqueue_dma source(%dma_start3A_249 : memref<16xi32, #tpu.memory_space<hbm>>) target(%arg13 : memref<16xi32, #tpu.memory_space<vmem>>) target_semaphore(%run_scoped3A : memref<!tpu.dma_semaphore, #tpu.memory_space<semaphore_mem>>)
      %dma_wait3A_250 = tpu.memref_slice %arg4[%add3A_11] : memref<4096xi32, #tpu.memory_space<hbm>> -> memref<16xi32, #tpu.memory_space<hbm>>
      %dma_wait3A_251 = tpu.memref_slice %arg4[%add3A_11] : memref<4096xi32, #tpu.memory_space<hbm>> -> memref<16xi32, #tpu.memory_space<hbm>>
      tpu.wait_dma2 semaphore(%run_scoped3A : memref<!tpu.dma_semaphore, #tpu.memory_space<semaphore_mem>>) src(%dma_wait3A_251 : memref<16xi32, #tpu.memory_space<hbm>>) dst(%arg13 : memref<16xi32, #tpu.memory_space<vmem>>)
      tpu.yield
    }) : () -> ()
    %dma_start3A_12 = arith.constant 0 : i32
    %dma_start3A_13 = arith.constant 0 : i32
    %dma_start3A_14 = tpu.memref_slice %arg2[%dma_start3A_12, %dma_start3A_13] : memref<10240x1024xf32, #tpu.memory_space<hbm>> -> memref<10240x1024xf32, #tpu.memory_space<hbm>>
    tpu.enqueue_indirect_dma source(%dma_start3A_14 : memref<10240x1024xf32, #tpu.memory_space<hbm>>) target(%arg14 : memref<16x1024xf32, #tpu.memory_space<vmem>>) offsets(%arg12 : memref<16xi32, #tpu.memory_space<vmem>>) semaphore(%arg16 : memref<!tpu.dma_semaphore, #tpu.memory_space<semaphore_mem>>)
    %dma_start3A_15 = arith.constant 0 : i32
    %dma_start3A_16 = arith.constant 0 : i32
    %dma_start3A_17 = tpu.memref_slice %arg2[%dma_start3A_15, %dma_start3A_16] : memref<10240x1024xf32, #tpu.memory_space<hbm>> -> memref<10240x1024xf32, #tpu.memory_space<hbm>>
    tpu.enqueue_indirect_dma source(%dma_start3A_17 : memref<10240x1024xf32, #tpu.memory_space<hbm>>) target(%arg15 : memref<16x1024xf32, #tpu.memory_space<vmem>>) offsets(%arg13 : memref<16xi32, #tpu.memory_space<vmem>>) semaphore(%arg16 : memref<!tpu.dma_semaphore, #tpu.memory_space<semaphore_mem>>)
    %dma_wait3A = arith.constant 0 : i32
    %dma_wait3A_18 = arith.constant 0 : i32
    %dma_wait3A_19 = tpu.memref_slice %arg2[%dma_wait3A, %dma_wait3A_18] : memref<10240x1024xf32, #tpu.memory_space<hbm>> -> memref<10240x1024xf32, #tpu.memory_space<hbm>>
    tpu.wait_indirect_dma semaphore(%arg10 : memref<!tpu.dma_semaphore, #tpu.memory_space<semaphore_mem>>) src(%dma_wait3A_19 : memref<10240x1024xf32, #tpu.memory_space<hbm>>) dst(%arg8 : memref<16x1024xf32, #tpu.memory_space<vmem>>)
    %dma_wait3A_20 = arith.constant 0 : i32
    %dma_wait3A_21 = arith.constant 0 : i32
    %dma_wait3A_22 = tpu.memref_slice %arg2[%dma_wait3A_20, %dma_wait3A_21] : memref<10240x1024xf32, #tpu.memory_space<hbm>> -> memref<10240x1024xf32, #tpu.memory_space<hbm>>
    tpu.wait_indirect_dma semaphore(%arg10 : memref<!tpu.dma_semaphore, #tpu.memory_space<semaphore_mem>>) src(%dma_wait3A_22 : memref<10240x1024xf32, #tpu.memory_space<hbm>>) dst(%arg9 : memref<16x1024xf32, #tpu.memory_space<vmem>>)
    %scan3A = arith.constant 0 : i32
    %scan3A_23 = arith.constant 0 : i32
    %scan3A_24 = arith.constant 16 : i32
    %scan3A_25 = arith.addi %scan3A_23, %scan3A_24 : i32
    %scan3A_26 = arith.constant 1 : i32
    %scan3A_27 = scf.for %scan3A_248 = %scan3A_23 to %scan3A_25 step %scan3A_26 iter_args(%scan3A_249 = %scan3A) -> (i32)  : i32 {
      %scan3A_250 = arith.constant 0 : i32
      %scan3A_251 = arith.constant 0 : i32
      %scan3A_252 = arith.constant 64 : i32
      %scan3A_253 = arith.addi %scan3A_251, %scan3A_252 : i32
      %scan3A_254 = arith.constant 8 : i32
      %scan3A_255 = scf.for %scan3A_257 = %scan3A_251 to %scan3A_253 step %scan3A_254 iter_args(%scan3A_258 = %scan3A_250) -> (i32)  : i32 {
        %mul3A_259 = arith.constant 16 : i32
        %mul3A_260 = arith.muli %scan3A_257, %mul3A_259 : i32
        %get3A = arith.index_cast %scan3A_248 : i32 to index
        %get3A_261 = arith.index_cast %mul3A_260 : i32 to index
        %get3A_262 = tpu.vector_load %arg8[%get3A, %get3A_261] {strides = array<i32>} : memref<16x1024xf32, #tpu.memory_space<vmem>>, vector<1x16xf32>,
        %get3A_263 = vector.shape_cast %get3A_262 : vector<1x16xf32> to vector<16xf32>
        %get3A_264 = arith.index_cast %scan3A_248 : i32 to index
        %get3A_265 = arith.index_cast %mul3A_260 : i32 to index
        %get3A_266 = tpu.vector_load %arg9[%get3A_264, %get3A_265] {strides = array<i32>} : memref<16x1024xf32, #tpu.memory_space<vmem>>, vector<1x16xf32>,
        %get3A_267 = vector.shape_cast %get3A_266 : vector<1x16xf32> to vector<16xf32>
        %add3A_268 = arith.addf %get3A_263, %get3A_267 : vector<16xf32>
        %swap3A = arith.index_cast %scan3A_248 : i32 to index
        %swap3A_269 = arith.index_cast %mul3A_260 : i32 to index
        %swap3A_270 = tpu.vector_load %arg8[%swap3A, %swap3A_269] {strides = array<i32>} : memref<16x1024xf32, #tpu.memory_space<vmem>>, vector<1x16xf32>,
        %swap3A_271 = vector.shape_cast %swap3A_270 : vector<1x16xf32> to vector<16xf32>
        %swap3A_272 = vector.shape_cast %add3A_268 : vector<16xf32> to vector<1x16xf32>
        tpu.vector_store %arg8[%swap3A, %swap3A_269], %swap3A_272 {strides = array<i32>} : memref<16x1024xf32, #tpu.memory_space<vmem>>, vector<1x16xf32>,
        %scan3A_273 = arith.constant 0 : i32
        %scan3A_274 = arith.constant 1 : i32
        %scan3A_275 = arith.addi %scan3A_257, %scan3A_274 : i32
        %mul3A_276 = arith.constant 16 : i32
        %mul3A_277 = arith.muli %scan3A_275, %mul3A_276 : i32
        %get3A_278 = arith.index_cast %scan3A_248 : i32 to index
        %get3A_279 = arith.index_cast %mul3A_277 : i32 to index
        %get3A_280 = tpu.vector_load %arg8[%get3A_278, %get3A_279] {strides = array<i32>} : memref<16x1024xf32, #tpu.memory_space<vmem>>, vector<1x16xf32>,
        %get3A_281 = vector.shape_cast %get3A_280 : vector<1x16xf32> to vector<16xf32>
        %get3A_282 = arith.index_cast %scan3A_248 : i32 to index
        %get3A_283 = arith.index_cast %mul3A_277 : i32 to index
        %get3A_284 = tpu.vector_load %arg9[%get3A_282, %get3A_283] {strides = array<i32>} : memref<16x1024xf32, #tpu.memory_space<vmem>>, vector<1x16xf32>,
        %get3A_285 = vector.shape_cast %get3A_284 : vector<1x16xf32> to vector<16xf32>
        %add3A_286 = arith.addf %get3A_281, %get3A_285 : vector<16xf32>
        %swap3A_287 = arith.index_cast %scan3A_248 : i32 to index
        %swap3A_288 = arith.index_cast %mul3A_277 : i32 to index
        %swap3A_289 = tpu.vector_load %arg8[%swap3A_287, %swap3A_288] {strides = array<i32>} : memref<16x1024xf32, #tpu.memory_space<vmem>>, vector<1x16xf32>,
        %swap3A_290 = vector.shape_cast %swap3A_289 : vector<1x16xf32> to vector<16xf32>
        %swap3A_291 = vector.shape_cast %add3A_286 : vector<16xf32> to vector<1x16xf32>
        tpu.vector_store %arg8[%swap3A_287, %swap3A_288], %swap3A_291 {strides = array<i32>} : memref<16x1024xf32, #tpu.memory_space<vmem>>, vector<1x16xf32>,
        %scan3A_292 = arith.constant 0 : i32
        %scan3A_293 = arith.constant 2 : i32
        %scan3A_294 = arith.addi %scan3A_257, %scan3A_293 : i32
        %mul3A_295 = arith.constant 16 : i32
        %mul3A_296 = arith.muli %scan3A_294, %mul3A_295 : i32
        %get3A_297 = arith.index_cast %scan3A_248 : i32 to index
        %get3A_298 = arith.index_cast %mul3A_296 : i32 to index
        %get3A_299 = tpu.vector_load %arg8[%get3A_297, %get3A_298] {strides = array<i32>} : memref<16x1024xf32, #tpu.memory_space<vmem>>, vector<1x16xf32>,
        %get3A_300 = vector.shape_cast %get3A_299 : vector<1x16xf32> to vector<16xf32>
        %get3A_301 = arith.index_cast %scan3A_248 : i32 to index
        %get3A_302 = arith.index_cast %mul3A_296 : i32 to index
        %get3A_303 = tpu.vector_load %arg9[%get3A_301, %get3A_302] {strides = array<i32>} : memref<16x1024xf32, #tpu.memory_space<vmem>>, vector<1x16xf32>,
        %get3A_304 = vector.shape_cast %get3A_303 : vector<1x16xf32> to vector<16xf32>
        %add3A_305 = arith.addf %get3A_300, %get3A_304 : vector<16xf32>
        %swap3A_306 = arith.index_cast %scan3A_248 : i32 to index
        %swap3A_307 = arith.index_cast %mul3A_296 : i32 to index
        %swap3A_308 = tpu.vector_load %arg8[%swap3A_306, %swap3A_307] {strides = array<i32>} : memref<16x1024xf32, #tpu.memory_space<vmem>>, vector<1x16xf32>,
        %swap3A_309 = vector.shape_cast %swap3A_308 : vector<1x16xf32> to vector<16xf32>
        %swap3A_310 = vector.shape_cast %add3A_305 : vector<16xf32> to vector<1x16xf32>
        tpu.vector_store %arg8[%swap3A_306, %swap3A_307], %swap3A_310 {strides = array<i32>} : memref<16x1024xf32, #tpu.memory_space<vmem>>, vector<1x16xf32>,
        %scan3A_311 = arith.constant 0 : i32
        %scan3A_312 = arith.constant 3 : i32
        %scan3A_313 = arith.addi %scan3A_257, %scan3A_312 : i32
        %mul3A_314 = arith.constant 16 : i32
        %mul3A_315 = arith.muli %scan3A_313, %mul3A_314 : i32
        %get3A_316 = arith.index_cast %scan3A_248 : i32 to index
        %get3A_317 = arith.index_cast %mul3A_315 : i32 to index
        %get3A_318 = tpu.vector_load %arg8[%get3A_316, %get3A_317] {strides = array<i32>} : memref<16x1024xf32, #tpu.memory_space<vmem>>, vector<1x16xf32>,
        %get3A_319 = vector.shape_cast %get3A_318 : vector<1x16xf32> to vector<16xf32>
        %get3A_320 = arith.index_cast %scan3A_248 : i32 to index
        %get3A_321 = arith.index_cast %mul3A_315 : i32 to index
        %get3A_322 = tpu.vector_load %arg9[%get3A_320, %get3A_321] {strides = array<i32>} : memref<16x1024xf32, #tpu.memory_space<vmem>>, vector<1x16xf32>,
        %get3A_323 = vector.shape_cast %get3A_322 : vector<1x16xf32> to vector<16xf32>
        %add3A_324 = arith.addf %get3A_319, %get3A_323 : vector<16xf32>
        %swap3A_325 = arith.index_cast %scan3A_248 : i32 to index
        %swap3A_326 = arith.index_cast %mul3A_315 : i32 to index
        %swap3A_327 = tpu.vector_load %arg8[%swap3A_325, %swap3A_326] {strides = array<i32>} : memref<16x1024xf32, #tpu.memory_space<vmem>>, vector<1x16xf32>,
        %swap3A_328 = vector.shape_cast %swap3A_327 : vector<1x16xf32> to vector<16xf32>
        %swap3A_329 = vector.shape_cast %add3A_324 : vector<16xf32> to vector<1x16xf32>
        tpu.vector_store %arg8[%swap3A_325, %swap3A_326], %swap3A_329 {strides = array<i32>} : memref<16x1024xf32, #tpu.memory_space<vmem>>, vector<1x16xf32>,
        %scan3A_330 = arith.constant 0 : i32
        %scan3A_331 = arith.constant 4 : i32
        %scan3A_332 = arith.addi %scan3A_257, %scan3A_331 : i32
        %mul3A_333 = arith.constant 16 : i32
        %mul3A_334 = arith.muli %scan3A_332, %mul3A_333 : i32
        %get3A_335 = arith.index_cast %scan3A_248 : i32 to index
        %get3A_336 = arith.index_cast %mul3A_334 : i32 to index
        %get3A_337 = tpu.vector_load %arg8[%get3A_335, %get3A_336] {strides = array<i32>} : memref<16x1024xf32, #tpu.memory_space<vmem>>, vector<1x16xf32>,
        %get3A_338 = vector.shape_cast %get3A_337 : vector<1x16xf32> to vector<16xf32>
        %get3A_339 = arith.index_cast %scan3A_248 : i32 to index
        %get3A_340 = arith.index_cast %mul3A_334 : i32 to index
        %get3A_341 = tpu.vector_load %arg9[%get3A_339, %get3A_340] {strides = array<i32>} : memref<16x1024xf32, #tpu.memory_space<vmem>>, vector<1x16xf32>,
        %get3A_342 = vector.shape_cast %get3A_341 : vector<1x16xf32> to vector<16xf32>
        %add3A_343 = arith.addf %get3A_338, %get3A_342 : vector<16xf32>
        %swap3A_344 = arith.index_cast %scan3A_248 : i32 to index
        %swap3A_345 = arith.index_cast %mul3A_334 : i32 to index
        %swap3A_346 = tpu.vector_load %arg8[%swap3A_344, %swap3A_345] {strides = array<i32>} : memref<16x1024xf32, #tpu.memory_space<vmem>>, vector<1x16xf32>,
        %swap3A_347 = vector.shape_cast %swap3A_346 : vector<1x16xf32> to vector<16xf32>
        %swap3A_348 = vector.shape_cast %add3A_343 : vector<16xf32> to vector<1x16xf32>
        tpu.vector_store %arg8[%swap3A_344, %swap3A_345], %swap3A_348 {strides = array<i32>} : memref<16x1024xf32, #tpu.memory_space<vmem>>, vector<1x16xf32>,
        %scan3A_349 = arith.constant 0 : i32
        %scan3A_350 = arith.constant 5 : i32
        %scan3A_351 = arith.addi %scan3A_257, %scan3A_350 : i32
        %mul3A_352 = arith.constant 16 : i32
        %mul3A_353 = arith.muli %scan3A_351, %mul3A_352 : i32
        %get3A_354 = arith.index_cast %scan3A_248 : i32 to index
        %get3A_355 = arith.index_cast %mul3A_353 : i32 to index
        %get3A_356 = tpu.vector_load %arg8[%get3A_354, %get3A_355] {strides = array<i32>} : memref<16x1024xf32, #tpu.memory_space<vmem>>, vector<1x16xf32>,
        %get3A_357 = vector.shape_cast %get3A_356 : vector<1x16xf32> to vector<16xf32>
        %get3A_358 = arith.index_cast %scan3A_248 : i32 to index
        %get3A_359 = arith.index_cast %mul3A_353 : i32 to index
        %get3A_360 = tpu.vector_load %arg9[%get3A_358, %get3A_359] {strides = array<i32>} : memref<16x1024xf32, #tpu.memory_space<vmem>>, vector<1x16xf32>,
        %get3A_361 = vector.shape_cast %get3A_360 : vector<1x16xf32> to vector<16xf32>
        %add3A_362 = arith.addf %get3A_357, %get3A_361 : vector<16xf32>
        %swap3A_363 = arith.index_cast %scan3A_248 : i32 to index
        %swap3A_364 = arith.index_cast %mul3A_353 : i32 to index
        %swap3A_365 = tpu.vector_load %arg8[%swap3A_363, %swap3A_364] {strides = array<i32>} : memref<16x1024xf32, #tpu.memory_space<vmem>>, vector<1x16xf32>,
        %swap3A_366 = vector.shape_cast %swap3A_365 : vector<1x16xf32> to vector<16xf32>
        %swap3A_367 = vector.shape_cast %add3A_362 : vector<16xf32> to vector<1x16xf32>
        tpu.vector_store %arg8[%swap3A_363, %swap3A_364], %swap3A_367 {strides = array<i32>} : memref<16x1024xf32, #tpu.memory_space<vmem>>, vector<1x16xf32>,
        %scan3A_368 = arith.constant 0 : i32
        %scan3A_369 = arith.constant 6 : i32
        %scan3A_370 = arith.addi %scan3A_257, %scan3A_369 : i32
        %mul3A_371 = arith.constant 16 : i32
        %mul3A_372 = arith.muli %scan3A_370, %mul3A_371 : i32
        %get3A_373 = arith.index_cast %scan3A_248 : i32 to index
        %get3A_374 = arith.index_cast %mul3A_372 : i32 to index
        %get3A_375 = tpu.vector_load %arg8[%get3A_373, %get3A_374] {strides = array<i32>} : memref<16x1024xf32, #tpu.memory_space<vmem>>, vector<1x16xf32>,
        %get3A_376 = vector.shape_cast %get3A_375 : vector<1x16xf32> to vector<16xf32>
        %get3A_377 = arith.index_cast %scan3A_248 : i32 to index
        %get3A_378 = arith.index_cast %mul3A_372 : i32 to index
        %get3A_379 = tpu.vector_load %arg9[%get3A_377, %get3A_378] {strides = array<i32>} : memref<16x1024xf32, #tpu.memory_space<vmem>>, vector<1x16xf32>,
        %get3A_380 = vector.shape_cast %get3A_379 : vector<1x16xf32> to vector<16xf32>
        %add3A_381 = arith.addf %get3A_376, %get3A_380 : vector<16xf32>
        %swap3A_382 = arith.index_cast %scan3A_248 : i32 to index
        %swap3A_383 = arith.index_cast %mul3A_372 : i32 to index
        %swap3A_384 = tpu.vector_load %arg8[%swap3A_382, %swap3A_383] {strides = array<i32>} : memref<16x1024xf32, #tpu.memory_space<vmem>>, vector<1x16xf32>,
        %swap3A_385 = vector.shape_cast %swap3A_384 : vector<1x16xf32> to vector<16xf32>
        %swap3A_386 = vector.shape_cast %add3A_381 : vector<16xf32> to vector<1x16xf32>
        tpu.vector_store %arg8[%swap3A_382, %swap3A_383], %swap3A_386 {strides = array<i32>} : memref<16x1024xf32, #tpu.memory_space<vmem>>, vector<1x16xf32>,
        %scan3A_387 = arith.constant 0 : i32
        %scan3A_388 = arith.constant 7 : i32
        %scan3A_389 = arith.addi %scan3A_257, %scan3A_388 : i32
        %mul3A_390 = arith.constant 16 : i32
        %mul3A_391 = arith.muli %scan3A_389, %mul3A_390 : i32
        %get3A_392 = arith.index_cast %scan3A_248 : i32 to index
        %get3A_393 = arith.index_cast %mul3A_391 : i32 to index
        %get3A_394 = tpu.vector_load %arg8[%get3A_392, %get3A_393] {strides = array<i32>} : memref<16x1024xf32, #tpu.memory_space<vmem>>, vector<1x16xf32>,
        %get3A_395 = vector.shape_cast %get3A_394 : vector<1x16xf32> to vector<16xf32>
        %get3A_396 = arith.index_cast %scan3A_248 : i32 to index
        %get3A_397 = arith.index_cast %mul3A_391 : i32 to index
        %get3A_398 = tpu.vector_load %arg9[%get3A_396, %get3A_397] {strides = array<i32>} : memref<16x1024xf32, #tpu.memory_space<vmem>>, vector<1x16xf32>,
        %get3A_399 = vector.shape_cast %get3A_398 : vector<1x16xf32> to vector<16xf32>
        %add3A_400 = arith.addf %get3A_395, %get3A_399 : vector<16xf32>
        %swap3A_401 = arith.index_cast %scan3A_248 : i32 to index
        %swap3A_402 = arith.index_cast %mul3A_391 : i32 to index
        %swap3A_403 = tpu.vector_load %arg8[%swap3A_401, %swap3A_402] {strides = array<i32>} : memref<16x1024xf32, #tpu.memory_space<vmem>>, vector<1x16xf32>,
        %swap3A_404 = vector.shape_cast %swap3A_403 : vector<1x16xf32> to vector<16xf32>
        %swap3A_405 = vector.shape_cast %add3A_400 : vector<16xf32> to vector<1x16xf32>
        tpu.vector_store %arg8[%swap3A_401, %swap3A_402], %swap3A_405 {strides = array<i32>} : memref<16x1024xf32, #tpu.memory_space<vmem>>, vector<1x16xf32>,
        %scan3A_406 = arith.constant 0 : i32
        scf.yield %scan3A_406 : i32
      }
      %scan3A_256 = arith.constant 64 : i32
      scf.yield %scan3A_255 : i32
    }
    %scan3A_28 = arith.constant 16 : i32
    %add3A_29 = arith.constant 0 : i32
    %add3A_30 = arith.addi %mul3A_2, %add3A_29 : i32
    %dma_start3A_31 = arith.constant 0 : i32
    %dma_start3A_32 = tpu.memref_slice %arg5[%add3A_30, %dma_start3A_31] : memref<4096x1024xf32, #tpu.memory_space<hbm>> -> memref<16x1024xf32, #tpu.memory_space<hbm>>
    %dma_start3A_33 = arith.constant 0 : i32
    %dma_start3A_34 = tpu.memref_slice %arg5[%add3A_30, %dma_start3A_33] : memref<4096x1024xf32, #tpu.memory_space<hbm>> -> memref<16x1024xf32, #tpu.memory_space<hbm>>
    tpu.enqueue_dma source(%arg8 : memref<16x1024xf32, #tpu.memory_space<vmem>>) target(%dma_start3A_34 : memref<16x1024xf32, #tpu.memory_space<hbm>>) target_semaphore(%arg11 : memref<!tpu.dma_semaphore, #tpu.memory_space<semaphore_mem>>)
    %dma_wait3A_35 = arith.constant 0 : i32
    %dma_wait3A_36 = tpu.memref_slice %arg5[%add3A_30, %dma_wait3A_35] : memref<4096x1024xf32, #tpu.memory_space<hbm>> -> memref<16x1024xf32, #tpu.memory_space<hbm>>
    %dma_wait3A_37 = arith.constant 0 : i32
    %dma_wait3A_38 = tpu.memref_slice %arg5[%add3A_30, %dma_wait3A_37] : memref<4096x1024xf32, #tpu.memory_space<hbm>> -> memref<16x1024xf32, #tpu.memory_space<hbm>>
    tpu.wait_dma2 semaphore(%arg11 : memref<!tpu.dma_semaphore, #tpu.memory_space<semaphore_mem>>) src(%arg8 : memref<16x1024xf32, #tpu.memory_space<vmem>>) dst(%dma_wait3A_38 : memref<16x1024xf32, #tpu.memory_space<hbm>>)
    %add3A_39 = arith.constant 32 : i32
    %add3A_40 = arith.addi %mul3A_2, %add3A_39 : i32
    "tpu.region"() ({
      %run_scoped3A = tpu.sem_alloc : memref<!tpu.dma_semaphore, #tpu.memory_space<semaphore_mem>>
      %dma_start3A_248 = tpu.memref_slice %arg3[%add3A_40] : memref<4096xi32, #tpu.memory_space<hbm>> -> memref<16xi32, #tpu.memory_space<hbm>>
      %dma_start3A_249 = tpu.memref_slice %arg3[%add3A_40] : memref<4096xi32, #tpu.memory_space<hbm>> -> memref<16xi32, #tpu.memory_space<hbm>>
      tpu.enqueue_dma source(%dma_start3A_249 : memref<16xi32, #tpu.memory_space<hbm>>) target(%arg6 : memref<16xi32, #tpu.memory_space<vmem>>) target_semaphore(%run_scoped3A : memref<!tpu.dma_semaphore, #tpu.memory_space<semaphore_mem>>)
      %dma_wait3A_250 = tpu.memref_slice %arg3[%add3A_40] : memref<4096xi32, #tpu.memory_space<hbm>> -> memref<16xi32, #tpu.memory_space<hbm>>
      %dma_wait3A_251 = tpu.memref_slice %arg3[%add3A_40] : memref<4096xi32, #tpu.memory_space<hbm>> -> memref<16xi32, #tpu.memory_space<hbm>>
      tpu.wait_dma2 semaphore(%run_scoped3A : memref<!tpu.dma_semaphore, #tpu.memory_space<semaphore_mem>>) src(%dma_wait3A_251 : memref<16xi32, #tpu.memory_space<hbm>>) dst(%arg6 : memref<16xi32, #tpu.memory_space<vmem>>)
      tpu.yield
    }) : () -> ()
    "tpu.region"() ({
      %run_scoped3A = tpu.sem_alloc : memref<!tpu.dma_semaphore, #tpu.memory_space<semaphore_mem>>
      %dma_start3A_248 = tpu.memref_slice %arg4[%add3A_40] : memref<4096xi32, #tpu.memory_space<hbm>> -> memref<16xi32, #tpu.memory_space<hbm>>
      %dma_start3A_249 = tpu.memref_slice %arg4[%add3A_40] : memref<4096xi32, #tpu.memory_space<hbm>> -> memref<16xi32, #tpu.memory_space<hbm>>
      tpu.enqueue_dma source(%dma_start3A_249 : memref<16xi32, #tpu.memory_space<hbm>>) target(%arg7 : memref<16xi32, #tpu.memory_space<vmem>>) target_semaphore(%run_scoped3A : memref<!tpu.dma_semaphore, #tpu.memory_space<semaphore_mem>>)
      %dma_wait3A_250 = tpu.memref_slice %arg4[%add3A_40] : memref<4096xi32, #tpu.memory_space<hbm>> -> memref<16xi32, #tpu.memory_space<hbm>>
      %dma_wait3A_251 = tpu.memref_slice %arg4[%add3A_40] : memref<4096xi32, #tpu.memory_space<hbm>> -> memref<16xi32, #tpu.memory_space<hbm>>
      tpu.wait_dma2 semaphore(%run_scoped3A : memref<!tpu.dma_semaphore, #tpu.memory_space<semaphore_mem>>) src(%dma_wait3A_251 : memref<16xi32, #tpu.memory_space<hbm>>) dst(%arg7 : memref<16xi32, #tpu.memory_space<vmem>>)
      tpu.yield
    }) : () -> ()
    %dma_start3A_41 = arith.constant 0 : i32
    %dma_start3A_42 = arith.constant 0 : i32
    %dma_start3A_43 = tpu.memref_slice %arg2[%dma_start3A_41, %dma_start3A_42] : memref<10240x1024xf32, #tpu.memory_space<hbm>> -> memref<10240x1024xf32, #tpu.memory_space<hbm>>
    tpu.enqueue_indirect_dma source(%dma_start3A_43 : memref<10240x1024xf32, #tpu.memory_space<hbm>>) target(%arg8 : memref<16x1024xf32, #tpu.memory_space<vmem>>) offsets(%arg6 : memref<16xi32, #tpu.memory_space<vmem>>) semaphore(%arg10 : memref<!tpu.dma_semaphore, #tpu.memory_space<semaphore_mem>>)
    %dma_start3A_44 = arith.constant 0 : i32
    %dma_start3A_45 = arith.constant 0 : i32
    %dma_start3A_46 = tpu.memref_slice %arg2[%dma_start3A_44, %dma_start3A_45] : memref<10240x1024xf32, #tpu.memory_space<hbm>> -> memref<10240x1024xf32, #tpu.memory_space<hbm>>
    tpu.enqueue_indirect_dma source(%dma_start3A_46 : memref<10240x1024xf32, #tpu.memory_space<hbm>>) target(%arg9 : memref<16x1024xf32, #tpu.memory_space<vmem>>) offsets(%arg7 : memref<16xi32, #tpu.memory_space<vmem>>) semaphore(%arg10 : memref<!tpu.dma_semaphore, #tpu.memory_space<semaphore_mem>>)
    %dma_wait3A_47 = arith.constant 0 : i32
    %dma_wait3A_48 = arith.constant 0 : i32
    %dma_wait3A_49 = tpu.memref_slice %arg2[%dma_wait3A_47, %dma_wait3A_48] : memref<10240x1024xf32, #tpu.memory_space<hbm>> -> memref<10240x1024xf32, #tpu.memory_space<hbm>>
    tpu.wait_indirect_dma semaphore(%arg16 : memref<!tpu.dma_semaphore, #tpu.memory_space<semaphore_mem>>) src(%dma_wait3A_49 : memref<10240x1024xf32, #tpu.memory_space<hbm>>) dst(%arg14 : memref<16x1024xf32, #tpu.memory_space<vmem>>)
    %dma_wait3A_50 = arith.constant 0 : i32
    %dma_wait3A_51 = arith.constant 0 : i32
    %dma_wait3A_52 = tpu.memref_slice %arg2[%dma_wait3A_50, %dma_wait3A_51] : memref<10240x1024xf32, #tpu.memory_space<hbm>> -> memref<10240x1024xf32, #tpu.memory_space<hbm>>
    tpu.wait_indirect_dma semaphore(%arg16 : memref<!tpu.dma_semaphore, #tpu.memory_space<semaphore_mem>>) src(%dma_wait3A_52 : memref<10240x1024xf32, #tpu.memory_space<hbm>>) dst(%arg15 : memref<16x1024xf32, #tpu.memory_space<vmem>>)
    %scan3A_53 = arith.constant 0 : i32
    %scan3A_54 = arith.constant 0 : i32
    %scan3A_55 = arith.constant 16 : i32
    %scan3A_56 = arith.addi %scan3A_54, %scan3A_55 : i32
    %scan3A_57 = arith.constant 1 : i32
    %scan3A_58 = scf.for %scan3A_248 = %scan3A_54 to %scan3A_56 step %scan3A_57 iter_args(%scan3A_249 = %scan3A_53) -> (i32)  : i32 {
      %scan3A_250 = arith.constant 0 : i32
      %scan3A_251 = arith.constant 0 : i32
      %scan3A_252 = arith.constant 64 : i32
      %scan3A_253 = arith.addi %scan3A_251, %scan3A_252 : i32
      %scan3A_254 = arith.constant 8 : i32
      %scan3A_255 = scf.for %scan3A_257 = %scan3A_251 to %scan3A_253 step %scan3A_254 iter_args(%scan3A_258 = %scan3A_250) -> (i32)  : i32 {
        %mul3A_259 = arith.constant 16 : i32
        %mul3A_260 = arith.muli %scan3A_257, %mul3A_259 : i32
        %get3A = arith.index_cast %scan3A_248 : i32 to index
        %get3A_261 = arith.index_cast %mul3A_260 : i32 to index
        %get3A_262 = tpu.vector_load %arg14[%get3A, %get3A_261] {strides = array<i32>} : memref<16x1024xf32, #tpu.memory_space<vmem>>, vector<1x16xf32>,
        %get3A_263 = vector.shape_cast %get3A_262 : vector<1x16xf32> to vector<16xf32>
        %get3A_264 = arith.index_cast %scan3A_248 : i32 to index
        %get3A_265 = arith.index_cast %mul3A_260 : i32 to index
        %get3A_266 = tpu.vector_load %arg15[%get3A_264, %get3A_265] {strides = array<i32>} : memref<16x1024xf32, #tpu.memory_space<vmem>>, vector<1x16xf32>,
        %get3A_267 = vector.shape_cast %get3A_266 : vector<1x16xf32> to vector<16xf32>
        %add3A_268 = arith.addf %get3A_263, %get3A_267 : vector<16xf32>
        %swap3A = arith.index_cast %scan3A_248 : i32 to index
        %swap3A_269 = arith.index_cast %mul3A_260 : i32 to index
        %swap3A_270 = tpu.vector_load %arg14[%swap3A, %swap3A_269] {strides = array<i32>} : memref<16x1024xf32, #tpu.memory_space<vmem>>, vector<1x16xf32>,
        %swap3A_271 = vector.shape_cast %swap3A_270 : vector<1x16xf32> to vector<16xf32>
        %swap3A_272 = vector.shape_cast %add3A_268 : vector<16xf32> to vector<1x16xf32>
        tpu.vector_store %arg14[%swap3A, %swap3A_269], %swap3A_272 {strides = array<i32>} : memref<16x1024xf32, #tpu.memory_space<vmem>>, vector<1x16xf32>,
        %scan3A_273 = arith.constant 0 : i32
        %scan3A_274 = arith.constant 1 : i32
        %scan3A_275 = arith.addi %scan3A_257, %scan3A_274 : i32
        %mul3A_276 = arith.constant 16 : i32
        %mul3A_277 = arith.muli %scan3A_275, %mul3A_276 : i32
        %get3A_278 = arith.index_cast %scan3A_248 : i32 to index
        %get3A_279 = arith.index_cast %mul3A_277 : i32 to index
        %get3A_280 = tpu.vector_load %arg14[%get3A_278, %get3A_279] {strides = array<i32>} : memref<16x1024xf32, #tpu.memory_space<vmem>>, vector<1x16xf32>,
        %get3A_281 = vector.shape_cast %get3A_280 : vector<1x16xf32> to vector<16xf32>
        %get3A_282 = arith.index_cast %scan3A_248 : i32 to index
        %get3A_283 = arith.index_cast %mul3A_277 : i32 to index
        %get3A_284 = tpu.vector_load %arg15[%get3A_282, %get3A_283] {strides = array<i32>} : memref<16x1024xf32, #tpu.memory_space<vmem>>, vector<1x16xf32>,
        %get3A_285 = vector.shape_cast %get3A_284 : vector<1x16xf32> to vector<16xf32>
        %add3A_286 = arith.addf %get3A_281, %get3A_285 : vector<16xf32>
        %swap3A_287 = arith.index_cast %scan3A_248 : i32 to index
        %swap3A_288 = arith.index_cast %mul3A_277 : i32 to index
        %swap3A_289 = tpu.vector_load %arg14[%swap3A_287, %swap3A_288] {strides = array<i32>} : memref<16x1024xf32, #tpu.memory_space<vmem>>, vector<1x16xf32>,
        %swap3A_290 = vector.shape_cast %swap3A_289 : vector<1x16xf32> to vector<16xf32>
        %swap3A_291 = vector.shape_cast %add3A_286 : vector<16xf32> to vector<1x16xf32>
        tpu.vector_store %arg14[%swap3A_287, %swap3A_288], %swap3A_291 {strides = array<i32>} : memref<16x1024xf32, #tpu.memory_space<vmem>>, vector<1x16xf32>,
        %scan3A_292 = arith.constant 0 : i32
        %scan3A_293 = arith.constant 2 : i32
        %scan3A_294 = arith.addi %scan3A_257, %scan3A_293 : i32
        %mul3A_295 = arith.constant 16 : i32
        %mul3A_296 = arith.muli %scan3A_294, %mul3A_295 : i32
        %get3A_297 = arith.index_cast %scan3A_248 : i32 to index
        %get3A_298 = arith.index_cast %mul3A_296 : i32 to index
        %get3A_299 = tpu.vector_load %arg14[%get3A_297, %get3A_298] {strides = array<i32>} : memref<16x1024xf32, #tpu.memory_space<vmem>>, vector<1x16xf32>,
        %get3A_300 = vector.shape_cast %get3A_299 : vector<1x16xf32> to vector<16xf32>
        %get3A_301 = arith.index_cast %scan3A_248 : i32 to index
        %get3A_302 = arith.index_cast %mul3A_296 : i32 to index
        %get3A_303 = tpu.vector_load %arg15[%get3A_301, %get3A_302] {strides = array<i32>} : memref<16x1024xf32, #tpu.memory_space<vmem>>, vector<1x16xf32>,
        %get3A_304 = vector.shape_cast %get3A_303 : vector<1x16xf32> to vector<16xf32>
        %add3A_305 = arith.addf %get3A_300, %get3A_304 : vector<16xf32>
        %swap3A_306 = arith.index_cast %scan3A_248 : i32 to index
        %swap3A_307 = arith.index_cast %mul3A_296 : i32 to index
        %swap3A_308 = tpu.vector_load %arg14[%swap3A_306, %swap3A_307] {strides = array<i32>} : memref<16x1024xf32, #tpu.memory_space<vmem>>, vector<1x16xf32>,
        %swap3A_309 = vector.shape_cast %swap3A_308 : vector<1x16xf32> to vector<16xf32>
        %swap3A_310 = vector.shape_cast %add3A_305 : vector<16xf32> to vector<1x16xf32>
        tpu.vector_store %arg14[%swap3A_306, %swap3A_307], %swap3A_310 {strides = array<i32>} : memref<16x1024xf32, #tpu.memory_space<vmem>>, vector<1x16xf32>,
        %scan3A_311 = arith.constant 0 : i32
        %scan3A_312 = arith.constant 3 : i32
        %scan3A_313 = arith.addi %scan3A_257, %scan3A_312 : i32
        %mul3A_314 = arith.constant 16 : i32
        %mul3A_315 = arith.muli %scan3A_313, %mul3A_314 : i32
        %get3A_316 = arith.index_cast %scan3A_248 : i32 to index
        %get3A_317 = arith.index_cast %mul3A_315 : i32 to index
        %get3A_318 = tpu.vector_load %arg14[%get3A_316, %get3A_317] {strides = array<i32>} : memref<16x1024xf32, #tpu.memory_space<vmem>>, vector<1x16xf32>,
        %get3A_319 = vector.shape_cast %get3A_318 : vector<1x16xf32> to vector<16xf32>
        %get3A_320 = arith.index_cast %scan3A_248 : i32 to index
        %get3A_321 = arith.index_cast %mul3A_315 : i32 to index
        %get3A_322 = tpu.vector_load %arg15[%get3A_320, %get3A_321] {strides = array<i32>} : memref<16x1024xf32, #tpu.memory_space<vmem>>, vector<1x16xf32>,
        %get3A_323 = vector.shape_cast %get3A_322 : vector<1x16xf32> to vector<16xf32>
        %add3A_324 = arith.addf %get3A_319, %get3A_323 : vector<16xf32>
        %swap3A_325 = arith.index_cast %scan3A_248 : i32 to index
        %swap3A_326 = arith.index_cast %mul3A_315 : i32 to index
        %swap3A_327 = tpu.vector_load %arg14[%swap3A_325, %swap3A_326] {strides = array<i32>} : memref<16x1024xf32, #tpu.memory_space<vmem>>, vector<1x16xf32>,
        %swap3A_328 = vector.shape_cast %swap3A_327 : vector<1x16xf32> to vector<16xf32>
        %swap3A_329 = vector.shape_cast %add3A_324 : vector<16xf32> to vector<1x16xf32>
        tpu.vector_store %arg14[%swap3A_325, %swap3A_326], %swap3A_329 {strides = array<i32>} : memref<16x1024xf32, #tpu.memory_space<vmem>>, vector<1x16xf32>,
        %scan3A_330 = arith.constant 0 : i32
        %scan3A_331 = arith.constant 4 : i32
        %scan3A_332 = arith.addi %scan3A_257, %scan3A_331 : i32
        %mul3A_333 = arith.constant 16 : i32
        %mul3A_334 = arith.muli %scan3A_332, %mul3A_333 : i32
        %get3A_335 = arith.index_cast %scan3A_248 : i32 to index
        %get3A_336 = arith.index_cast %mul3A_334 : i32 to index
        %get3A_337 = tpu.vector_load %arg14[%get3A_335, %get3A_336] {strides = array<i32>} : memref<16x1024xf32, #tpu.memory_space<vmem>>, vector<1x16xf32>,
        %get3A_338 = vector.shape_cast %get3A_337 : vector<1x16xf32> to vector<16xf32>
        %get3A_339 = arith.index_cast %scan3A_248 : i32 to index
        %get3A_340 = arith.index_cast %mul3A_334 : i32 to index
        %get3A_341 = tpu.vector_load %arg15[%get3A_339, %get3A_340] {strides = array<i32>} : memref<16x1024xf32, #tpu.memory_space<vmem>>, vector<1x16xf32>,
        %get3A_342 = vector.shape_cast %get3A_341 : vector<1x16xf32> to vector<16xf32>
        %add3A_343 = arith.addf %get3A_338, %get3A_342 : vector<16xf32>
        %swap3A_344 = arith.index_cast %scan3A_248 : i32 to index
        %swap3A_345 = arith.index_cast %mul3A_334 : i32 to index
        %swap3A_346 = tpu.vector_load %arg14[%swap3A_344, %swap3A_345] {strides = array<i32>} : memref<16x1024xf32, #tpu.memory_space<vmem>>, vector<1x16xf32>,
        %swap3A_347 = vector.shape_cast %swap3A_346 : vector<1x16xf32> to vector<16xf32>
        %swap3A_348 = vector.shape_cast %add3A_343 : vector<16xf32> to vector<1x16xf32>
        tpu.vector_store %arg14[%swap3A_344, %swap3A_345], %swap3A_348 {strides = array<i32>} : memref<16x1024xf32, #tpu.memory_space<vmem>>, vector<1x16xf32>,
        %scan3A_349 = arith.constant 0 : i32
        %scan3A_350 = arith.constant 5 : i32
        %scan3A_351 = arith.addi %scan3A_257, %scan3A_350 : i32
        %mul3A_352 = arith.constant 16 : i32
        %mul3A_353 = arith.muli %scan3A_351, %mul3A_352 : i32
        %get3A_354 = arith.index_cast %scan3A_248 : i32 to index
        %get3A_355 = arith.index_cast %mul3A_353 : i32 to index
        %get3A_356 = tpu.vector_load %arg14[%get3A_354, %get3A_355] {strides = array<i32>} : memref<16x1024xf32, #tpu.memory_space<vmem>>, vector<1x16xf32>,
        %get3A_357 = vector.shape_cast %get3A_356 : vector<1x16xf32> to vector<16xf32>
        %get3A_358 = arith.index_cast %scan3A_248 : i32 to index
        %get3A_359 = arith.index_cast %mul3A_353 : i32 to index
        %get3A_360 = tpu.vector_load %arg15[%get3A_358, %get3A_359] {strides = array<i32>} : memref<16x1024xf32, #tpu.memory_space<vmem>>, vector<1x16xf32>,
        %get3A_361 = vector.shape_cast %get3A_360 : vector<1x16xf32> to vector<16xf32>
        %add3A_362 = arith.addf %get3A_357, %get3A_361 : vector<16xf32>
        %swap3A_363 = arith.index_cast %scan3A_248 : i32 to index
        %swap3A_364 = arith.index_cast %mul3A_353 : i32 to index
        %swap3A_365 = tpu.vector_load %arg14[%swap3A_363, %swap3A_364] {strides = array<i32>} : memref<16x1024xf32, #tpu.memory_space<vmem>>, vector<1x16xf32>,
        %swap3A_366 = vector.shape_cast %swap3A_365 : vector<1x16xf32> to vector<16xf32>
        %swap3A_367 = vector.shape_cast %add3A_362 : vector<16xf32> to vector<1x16xf32>
        tpu.vector_store %arg14[%swap3A_363, %swap3A_364], %swap3A_367 {strides = array<i32>} : memref<16x1024xf32, #tpu.memory_space<vmem>>, vector<1x16xf32>,
        %scan3A_368 = arith.constant 0 : i32
        %scan3A_369 = arith.constant 6 : i32
        %scan3A_370 = arith.addi %scan3A_257, %scan3A_369 : i32
        %mul3A_371 = arith.constant 16 : i32
        %mul3A_372 = arith.muli %scan3A_370, %mul3A_371 : i32
        %get3A_373 = arith.index_cast %scan3A_248 : i32 to index
        %get3A_374 = arith.index_cast %mul3A_372 : i32 to index
        %get3A_375 = tpu.vector_load %arg14[%get3A_373, %get3A_374] {strides = array<i32>} : memref<16x1024xf32, #tpu.memory_space<vmem>>, vector<1x16xf32>,
        %get3A_376 = vector.shape_cast %get3A_375 : vector<1x16xf32> to vector<16xf32>
        %get3A_377 = arith.index_cast %scan3A_248 : i32 to index
        %get3A_378 = arith.index_cast %mul3A_372 : i32 to index
        %get3A_379 = tpu.vector_load %arg15[%get3A_377, %get3A_378] {strides = array<i32>} : memref<16x1024xf32, #tpu.memory_space<vmem>>, vector<1x16xf32>,
        %get3A_380 = vector.shape_cast %get3A_379 : vector<1x16xf32> to vector<16xf32>
        %add3A_381 = arith.addf %get3A_376, %get3A_380 : vector<16xf32>
        %swap3A_382 = arith.index_cast %scan3A_248 : i32 to index
        %swap3A_383 = arith.index_cast %mul3A_372 : i32 to index
        %swap3A_384 = tpu.vector_load %arg14[%swap3A_382, %swap3A_383] {strides = array<i32>} : memref<16x1024xf32, #tpu.memory_space<vmem>>, vector<1x16xf32>,
        %swap3A_385 = vector.shape_cast %swap3A_384 : vector<1x16xf32> to vector<16xf32>
        %swap3A_386 = vector.shape_cast %add3A_381 : vector<16xf32> to vector<1x16xf32>
        tpu.vector_store %arg14[%swap3A_382, %swap3A_383], %swap3A_386 {strides = array<i32>} : memref<16x1024xf32, #tpu.memory_space<vmem>>, vector<1x16xf32>,
        %scan3A_387 = arith.constant 0 : i32
        %scan3A_388 = arith.constant 7 : i32
        %scan3A_389 = arith.addi %scan3A_257, %scan3A_388 : i32
        %mul3A_390 = arith.constant 16 : i32
        %mul3A_391 = arith.muli %scan3A_389, %mul3A_390 : i32
        %get3A_392 = arith.index_cast %scan3A_248 : i32 to index
        %get3A_393 = arith.index_cast %mul3A_391 : i32 to index
        %get3A_394 = tpu.vector_load %arg14[%get3A_392, %get3A_393] {strides = array<i32>} : memref<16x1024xf32, #tpu.memory_space<vmem>>, vector<1x16xf32>,
        %get3A_395 = vector.shape_cast %get3A_394 : vector<1x16xf32> to vector<16xf32>
        %get3A_396 = arith.index_cast %scan3A_248 : i32 to index
        %get3A_397 = arith.index_cast %mul3A_391 : i32 to index
        %get3A_398 = tpu.vector_load %arg15[%get3A_396, %get3A_397] {strides = array<i32>} : memref<16x1024xf32, #tpu.memory_space<vmem>>, vector<1x16xf32>,
        %get3A_399 = vector.shape_cast %get3A_398 : vector<1x16xf32> to vector<16xf32>
        %add3A_400 = arith.addf %get3A_395, %get3A_399 : vector<16xf32>
        %swap3A_401 = arith.index_cast %scan3A_248 : i32 to index
        %swap3A_402 = arith.index_cast %mul3A_391 : i32 to index
        %swap3A_403 = tpu.vector_load %arg14[%swap3A_401, %swap3A_402] {strides = array<i32>} : memref<16x1024xf32, #tpu.memory_space<vmem>>, vector<1x16xf32>,
        %swap3A_404 = vector.shape_cast %swap3A_403 : vector<1x16xf32> to vector<16xf32>
        %swap3A_405 = vector.shape_cast %add3A_400 : vector<16xf32> to vector<1x16xf32>
        tpu.vector_store %arg14[%swap3A_401, %swap3A_402], %swap3A_405 {strides = array<i32>} : memref<16x1024xf32, #tpu.memory_space<vmem>>, vector<1x16xf32>,
        %scan3A_406 = arith.constant 0 : i32
        scf.yield %scan3A_406 : i32
      }
      %scan3A_256 = arith.constant 64 : i32
      scf.yield %scan3A_255 : i32
    }
    %scan3A_59 = arith.constant 16 : i32
    %add3A_60 = arith.constant 16 : i32
    %add3A_61 = arith.addi %mul3A_2, %add3A_60 : i32
    %dma_start3A_62 = arith.constant 0 : i32
    %dma_start3A_63 = tpu.memref_slice %arg5[%add3A_61, %dma_start3A_62] : memref<4096x1024xf32, #tpu.memory_space<hbm>> -> memref<16x1024xf32, #tpu.memory_space<hbm>>
    %dma_start3A_64 = arith.constant 0 : i32
    %dma_start3A_65 = tpu.memref_slice %arg5[%add3A_61, %dma_start3A_64] : memref<4096x1024xf32, #tpu.memory_space<hbm>> -> memref<16x1024xf32, #tpu.memory_space<hbm>>
    tpu.enqueue_dma source(%arg14 : memref<16x1024xf32, #tpu.memory_space<vmem>>) target(%dma_start3A_65 : memref<16x1024xf32, #tpu.memory_space<hbm>>) target_semaphore(%arg17 : memref<!tpu.dma_semaphore, #tpu.memory_space<semaphore_mem>>)
    %dma_wait3A_66 = arith.constant 0 : i32
    %dma_wait3A_67 = tpu.memref_slice %arg5[%add3A_61, %dma_wait3A_66] : memref<4096x1024xf32, #tpu.memory_space<hbm>> -> memref<16x1024xf32, #tpu.memory_space<hbm>>
    %dma_wait3A_68 = arith.constant 0 : i32
    %dma_wait3A_69 = tpu.memref_slice %arg5[%add3A_61, %dma_wait3A_68] : memref<4096x1024xf32, #tpu.memory_space<hbm>> -> memref<16x1024xf32, #tpu.memory_space<hbm>>
    tpu.wait_dma2 semaphore(%arg17 : memref<!tpu.dma_semaphore, #tpu.memory_space<semaphore_mem>>) src(%arg14 : memref<16x1024xf32, #tpu.memory_space<vmem>>) dst(%dma_wait3A_69 : memref<16x1024xf32, #tpu.memory_space<hbm>>)
    %add3A_70 = arith.constant 48 : i32
    %add3A_71 = arith.addi %mul3A_2, %add3A_70 : i32
    "tpu.region"() ({
      %run_scoped3A = tpu.sem_alloc : memref<!tpu.dma_semaphore, #tpu.memory_space<semaphore_mem>>
      %dma_start3A_248 = tpu.memref_slice %arg3[%add3A_71] : memref<4096xi32, #tpu.memory_space<hbm>> -> memref<16xi32, #tpu.memory_space<hbm>>
      %dma_start3A_249 = tpu.memref_slice %arg3[%add3A_71] : memref<4096xi32, #tpu.memory_space<hbm>> -> memref<16xi32, #tpu.memory_space<hbm>>
      tpu.enqueue_dma source(%dma_start3A_249 : memref<16xi32, #tpu.memory_space<hbm>>) target(%arg12 : memref<16xi32, #tpu.memory_space<vmem>>) target_semaphore(%run_scoped3A : memref<!tpu.dma_semaphore, #tpu.memory_space<semaphore_mem>>)
      %dma_wait3A_250 = tpu.memref_slice %arg3[%add3A_71] : memref<4096xi32, #tpu.memory_space<hbm>> -> memref<16xi32, #tpu.memory_space<hbm>>
      %dma_wait3A_251 = tpu.memref_slice %arg3[%add3A_71] : memref<4096xi32, #tpu.memory_space<hbm>> -> memref<16xi32, #tpu.memory_space<hbm>>
      tpu.wait_dma2 semaphore(%run_scoped3A : memref<!tpu.dma_semaphore, #tpu.memory_space<semaphore_mem>>) src(%dma_wait3A_251 : memref<16xi32, #tpu.memory_space<hbm>>) dst(%arg12 : memref<16xi32, #tpu.memory_space<vmem>>)
      tpu.yield
    }) : () -> ()
    "tpu.region"() ({
      %run_scoped3A = tpu.sem_alloc : memref<!tpu.dma_semaphore, #tpu.memory_space<semaphore_mem>>
      %dma_start3A_248 = tpu.memref_slice %arg4[%add3A_71] : memref<4096xi32, #tpu.memory_space<hbm>> -> memref<16xi32, #tpu.memory_space<hbm>>
      %dma_start3A_249 = tpu.memref_slice %arg4[%add3A_71] : memref<4096xi32, #tpu.memory_space<hbm>> -> memref<16xi32, #tpu.memory_space<hbm>>
      tpu.enqueue_dma source(%dma_start3A_249 : memref<16xi32, #tpu.memory_space<hbm>>) target(%arg13 : memref<16xi32, #tpu.memory_space<vmem>>) target_semaphore(%run_scoped3A : memref<!tpu.dma_semaphore, #tpu.memory_space<semaphore_mem>>)
      %dma_wait3A_250 = tpu.memref_slice %arg4[%add3A_71] : memref<4096xi32, #tpu.memory_space<hbm>> -> memref<16xi32, #tpu.memory_space<hbm>>
      %dma_wait3A_251 = tpu.memref_slice %arg4[%add3A_71] : memref<4096xi32, #tpu.memory_space<hbm>> -> memref<16xi32, #tpu.memory_space<hbm>>
      tpu.wait_dma2 semaphore(%run_scoped3A : memref<!tpu.dma_semaphore, #tpu.memory_space<semaphore_mem>>) src(%dma_wait3A_251 : memref<16xi32, #tpu.memory_space<hbm>>) dst(%arg13 : memref<16xi32, #tpu.memory_space<vmem>>)
      tpu.yield
    }) : () -> ()
    %dma_start3A_72 = arith.constant 0 : i32
    %dma_start3A_73 = arith.constant 0 : i32
    %dma_start3A_74 = tpu.memref_slice %arg2[%dma_start3A_72, %dma_start3A_73] : memref<10240x1024xf32, #tpu.memory_space<hbm>> -> memref<10240x1024xf32, #tpu.memory_space<hbm>>
    tpu.enqueue_indirect_dma source(%dma_start3A_74 : memref<10240x1024xf32, #tpu.memory_space<hbm>>) target(%arg14 : memref<16x1024xf32, #tpu.memory_space<vmem>>) offsets(%arg12 : memref<16xi32, #tpu.memory_space<vmem>>) semaphore(%arg16 : memref<!tpu.dma_semaphore, #tpu.memory_space<semaphore_mem>>)
    %dma_start3A_75 = arith.constant 0 : i32
    %dma_start3A_76 = arith.constant 0 : i32
    %dma_start3A_77 = tpu.memref_slice %arg2[%dma_start3A_75, %dma_start3A_76] : memref<10240x1024xf32, #tpu.memory_space<hbm>> -> memref<10240x1024xf32, #tpu.memory_space<hbm>>
    tpu.enqueue_indirect_dma source(%dma_start3A_77 : memref<10240x1024xf32, #tpu.memory_space<hbm>>) target(%arg15 : memref<16x1024xf32, #tpu.memory_space<vmem>>) offsets(%arg13 : memref<16xi32, #tpu.memory_space<vmem>>) semaphore(%arg16 : memref<!tpu.dma_semaphore, #tpu.memory_space<semaphore_mem>>)
    %dma_wait3A_78 = arith.constant 0 : i32
    %dma_wait3A_79 = arith.constant 0 : i32
    %dma_wait3A_80 = tpu.memref_slice %arg2[%dma_wait3A_78, %dma_wait3A_79] : memref<10240x1024xf32, #tpu.memory_space<hbm>> -> memref<10240x1024xf32, #tpu.memory_space<hbm>>
    tpu.wait_indirect_dma semaphore(%arg10 : memref<!tpu.dma_semaphore, #tpu.memory_space<semaphore_mem>>) src(%dma_wait3A_80 : memref<10240x1024xf32, #tpu.memory_space<hbm>>) dst(%arg8 : memref<16x1024xf32, #tpu.memory_space<vmem>>)
    %dma_wait3A_81 = arith.constant 0 : i32
    %dma_wait3A_82 = arith.constant 0 : i32
    %dma_wait3A_83 = tpu.memref_slice %arg2[%dma_wait3A_81, %dma_wait3A_82] : memref<10240x1024xf32, #tpu.memory_space<hbm>> -> memref<10240x1024xf32, #tpu.memory_space<hbm>>
    tpu.wait_indirect_dma semaphore(%arg10 : memref<!tpu.dma_semaphore, #tpu.memory_space<semaphore_mem>>) src(%dma_wait3A_83 : memref<10240x1024xf32, #tpu.memory_space<hbm>>) dst(%arg9 : memref<16x1024xf32, #tpu.memory_space<vmem>>)
    %scan3A_84 = arith.constant 0 : i32
    %scan3A_85 = arith.constant 0 : i32
    %scan3A_86 = arith.constant 16 : i32
    %scan3A_87 = arith.addi %scan3A_85, %scan3A_86 : i32
    %scan3A_88 = arith.constant 1 : i32
    %scan3A_89 = scf.for %scan3A_248 = %scan3A_85 to %scan3A_87 step %scan3A_88 iter_args(%scan3A_249 = %scan3A_84) -> (i32)  : i32 {
      %scan3A_250 = arith.constant 0 : i32
      %scan3A_251 = arith.constant 0 : i32
      %scan3A_252 = arith.constant 64 : i32
      %scan3A_253 = arith.addi %scan3A_251, %scan3A_252 : i32
      %scan3A_254 = arith.constant 8 : i32
      %scan3A_255 = scf.for %scan3A_257 = %scan3A_251 to %scan3A_253 step %scan3A_254 iter_args(%scan3A_258 = %scan3A_250) -> (i32)  : i32 {
        %mul3A_259 = arith.constant 16 : i32
        %mul3A_260 = arith.muli %scan3A_257, %mul3A_259 : i32
        %get3A = arith.index_cast %scan3A_248 : i32 to index
        %get3A_261 = arith.index_cast %mul3A_260 : i32 to index
        %get3A_262 = tpu.vector_load %arg8[%get3A, %get3A_261] {strides = array<i32>} : memref<16x1024xf32, #tpu.memory_space<vmem>>, vector<1x16xf32>,
        %get3A_263 = vector.shape_cast %get3A_262 : vector<1x16xf32> to vector<16xf32>
        %get3A_264 = arith.index_cast %scan3A_248 : i32 to index
        %get3A_265 = arith.index_cast %mul3A_260 : i32 to index
        %get3A_266 = tpu.vector_load %arg9[%get3A_264, %get3A_265] {strides = array<i32>} : memref<16x1024xf32, #tpu.memory_space<vmem>>, vector<1x16xf32>,
        %get3A_267 = vector.shape_cast %get3A_266 : vector<1x16xf32> to vector<16xf32>
        %add3A_268 = arith.addf %get3A_263, %get3A_267 : vector<16xf32>
        %swap3A = arith.index_cast %scan3A_248 : i32 to index
        %swap3A_269 = arith.index_cast %mul3A_260 : i32 to index
        %swap3A_270 = tpu.vector_load %arg8[%swap3A, %swap3A_269] {strides = array<i32>} : memref<16x1024xf32, #tpu.memory_space<vmem>>, vector<1x16xf32>,
        %swap3A_271 = vector.shape_cast %swap3A_270 : vector<1x16xf32> to vector<16xf32>
        %swap3A_272 = vector.shape_cast %add3A_268 : vector<16xf32> to vector<1x16xf32>
        tpu.vector_store %arg8[%swap3A, %swap3A_269], %swap3A_272 {strides = array<i32>} : memref<16x1024xf32, #tpu.memory_space<vmem>>, vector<1x16xf32>,
        %scan3A_273 = arith.constant 0 : i32
        %scan3A_274 = arith.constant 1 : i32
        %scan3A_275 = arith.addi %scan3A_257, %scan3A_274 : i32
        %mul3A_276 = arith.constant 16 : i32
        %mul3A_277 = arith.muli %scan3A_275, %mul3A_276 : i32
        %get3A_278 = arith.index_cast %scan3A_248 : i32 to index
        %get3A_279 = arith.index_cast %mul3A_277 : i32 to index
        %get3A_280 = tpu.vector_load %arg8[%get3A_278, %get3A_279] {strides = array<i32>} : memref<16x1024xf32, #tpu.memory_space<vmem>>, vector<1x16xf32>,
        %get3A_281 = vector.shape_cast %get3A_280 : vector<1x16xf32> to vector<16xf32>
        %get3A_282 = arith.index_cast %scan3A_248 : i32 to index
        %get3A_283 = arith.index_cast %mul3A_277 : i32 to index
        %get3A_284 = tpu.vector_load %arg9[%get3A_282, %get3A_283] {strides = array<i32>} : memref<16x1024xf32, #tpu.memory_space<vmem>>, vector<1x16xf32>,
        %get3A_285 = vector.shape_cast %get3A_284 : vector<1x16xf32> to vector<16xf32>
        %add3A_286 = arith.addf %get3A_281, %get3A_285 : vector<16xf32>
        %swap3A_287 = arith.index_cast %scan3A_248 : i32 to index
        %swap3A_288 = arith.index_cast %mul3A_277 : i32 to index
        %swap3A_289 = tpu.vector_load %arg8[%swap3A_287, %swap3A_288] {strides = array<i32>} : memref<16x1024xf32, #tpu.memory_space<vmem>>, vector<1x16xf32>,
        %swap3A_290 = vector.shape_cast %swap3A_289 : vector<1x16xf32> to vector<16xf32>
        %swap3A_291 = vector.shape_cast %add3A_286 : vector<16xf32> to vector<1x16xf32>
        tpu.vector_store %arg8[%swap3A_287, %swap3A_288], %swap3A_291 {strides = array<i32>} : memref<16x1024xf32, #tpu.memory_space<vmem>>, vector<1x16xf32>,
        %scan3A_292 = arith.constant 0 : i32
        %scan3A_293 = arith.constant 2 : i32
        %scan3A_294 = arith.addi %scan3A_257, %scan3A_293 : i32
        %mul3A_295 = arith.constant 16 : i32
        %mul3A_296 = arith.muli %scan3A_294, %mul3A_295 : i32
        %get3A_297 = arith.index_cast %scan3A_248 : i32 to index
        %get3A_298 = arith.index_cast %mul3A_296 : i32 to index
        %get3A_299 = tpu.vector_load %arg8[%get3A_297, %get3A_298] {strides = array<i32>} : memref<16x1024xf32, #tpu.memory_space<vmem>>, vector<1x16xf32>,
        %get3A_300 = vector.shape_cast %get3A_299 : vector<1x16xf32> to vector<16xf32>
        %get3A_301 = arith.index_cast %scan3A_248 : i32 to index
        %get3A_302 = arith.index_cast %mul3A_296 : i32 to index
        %get3A_303 = tpu.vector_load %arg9[%get3A_301, %get3A_302] {strides = array<i32>} : memref<16x1024xf32, #tpu.memory_space<vmem>>, vector<1x16xf32>,
        %get3A_304 = vector.shape_cast %get3A_303 : vector<1x16xf32> to vector<16xf32>
        %add3A_305 = arith.addf %get3A_300, %get3A_304 : vector<16xf32>
        %swap3A_306 = arith.index_cast %scan3A_248 : i32 to index
        %swap3A_307 = arith.index_cast %mul3A_296 : i32 to index
        %swap3A_308 = tpu.vector_load %arg8[%swap3A_306, %swap3A_307] {strides = array<i32>} : memref<16x1024xf32, #tpu.memory_space<vmem>>, vector<1x16xf32>,
        %swap3A_309 = vector.shape_cast %swap3A_308 : vector<1x16xf32> to vector<16xf32>
        %swap3A_310 = vector.shape_cast %add3A_305 : vector<16xf32> to vector<1x16xf32>
        tpu.vector_store %arg8[%swap3A_306, %swap3A_307], %swap3A_310 {strides = array<i32>} : memref<16x1024xf32, #tpu.memory_space<vmem>>, vector<1x16xf32>,
        %scan3A_311 = arith.constant 0 : i32
        %scan3A_312 = arith.constant 3 : i32
        %scan3A_313 = arith.addi %scan3A_257, %scan3A_312 : i32
        %mul3A_314 = arith.constant 16 : i32
        %mul3A_315 = arith.muli %scan3A_313, %mul3A_314 : i32
        %get3A_316 = arith.index_cast %scan3A_248 : i32 to index
        %get3A_317 = arith.index_cast %mul3A_315 : i32 to index
        %get3A_318 = tpu.vector_load %arg8[%get3A_316, %get3A_317] {strides = array<i32>} : memref<16x1024xf32, #tpu.memory_space<vmem>>, vector<1x16xf32>,
        %get3A_319 = vector.shape_cast %get3A_318 : vector<1x16xf32> to vector<16xf32>
        %get3A_320 = arith.index_cast %scan3A_248 : i32 to index
        %get3A_321 = arith.index_cast %mul3A_315 : i32 to index
        %get3A_322 = tpu.vector_load %arg9[%get3A_320, %get3A_321] {strides = array<i32>} : memref<16x1024xf32, #tpu.memory_space<vmem>>, vector<1x16xf32>,
        %get3A_323 = vector.shape_cast %get3A_322 : vector<1x16xf32> to vector<16xf32>
        %add3A_324 = arith.addf %get3A_319, %get3A_323 : vector<16xf32>
        %swap3A_325 = arith.index_cast %scan3A_248 : i32 to index
        %swap3A_326 = arith.index_cast %mul3A_315 : i32 to index
        %swap3A_327 = tpu.vector_load %arg8[%swap3A_325, %swap3A_326] {strides = array<i32>} : memref<16x1024xf32, #tpu.memory_space<vmem>>, vector<1x16xf32>,
        %swap3A_328 = vector.shape_cast %swap3A_327 : vector<1x16xf32> to vector<16xf32>
        %swap3A_329 = vector.shape_cast %add3A_324 : vector<16xf32> to vector<1x16xf32>
        tpu.vector_store %arg8[%swap3A_325, %swap3A_326], %swap3A_329 {strides = array<i32>} : memref<16x1024xf32, #tpu.memory_space<vmem>>, vector<1x16xf32>,
        %scan3A_330 = arith.constant 0 : i32
        %scan3A_331 = arith.constant 4 : i32
        %scan3A_332 = arith.addi %scan3A_257, %scan3A_331 : i32
        %mul3A_333 = arith.constant 16 : i32
        %mul3A_334 = arith.muli %scan3A_332, %mul3A_333 : i32
        %get3A_335 = arith.index_cast %scan3A_248 : i32 to index
        %get3A_336 = arith.index_cast %mul3A_334 : i32 to index
        %get3A_337 = tpu.vector_load %arg8[%get3A_335, %get3A_336] {strides = array<i32>} : memref<16x1024xf32, #tpu.memory_space<vmem>>, vector<1x16xf32>,
        %get3A_338 = vector.shape_cast %get3A_337 : vector<1x16xf32> to vector<16xf32>
        %get3A_339 = arith.index_cast %scan3A_248 : i32 to index
        %get3A_340 = arith.index_cast %mul3A_334 : i32 to index
        %get3A_341 = tpu.vector_load %arg9[%get3A_339, %get3A_340] {strides = array<i32>} : memref<16x1024xf32, #tpu.memory_space<vmem>>, vector<1x16xf32>,
        %get3A_342 = vector.shape_cast %get3A_341 : vector<1x16xf32> to vector<16xf32>
        %add3A_343 = arith.addf %get3A_338, %get3A_342 : vector<16xf32>
        %swap3A_344 = arith.index_cast %scan3A_248 : i32 to index
        %swap3A_345 = arith.index_cast %mul3A_334 : i32 to index
        %swap3A_346 = tpu.vector_load %arg8[%swap3A_344, %swap3A_345] {strides = array<i32>} : memref<16x1024xf32, #tpu.memory_space<vmem>>, vector<1x16xf32>,
        %swap3A_347 = vector.shape_cast %swap3A_346 : vector<1x16xf32> to vector<16xf32>
        %swap3A_348 = vector.shape_cast %add3A_343 : vector<16xf32> to vector<1x16xf32>
        tpu.vector_store %arg8[%swap3A_344, %swap3A_345], %swap3A_348 {strides = array<i32>} : memref<16x1024xf32, #tpu.memory_space<vmem>>, vector<1x16xf32>,
        %scan3A_349 = arith.constant 0 : i32
        %scan3A_350 = arith.constant 5 : i32
        %scan3A_351 = arith.addi %scan3A_257, %scan3A_350 : i32
        %mul3A_352 = arith.constant 16 : i32
        %mul3A_353 = arith.muli %scan3A_351, %mul3A_352 : i32
        %get3A_354 = arith.index_cast %scan3A_248 : i32 to index
        %get3A_355 = arith.index_cast %mul3A_353 : i32 to index
        %get3A_356 = tpu.vector_load %arg8[%get3A_354, %get3A_355] {strides = array<i32>} : memref<16x1024xf32, #tpu.memory_space<vmem>>, vector<1x16xf32>,
        %get3A_357 = vector.shape_cast %get3A_356 : vector<1x16xf32> to vector<16xf32>
        %get3A_358 = arith.index_cast %scan3A_248 : i32 to index
        %get3A_359 = arith.index_cast %mul3A_353 : i32 to index
        %get3A_360 = tpu.vector_load %arg9[%get3A_358, %get3A_359] {strides = array<i32>} : memref<16x1024xf32, #tpu.memory_space<vmem>>, vector<1x16xf32>,
        %get3A_361 = vector.shape_cast %get3A_360 : vector<1x16xf32> to vector<16xf32>
        %add3A_362 = arith.addf %get3A_357, %get3A_361 : vector<16xf32>
        %swap3A_363 = arith.index_cast %scan3A_248 : i32 to index
        %swap3A_364 = arith.index_cast %mul3A_353 : i32 to index
        %swap3A_365 = tpu.vector_load %arg8[%swap3A_363, %swap3A_364] {strides = array<i32>} : memref<16x1024xf32, #tpu.memory_space<vmem>>, vector<1x16xf32>,
        %swap3A_366 = vector.shape_cast %swap3A_365 : vector<1x16xf32> to vector<16xf32>
        %swap3A_367 = vector.shape_cast %add3A_362 : vector<16xf32> to vector<1x16xf32>
        tpu.vector_store %arg8[%swap3A_363, %swap3A_364], %swap3A_367 {strides = array<i32>} : memref<16x1024xf32, #tpu.memory_space<vmem>>, vector<1x16xf32>,
        %scan3A_368 = arith.constant 0 : i32
        %scan3A_369 = arith.constant 6 : i32
        %scan3A_370 = arith.addi %scan3A_257, %scan3A_369 : i32
        %mul3A_371 = arith.constant 16 : i32
        %mul3A_372 = arith.muli %scan3A_370, %mul3A_371 : i32
        %get3A_373 = arith.index_cast %scan3A_248 : i32 to index
        %get3A_374 = arith.index_cast %mul3A_372 : i32 to index
        %get3A_375 = tpu.vector_load %arg8[%get3A_373, %get3A_374] {strides = array<i32>} : memref<16x1024xf32, #tpu.memory_space<vmem>>, vector<1x16xf32>,
        %get3A_376 = vector.shape_cast %get3A_375 : vector<1x16xf32> to vector<16xf32>
        %get3A_377 = arith.index_cast %scan3A_248 : i32 to index
        %get3A_378 = arith.index_cast %mul3A_372 : i32 to index
        %get3A_379 = tpu.vector_load %arg9[%get3A_377, %get3A_378] {strides = array<i32>} : memref<16x1024xf32, #tpu.memory_space<vmem>>, vector<1x16xf32>,
        %get3A_380 = vector.shape_cast %get3A_379 : vector<1x16xf32> to vector<16xf32>
        %add3A_381 = arith.addf %get3A_376, %get3A_380 : vector<16xf32>
        %swap3A_382 = arith.index_cast %scan3A_248 : i32 to index
        %swap3A_383 = arith.index_cast %mul3A_372 : i32 to index
        %swap3A_384 = tpu.vector_load %arg8[%swap3A_382, %swap3A_383] {strides = array<i32>} : memref<16x1024xf32, #tpu.memory_space<vmem>>, vector<1x16xf32>,
        %swap3A_385 = vector.shape_cast %swap3A_384 : vector<1x16xf32> to vector<16xf32>
        %swap3A_386 = vector.shape_cast %add3A_381 : vector<16xf32> to vector<1x16xf32>
        tpu.vector_store %arg8[%swap3A_382, %swap3A_383], %swap3A_386 {strides = array<i32>} : memref<16x1024xf32, #tpu.memory_space<vmem>>, vector<1x16xf32>,
        %scan3A_387 = arith.constant 0 : i32
        %scan3A_388 = arith.constant 7 : i32
        %scan3A_389 = arith.addi %scan3A_257, %scan3A_388 : i32
        %mul3A_390 = arith.constant 16 : i32
        %mul3A_391 = arith.muli %scan3A_389, %mul3A_390 : i32
        %get3A_392 = arith.index_cast %scan3A_248 : i32 to index
        %get3A_393 = arith.index_cast %mul3A_391 : i32 to index
        %get3A_394 = tpu.vector_load %arg8[%get3A_392, %get3A_393] {strides = array<i32>} : memref<16x1024xf32, #tpu.memory_space<vmem>>, vector<1x16xf32>,
        %get3A_395 = vector.shape_cast %get3A_394 : vector<1x16xf32> to vector<16xf32>
        %get3A_396 = arith.index_cast %scan3A_248 : i32 to index
        %get3A_397 = arith.index_cast %mul3A_391 : i32 to index
        %get3A_398 = tpu.vector_load %arg9[%get3A_396, %get3A_397] {strides = array<i32>} : memref<16x1024xf32, #tpu.memory_space<vmem>>, vector<1x16xf32>,
        %get3A_399 = vector.shape_cast %get3A_398 : vector<1x16xf32> to vector<16xf32>
        %add3A_400 = arith.addf %get3A_395, %get3A_399 : vector<16xf32>
        %swap3A_401 = arith.index_cast %scan3A_248 : i32 to index
        %swap3A_402 = arith.index_cast %mul3A_391 : i32 to index
        %swap3A_403 = tpu.vector_load %arg8[%swap3A_401, %swap3A_402] {strides = array<i32>} : memref<16x1024xf32, #tpu.memory_space<vmem>>, vector<1x16xf32>,
        %swap3A_404 = vector.shape_cast %swap3A_403 : vector<1x16xf32> to vector<16xf32>
        %swap3A_405 = vector.shape_cast %add3A_400 : vector<16xf32> to vector<1x16xf32>
        tpu.vector_store %arg8[%swap3A_401, %swap3A_402], %swap3A_405 {strides = array<i32>} : memref<16x1024xf32, #tpu.memory_space<vmem>>, vector<1x16xf32>,
        %scan3A_406 = arith.constant 0 : i32
        scf.yield %scan3A_406 : i32
      }
      %scan3A_256 = arith.constant 64 : i32
      scf.yield %scan3A_255 : i32
    }
    %scan3A_90 = arith.constant 16 : i32
    %add3A_91 = arith.constant 32 : i32
    %add3A_92 = arith.addi %mul3A_2, %add3A_91 : i32
    %dma_start3A_93 = arith.constant 0 : i32
    %dma_start3A_94 = tpu.memref_slice %arg5[%add3A_92, %dma_start3A_93] : memref<4096x1024xf32, #tpu.memory_space<hbm>> -> memref<16x1024xf32, #tpu.memory_space<hbm>>
    %dma_start3A_95 = arith.constant 0 : i32
    %dma_start3A_96 = tpu.memref_slice %arg5[%add3A_92, %dma_start3A_95] : memref<4096x1024xf32, #tpu.memory_space<hbm>> -> memref<16x1024xf32, #tpu.memory_space<hbm>>
    tpu.enqueue_dma source(%arg8 : memref<16x1024xf32, #tpu.memory_space<vmem>>) target(%dma_start3A_96 : memref<16x1024xf32, #tpu.memory_space<hbm>>) target_semaphore(%arg11 : memref<!tpu.dma_semaphore, #tpu.memory_space<semaphore_mem>>)
    %dma_wait3A_97 = arith.constant 0 : i32
    %dma_wait3A_98 = tpu.memref_slice %arg5[%add3A_92, %dma_wait3A_97] : memref<4096x1024xf32, #tpu.memory_space<hbm>> -> memref<16x1024xf32, #tpu.memory_space<hbm>>
    %dma_wait3A_99 = arith.constant 0 : i32
    %dma_wait3A_100 = tpu.memref_slice %arg5[%add3A_92, %dma_wait3A_99] : memref<4096x1024xf32, #tpu.memory_space<hbm>> -> memref<16x1024xf32, #tpu.memory_space<hbm>>
    tpu.wait_dma2 semaphore(%arg11 : memref<!tpu.dma_semaphore, #tpu.memory_space<semaphore_mem>>) src(%arg8 : memref<16x1024xf32, #tpu.memory_space<vmem>>) dst(%dma_wait3A_100 : memref<16x1024xf32, #tpu.memory_space<hbm>>)
    %add3A_101 = arith.constant 64 : i32
    %add3A_102 = arith.addi %mul3A_2, %add3A_101 : i32
    "tpu.region"() ({
      %run_scoped3A = tpu.sem_alloc : memref<!tpu.dma_semaphore, #tpu.memory_space<semaphore_mem>>
      %dma_start3A_248 = tpu.memref_slice %arg3[%add3A_102] : memref<4096xi32, #tpu.memory_space<hbm>> -> memref<16xi32, #tpu.memory_space<hbm>>
      %dma_start3A_249 = tpu.memref_slice %arg3[%add3A_102] : memref<4096xi32, #tpu.memory_space<hbm>> -> memref<16xi32, #tpu.memory_space<hbm>>
      tpu.enqueue_dma source(%dma_start3A_249 : memref<16xi32, #tpu.memory_space<hbm>>) target(%arg6 : memref<16xi32, #tpu.memory_space<vmem>>) target_semaphore(%run_scoped3A : memref<!tpu.dma_semaphore, #tpu.memory_space<semaphore_mem>>)
      %dma_wait3A_250 = tpu.memref_slice %arg3[%add3A_102] : memref<4096xi32, #tpu.memory_space<hbm>> -> memref<16xi32, #tpu.memory_space<hbm>>
      %dma_wait3A_251 = tpu.memref_slice %arg3[%add3A_102] : memref<4096xi32, #tpu.memory_space<hbm>> -> memref<16xi32, #tpu.memory_space<hbm>>
      tpu.wait_dma2 semaphore(%run_scoped3A : memref<!tpu.dma_semaphore, #tpu.memory_space<semaphore_mem>>) src(%dma_wait3A_251 : memref<16xi32, #tpu.memory_space<hbm>>) dst(%arg6 : memref<16xi32, #tpu.memory_space<vmem>>)
      tpu.yield
    }) : () -> ()
    "tpu.region"() ({
      %run_scoped3A = tpu.sem_alloc : memref<!tpu.dma_semaphore, #tpu.memory_space<semaphore_mem>>
      %dma_start3A_248 = tpu.memref_slice %arg4[%add3A_102] : memref<4096xi32, #tpu.memory_space<hbm>> -> memref<16xi32, #tpu.memory_space<hbm>>
      %dma_start3A_249 = tpu.memref_slice %arg4[%add3A_102] : memref<4096xi32, #tpu.memory_space<hbm>> -> memref<16xi32, #tpu.memory_space<hbm>>
      tpu.enqueue_dma source(%dma_start3A_249 : memref<16xi32, #tpu.memory_space<hbm>>) target(%arg7 : memref<16xi32, #tpu.memory_space<vmem>>) target_semaphore(%run_scoped3A : memref<!tpu.dma_semaphore, #tpu.memory_space<semaphore_mem>>)
      %dma_wait3A_250 = tpu.memref_slice %arg4[%add3A_102] : memref<4096xi32, #tpu.memory_space<hbm>> -> memref<16xi32, #tpu.memory_space<hbm>>
      %dma_wait3A_251 = tpu.memref_slice %arg4[%add3A_102] : memref<4096xi32, #tpu.memory_space<hbm>> -> memref<16xi32, #tpu.memory_space<hbm>>
      tpu.wait_dma2 semaphore(%run_scoped3A : memref<!tpu.dma_semaphore, #tpu.memory_space<semaphore_mem>>) src(%dma_wait3A_251 : memref<16xi32, #tpu.memory_space<hbm>>) dst(%arg7 : memref<16xi32, #tpu.memory_space<vmem>>)
      tpu.yield
    }) : () -> ()
    %dma_start3A_103 = arith.constant 0 : i32
    %dma_start3A_104 = arith.constant 0 : i32
    %dma_start3A_105 = tpu.memref_slice %arg2[%dma_start3A_103, %dma_start3A_104] : memref<10240x1024xf32, #tpu.memory_space<hbm>> -> memref<10240x1024xf32, #tpu.memory_space<hbm>>
    tpu.enqueue_indirect_dma source(%dma_start3A_105 : memref<10240x1024xf32, #tpu.memory_space<hbm>>) target(%arg8 : memref<16x1024xf32, #tpu.memory_space<vmem>>) offsets(%arg6 : memref<16xi32, #tpu.memory_space<vmem>>) semaphore(%arg10 : memref<!tpu.dma_semaphore, #tpu.memory_space<semaphore_mem>>)
    %dma_start3A_106 = arith.constant 0 : i32
    %dma_start3A_107 = arith.constant 0 : i32
    %dma_start3A_108 = tpu.memref_slice %arg2[%dma_start3A_106, %dma_start3A_107] : memref<10240x1024xf32, #tpu.memory_space<hbm>> -> memref<10240x1024xf32, #tpu.memory_space<hbm>>
    tpu.enqueue_indirect_dma source(%dma_start3A_108 : memref<10240x1024xf32, #tpu.memory_space<hbm>>) target(%arg9 : memref<16x1024xf32, #tpu.memory_space<vmem>>) offsets(%arg7 : memref<16xi32, #tpu.memory_space<vmem>>) semaphore(%arg10 : memref<!tpu.dma_semaphore, #tpu.memory_space<semaphore_mem>>)
    %dma_wait3A_109 = arith.constant 0 : i32
    %dma_wait3A_110 = arith.constant 0 : i32
    %dma_wait3A_111 = tpu.memref_slice %arg2[%dma_wait3A_109, %dma_wait3A_110] : memref<10240x1024xf32, #tpu.memory_space<hbm>> -> memref<10240x1024xf32, #tpu.memory_space<hbm>>
    tpu.wait_indirect_dma semaphore(%arg16 : memref<!tpu.dma_semaphore, #tpu.memory_space<semaphore_mem>>) src(%dma_wait3A_111 : memref<10240x1024xf32, #tpu.memory_space<hbm>>) dst(%arg14 : memref<16x1024xf32, #tpu.memory_space<vmem>>)
    %dma_wait3A_112 = arith.constant 0 : i32
    %dma_wait3A_113 = arith.constant 0 : i32
    %dma_wait3A_114 = tpu.memref_slice %arg2[%dma_wait3A_112, %dma_wait3A_113] : memref<10240x1024xf32, #tpu.memory_space<hbm>> -> memref<10240x1024xf32, #tpu.memory_space<hbm>>
    tpu.wait_indirect_dma semaphore(%arg16 : memref<!tpu.dma_semaphore, #tpu.memory_space<semaphore_mem>>) src(%dma_wait3A_114 : memref<10240x1024xf32, #tpu.memory_space<hbm>>) dst(%arg15 : memref<16x1024xf32, #tpu.memory_space<vmem>>)
    %scan3A_115 = arith.constant 0 : i32
    %scan3A_116 = arith.constant 0 : i32
    %scan3A_117 = arith.constant 16 : i32
    %scan3A_118 = arith.addi %scan3A_116, %scan3A_117 : i32
    %scan3A_119 = arith.constant 1 : i32
    %scan3A_120 = scf.for %scan3A_248 = %scan3A_116 to %scan3A_118 step %scan3A_119 iter_args(%scan3A_249 = %scan3A_115) -> (i32)  : i32 {
      %scan3A_250 = arith.constant 0 : i32
      %scan3A_251 = arith.constant 0 : i32
      %scan3A_252 = arith.constant 64 : i32
      %scan3A_253 = arith.addi %scan3A_251, %scan3A_252 : i32
      %scan3A_254 = arith.constant 8 : i32
      %scan3A_255 = scf.for %scan3A_257 = %scan3A_251 to %scan3A_253 step %scan3A_254 iter_args(%scan3A_258 = %scan3A_250) -> (i32)  : i32 {
        %mul3A_259 = arith.constant 16 : i32
        %mul3A_260 = arith.muli %scan3A_257, %mul3A_259 : i32
        %get3A = arith.index_cast %scan3A_248 : i32 to index
        %get3A_261 = arith.index_cast %mul3A_260 : i32 to index
        %get3A_262 = tpu.vector_load %arg14[%get3A, %get3A_261] {strides = array<i32>} : memref<16x1024xf32, #tpu.memory_space<vmem>>, vector<1x16xf32>,
        %get3A_263 = vector.shape_cast %get3A_262 : vector<1x16xf32> to vector<16xf32>
        %get3A_264 = arith.index_cast %scan3A_248 : i32 to index
        %get3A_265 = arith.index_cast %mul3A_260 : i32 to index
        %get3A_266 = tpu.vector_load %arg15[%get3A_264, %get3A_265] {strides = array<i32>} : memref<16x1024xf32, #tpu.memory_space<vmem>>, vector<1x16xf32>,
        %get3A_267 = vector.shape_cast %get3A_266 : vector<1x16xf32> to vector<16xf32>
        %add3A_268 = arith.addf %get3A_263, %get3A_267 : vector<16xf32>
        %swap3A = arith.index_cast %scan3A_248 : i32 to index
        %swap3A_269 = arith.index_cast %mul3A_260 : i32 to index
        %swap3A_270 = tpu.vector_load %arg14[%swap3A, %swap3A_269] {strides = array<i32>} : memref<16x1024xf32, #tpu.memory_space<vmem>>, vector<1x16xf32>,
        %swap3A_271 = vector.shape_cast %swap3A_270 : vector<1x16xf32> to vector<16xf32>
        %swap3A_272 = vector.shape_cast %add3A_268 : vector<16xf32> to vector<1x16xf32>
        tpu.vector_store %arg14[%swap3A, %swap3A_269], %swap3A_272 {strides = array<i32>} : memref<16x1024xf32, #tpu.memory_space<vmem>>, vector<1x16xf32>,
        %scan3A_273 = arith.constant 0 : i32
        %scan3A_274 = arith.constant 1 : i32
        %scan3A_275 = arith.addi %scan3A_257, %scan3A_274 : i32
        %mul3A_276 = arith.constant 16 : i32
        %mul3A_277 = arith.muli %scan3A_275, %mul3A_276 : i32
        %get3A_278 = arith.index_cast %scan3A_248 : i32 to index
        %get3A_279 = arith.index_cast %mul3A_277 : i32 to index
        %get3A_280 = tpu.vector_load %arg14[%get3A_278, %get3A_279] {strides = array<i32>} : memref<16x1024xf32, #tpu.memory_space<vmem>>, vector<1x16xf32>,
        %get3A_281 = vector.shape_cast %get3A_280 : vector<1x16xf32> to vector<16xf32>
        %get3A_282 = arith.index_cast %scan3A_248 : i32 to index
        %get3A_283 = arith.index_cast %mul3A_277 : i32 to index
        %get3A_284 = tpu.vector_load %arg15[%get3A_282, %get3A_283] {strides = array<i32>} : memref<16x1024xf32, #tpu.memory_space<vmem>>, vector<1x16xf32>,
        %get3A_285 = vector.shape_cast %get3A_284 : vector<1x16xf32> to vector<16xf32>
        %add3A_286 = arith.addf %get3A_281, %get3A_285 : vector<16xf32>
        %swap3A_287 = arith.index_cast %scan3A_248 : i32 to index
        %swap3A_288 = arith.index_cast %mul3A_277 : i32 to index
        %swap3A_289 = tpu.vector_load %arg14[%swap3A_287, %swap3A_288] {strides = array<i32>} : memref<16x1024xf32, #tpu.memory_space<vmem>>, vector<1x16xf32>,
        %swap3A_290 = vector.shape_cast %swap3A_289 : vector<1x16xf32> to vector<16xf32>
        %swap3A_291 = vector.shape_cast %add3A_286 : vector<16xf32> to vector<1x16xf32>
        tpu.vector_store %arg14[%swap3A_287, %swap3A_288], %swap3A_291 {strides = array<i32>} : memref<16x1024xf32, #tpu.memory_space<vmem>>, vector<1x16xf32>,
        %scan3A_292 = arith.constant 0 : i32
        %scan3A_293 = arith.constant 2 : i32
        %scan3A_294 = arith.addi %scan3A_257, %scan3A_293 : i32
        %mul3A_295 = arith.constant 16 : i32
        %mul3A_296 = arith.muli %scan3A_294, %mul3A_295 : i32
        %get3A_297 = arith.index_cast %scan3A_248 : i32 to index
        %get3A_298 = arith.index_cast %mul3A_296 : i32 to index
        %get3A_299 = tpu.vector_load %arg14[%get3A_297, %get3A_298] {strides = array<i32>} : memref<16x1024xf32, #tpu.memory_space<vmem>>, vector<1x16xf32>,
        %get3A_300 = vector.shape_cast %get3A_299 : vector<1x16xf32> to vector<16xf32>
        %get3A_301 = arith.index_cast %scan3A_248 : i32 to index
        %get3A_302 = arith.index_cast %mul3A_296 : i32 to index
        %get3A_303 = tpu.vector_load %arg15[%get3A_301, %get3A_302] {strides = array<i32>} : memref<16x1024xf32, #tpu.memory_space<vmem>>, vector<1x16xf32>,
        %get3A_304 = vector.shape_cast %get3A_303 : vector<1x16xf32> to vector<16xf32>
        %add3A_305 = arith.addf %get3A_300, %get3A_304 : vector<16xf32>
        %swap3A_306 = arith.index_cast %scan3A_248 : i32 to index
        %swap3A_307 = arith.index_cast %mul3A_296 : i32 to index
        %swap3A_308 = tpu.vector_load %arg14[%swap3A_306, %swap3A_307] {strides = array<i32>} : memref<16x1024xf32, #tpu.memory_space<vmem>>, vector<1x16xf32>,
        %swap3A_309 = vector.shape_cast %swap3A_308 : vector<1x16xf32> to vector<16xf32>
        %swap3A_310 = vector.shape_cast %add3A_305 : vector<16xf32> to vector<1x16xf32>
        tpu.vector_store %arg14[%swap3A_306, %swap3A_307], %swap3A_310 {strides = array<i32>} : memref<16x1024xf32, #tpu.memory_space<vmem>>, vector<1x16xf32>,
        %scan3A_311 = arith.constant 0 : i32
        %scan3A_312 = arith.constant 3 : i32
        %scan3A_313 = arith.addi %scan3A_257, %scan3A_312 : i32
        %mul3A_314 = arith.constant 16 : i32
        %mul3A_315 = arith.muli %scan3A_313, %mul3A_314 : i32
        %get3A_316 = arith.index_cast %scan3A_248 : i32 to index
        %get3A_317 = arith.index_cast %mul3A_315 : i32 to index
        %get3A_318 = tpu.vector_load %arg14[%get3A_316, %get3A_317] {strides = array<i32>} : memref<16x1024xf32, #tpu.memory_space<vmem>>, vector<1x16xf32>,
        %get3A_319 = vector.shape_cast %get3A_318 : vector<1x16xf32> to vector<16xf32>
        %get3A_320 = arith.index_cast %scan3A_248 : i32 to index
        %get3A_321 = arith.index_cast %mul3A_315 : i32 to index
        %get3A_322 = tpu.vector_load %arg15[%get3A_320, %get3A_321] {strides = array<i32>} : memref<16x1024xf32, #tpu.memory_space<vmem>>, vector<1x16xf32>,
        %get3A_323 = vector.shape_cast %get3A_322 : vector<1x16xf32> to vector<16xf32>
        %add3A_324 = arith.addf %get3A_319, %get3A_323 : vector<16xf32>
        %swap3A_325 = arith.index_cast %scan3A_248 : i32 to index
        %swap3A_326 = arith.index_cast %mul3A_315 : i32 to index
        %swap3A_327 = tpu.vector_load %arg14[%swap3A_325, %swap3A_326] {strides = array<i32>} : memref<16x1024xf32, #tpu.memory_space<vmem>>, vector<1x16xf32>,
        %swap3A_328 = vector.shape_cast %swap3A_327 : vector<1x16xf32> to vector<16xf32>
        %swap3A_329 = vector.shape_cast %add3A_324 : vector<16xf32> to vector<1x16xf32>
        tpu.vector_store %arg14[%swap3A_325, %swap3A_326], %swap3A_329 {strides = array<i32>} : memref<16x1024xf32, #tpu.memory_space<vmem>>, vector<1x16xf32>,
        %scan3A_330 = arith.constant 0 : i32
        %scan3A_331 = arith.constant 4 : i32
        %scan3A_332 = arith.addi %scan3A_257, %scan3A_331 : i32
        %mul3A_333 = arith.constant 16 : i32
        %mul3A_334 = arith.muli %scan3A_332, %mul3A_333 : i32
        %get3A_335 = arith.index_cast %scan3A_248 : i32 to index
        %get3A_336 = arith.index_cast %mul3A_334 : i32 to index
        %get3A_337 = tpu.vector_load %arg14[%get3A_335, %get3A_336] {strides = array<i32>} : memref<16x1024xf32, #tpu.memory_space<vmem>>, vector<1x16xf32>,
        %get3A_338 = vector.shape_cast %get3A_337 : vector<1x16xf32> to vector<16xf32>
        %get3A_339 = arith.index_cast %scan3A_248 : i32 to index
        %get3A_340 = arith.index_cast %mul3A_334 : i32 to index
        %get3A_341 = tpu.vector_load %arg15[%get3A_339, %get3A_340] {strides = array<i32>} : memref<16x1024xf32, #tpu.memory_space<vmem>>, vector<1x16xf32>,
        %get3A_342 = vector.shape_cast %get3A_341 : vector<1x16xf32> to vector<16xf32>
        %add3A_343 = arith.addf %get3A_338, %get3A_342 : vector<16xf32>
        %swap3A_344 = arith.index_cast %scan3A_248 : i32 to index
        %swap3A_345 = arith.index_cast %mul3A_334 : i32 to index
        %swap3A_346 = tpu.vector_load %arg14[%swap3A_344, %swap3A_345] {strides = array<i32>} : memref<16x1024xf32, #tpu.memory_space<vmem>>, vector<1x16xf32>,
        %swap3A_347 = vector.shape_cast %swap3A_346 : vector<1x16xf32> to vector<16xf32>
        %swap3A_348 = vector.shape_cast %add3A_343 : vector<16xf32> to vector<1x16xf32>
        tpu.vector_store %arg14[%swap3A_344, %swap3A_345], %swap3A_348 {strides = array<i32>} : memref<16x1024xf32, #tpu.memory_space<vmem>>, vector<1x16xf32>,
        %scan3A_349 = arith.constant 0 : i32
        %scan3A_350 = arith.constant 5 : i32
        %scan3A_351 = arith.addi %scan3A_257, %scan3A_350 : i32
        %mul3A_352 = arith.constant 16 : i32
        %mul3A_353 = arith.muli %scan3A_351, %mul3A_352 : i32
        %get3A_354 = arith.index_cast %scan3A_248 : i32 to index
        %get3A_355 = arith.index_cast %mul3A_353 : i32 to index
        %get3A_356 = tpu.vector_load %arg14[%get3A_354, %get3A_355] {strides = array<i32>} : memref<16x1024xf32, #tpu.memory_space<vmem>>, vector<1x16xf32>,
        %get3A_357 = vector.shape_cast %get3A_356 : vector<1x16xf32> to vector<16xf32>
        %get3A_358 = arith.index_cast %scan3A_248 : i32 to index
        %get3A_359 = arith.index_cast %mul3A_353 : i32 to index
        %get3A_360 = tpu.vector_load %arg15[%get3A_358, %get3A_359] {strides = array<i32>} : memref<16x1024xf32, #tpu.memory_space<vmem>>, vector<1x16xf32>,
        %get3A_361 = vector.shape_cast %get3A_360 : vector<1x16xf32> to vector<16xf32>
        %add3A_362 = arith.addf %get3A_357, %get3A_361 : vector<16xf32>
        %swap3A_363 = arith.index_cast %scan3A_248 : i32 to index
        %swap3A_364 = arith.index_cast %mul3A_353 : i32 to index
        %swap3A_365 = tpu.vector_load %arg14[%swap3A_363, %swap3A_364] {strides = array<i32>} : memref<16x1024xf32, #tpu.memory_space<vmem>>, vector<1x16xf32>,
        %swap3A_366 = vector.shape_cast %swap3A_365 : vector<1x16xf32> to vector<16xf32>
        %swap3A_367 = vector.shape_cast %add3A_362 : vector<16xf32> to vector<1x16xf32>
        tpu.vector_store %arg14[%swap3A_363, %swap3A_364], %swap3A_367 {strides = array<i32>} : memref<16x1024xf32, #tpu.memory_space<vmem>>, vector<1x16xf32>,
        %scan3A_368 = arith.constant 0 : i32
        %scan3A_369 = arith.constant 6 : i32
        %scan3A_370 = arith.addi %scan3A_257, %scan3A_369 : i32
        %mul3A_371 = arith.constant 16 : i32
        %mul3A_372 = arith.muli %scan3A_370, %mul3A_371 : i32
        %get3A_373 = arith.index_cast %scan3A_248 : i32 to index
        %get3A_374 = arith.index_cast %mul3A_372 : i32 to index
        %get3A_375 = tpu.vector_load %arg14[%get3A_373, %get3A_374] {strides = array<i32>} : memref<16x1024xf32, #tpu.memory_space<vmem>>, vector<1x16xf32>,
        %get3A_376 = vector.shape_cast %get3A_375 : vector<1x16xf32> to vector<16xf32>
        %get3A_377 = arith.index_cast %scan3A_248 : i32 to index
        %get3A_378 = arith.index_cast %mul3A_372 : i32 to index
        %get3A_379 = tpu.vector_load %arg15[%get3A_377, %get3A_378] {strides = array<i32>} : memref<16x1024xf32, #tpu.memory_space<vmem>>, vector<1x16xf32>,
        %get3A_380 = vector.shape_cast %get3A_379 : vector<1x16xf32> to vector<16xf32>
        %add3A_381 = arith.addf %get3A_376, %get3A_380 : vector<16xf32>
        %swap3A_382 = arith.index_cast %scan3A_248 : i32 to index
        %swap3A_383 = arith.index_cast %mul3A_372 : i32 to index
        %swap3A_384 = tpu.vector_load %arg14[%swap3A_382, %swap3A_383] {strides = array<i32>} : memref<16x1024xf32, #tpu.memory_space<vmem>>, vector<1x16xf32>,
        %swap3A_385 = vector.shape_cast %swap3A_384 : vector<1x16xf32> to vector<16xf32>
        %swap3A_386 = vector.shape_cast %add3A_381 : vector<16xf32> to vector<1x16xf32>
        tpu.vector_store %arg14[%swap3A_382, %swap3A_383], %swap3A_386 {strides = array<i32>} : memref<16x1024xf32, #tpu.memory_space<vmem>>, vector<1x16xf32>,
        %scan3A_387 = arith.constant 0 : i32
        %scan3A_388 = arith.constant 7 : i32
        %scan3A_389 = arith.addi %scan3A_257, %scan3A_388 : i32
        %mul3A_390 = arith.constant 16 : i32
        %mul3A_391 = arith.muli %scan3A_389, %mul3A_390 : i32
        %get3A_392 = arith.index_cast %scan3A_248 : i32 to index
        %get3A_393 = arith.index_cast %mul3A_391 : i32 to index
        %get3A_394 = tpu.vector_load %arg14[%get3A_392, %get3A_393] {strides = array<i32>} : memref<16x1024xf32, #tpu.memory_space<vmem>>, vector<1x16xf32>,
        %get3A_395 = vector.shape_cast %get3A_394 : vector<1x16xf32> to vector<16xf32>
        %get3A_396 = arith.index_cast %scan3A_248 : i32 to index
        %get3A_397 = arith.index_cast %mul3A_391 : i32 to index
        %get3A_398 = tpu.vector_load %arg15[%get3A_396, %get3A_397] {strides = array<i32>} : memref<16x1024xf32, #tpu.memory_space<vmem>>, vector<1x16xf32>,
        %get3A_399 = vector.shape_cast %get3A_398 : vector<1x16xf32> to vector<16xf32>
        %add3A_400 = arith.addf %get3A_395, %get3A_399 : vector<16xf32>
        %swap3A_401 = arith.index_cast %scan3A_248 : i32 to index
        %swap3A_402 = arith.index_cast %mul3A_391 : i32 to index
        %swap3A_403 = tpu.vector_load %arg14[%swap3A_401, %swap3A_402] {strides = array<i32>} : memref<16x1024xf32, #tpu.memory_space<vmem>>, vector<1x16xf32>,
        %swap3A_404 = vector.shape_cast %swap3A_403 : vector<1x16xf32> to vector<16xf32>
        %swap3A_405 = vector.shape_cast %add3A_400 : vector<16xf32> to vector<1x16xf32>
        tpu.vector_store %arg14[%swap3A_401, %swap3A_402], %swap3A_405 {strides = array<i32>} : memref<16x1024xf32, #tpu.memory_space<vmem>>, vector<1x16xf32>,
        %scan3A_406 = arith.constant 0 : i32
        scf.yield %scan3A_406 : i32
      }
      %scan3A_256 = arith.constant 64 : i32
      scf.yield %scan3A_255 : i32
    }
    %scan3A_121 = arith.constant 16 : i32
    %add3A_122 = arith.constant 48 : i32
    %add3A_123 = arith.addi %mul3A_2, %add3A_122 : i32
    %dma_start3A_124 = arith.constant 0 : i32
    %dma_start3A_125 = tpu.memref_slice %arg5[%add3A_123, %dma_start3A_124] : memref<4096x1024xf32, #tpu.memory_space<hbm>> -> memref<16x1024xf32, #tpu.memory_space<hbm>>
    %dma_start3A_126 = arith.constant 0 : i32
    %dma_start3A_127 = tpu.memref_slice %arg5[%add3A_123, %dma_start3A_126] : memref<4096x1024xf32, #tpu.memory_space<hbm>> -> memref<16x1024xf32, #tpu.memory_space<hbm>>
    tpu.enqueue_dma source(%arg14 : memref<16x1024xf32, #tpu.memory_space<vmem>>) target(%dma_start3A_127 : memref<16x1024xf32, #tpu.memory_space<hbm>>) target_semaphore(%arg17 : memref<!tpu.dma_semaphore, #tpu.memory_space<semaphore_mem>>)
    %dma_wait3A_128 = arith.constant 0 : i32
    %dma_wait3A_129 = tpu.memref_slice %arg5[%add3A_123, %dma_wait3A_128] : memref<4096x1024xf32, #tpu.memory_space<hbm>> -> memref<16x1024xf32, #tpu.memory_space<hbm>>
    %dma_wait3A_130 = arith.constant 0 : i32
    %dma_wait3A_131 = tpu.memref_slice %arg5[%add3A_123, %dma_wait3A_130] : memref<4096x1024xf32, #tpu.memory_space<hbm>> -> memref<16x1024xf32, #tpu.memory_space<hbm>>
    tpu.wait_dma2 semaphore(%arg17 : memref<!tpu.dma_semaphore, #tpu.memory_space<semaphore_mem>>) src(%arg14 : memref<16x1024xf32, #tpu.memory_space<vmem>>) dst(%dma_wait3A_131 : memref<16x1024xf32, #tpu.memory_space<hbm>>)
    %add3A_132 = arith.constant 80 : i32
    %add3A_133 = arith.addi %mul3A_2, %add3A_132 : i32
    "tpu.region"() ({
      %run_scoped3A = tpu.sem_alloc : memref<!tpu.dma_semaphore, #tpu.memory_space<semaphore_mem>>
      %dma_start3A_248 = tpu.memref_slice %arg3[%add3A_133] : memref<4096xi32, #tpu.memory_space<hbm>> -> memref<16xi32, #tpu.memory_space<hbm>>
      %dma_start3A_249 = tpu.memref_slice %arg3[%add3A_133] : memref<4096xi32, #tpu.memory_space<hbm>> -> memref<16xi32, #tpu.memory_space<hbm>>
      tpu.enqueue_dma source(%dma_start3A_249 : memref<16xi32, #tpu.memory_space<hbm>>) target(%arg12 : memref<16xi32, #tpu.memory_space<vmem>>) target_semaphore(%run_scoped3A : memref<!tpu.dma_semaphore, #tpu.memory_space<semaphore_mem>>)
      %dma_wait3A_250 = tpu.memref_slice %arg3[%add3A_133] : memref<4096xi32, #tpu.memory_space<hbm>> -> memref<16xi32, #tpu.memory_space<hbm>>
      %dma_wait3A_251 = tpu.memref_slice %arg3[%add3A_133] : memref<4096xi32, #tpu.memory_space<hbm>> -> memref<16xi32, #tpu.memory_space<hbm>>
      tpu.wait_dma2 semaphore(%run_scoped3A : memref<!tpu.dma_semaphore, #tpu.memory_space<semaphore_mem>>) src(%dma_wait3A_251 : memref<16xi32, #tpu.memory_space<hbm>>) dst(%arg12 : memref<16xi32, #tpu.memory_space<vmem>>)
      tpu.yield
    }) : () -> ()
    "tpu.region"() ({
      %run_scoped3A = tpu.sem_alloc : memref<!tpu.dma_semaphore, #tpu.memory_space<semaphore_mem>>
      %dma_start3A_248 = tpu.memref_slice %arg4[%add3A_133] : memref<4096xi32, #tpu.memory_space<hbm>> -> memref<16xi32, #tpu.memory_space<hbm>>
      %dma_start3A_249 = tpu.memref_slice %arg4[%add3A_133] : memref<4096xi32, #tpu.memory_space<hbm>> -> memref<16xi32, #tpu.memory_space<hbm>>
      tpu.enqueue_dma source(%dma_start3A_249 : memref<16xi32, #tpu.memory_space<hbm>>) target(%arg13 : memref<16xi32, #tpu.memory_space<vmem>>) target_semaphore(%run_scoped3A : memref<!tpu.dma_semaphore, #tpu.memory_space<semaphore_mem>>)
      %dma_wait3A_250 = tpu.memref_slice %arg4[%add3A_133] : memref<4096xi32, #tpu.memory_space<hbm>> -> memref<16xi32, #tpu.memory_space<hbm>>
      %dma_wait3A_251 = tpu.memref_slice %arg4[%add3A_133] : memref<4096xi32, #tpu.memory_space<hbm>> -> memref<16xi32, #tpu.memory_space<hbm>>
      tpu.wait_dma2 semaphore(%run_scoped3A : memref<!tpu.dma_semaphore, #tpu.memory_space<semaphore_mem>>) src(%dma_wait3A_251 : memref<16xi32, #tpu.memory_space<hbm>>) dst(%arg13 : memref<16xi32, #tpu.memory_space<vmem>>)
      tpu.yield
    }) : () -> ()
    %dma_start3A_134 = arith.constant 0 : i32
    %dma_start3A_135 = arith.constant 0 : i32
    %dma_start3A_136 = tpu.memref_slice %arg2[%dma_start3A_134, %dma_start3A_135] : memref<10240x1024xf32, #tpu.memory_space<hbm>> -> memref<10240x1024xf32, #tpu.memory_space<hbm>>
    tpu.enqueue_indirect_dma source(%dma_start3A_136 : memref<10240x1024xf32, #tpu.memory_space<hbm>>) target(%arg14 : memref<16x1024xf32, #tpu.memory_space<vmem>>) offsets(%arg12 : memref<16xi32, #tpu.memory_space<vmem>>) semaphore(%arg16 : memref<!tpu.dma_semaphore, #tpu.memory_space<semaphore_mem>>)
    %dma_start3A_137 = arith.constant 0 : i32
    %dma_start3A_138 = arith.constant 0 : i32
    %dma_start3A_139 = tpu.memref_slice %arg2[%dma_start3A_137, %dma_start3A_138] : memref<10240x1024xf32, #tpu.memory_space<hbm>> -> memref<10240x1024xf32, #tpu.memory_space<hbm>>
    tpu.enqueue_indirect_dma source(%dma_start3A_139 : memref<10240x1024xf32, #tpu.memory_space<hbm>>) target(%arg15 : memref<16x1024xf32, #tpu.memory_space<vmem>>) offsets(%arg13 : memref<16xi32, #tpu.memory_space<vmem>>) semaphore(%arg16 : memref<!tpu.dma_semaphore, #tpu.memory_space<semaphore_mem>>)
    %dma_wait3A_140 = arith.constant 0 : i32
    %dma_wait3A_141 = arith.constant 0 : i32
    %dma_wait3A_142 = tpu.memref_slice %arg2[%dma_wait3A_140, %dma_wait3A_141] : memref<10240x1024xf32, #tpu.memory_space<hbm>> -> memref<10240x1024xf32, #tpu.memory_space<hbm>>
    tpu.wait_indirect_dma semaphore(%arg10 : memref<!tpu.dma_semaphore, #tpu.memory_space<semaphore_mem>>) src(%dma_wait3A_142 : memref<10240x1024xf32, #tpu.memory_space<hbm>>) dst(%arg8 : memref<16x1024xf32, #tpu.memory_space<vmem>>)
    %dma_wait3A_143 = arith.constant 0 : i32
    %dma_wait3A_144 = arith.constant 0 : i32
    %dma_wait3A_145 = tpu.memref_slice %arg2[%dma_wait3A_143, %dma_wait3A_144] : memref<10240x1024xf32, #tpu.memory_space<hbm>> -> memref<10240x1024xf32, #tpu.memory_space<hbm>>
    tpu.wait_indirect_dma semaphore(%arg10 : memref<!tpu.dma_semaphore, #tpu.memory_space<semaphore_mem>>) src(%dma_wait3A_145 : memref<10240x1024xf32, #tpu.memory_space<hbm>>) dst(%arg9 : memref<16x1024xf32, #tpu.memory_space<vmem>>)
    %scan3A_146 = arith.constant 0 : i32
    %scan3A_147 = arith.constant 0 : i32
    %scan3A_148 = arith.constant 16 : i32
    %scan3A_149 = arith.addi %scan3A_147, %scan3A_148 : i32
    %scan3A_150 = arith.constant 1 : i32
    %scan3A_151 = scf.for %scan3A_248 = %scan3A_147 to %scan3A_149 step %scan3A_150 iter_args(%scan3A_249 = %scan3A_146) -> (i32)  : i32 {
      %scan3A_250 = arith.constant 0 : i32
      %scan3A_251 = arith.constant 0 : i32
      %scan3A_252 = arith.constant 64 : i32
      %scan3A_253 = arith.addi %scan3A_251, %scan3A_252 : i32
      %scan3A_254 = arith.constant 8 : i32
      %scan3A_255 = scf.for %scan3A_257 = %scan3A_251 to %scan3A_253 step %scan3A_254 iter_args(%scan3A_258 = %scan3A_250) -> (i32)  : i32 {
        %mul3A_259 = arith.constant 16 : i32
        %mul3A_260 = arith.muli %scan3A_257, %mul3A_259 : i32
        %get3A = arith.index_cast %scan3A_248 : i32 to index
        %get3A_261 = arith.index_cast %mul3A_260 : i32 to index
        %get3A_262 = tpu.vector_load %arg8[%get3A, %get3A_261] {strides = array<i32>} : memref<16x1024xf32, #tpu.memory_space<vmem>>, vector<1x16xf32>,
        %get3A_263 = vector.shape_cast %get3A_262 : vector<1x16xf32> to vector<16xf32>
        %get3A_264 = arith.index_cast %scan3A_248 : i32 to index
        %get3A_265 = arith.index_cast %mul3A_260 : i32 to index
        %get3A_266 = tpu.vector_load %arg9[%get3A_264, %get3A_265] {strides = array<i32>} : memref<16x1024xf32, #tpu.memory_space<vmem>>, vector<1x16xf32>,
        %get3A_267 = vector.shape_cast %get3A_266 : vector<1x16xf32> to vector<16xf32>
        %add3A_268 = arith.addf %get3A_263, %get3A_267 : vector<16xf32>
        %swap3A = arith.index_cast %scan3A_248 : i32 to index
        %swap3A_269 = arith.index_cast %mul3A_260 : i32 to index
        %swap3A_270 = tpu.vector_load %arg8[%swap3A, %swap3A_269] {strides = array<i32>} : memref<16x1024xf32, #tpu.memory_space<vmem>>, vector<1x16xf32>,
        %swap3A_271 = vector.shape_cast %swap3A_270 : vector<1x16xf32> to vector<16xf32>
        %swap3A_272 = vector.shape_cast %add3A_268 : vector<16xf32> to vector<1x16xf32>
        tpu.vector_store %arg8[%swap3A, %swap3A_269], %swap3A_272 {strides = array<i32>} : memref<16x1024xf32, #tpu.memory_space<vmem>>, vector<1x16xf32>,
        %scan3A_273 = arith.constant 0 : i32
        %scan3A_274 = arith.constant 1 : i32
        %scan3A_275 = arith.addi %scan3A_257, %scan3A_274 : i32
        %mul3A_276 = arith.constant 16 : i32
        %mul3A_277 = arith.muli %scan3A_275, %mul3A_276 : i32
        %get3A_278 = arith.index_cast %scan3A_248 : i32 to index
        %get3A_279 = arith.index_cast %mul3A_277 : i32 to index
        %get3A_280 = tpu.vector_load %arg8[%get3A_278, %get3A_279] {strides = array<i32>} : memref<16x1024xf32, #tpu.memory_space<vmem>>, vector<1x16xf32>,
        %get3A_281 = vector.shape_cast %get3A_280 : vector<1x16xf32> to vector<16xf32>
        %get3A_282 = arith.index_cast %scan3A_248 : i32 to index
        %get3A_283 = arith.index_cast %mul3A_277 : i32 to index
        %get3A_284 = tpu.vector_load %arg9[%get3A_282, %get3A_283] {strides = array<i32>} : memref<16x1024xf32, #tpu.memory_space<vmem>>, vector<1x16xf32>,
        %get3A_285 = vector.shape_cast %get3A_284 : vector<1x16xf32> to vector<16xf32>
        %add3A_286 = arith.addf %get3A_281, %get3A_285 : vector<16xf32>
        %swap3A_287 = arith.index_cast %scan3A_248 : i32 to index
        %swap3A_288 = arith.index_cast %mul3A_277 : i32 to index
        %swap3A_289 = tpu.vector_load %arg8[%swap3A_287, %swap3A_288] {strides = array<i32>} : memref<16x1024xf32, #tpu.memory_space<vmem>>, vector<1x16xf32>,
        %swap3A_290 = vector.shape_cast %swap3A_289 : vector<1x16xf32> to vector<16xf32>
        %swap3A_291 = vector.shape_cast %add3A_286 : vector<16xf32> to vector<1x16xf32>
        tpu.vector_store %arg8[%swap3A_287, %swap3A_288], %swap3A_291 {strides = array<i32>} : memref<16x1024xf32, #tpu.memory_space<vmem>>, vector<1x16xf32>,
        %scan3A_292 = arith.constant 0 : i32
        %scan3A_293 = arith.constant 2 : i32
        %scan3A_294 = arith.addi %scan3A_257, %scan3A_293 : i32
        %mul3A_295 = arith.constant 16 : i32
        %mul3A_296 = arith.muli %scan3A_294, %mul3A_295 : i32
        %get3A_297 = arith.index_cast %scan3A_248 : i32 to index
        %get3A_298 = arith.index_cast %mul3A_296 : i32 to index
        %get3A_299 = tpu.vector_load %arg8[%get3A_297, %get3A_298] {strides = array<i32>} : memref<16x1024xf32, #tpu.memory_space<vmem>>, vector<1x16xf32>,
        %get3A_300 = vector.shape_cast %get3A_299 : vector<1x16xf32> to vector<16xf32>
        %get3A_301 = arith.index_cast %scan3A_248 : i32 to index
        %get3A_302 = arith.index_cast %mul3A_296 : i32 to index
        %get3A_303 = tpu.vector_load %arg9[%get3A_301, %get3A_302] {strides = array<i32>} : memref<16x1024xf32, #tpu.memory_space<vmem>>, vector<1x16xf32>,
        %get3A_304 = vector.shape_cast %get3A_303 : vector<1x16xf32> to vector<16xf32>
        %add3A_305 = arith.addf %get3A_300, %get3A_304 : vector<16xf32>
        %swap3A_306 = arith.index_cast %scan3A_248 : i32 to index
        %swap3A_307 = arith.index_cast %mul3A_296 : i32 to index
        %swap3A_308 = tpu.vector_load %arg8[%swap3A_306, %swap3A_307] {strides = array<i32>} : memref<16x1024xf32, #tpu.memory_space<vmem>>, vector<1x16xf32>,
        %swap3A_309 = vector.shape_cast %swap3A_308 : vector<1x16xf32> to vector<16xf32>
        %swap3A_310 = vector.shape_cast %add3A_305 : vector<16xf32> to vector<1x16xf32>
        tpu.vector_store %arg8[%swap3A_306, %swap3A_307], %swap3A_310 {strides = array<i32>} : memref<16x1024xf32, #tpu.memory_space<vmem>>, vector<1x16xf32>,
        %scan3A_311 = arith.constant 0 : i32
        %scan3A_312 = arith.constant 3 : i32
        %scan3A_313 = arith.addi %scan3A_257, %scan3A_312 : i32
        %mul3A_314 = arith.constant 16 : i32
        %mul3A_315 = arith.muli %scan3A_313, %mul3A_314 : i32
        %get3A_316 = arith.index_cast %scan3A_248 : i32 to index
        %get3A_317 = arith.index_cast %mul3A_315 : i32 to index
        %get3A_318 = tpu.vector_load %arg8[%get3A_316, %get3A_317] {strides = array<i32>} : memref<16x1024xf32, #tpu.memory_space<vmem>>, vector<1x16xf32>,
        %get3A_319 = vector.shape_cast %get3A_318 : vector<1x16xf32> to vector<16xf32>
        %get3A_320 = arith.index_cast %scan3A_248 : i32 to index
        %get3A_321 = arith.index_cast %mul3A_315 : i32 to index
        %get3A_322 = tpu.vector_load %arg9[%get3A_320, %get3A_321] {strides = array<i32>} : memref<16x1024xf32, #tpu.memory_space<vmem>>, vector<1x16xf32>,
        %get3A_323 = vector.shape_cast %get3A_322 : vector<1x16xf32> to vector<16xf32>
        %add3A_324 = arith.addf %get3A_319, %get3A_323 : vector<16xf32>
        %swap3A_325 = arith.index_cast %scan3A_248 : i32 to index
        %swap3A_326 = arith.index_cast %mul3A_315 : i32 to index
        %swap3A_327 = tpu.vector_load %arg8[%swap3A_325, %swap3A_326] {strides = array<i32>} : memref<16x1024xf32, #tpu.memory_space<vmem>>, vector<1x16xf32>,
        %swap3A_328 = vector.shape_cast %swap3A_327 : vector<1x16xf32> to vector<16xf32>
        %swap3A_329 = vector.shape_cast %add3A_324 : vector<16xf32> to vector<1x16xf32>
        tpu.vector_store %arg8[%swap3A_325, %swap3A_326], %swap3A_329 {strides = array<i32>} : memref<16x1024xf32, #tpu.memory_space<vmem>>, vector<1x16xf32>,
        %scan3A_330 = arith.constant 0 : i32
        %scan3A_331 = arith.constant 4 : i32
        %scan3A_332 = arith.addi %scan3A_257, %scan3A_331 : i32
        %mul3A_333 = arith.constant 16 : i32
        %mul3A_334 = arith.muli %scan3A_332, %mul3A_333 : i32
        %get3A_335 = arith.index_cast %scan3A_248 : i32 to index
        %get3A_336 = arith.index_cast %mul3A_334 : i32 to index
        %get3A_337 = tpu.vector_load %arg8[%get3A_335, %get3A_336] {strides = array<i32>} : memref<16x1024xf32, #tpu.memory_space<vmem>>, vector<1x16xf32>,
        %get3A_338 = vector.shape_cast %get3A_337 : vector<1x16xf32> to vector<16xf32>
        %get3A_339 = arith.index_cast %scan3A_248 : i32 to index
        %get3A_340 = arith.index_cast %mul3A_334 : i32 to index
        %get3A_341 = tpu.vector_load %arg9[%get3A_339, %get3A_340] {strides = array<i32>} : memref<16x1024xf32, #tpu.memory_space<vmem>>, vector<1x16xf32>,
        %get3A_342 = vector.shape_cast %get3A_341 : vector<1x16xf32> to vector<16xf32>
        %add3A_343 = arith.addf %get3A_338, %get3A_342 : vector<16xf32>
        %swap3A_344 = arith.index_cast %scan3A_248 : i32 to index
        %swap3A_345 = arith.index_cast %mul3A_334 : i32 to index
        %swap3A_346 = tpu.vector_load %arg8[%swap3A_344, %swap3A_345] {strides = array<i32>} : memref<16x1024xf32, #tpu.memory_space<vmem>>, vector<1x16xf32>,
        %swap3A_347 = vector.shape_cast %swap3A_346 : vector<1x16xf32> to vector<16xf32>
        %swap3A_348 = vector.shape_cast %add3A_343 : vector<16xf32> to vector<1x16xf32>
        tpu.vector_store %arg8[%swap3A_344, %swap3A_345], %swap3A_348 {strides = array<i32>} : memref<16x1024xf32, #tpu.memory_space<vmem>>, vector<1x16xf32>,
        %scan3A_349 = arith.constant 0 : i32
        %scan3A_350 = arith.constant 5 : i32
        %scan3A_351 = arith.addi %scan3A_257, %scan3A_350 : i32
        %mul3A_352 = arith.constant 16 : i32
        %mul3A_353 = arith.muli %scan3A_351, %mul3A_352 : i32
        %get3A_354 = arith.index_cast %scan3A_248 : i32 to index
        %get3A_355 = arith.index_cast %mul3A_353 : i32 to index
        %get3A_356 = tpu.vector_load %arg8[%get3A_354, %get3A_355] {strides = array<i32>} : memref<16x1024xf32, #tpu.memory_space<vmem>>, vector<1x16xf32>,
        %get3A_357 = vector.shape_cast %get3A_356 : vector<1x16xf32> to vector<16xf32>
        %get3A_358 = arith.index_cast %scan3A_248 : i32 to index
        %get3A_359 = arith.index_cast %mul3A_353 : i32 to index
        %get3A_360 = tpu.vector_load %arg9[%get3A_358, %get3A_359] {strides = array<i32>} : memref<16x1024xf32, #tpu.memory_space<vmem>>, vector<1x16xf32>,
        %get3A_361 = vector.shape_cast %get3A_360 : vector<1x16xf32> to vector<16xf32>
        %add3A_362 = arith.addf %get3A_357, %get3A_361 : vector<16xf32>
        %swap3A_363 = arith.index_cast %scan3A_248 : i32 to index
        %swap3A_364 = arith.index_cast %mul3A_353 : i32 to index
        %swap3A_365 = tpu.vector_load %arg8[%swap3A_363, %swap3A_364] {strides = array<i32>} : memref<16x1024xf32, #tpu.memory_space<vmem>>, vector<1x16xf32>,
        %swap3A_366 = vector.shape_cast %swap3A_365 : vector<1x16xf32> to vector<16xf32>
        %swap3A_367 = vector.shape_cast %add3A_362 : vector<16xf32> to vector<1x16xf32>
        tpu.vector_store %arg8[%swap3A_363, %swap3A_364], %swap3A_367 {strides = array<i32>} : memref<16x1024xf32, #tpu.memory_space<vmem>>, vector<1x16xf32>,
        %scan3A_368 = arith.constant 0 : i32
        %scan3A_369 = arith.constant 6 : i32
        %scan3A_370 = arith.addi %scan3A_257, %scan3A_369 : i32
        %mul3A_371 = arith.constant 16 : i32
        %mul3A_372 = arith.muli %scan3A_370, %mul3A_371 : i32
        %get3A_373 = arith.index_cast %scan3A_248 : i32 to index
        %get3A_374 = arith.index_cast %mul3A_372 : i32 to index
        %get3A_375 = tpu.vector_load %arg8[%get3A_373, %get3A_374] {strides = array<i32>} : memref<16x1024xf32, #tpu.memory_space<vmem>>, vector<1x16xf32>,
        %get3A_376 = vector.shape_cast %get3A_375 : vector<1x16xf32> to vector<16xf32>
        %get3A_377 = arith.index_cast %scan3A_248 : i32 to index
        %get3A_378 = arith.index_cast %mul3A_372 : i32 to index
        %get3A_379 = tpu.vector_load %arg9[%get3A_377, %get3A_378] {strides = array<i32>} : memref<16x1024xf32, #tpu.memory_space<vmem>>, vector<1x16xf32>,
        %get3A_380 = vector.shape_cast %get3A_379 : vector<1x16xf32> to vector<16xf32>
        %add3A_381 = arith.addf %get3A_376, %get3A_380 : vector<16xf32>
        %swap3A_382 = arith.index_cast %scan3A_248 : i32 to index
        %swap3A_383 = arith.index_cast %mul3A_372 : i32 to index
        %swap3A_384 = tpu.vector_load %arg8[%swap3A_382, %swap3A_383] {strides = array<i32>} : memref<16x1024xf32, #tpu.memory_space<vmem>>, vector<1x16xf32>,
        %swap3A_385 = vector.shape_cast %swap3A_384 : vector<1x16xf32> to vector<16xf32>
        %swap3A_386 = vector.shape_cast %add3A_381 : vector<16xf32> to vector<1x16xf32>
        tpu.vector_store %arg8[%swap3A_382, %swap3A_383], %swap3A_386 {strides = array<i32>} : memref<16x1024xf32, #tpu.memory_space<vmem>>, vector<1x16xf32>,
        %scan3A_387 = arith.constant 0 : i32
        %scan3A_388 = arith.constant 7 : i32
        %scan3A_389 = arith.addi %scan3A_257, %scan3A_388 : i32
        %mul3A_390 = arith.constant 16 : i32
        %mul3A_391 = arith.muli %scan3A_389, %mul3A_390 : i32
        %get3A_392 = arith.index_cast %scan3A_248 : i32 to index
        %get3A_393 = arith.index_cast %mul3A_391 : i32 to index
        %get3A_394 = tpu.vector_load %arg8[%get3A_392, %get3A_393] {strides = array<i32>} : memref<16x1024xf32, #tpu.memory_space<vmem>>, vector<1x16xf32>,
        %get3A_395 = vector.shape_cast %get3A_394 : vector<1x16xf32> to vector<16xf32>
        %get3A_396 = arith.index_cast %scan3A_248 : i32 to index
        %get3A_397 = arith.index_cast %mul3A_391 : i32 to index
        %get3A_398 = tpu.vector_load %arg9[%get3A_396, %get3A_397] {strides = array<i32>} : memref<16x1024xf32, #tpu.memory_space<vmem>>, vector<1x16xf32>,
        %get3A_399 = vector.shape_cast %get3A_398 : vector<1x16xf32> to vector<16xf32>
        %add3A_400 = arith.addf %get3A_395, %get3A_399 : vector<16xf32>
        %swap3A_401 = arith.index_cast %scan3A_248 : i32 to index
        %swap3A_402 = arith.index_cast %mul3A_391 : i32 to index
        %swap3A_403 = tpu.vector_load %arg8[%swap3A_401, %swap3A_402] {strides = array<i32>} : memref<16x1024xf32, #tpu.memory_space<vmem>>, vector<1x16xf32>,
        %swap3A_404 = vector.shape_cast %swap3A_403 : vector<1x16xf32> to vector<16xf32>
        %swap3A_405 = vector.shape_cast %add3A_400 : vector<16xf32> to vector<1x16xf32>
        tpu.vector_store %arg8[%swap3A_401, %swap3A_402], %swap3A_405 {strides = array<i32>} : memref<16x1024xf32, #tpu.memory_space<vmem>>, vector<1x16xf32>,
        %scan3A_406 = arith.constant 0 : i32
        scf.yield %scan3A_406 : i32
      }
      %scan3A_256 = arith.constant 64 : i32
      scf.yield %scan3A_255 : i32
    }
    %scan3A_152 = arith.constant 16 : i32
    %add3A_153 = arith.constant 64 : i32
    %add3A_154 = arith.addi %mul3A_2, %add3A_153 : i32
    %dma_start3A_155 = arith.constant 0 : i32
    %dma_start3A_156 = tpu.memref_slice %arg5[%add3A_154, %dma_start3A_155] : memref<4096x1024xf32, #tpu.memory_space<hbm>> -> memref<16x1024xf32, #tpu.memory_space<hbm>>
    %dma_start3A_157 = arith.constant 0 : i32
    %dma_start3A_158 = tpu.memref_slice %arg5[%add3A_154, %dma_start3A_157] : memref<4096x1024xf32, #tpu.memory_space<hbm>> -> memref<16x1024xf32, #tpu.memory_space<hbm>>
    tpu.enqueue_dma source(%arg8 : memref<16x1024xf32, #tpu.memory_space<vmem>>) target(%dma_start3A_158 : memref<16x1024xf32, #tpu.memory_space<hbm>>) target_semaphore(%arg11 : memref<!tpu.dma_semaphore, #tpu.memory_space<semaphore_mem>>)
    %dma_wait3A_159 = arith.constant 0 : i32
    %dma_wait3A_160 = tpu.memref_slice %arg5[%add3A_154, %dma_wait3A_159] : memref<4096x1024xf32, #tpu.memory_space<hbm>> -> memref<16x1024xf32, #tpu.memory_space<hbm>>
    %dma_wait3A_161 = arith.constant 0 : i32
    %dma_wait3A_162 = tpu.memref_slice %arg5[%add3A_154, %dma_wait3A_161] : memref<4096x1024xf32, #tpu.memory_space<hbm>> -> memref<16x1024xf32, #tpu.memory_space<hbm>>
    tpu.wait_dma2 semaphore(%arg11 : memref<!tpu.dma_semaphore, #tpu.memory_space<semaphore_mem>>) src(%arg8 : memref<16x1024xf32, #tpu.memory_space<vmem>>) dst(%dma_wait3A_162 : memref<16x1024xf32, #tpu.memory_space<hbm>>)
    %add3A_163 = arith.constant 96 : i32
    %add3A_164 = arith.addi %mul3A_2, %add3A_163 : i32
    "tpu.region"() ({
      %run_scoped3A = tpu.sem_alloc : memref<!tpu.dma_semaphore, #tpu.memory_space<semaphore_mem>>
      %dma_start3A_248 = tpu.memref_slice %arg3[%add3A_164] : memref<4096xi32, #tpu.memory_space<hbm>> -> memref<16xi32, #tpu.memory_space<hbm>>
      %dma_start3A_249 = tpu.memref_slice %arg3[%add3A_164] : memref<4096xi32, #tpu.memory_space<hbm>> -> memref<16xi32, #tpu.memory_space<hbm>>
      tpu.enqueue_dma source(%dma_start3A_249 : memref<16xi32, #tpu.memory_space<hbm>>) target(%arg6 : memref<16xi32, #tpu.memory_space<vmem>>) target_semaphore(%run_scoped3A : memref<!tpu.dma_semaphore, #tpu.memory_space<semaphore_mem>>)
      %dma_wait3A_250 = tpu.memref_slice %arg3[%add3A_164] : memref<4096xi32, #tpu.memory_space<hbm>> -> memref<16xi32, #tpu.memory_space<hbm>>
      %dma_wait3A_251 = tpu.memref_slice %arg3[%add3A_164] : memref<4096xi32, #tpu.memory_space<hbm>> -> memref<16xi32, #tpu.memory_space<hbm>>
      tpu.wait_dma2 semaphore(%run_scoped3A : memref<!tpu.dma_semaphore, #tpu.memory_space<semaphore_mem>>) src(%dma_wait3A_251 : memref<16xi32, #tpu.memory_space<hbm>>) dst(%arg6 : memref<16xi32, #tpu.memory_space<vmem>>)
      tpu.yield
    }) : () -> ()
    "tpu.region"() ({
      %run_scoped3A = tpu.sem_alloc : memref<!tpu.dma_semaphore, #tpu.memory_space<semaphore_mem>>
      %dma_start3A_248 = tpu.memref_slice %arg4[%add3A_164] : memref<4096xi32, #tpu.memory_space<hbm>> -> memref<16xi32, #tpu.memory_space<hbm>>
      %dma_start3A_249 = tpu.memref_slice %arg4[%add3A_164] : memref<4096xi32, #tpu.memory_space<hbm>> -> memref<16xi32, #tpu.memory_space<hbm>>
      tpu.enqueue_dma source(%dma_start3A_249 : memref<16xi32, #tpu.memory_space<hbm>>) target(%arg7 : memref<16xi32, #tpu.memory_space<vmem>>) target_semaphore(%run_scoped3A : memref<!tpu.dma_semaphore, #tpu.memory_space<semaphore_mem>>)
      %dma_wait3A_250 = tpu.memref_slice %arg4[%add3A_164] : memref<4096xi32, #tpu.memory_space<hbm>> -> memref<16xi32, #tpu.memory_space<hbm>>
      %dma_wait3A_251 = tpu.memref_slice %arg4[%add3A_164] : memref<4096xi32, #tpu.memory_space<hbm>> -> memref<16xi32, #tpu.memory_space<hbm>>
      tpu.wait_dma2 semaphore(%run_scoped3A : memref<!tpu.dma_semaphore, #tpu.memory_space<semaphore_mem>>) src(%dma_wait3A_251 : memref<16xi32, #tpu.memory_space<hbm>>) dst(%arg7 : memref<16xi32, #tpu.memory_space<vmem>>)
      tpu.yield
    }) : () -> ()
    %dma_start3A_165 = arith.constant 0 : i32
    %dma_start3A_166 = arith.constant 0 : i32
    %dma_start3A_167 = tpu.memref_slice %arg2[%dma_start3A_165, %dma_start3A_166] : memref<10240x1024xf32, #tpu.memory_space<hbm>> -> memref<10240x1024xf32, #tpu.memory_space<hbm>>
    tpu.enqueue_indirect_dma source(%dma_start3A_167 : memref<10240x1024xf32, #tpu.memory_space<hbm>>) target(%arg8 : memref<16x1024xf32, #tpu.memory_space<vmem>>) offsets(%arg6 : memref<16xi32, #tpu.memory_space<vmem>>) semaphore(%arg10 : memref<!tpu.dma_semaphore, #tpu.memory_space<semaphore_mem>>)
    %dma_start3A_168 = arith.constant 0 : i32
    %dma_start3A_169 = arith.constant 0 : i32
    %dma_start3A_170 = tpu.memref_slice %arg2[%dma_start3A_168, %dma_start3A_169] : memref<10240x1024xf32, #tpu.memory_space<hbm>> -> memref<10240x1024xf32, #tpu.memory_space<hbm>>
    tpu.enqueue_indirect_dma source(%dma_start3A_170 : memref<10240x1024xf32, #tpu.memory_space<hbm>>) target(%arg9 : memref<16x1024xf32, #tpu.memory_space<vmem>>) offsets(%arg7 : memref<16xi32, #tpu.memory_space<vmem>>) semaphore(%arg10 : memref<!tpu.dma_semaphore, #tpu.memory_space<semaphore_mem>>)
    %dma_wait3A_171 = arith.constant 0 : i32
    %dma_wait3A_172 = arith.constant 0 : i32
    %dma_wait3A_173 = tpu.memref_slice %arg2[%dma_wait3A_171, %dma_wait3A_172] : memref<10240x1024xf32, #tpu.memory_space<hbm>> -> memref<10240x1024xf32, #tpu.memory_space<hbm>>
    tpu.wait_indirect_dma semaphore(%arg16 : memref<!tpu.dma_semaphore, #tpu.memory_space<semaphore_mem>>) src(%dma_wait3A_173 : memref<10240x1024xf32, #tpu.memory_space<hbm>>) dst(%arg14 : memref<16x1024xf32, #tpu.memory_space<vmem>>)
    %dma_wait3A_174 = arith.constant 0 : i32
    %dma_wait3A_175 = arith.constant 0 : i32
    %dma_wait3A_176 = tpu.memref_slice %arg2[%dma_wait3A_174, %dma_wait3A_175] : memref<10240x1024xf32, #tpu.memory_space<hbm>> -> memref<10240x1024xf32, #tpu.memory_space<hbm>>
    tpu.wait_indirect_dma semaphore(%arg16 : memref<!tpu.dma_semaphore, #tpu.memory_space<semaphore_mem>>) src(%dma_wait3A_176 : memref<10240x1024xf32, #tpu.memory_space<hbm>>) dst(%arg15 : memref<16x1024xf32, #tpu.memory_space<vmem>>)
    %scan3A_177 = arith.constant 0 : i32
    %scan3A_178 = arith.constant 0 : i32
    %scan3A_179 = arith.constant 16 : i32
    %scan3A_180 = arith.addi %scan3A_178, %scan3A_179 : i32
    %scan3A_181 = arith.constant 1 : i32
    %scan3A_182 = scf.for %scan3A_248 = %scan3A_178 to %scan3A_180 step %scan3A_181 iter_args(%scan3A_249 = %scan3A_177) -> (i32)  : i32 {
      %scan3A_250 = arith.constant 0 : i32
      %scan3A_251 = arith.constant 0 : i32
      %scan3A_252 = arith.constant 64 : i32
      %scan3A_253 = arith.addi %scan3A_251, %scan3A_252 : i32
      %scan3A_254 = arith.constant 8 : i32
      %scan3A_255 = scf.for %scan3A_257 = %scan3A_251 to %scan3A_253 step %scan3A_254 iter_args(%scan3A_258 = %scan3A_250) -> (i32)  : i32 {
        %mul3A_259 = arith.constant 16 : i32
        %mul3A_260 = arith.muli %scan3A_257, %mul3A_259 : i32
        %get3A = arith.index_cast %scan3A_248 : i32 to index
        %get3A_261 = arith.index_cast %mul3A_260 : i32 to index
        %get3A_262 = tpu.vector_load %arg14[%get3A, %get3A_261] {strides = array<i32>} : memref<16x1024xf32, #tpu.memory_space<vmem>>, vector<1x16xf32>,
        %get3A_263 = vector.shape_cast %get3A_262 : vector<1x16xf32> to vector<16xf32>
        %get3A_264 = arith.index_cast %scan3A_248 : i32 to index
        %get3A_265 = arith.index_cast %mul3A_260 : i32 to index
        %get3A_266 = tpu.vector_load %arg15[%get3A_264, %get3A_265] {strides = array<i32>} : memref<16x1024xf32, #tpu.memory_space<vmem>>, vector<1x16xf32>,
        %get3A_267 = vector.shape_cast %get3A_266 : vector<1x16xf32> to vector<16xf32>
        %add3A_268 = arith.addf %get3A_263, %get3A_267 : vector<16xf32>
        %swap3A = arith.index_cast %scan3A_248 : i32 to index
        %swap3A_269 = arith.index_cast %mul3A_260 : i32 to index
        %swap3A_270 = tpu.vector_load %arg14[%swap3A, %swap3A_269] {strides = array<i32>} : memref<16x1024xf32, #tpu.memory_space<vmem>>, vector<1x16xf32>,
        %swap3A_271 = vector.shape_cast %swap3A_270 : vector<1x16xf32> to vector<16xf32>
        %swap3A_272 = vector.shape_cast %add3A_268 : vector<16xf32> to vector<1x16xf32>
        tpu.vector_store %arg14[%swap3A, %swap3A_269], %swap3A_272 {strides = array<i32>} : memref<16x1024xf32, #tpu.memory_space<vmem>>, vector<1x16xf32>,
        %scan3A_273 = arith.constant 0 : i32
        %scan3A_274 = arith.constant 1 : i32
        %scan3A_275 = arith.addi %scan3A_257, %scan3A_274 : i32
        %mul3A_276 = arith.constant 16 : i32
        %mul3A_277 = arith.muli %scan3A_275, %mul3A_276 : i32
        %get3A_278 = arith.index_cast %scan3A_248 : i32 to index
        %get3A_279 = arith.index_cast %mul3A_277 : i32 to index
        %get3A_280 = tpu.vector_load %arg14[%get3A_278, %get3A_279] {strides = array<i32>} : memref<16x1024xf32, #tpu.memory_space<vmem>>, vector<1x16xf32>,
        %get3A_281 = vector.shape_cast %get3A_280 : vector<1x16xf32> to vector<16xf32>
        %get3A_282 = arith.index_cast %scan3A_248 : i32 to index
        %get3A_283 = arith.index_cast %mul3A_277 : i32 to index
        %get3A_284 = tpu.vector_load %arg15[%get3A_282, %get3A_283] {strides = array<i32>} : memref<16x1024xf32, #tpu.memory_space<vmem>>, vector<1x16xf32>,
        %get3A_285 = vector.shape_cast %get3A_284 : vector<1x16xf32> to vector<16xf32>
        %add3A_286 = arith.addf %get3A_281, %get3A_285 : vector<16xf32>
        %swap3A_287 = arith.index_cast %scan3A_248 : i32 to index
        %swap3A_288 = arith.index_cast %mul3A_277 : i32 to index
        %swap3A_289 = tpu.vector_load %arg14[%swap3A_287, %swap3A_288] {strides = array<i32>} : memref<16x1024xf32, #tpu.memory_space<vmem>>, vector<1x16xf32>,
        %swap3A_290 = vector.shape_cast %swap3A_289 : vector<1x16xf32> to vector<16xf32>
        %swap3A_291 = vector.shape_cast %add3A_286 : vector<16xf32> to vector<1x16xf32>
        tpu.vector_store %arg14[%swap3A_287, %swap3A_288], %swap3A_291 {strides = array<i32>} : memref<16x1024xf32, #tpu.memory_space<vmem>>, vector<1x16xf32>,
        %scan3A_292 = arith.constant 0 : i32
        %scan3A_293 = arith.constant 2 : i32
        %scan3A_294 = arith.addi %scan3A_257, %scan3A_293 : i32
        %mul3A_295 = arith.constant 16 : i32
        %mul3A_296 = arith.muli %scan3A_294, %mul3A_295 : i32
        %get3A_297 = arith.index_cast %scan3A_248 : i32 to index
        %get3A_298 = arith.index_cast %mul3A_296 : i32 to index
        %get3A_299 = tpu.vector_load %arg14[%get3A_297, %get3A_298] {strides = array<i32>} : memref<16x1024xf32, #tpu.memory_space<vmem>>, vector<1x16xf32>,
        %get3A_300 = vector.shape_cast %get3A_299 : vector<1x16xf32> to vector<16xf32>
        %get3A_301 = arith.index_cast %scan3A_248 : i32 to index
        %get3A_302 = arith.index_cast %mul3A_296 : i32 to index
        %get3A_303 = tpu.vector_load %arg15[%get3A_301, %get3A_302] {strides = array<i32>} : memref<16x1024xf32, #tpu.memory_space<vmem>>, vector<1x16xf32>,
        %get3A_304 = vector.shape_cast %get3A_303 : vector<1x16xf32> to vector<16xf32>
        %add3A_305 = arith.addf %get3A_300, %get3A_304 : vector<16xf32>
        %swap3A_306 = arith.index_cast %scan3A_248 : i32 to index
        %swap3A_307 = arith.index_cast %mul3A_296 : i32 to index
        %swap3A_308 = tpu.vector_load %arg14[%swap3A_306, %swap3A_307] {strides = array<i32>} : memref<16x1024xf32, #tpu.memory_space<vmem>>, vector<1x16xf32>,
        %swap3A_309 = vector.shape_cast %swap3A_308 : vector<1x16xf32> to vector<16xf32>
        %swap3A_310 = vector.shape_cast %add3A_305 : vector<16xf32> to vector<1x16xf32>
        tpu.vector_store %arg14[%swap3A_306, %swap3A_307], %swap3A_310 {strides = array<i32>} : memref<16x1024xf32, #tpu.memory_space<vmem>>, vector<1x16xf32>,
        %scan3A_311 = arith.constant 0 : i32
        %scan3A_312 = arith.constant 3 : i32
        %scan3A_313 = arith.addi %scan3A_257, %scan3A_312 : i32
        %mul3A_314 = arith.constant 16 : i32
        %mul3A_315 = arith.muli %scan3A_313, %mul3A_314 : i32
        %get3A_316 = arith.index_cast %scan3A_248 : i32 to index
        %get3A_317 = arith.index_cast %mul3A_315 : i32 to index
        %get3A_318 = tpu.vector_load %arg14[%get3A_316, %get3A_317] {strides = array<i32>} : memref<16x1024xf32, #tpu.memory_space<vmem>>, vector<1x16xf32>,
        %get3A_319 = vector.shape_cast %get3A_318 : vector<1x16xf32> to vector<16xf32>
        %get3A_320 = arith.index_cast %scan3A_248 : i32 to index
        %get3A_321 = arith.index_cast %mul3A_315 : i32 to index
        %get3A_322 = tpu.vector_load %arg15[%get3A_320, %get3A_321] {strides = array<i32>} : memref<16x1024xf32, #tpu.memory_space<vmem>>, vector<1x16xf32>,
        %get3A_323 = vector.shape_cast %get3A_322 : vector<1x16xf32> to vector<16xf32>
        %add3A_324 = arith.addf %get3A_319, %get3A_323 : vector<16xf32>
        %swap3A_325 = arith.index_cast %scan3A_248 : i32 to index
        %swap3A_326 = arith.index_cast %mul3A_315 : i32 to index
        %swap3A_327 = tpu.vector_load %arg14[%swap3A_325, %swap3A_326] {strides = array<i32>} : memref<16x1024xf32, #tpu.memory_space<vmem>>, vector<1x16xf32>,
        %swap3A_328 = vector.shape_cast %swap3A_327 : vector<1x16xf32> to vector<16xf32>
        %swap3A_329 = vector.shape_cast %add3A_324 : vector<16xf32> to vector<1x16xf32>
        tpu.vector_store %arg14[%swap3A_325, %swap3A_326], %swap3A_329 {strides = array<i32>} : memref<16x1024xf32, #tpu.memory_space<vmem>>, vector<1x16xf32>,
        %scan3A_330 = arith.constant 0 : i32
        %scan3A_331 = arith.constant 4 : i32
        %scan3A_332 = arith.addi %scan3A_257, %scan3A_331 : i32
        %mul3A_333 = arith.constant 16 : i32
        %mul3A_334 = arith.muli %scan3A_332, %mul3A_333 : i32
        %get3A_335 = arith.index_cast %scan3A_248 : i32 to index
        %get3A_336 = arith.index_cast %mul3A_334 : i32 to index
        %get3A_337 = tpu.vector_load %arg14[%get3A_335, %get3A_336] {strides = array<i32>} : memref<16x1024xf32, #tpu.memory_space<vmem>>, vector<1x16xf32>,
        %get3A_338 = vector.shape_cast %get3A_337 : vector<1x16xf32> to vector<16xf32>
        %get3A_339 = arith.index_cast %scan3A_248 : i32 to index
        %get3A_340 = arith.index_cast %mul3A_334 : i32 to index
        %get3A_341 = tpu.vector_load %arg15[%get3A_339, %get3A_340] {strides = array<i32>} : memref<16x1024xf32, #tpu.memory_space<vmem>>, vector<1x16xf32>,
        %get3A_342 = vector.shape_cast %get3A_341 : vector<1x16xf32> to vector<16xf32>
        %add3A_343 = arith.addf %get3A_338, %get3A_342 : vector<16xf32>
        %swap3A_344 = arith.index_cast %scan3A_248 : i32 to index
        %swap3A_345 = arith.index_cast %mul3A_334 : i32 to index
        %swap3A_346 = tpu.vector_load %arg14[%swap3A_344, %swap3A_345] {strides = array<i32>} : memref<16x1024xf32, #tpu.memory_space<vmem>>, vector<1x16xf32>,
        %swap3A_347 = vector.shape_cast %swap3A_346 : vector<1x16xf32> to vector<16xf32>
        %swap3A_348 = vector.shape_cast %add3A_343 : vector<16xf32> to vector<1x16xf32>
        tpu.vector_store %arg14[%swap3A_344, %swap3A_345], %swap3A_348 {strides = array<i32>} : memref<16x1024xf32, #tpu.memory_space<vmem>>, vector<1x16xf32>,
        %scan3A_349 = arith.constant 0 : i32
        %scan3A_350 = arith.constant 5 : i32
        %scan3A_351 = arith.addi %scan3A_257, %scan3A_350 : i32
        %mul3A_352 = arith.constant 16 : i32
        %mul3A_353 = arith.muli %scan3A_351, %mul3A_352 : i32
        %get3A_354 = arith.index_cast %scan3A_248 : i32 to index
        %get3A_355 = arith.index_cast %mul3A_353 : i32 to index
        %get3A_356 = tpu.vector_load %arg14[%get3A_354, %get3A_355] {strides = array<i32>} : memref<16x1024xf32, #tpu.memory_space<vmem>>, vector<1x16xf32>,
        %get3A_357 = vector.shape_cast %get3A_356 : vector<1x16xf32> to vector<16xf32>
        %get3A_358 = arith.index_cast %scan3A_248 : i32 to index
        %get3A_359 = arith.index_cast %mul3A_353 : i32 to index
        %get3A_360 = tpu.vector_load %arg15[%get3A_358, %get3A_359] {strides = array<i32>} : memref<16x1024xf32, #tpu.memory_space<vmem>>, vector<1x16xf32>,
        %get3A_361 = vector.shape_cast %get3A_360 : vector<1x16xf32> to vector<16xf32>
        %add3A_362 = arith.addf %get3A_357, %get3A_361 : vector<16xf32>
        %swap3A_363 = arith.index_cast %scan3A_248 : i32 to index
        %swap3A_364 = arith.index_cast %mul3A_353 : i32 to index
        %swap3A_365 = tpu.vector_load %arg14[%swap3A_363, %swap3A_364] {strides = array<i32>} : memref<16x1024xf32, #tpu.memory_space<vmem>>, vector<1x16xf32>,
        %swap3A_366 = vector.shape_cast %swap3A_365 : vector<1x16xf32> to vector<16xf32>
        %swap3A_367 = vector.shape_cast %add3A_362 : vector<16xf32> to vector<1x16xf32>
        tpu.vector_store %arg14[%swap3A_363, %swap3A_364], %swap3A_367 {strides = array<i32>} : memref<16x1024xf32, #tpu.memory_space<vmem>>, vector<1x16xf32>,
        %scan3A_368 = arith.constant 0 : i32
        %scan3A_369 = arith.constant 6 : i32
        %scan3A_370 = arith.addi %scan3A_257, %scan3A_369 : i32
        %mul3A_371 = arith.constant 16 : i32
        %mul3A_372 = arith.muli %scan3A_370, %mul3A_371 : i32
        %get3A_373 = arith.index_cast %scan3A_248 : i32 to index
        %get3A_374 = arith.index_cast %mul3A_372 : i32 to index
        %get3A_375 = tpu.vector_load %arg14[%get3A_373, %get3A_374] {strides = array<i32>} : memref<16x1024xf32, #tpu.memory_space<vmem>>, vector<1x16xf32>,
        %get3A_376 = vector.shape_cast %get3A_375 : vector<1x16xf32> to vector<16xf32>
        %get3A_377 = arith.index_cast %scan3A_248 : i32 to index
        %get3A_378 = arith.index_cast %mul3A_372 : i32 to index
        %get3A_379 = tpu.vector_load %arg15[%get3A_377, %get3A_378] {strides = array<i32>} : memref<16x1024xf32, #tpu.memory_space<vmem>>, vector<1x16xf32>,
        %get3A_380 = vector.shape_cast %get3A_379 : vector<1x16xf32> to vector<16xf32>
        %add3A_381 = arith.addf %get3A_376, %get3A_380 : vector<16xf32>
        %swap3A_382 = arith.index_cast %scan3A_248 : i32 to index
        %swap3A_383 = arith.index_cast %mul3A_372 : i32 to index
        %swap3A_384 = tpu.vector_load %arg14[%swap3A_382, %swap3A_383] {strides = array<i32>} : memref<16x1024xf32, #tpu.memory_space<vmem>>, vector<1x16xf32>,
        %swap3A_385 = vector.shape_cast %swap3A_384 : vector<1x16xf32> to vector<16xf32>
        %swap3A_386 = vector.shape_cast %add3A_381 : vector<16xf32> to vector<1x16xf32>
        tpu.vector_store %arg14[%swap3A_382, %swap3A_383], %swap3A_386 {strides = array<i32>} : memref<16x1024xf32, #tpu.memory_space<vmem>>, vector<1x16xf32>,
        %scan3A_387 = arith.constant 0 : i32
        %scan3A_388 = arith.constant 7 : i32
        %scan3A_389 = arith.addi %scan3A_257, %scan3A_388 : i32
        %mul3A_390 = arith.constant 16 : i32
        %mul3A_391 = arith.muli %scan3A_389, %mul3A_390 : i32
        %get3A_392 = arith.index_cast %scan3A_248 : i32 to index
        %get3A_393 = arith.index_cast %mul3A_391 : i32 to index
        %get3A_394 = tpu.vector_load %arg14[%get3A_392, %get3A_393] {strides = array<i32>} : memref<16x1024xf32, #tpu.memory_space<vmem>>, vector<1x16xf32>,
        %get3A_395 = vector.shape_cast %get3A_394 : vector<1x16xf32> to vector<16xf32>
        %get3A_396 = arith.index_cast %scan3A_248 : i32 to index
        %get3A_397 = arith.index_cast %mul3A_391 : i32 to index
        %get3A_398 = tpu.vector_load %arg15[%get3A_396, %get3A_397] {strides = array<i32>} : memref<16x1024xf32, #tpu.memory_space<vmem>>, vector<1x16xf32>,
        %get3A_399 = vector.shape_cast %get3A_398 : vector<1x16xf32> to vector<16xf32>
        %add3A_400 = arith.addf %get3A_395, %get3A_399 : vector<16xf32>
        %swap3A_401 = arith.index_cast %scan3A_248 : i32 to index
        %swap3A_402 = arith.index_cast %mul3A_391 : i32 to index
        %swap3A_403 = tpu.vector_load %arg14[%swap3A_401, %swap3A_402] {strides = array<i32>} : memref<16x1024xf32, #tpu.memory_space<vmem>>, vector<1x16xf32>,
        %swap3A_404 = vector.shape_cast %swap3A_403 : vector<1x16xf32> to vector<16xf32>
        %swap3A_405 = vector.shape_cast %add3A_400 : vector<16xf32> to vector<1x16xf32>
        tpu.vector_store %arg14[%swap3A_401, %swap3A_402], %swap3A_405 {strides = array<i32>} : memref<16x1024xf32, #tpu.memory_space<vmem>>, vector<1x16xf32>,
        %scan3A_406 = arith.constant 0 : i32
        scf.yield %scan3A_406 : i32
      }
      %scan3A_256 = arith.constant 64 : i32
      scf.yield %scan3A_255 : i32
    }
    %scan3A_183 = arith.constant 16 : i32
    %add3A_184 = arith.constant 80 : i32
    %add3A_185 = arith.addi %mul3A_2, %add3A_184 : i32
    %dma_start3A_186 = arith.constant 0 : i32
    %dma_start3A_187 = tpu.memref_slice %arg5[%add3A_185, %dma_start3A_186] : memref<4096x1024xf32, #tpu.memory_space<hbm>> -> memref<16x1024xf32, #tpu.memory_space<hbm>>
    %dma_start3A_188 = arith.constant 0 : i32
    %dma_start3A_189 = tpu.memref_slice %arg5[%add3A_185, %dma_start3A_188] : memref<4096x1024xf32, #tpu.memory_space<hbm>> -> memref<16x1024xf32, #tpu.memory_space<hbm>>
    tpu.enqueue_dma source(%arg14 : memref<16x1024xf32, #tpu.memory_space<vmem>>) target(%dma_start3A_189 : memref<16x1024xf32, #tpu.memory_space<hbm>>) target_semaphore(%arg17 : memref<!tpu.dma_semaphore, #tpu.memory_space<semaphore_mem>>)
    %dma_wait3A_190 = arith.constant 0 : i32
    %dma_wait3A_191 = tpu.memref_slice %arg5[%add3A_185, %dma_wait3A_190] : memref<4096x1024xf32, #tpu.memory_space<hbm>> -> memref<16x1024xf32, #tpu.memory_space<hbm>>
    %dma_wait3A_192 = arith.constant 0 : i32
    %dma_wait3A_193 = tpu.memref_slice %arg5[%add3A_185, %dma_wait3A_192] : memref<4096x1024xf32, #tpu.memory_space<hbm>> -> memref<16x1024xf32, #tpu.memory_space<hbm>>
    tpu.wait_dma2 semaphore(%arg17 : memref<!tpu.dma_semaphore, #tpu.memory_space<semaphore_mem>>) src(%arg14 : memref<16x1024xf32, #tpu.memory_space<vmem>>) dst(%dma_wait3A_193 : memref<16x1024xf32, #tpu.memory_space<hbm>>)
    %add3A_194 = arith.constant 112 : i32
    %add3A_195 = arith.addi %mul3A_2, %add3A_194 : i32
    "tpu.region"() ({
      %run_scoped3A = tpu.sem_alloc : memref<!tpu.dma_semaphore, #tpu.memory_space<semaphore_mem>>
      %dma_start3A_248 = tpu.memref_slice %arg3[%add3A_195] : memref<4096xi32, #tpu.memory_space<hbm>> -> memref<16xi32, #tpu.memory_space<hbm>>
      %dma_start3A_249 = tpu.memref_slice %arg3[%add3A_195] : memref<4096xi32, #tpu.memory_space<hbm>> -> memref<16xi32, #tpu.memory_space<hbm>>
      tpu.enqueue_dma source(%dma_start3A_249 : memref<16xi32, #tpu.memory_space<hbm>>) target(%arg12 : memref<16xi32, #tpu.memory_space<vmem>>) target_semaphore(%run_scoped3A : memref<!tpu.dma_semaphore, #tpu.memory_space<semaphore_mem>>)
      %dma_wait3A_250 = tpu.memref_slice %arg3[%add3A_195] : memref<4096xi32, #tpu.memory_space<hbm>> -> memref<16xi32, #tpu.memory_space<hbm>>
      %dma_wait3A_251 = tpu.memref_slice %arg3[%add3A_195] : memref<4096xi32, #tpu.memory_space<hbm>> -> memref<16xi32, #tpu.memory_space<hbm>>
      tpu.wait_dma2 semaphore(%run_scoped3A : memref<!tpu.dma_semaphore, #tpu.memory_space<semaphore_mem>>) src(%dma_wait3A_251 : memref<16xi32, #tpu.memory_space<hbm>>) dst(%arg12 : memref<16xi32, #tpu.memory_space<vmem>>)
      tpu.yield
    }) : () -> ()
    "tpu.region"() ({
      %run_scoped3A = tpu.sem_alloc : memref<!tpu.dma_semaphore, #tpu.memory_space<semaphore_mem>>
      %dma_start3A_248 = tpu.memref_slice %arg4[%add3A_195] : memref<4096xi32, #tpu.memory_space<hbm>> -> memref<16xi32, #tpu.memory_space<hbm>>
      %dma_start3A_249 = tpu.memref_slice %arg4[%add3A_195] : memref<4096xi32, #tpu.memory_space<hbm>> -> memref<16xi32, #tpu.memory_space<hbm>>
      tpu.enqueue_dma source(%dma_start3A_249 : memref<16xi32, #tpu.memory_space<hbm>>) target(%arg13 : memref<16xi32, #tpu.memory_space<vmem>>) target_semaphore(%run_scoped3A : memref<!tpu.dma_semaphore, #tpu.memory_space<semaphore_mem>>)
      %dma_wait3A_250 = tpu.memref_slice %arg4[%add3A_195] : memref<4096xi32, #tpu.memory_space<hbm>> -> memref<16xi32, #tpu.memory_space<hbm>>
      %dma_wait3A_251 = tpu.memref_slice %arg4[%add3A_195] : memref<4096xi32, #tpu.memory_space<hbm>> -> memref<16xi32, #tpu.memory_space<hbm>>
      tpu.wait_dma2 semaphore(%run_scoped3A : memref<!tpu.dma_semaphore, #tpu.memory_space<semaphore_mem>>) src(%dma_wait3A_251 : memref<16xi32, #tpu.memory_space<hbm>>) dst(%arg13 : memref<16xi32, #tpu.memory_space<vmem>>)
      tpu.yield
    }) : () -> ()
    %dma_start3A_196 = arith.constant 0 : i32
    %dma_start3A_197 = arith.constant 0 : i32
    %dma_start3A_198 = tpu.memref_slice %arg2[%dma_start3A_196, %dma_start3A_197] : memref<10240x1024xf32, #tpu.memory_space<hbm>> -> memref<10240x1024xf32, #tpu.memory_space<hbm>>
    tpu.enqueue_indirect_dma source(%dma_start3A_198 : memref<10240x1024xf32, #tpu.memory_space<hbm>>) target(%arg14 : memref<16x1024xf32, #tpu.memory_space<vmem>>) offsets(%arg12 : memref<16xi32, #tpu.memory_space<vmem>>) semaphore(%arg16 : memref<!tpu.dma_semaphore, #tpu.memory_space<semaphore_mem>>)
    %dma_start3A_199 = arith.constant 0 : i32
    %dma_start3A_200 = arith.constant 0 : i32
    %dma_start3A_201 = tpu.memref_slice %arg2[%dma_start3A_199, %dma_start3A_200] : memref<10240x1024xf32, #tpu.memory_space<hbm>> -> memref<10240x1024xf32, #tpu.memory_space<hbm>>
    tpu.enqueue_indirect_dma source(%dma_start3A_201 : memref<10240x1024xf32, #tpu.memory_space<hbm>>) target(%arg15 : memref<16x1024xf32, #tpu.memory_space<vmem>>) offsets(%arg13 : memref<16xi32, #tpu.memory_space<vmem>>) semaphore(%arg16 : memref<!tpu.dma_semaphore, #tpu.memory_space<semaphore_mem>>)
    %dma_wait3A_202 = arith.constant 0 : i32
    %dma_wait3A_203 = arith.constant 0 : i32
    %dma_wait3A_204 = tpu.memref_slice %arg2[%dma_wait3A_202, %dma_wait3A_203] : memref<10240x1024xf32, #tpu.memory_space<hbm>> -> memref<10240x1024xf32, #tpu.memory_space<hbm>>
    tpu.wait_indirect_dma semaphore(%arg10 : memref<!tpu.dma_semaphore, #tpu.memory_space<semaphore_mem>>) src(%dma_wait3A_204 : memref<10240x1024xf32, #tpu.memory_space<hbm>>) dst(%arg8 : memref<16x1024xf32, #tpu.memory_space<vmem>>)
    %dma_wait3A_205 = arith.constant 0 : i32
    %dma_wait3A_206 = arith.constant 0 : i32
    %dma_wait3A_207 = tpu.memref_slice %arg2[%dma_wait3A_205, %dma_wait3A_206] : memref<10240x1024xf32, #tpu.memory_space<hbm>> -> memref<10240x1024xf32, #tpu.memory_space<hbm>>
    tpu.wait_indirect_dma semaphore(%arg10 : memref<!tpu.dma_semaphore, #tpu.memory_space<semaphore_mem>>) src(%dma_wait3A_207 : memref<10240x1024xf32, #tpu.memory_space<hbm>>) dst(%arg9 : memref<16x1024xf32, #tpu.memory_space<vmem>>)
    %scan3A_208 = arith.constant 0 : i32
    %scan3A_209 = arith.constant 0 : i32
    %scan3A_210 = arith.constant 16 : i32
    %scan3A_211 = arith.addi %scan3A_209, %scan3A_210 : i32
    %scan3A_212 = arith.constant 1 : i32
    %scan3A_213 = scf.for %scan3A_248 = %scan3A_209 to %scan3A_211 step %scan3A_212 iter_args(%scan3A_249 = %scan3A_208) -> (i32)  : i32 {
      %scan3A_250 = arith.constant 0 : i32
      %scan3A_251 = arith.constant 0 : i32
      %scan3A_252 = arith.constant 64 : i32
      %scan3A_253 = arith.addi %scan3A_251, %scan3A_252 : i32
      %scan3A_254 = arith.constant 8 : i32
      %scan3A_255 = scf.for %scan3A_257 = %scan3A_251 to %scan3A_253 step %scan3A_254 iter_args(%scan3A_258 = %scan3A_250) -> (i32)  : i32 {
        %mul3A_259 = arith.constant 16 : i32
        %mul3A_260 = arith.muli %scan3A_257, %mul3A_259 : i32
        %get3A = arith.index_cast %scan3A_248 : i32 to index
        %get3A_261 = arith.index_cast %mul3A_260 : i32 to index
        %get3A_262 = tpu.vector_load %arg8[%get3A, %get3A_261] {strides = array<i32>} : memref<16x1024xf32, #tpu.memory_space<vmem>>, vector<1x16xf32>,
        %get3A_263 = vector.shape_cast %get3A_262 : vector<1x16xf32> to vector<16xf32>
        %get3A_264 = arith.index_cast %scan3A_248 : i32 to index
        %get3A_265 = arith.index_cast %mul3A_260 : i32 to index
        %get3A_266 = tpu.vector_load %arg9[%get3A_264, %get3A_265] {strides = array<i32>} : memref<16x1024xf32, #tpu.memory_space<vmem>>, vector<1x16xf32>,
        %get3A_267 = vector.shape_cast %get3A_266 : vector<1x16xf32> to vector<16xf32>
        %add3A_268 = arith.addf %get3A_263, %get3A_267 : vector<16xf32>
        %swap3A = arith.index_cast %scan3A_248 : i32 to index
        %swap3A_269 = arith.index_cast %mul3A_260 : i32 to index
        %swap3A_270 = tpu.vector_load %arg8[%swap3A, %swap3A_269] {strides = array<i32>} : memref<16x1024xf32, #tpu.memory_space<vmem>>, vector<1x16xf32>,
        %swap3A_271 = vector.shape_cast %swap3A_270 : vector<1x16xf32> to vector<16xf32>
        %swap3A_272 = vector.shape_cast %add3A_268 : vector<16xf32> to vector<1x16xf32>
        tpu.vector_store %arg8[%swap3A, %swap3A_269], %swap3A_272 {strides = array<i32>} : memref<16x1024xf32, #tpu.memory_space<vmem>>, vector<1x16xf32>,
        %scan3A_273 = arith.constant 0 : i32
        %scan3A_274 = arith.constant 1 : i32
        %scan3A_275 = arith.addi %scan3A_257, %scan3A_274 : i32
        %mul3A_276 = arith.constant 16 : i32
        %mul3A_277 = arith.muli %scan3A_275, %mul3A_276 : i32
        %get3A_278 = arith.index_cast %scan3A_248 : i32 to index
        %get3A_279 = arith.index_cast %mul3A_277 : i32 to index
        %get3A_280 = tpu.vector_load %arg8[%get3A_278, %get3A_279] {strides = array<i32>} : memref<16x1024xf32, #tpu.memory_space<vmem>>, vector<1x16xf32>,
        %get3A_281 = vector.shape_cast %get3A_280 : vector<1x16xf32> to vector<16xf32>
        %get3A_282 = arith.index_cast %scan3A_248 : i32 to index
        %get3A_283 = arith.index_cast %mul3A_277 : i32 to index
        %get3A_284 = tpu.vector_load %arg9[%get3A_282, %get3A_283] {strides = array<i32>} : memref<16x1024xf32, #tpu.memory_space<vmem>>, vector<1x16xf32>,
        %get3A_285 = vector.shape_cast %get3A_284 : vector<1x16xf32> to vector<16xf32>
        %add3A_286 = arith.addf %get3A_281, %get3A_285 : vector<16xf32>
        %swap3A_287 = arith.index_cast %scan3A_248 : i32 to index
        %swap3A_288 = arith.index_cast %mul3A_277 : i32 to index
        %swap3A_289 = tpu.vector_load %arg8[%swap3A_287, %swap3A_288] {strides = array<i32>} : memref<16x1024xf32, #tpu.memory_space<vmem>>, vector<1x16xf32>,
        %swap3A_290 = vector.shape_cast %swap3A_289 : vector<1x16xf32> to vector<16xf32>
        %swap3A_291 = vector.shape_cast %add3A_286 : vector<16xf32> to vector<1x16xf32>
        tpu.vector_store %arg8[%swap3A_287, %swap3A_288], %swap3A_291 {strides = array<i32>} : memref<16x1024xf32, #tpu.memory_space<vmem>>, vector<1x16xf32>,
        %scan3A_292 = arith.constant 0 : i32
        %scan3A_293 = arith.constant 2 : i32
        %scan3A_294 = arith.addi %scan3A_257, %scan3A_293 : i32
        %mul3A_295 = arith.constant 16 : i32
        %mul3A_296 = arith.muli %scan3A_294, %mul3A_295 : i32
        %get3A_297 = arith.index_cast %scan3A_248 : i32 to index
        %get3A_298 = arith.index_cast %mul3A_296 : i32 to index
        %get3A_299 = tpu.vector_load %arg8[%get3A_297, %get3A_298] {strides = array<i32>} : memref<16x1024xf32, #tpu.memory_space<vmem>>, vector<1x16xf32>,
        %get3A_300 = vector.shape_cast %get3A_299 : vector<1x16xf32> to vector<16xf32>
        %get3A_301 = arith.index_cast %scan3A_248 : i32 to index
        %get3A_302 = arith.index_cast %mul3A_296 : i32 to index
        %get3A_303 = tpu.vector_load %arg9[%get3A_301, %get3A_302] {strides = array<i32>} : memref<16x1024xf32, #tpu.memory_space<vmem>>, vector<1x16xf32>,
        %get3A_304 = vector.shape_cast %get3A_303 : vector<1x16xf32> to vector<16xf32>
        %add3A_305 = arith.addf %get3A_300, %get3A_304 : vector<16xf32>
        %swap3A_306 = arith.index_cast %scan3A_248 : i32 to index
        %swap3A_307 = arith.index_cast %mul3A_296 : i32 to index
        %swap3A_308 = tpu.vector_load %arg8[%swap3A_306, %swap3A_307] {strides = array<i32>} : memref<16x1024xf32, #tpu.memory_space<vmem>>, vector<1x16xf32>,
        %swap3A_309 = vector.shape_cast %swap3A_308 : vector<1x16xf32> to vector<16xf32>
        %swap3A_310 = vector.shape_cast %add3A_305 : vector<16xf32> to vector<1x16xf32>
        tpu.vector_store %arg8[%swap3A_306, %swap3A_307], %swap3A_310 {strides = array<i32>} : memref<16x1024xf32, #tpu.memory_space<vmem>>, vector<1x16xf32>,
        %scan3A_311 = arith.constant 0 : i32
        %scan3A_312 = arith.constant 3 : i32
        %scan3A_313 = arith.addi %scan3A_257, %scan3A_312 : i32
        %mul3A_314 = arith.constant 16 : i32
        %mul3A_315 = arith.muli %scan3A_313, %mul3A_314 : i32
        %get3A_316 = arith.index_cast %scan3A_248 : i32 to index
        %get3A_317 = arith.index_cast %mul3A_315 : i32 to index
        %get3A_318 = tpu.vector_load %arg8[%get3A_316, %get3A_317] {strides = array<i32>} : memref<16x1024xf32, #tpu.memory_space<vmem>>, vector<1x16xf32>,
        %get3A_319 = vector.shape_cast %get3A_318 : vector<1x16xf32> to vector<16xf32>
        %get3A_320 = arith.index_cast %scan3A_248 : i32 to index
        %get3A_321 = arith.index_cast %mul3A_315 : i32 to index
        %get3A_322 = tpu.vector_load %arg9[%get3A_320, %get3A_321] {strides = array<i32>} : memref<16x1024xf32, #tpu.memory_space<vmem>>, vector<1x16xf32>,
        %get3A_323 = vector.shape_cast %get3A_322 : vector<1x16xf32> to vector<16xf32>
        %add3A_324 = arith.addf %get3A_319, %get3A_323 : vector<16xf32>
        %swap3A_325 = arith.index_cast %scan3A_248 : i32 to index
        %swap3A_326 = arith.index_cast %mul3A_315 : i32 to index
        %swap3A_327 = tpu.vector_load %arg8[%swap3A_325, %swap3A_326] {strides = array<i32>} : memref<16x1024xf32, #tpu.memory_space<vmem>>, vector<1x16xf32>,
        %swap3A_328 = vector.shape_cast %swap3A_327 : vector<1x16xf32> to vector<16xf32>
        %swap3A_329 = vector.shape_cast %add3A_324 : vector<16xf32> to vector<1x16xf32>
        tpu.vector_store %arg8[%swap3A_325, %swap3A_326], %swap3A_329 {strides = array<i32>} : memref<16x1024xf32, #tpu.memory_space<vmem>>, vector<1x16xf32>,
        %scan3A_330 = arith.constant 0 : i32
        %scan3A_331 = arith.constant 4 : i32
        %scan3A_332 = arith.addi %scan3A_257, %scan3A_331 : i32
        %mul3A_333 = arith.constant 16 : i32
        %mul3A_334 = arith.muli %scan3A_332, %mul3A_333 : i32
        %get3A_335 = arith.index_cast %scan3A_248 : i32 to index
        %get3A_336 = arith.index_cast %mul3A_334 : i32 to index
        %get3A_337 = tpu.vector_load %arg8[%get3A_335, %get3A_336] {strides = array<i32>} : memref<16x1024xf32, #tpu.memory_space<vmem>>, vector<1x16xf32>,
        %get3A_338 = vector.shape_cast %get3A_337 : vector<1x16xf32> to vector<16xf32>
        %get3A_339 = arith.index_cast %scan3A_248 : i32 to index
        %get3A_340 = arith.index_cast %mul3A_334 : i32 to index
        %get3A_341 = tpu.vector_load %arg9[%get3A_339, %get3A_340] {strides = array<i32>} : memref<16x1024xf32, #tpu.memory_space<vmem>>, vector<1x16xf32>,
        %get3A_342 = vector.shape_cast %get3A_341 : vector<1x16xf32> to vector<16xf32>
        %add3A_343 = arith.addf %get3A_338, %get3A_342 : vector<16xf32>
        %swap3A_344 = arith.index_cast %scan3A_248 : i32 to index
        %swap3A_345 = arith.index_cast %mul3A_334 : i32 to index
        %swap3A_346 = tpu.vector_load %arg8[%swap3A_344, %swap3A_345] {strides = array<i32>} : memref<16x1024xf32, #tpu.memory_space<vmem>>, vector<1x16xf32>,
        %swap3A_347 = vector.shape_cast %swap3A_346 : vector<1x16xf32> to vector<16xf32>
        %swap3A_348 = vector.shape_cast %add3A_343 : vector<16xf32> to vector<1x16xf32>
        tpu.vector_store %arg8[%swap3A_344, %swap3A_345], %swap3A_348 {strides = array<i32>} : memref<16x1024xf32, #tpu.memory_space<vmem>>, vector<1x16xf32>,
        %scan3A_349 = arith.constant 0 : i32
        %scan3A_350 = arith.constant 5 : i32
        %scan3A_351 = arith.addi %scan3A_257, %scan3A_350 : i32
        %mul3A_352 = arith.constant 16 : i32
        %mul3A_353 = arith.muli %scan3A_351, %mul3A_352 : i32
        %get3A_354 = arith.index_cast %scan3A_248 : i32 to index
        %get3A_355 = arith.index_cast %mul3A_353 : i32 to index
        %get3A_356 = tpu.vector_load %arg8[%get3A_354, %get3A_355] {strides = array<i32>} : memref<16x1024xf32, #tpu.memory_space<vmem>>, vector<1x16xf32>,
        %get3A_357 = vector.shape_cast %get3A_356 : vector<1x16xf32> to vector<16xf32>
        %get3A_358 = arith.index_cast %scan3A_248 : i32 to index
        %get3A_359 = arith.index_cast %mul3A_353 : i32 to index
        %get3A_360 = tpu.vector_load %arg9[%get3A_358, %get3A_359] {strides = array<i32>} : memref<16x1024xf32, #tpu.memory_space<vmem>>, vector<1x16xf32>,
        %get3A_361 = vector.shape_cast %get3A_360 : vector<1x16xf32> to vector<16xf32>
        %add3A_362 = arith.addf %get3A_357, %get3A_361 : vector<16xf32>
        %swap3A_363 = arith.index_cast %scan3A_248 : i32 to index
        %swap3A_364 = arith.index_cast %mul3A_353 : i32 to index
        %swap3A_365 = tpu.vector_load %arg8[%swap3A_363, %swap3A_364] {strides = array<i32>} : memref<16x1024xf32, #tpu.memory_space<vmem>>, vector<1x16xf32>,
        %swap3A_366 = vector.shape_cast %swap3A_365 : vector<1x16xf32> to vector<16xf32>
        %swap3A_367 = vector.shape_cast %add3A_362 : vector<16xf32> to vector<1x16xf32>
        tpu.vector_store %arg8[%swap3A_363, %swap3A_364], %swap3A_367 {strides = array<i32>} : memref<16x1024xf32, #tpu.memory_space<vmem>>, vector<1x16xf32>,
        %scan3A_368 = arith.constant 0 : i32
        %scan3A_369 = arith.constant 6 : i32
        %scan3A_370 = arith.addi %scan3A_257, %scan3A_369 : i32
        %mul3A_371 = arith.constant 16 : i32
        %mul3A_372 = arith.muli %scan3A_370, %mul3A_371 : i32
        %get3A_373 = arith.index_cast %scan3A_248 : i32 to index
        %get3A_374 = arith.index_cast %mul3A_372 : i32 to index
        %get3A_375 = tpu.vector_load %arg8[%get3A_373, %get3A_374] {strides = array<i32>} : memref<16x1024xf32, #tpu.memory_space<vmem>>, vector<1x16xf32>,
        %get3A_376 = vector.shape_cast %get3A_375 : vector<1x16xf32> to vector<16xf32>
        %get3A_377 = arith.index_cast %scan3A_248 : i32 to index
        %get3A_378 = arith.index_cast %mul3A_372 : i32 to index
        %get3A_379 = tpu.vector_load %arg9[%get3A_377, %get3A_378] {strides = array<i32>} : memref<16x1024xf32, #tpu.memory_space<vmem>>, vector<1x16xf32>,
        %get3A_380 = vector.shape_cast %get3A_379 : vector<1x16xf32> to vector<16xf32>
        %add3A_381 = arith.addf %get3A_376, %get3A_380 : vector<16xf32>
        %swap3A_382 = arith.index_cast %scan3A_248 : i32 to index
        %swap3A_383 = arith.index_cast %mul3A_372 : i32 to index
        %swap3A_384 = tpu.vector_load %arg8[%swap3A_382, %swap3A_383] {strides = array<i32>} : memref<16x1024xf32, #tpu.memory_space<vmem>>, vector<1x16xf32>,
        %swap3A_385 = vector.shape_cast %swap3A_384 : vector<1x16xf32> to vector<16xf32>
        %swap3A_386 = vector.shape_cast %add3A_381 : vector<16xf32> to vector<1x16xf32>
        tpu.vector_store %arg8[%swap3A_382, %swap3A_383], %swap3A_386 {strides = array<i32>} : memref<16x1024xf32, #tpu.memory_space<vmem>>, vector<1x16xf32>,
        %scan3A_387 = arith.constant 0 : i32
        %scan3A_388 = arith.constant 7 : i32
        %scan3A_389 = arith.addi %scan3A_257, %scan3A_388 : i32
        %mul3A_390 = arith.constant 16 : i32
        %mul3A_391 = arith.muli %scan3A_389, %mul3A_390 : i32
        %get3A_392 = arith.index_cast %scan3A_248 : i32 to index
        %get3A_393 = arith.index_cast %mul3A_391 : i32 to index
        %get3A_394 = tpu.vector_load %arg8[%get3A_392, %get3A_393] {strides = array<i32>} : memref<16x1024xf32, #tpu.memory_space<vmem>>, vector<1x16xf32>,
        %get3A_395 = vector.shape_cast %get3A_394 : vector<1x16xf32> to vector<16xf32>
        %get3A_396 = arith.index_cast %scan3A_248 : i32 to index
        %get3A_397 = arith.index_cast %mul3A_391 : i32 to index
        %get3A_398 = tpu.vector_load %arg9[%get3A_396, %get3A_397] {strides = array<i32>} : memref<16x1024xf32, #tpu.memory_space<vmem>>, vector<1x16xf32>,
        %get3A_399 = vector.shape_cast %get3A_398 : vector<1x16xf32> to vector<16xf32>
        %add3A_400 = arith.addf %get3A_395, %get3A_399 : vector<16xf32>
        %swap3A_401 = arith.index_cast %scan3A_248 : i32 to index
        %swap3A_402 = arith.index_cast %mul3A_391 : i32 to index
        %swap3A_403 = tpu.vector_load %arg8[%swap3A_401, %swap3A_402] {strides = array<i32>} : memref<16x1024xf32, #tpu.memory_space<vmem>>, vector<1x16xf32>,
        %swap3A_404 = vector.shape_cast %swap3A_403 : vector<1x16xf32> to vector<16xf32>
        %swap3A_405 = vector.shape_cast %add3A_400 : vector<16xf32> to vector<1x16xf32>
        tpu.vector_store %arg8[%swap3A_401, %swap3A_402], %swap3A_405 {strides = array<i32>} : memref<16x1024xf32, #tpu.memory_space<vmem>>, vector<1x16xf32>,
        %scan3A_406 = arith.constant 0 : i32
        scf.yield %scan3A_406 : i32
      }
      %scan3A_256 = arith.constant 64 : i32
      scf.yield %scan3A_255 : i32
    }
    %scan3A_214 = arith.constant 16 : i32
    %add3A_215 = arith.constant 96 : i32
    %add3A_216 = arith.addi %mul3A_2, %add3A_215 : i32
    %dma_start3A_217 = arith.constant 0 : i32
    %dma_start3A_218 = tpu.memref_slice %arg5[%add3A_216, %dma_start3A_217] : memref<4096x1024xf32, #tpu.memory_space<hbm>> -> memref<16x1024xf32, #tpu.memory_space<hbm>>
    %dma_start3A_219 = arith.constant 0 : i32
    %dma_start3A_220 = tpu.memref_slice %arg5[%add3A_216, %dma_start3A_219] : memref<4096x1024xf32, #tpu.memory_space<hbm>> -> memref<16x1024xf32, #tpu.memory_space<hbm>>
    tpu.enqueue_dma source(%arg8 : memref<16x1024xf32, #tpu.memory_space<vmem>>) target(%dma_start3A_220 : memref<16x1024xf32, #tpu.memory_space<hbm>>) target_semaphore(%arg11 : memref<!tpu.dma_semaphore, #tpu.memory_space<semaphore_mem>>)
    %dma_wait3A_221 = arith.constant 0 : i32
    %dma_wait3A_222 = arith.constant 0 : i32
    %dma_wait3A_223 = tpu.memref_slice %arg2[%dma_wait3A_221, %dma_wait3A_222] : memref<10240x1024xf32, #tpu.memory_space<hbm>> -> memref<10240x1024xf32, #tpu.memory_space<hbm>>
    tpu.wait_indirect_dma semaphore(%arg16 : memref<!tpu.dma_semaphore, #tpu.memory_space<semaphore_mem>>) src(%dma_wait3A_223 : memref<10240x1024xf32, #tpu.memory_space<hbm>>) dst(%arg14 : memref<16x1024xf32, #tpu.memory_space<vmem>>)
    %dma_wait3A_224 = arith.constant 0 : i32
    %dma_wait3A_225 = arith.constant 0 : i32
    %dma_wait3A_226 = tpu.memref_slice %arg2[%dma_wait3A_224, %dma_wait3A_225] : memref<10240x1024xf32, #tpu.memory_space<hbm>> -> memref<10240x1024xf32, #tpu.memory_space<hbm>>
    tpu.wait_indirect_dma semaphore(%arg16 : memref<!tpu.dma_semaphore, #tpu.memory_space<semaphore_mem>>) src(%dma_wait3A_226 : memref<10240x1024xf32, #tpu.memory_space<hbm>>) dst(%arg15 : memref<16x1024xf32, #tpu.memory_space<vmem>>)
    %scan3A_227 = arith.constant 0 : i32
    %scan3A_228 = arith.constant 0 : i32
    %scan3A_229 = arith.constant 16 : i32
    %scan3A_230 = arith.addi %scan3A_228, %scan3A_229 : i32
    %scan3A_231 = arith.constant 1 : i32
    %scan3A_232 = scf.for %scan3A_248 = %scan3A_228 to %scan3A_230 step %scan3A_231 iter_args(%scan3A_249 = %scan3A_227) -> (i32)  : i32 {
      %scan3A_250 = arith.constant 0 : i32
      %scan3A_251 = arith.constant 0 : i32
      %scan3A_252 = arith.constant 64 : i32
      %scan3A_253 = arith.addi %scan3A_251, %scan3A_252 : i32
      %scan3A_254 = arith.constant 8 : i32
      %scan3A_255 = scf.for %scan3A_257 = %scan3A_251 to %scan3A_253 step %scan3A_254 iter_args(%scan3A_258 = %scan3A_250) -> (i32)  : i32 {
        %mul3A_259 = arith.constant 16 : i32
        %mul3A_260 = arith.muli %scan3A_257, %mul3A_259 : i32
        %get3A = arith.index_cast %scan3A_248 : i32 to index
        %get3A_261 = arith.index_cast %mul3A_260 : i32 to index
        %get3A_262 = tpu.vector_load %arg14[%get3A, %get3A_261] {strides = array<i32>} : memref<16x1024xf32, #tpu.memory_space<vmem>>, vector<1x16xf32>,
        %get3A_263 = vector.shape_cast %get3A_262 : vector<1x16xf32> to vector<16xf32>
        %get3A_264 = arith.index_cast %scan3A_248 : i32 to index
        %get3A_265 = arith.index_cast %mul3A_260 : i32 to index
        %get3A_266 = tpu.vector_load %arg15[%get3A_264, %get3A_265] {strides = array<i32>} : memref<16x1024xf32, #tpu.memory_space<vmem>>, vector<1x16xf32>,
        %get3A_267 = vector.shape_cast %get3A_266 : vector<1x16xf32> to vector<16xf32>
        %add3A_268 = arith.addf %get3A_263, %get3A_267 : vector<16xf32>
        %swap3A = arith.index_cast %scan3A_248 : i32 to index
        %swap3A_269 = arith.index_cast %mul3A_260 : i32 to index
        %swap3A_270 = tpu.vector_load %arg14[%swap3A, %swap3A_269] {strides = array<i32>} : memref<16x1024xf32, #tpu.memory_space<vmem>>, vector<1x16xf32>,
        %swap3A_271 = vector.shape_cast %swap3A_270 : vector<1x16xf32> to vector<16xf32>
        %swap3A_272 = vector.shape_cast %add3A_268 : vector<16xf32> to vector<1x16xf32>
        tpu.vector_store %arg14[%swap3A, %swap3A_269], %swap3A_272 {strides = array<i32>} : memref<16x1024xf32, #tpu.memory_space<vmem>>, vector<1x16xf32>,
        %scan3A_273 = arith.constant 0 : i32
        %scan3A_274 = arith.constant 1 : i32
        %scan3A_275 = arith.addi %scan3A_257, %scan3A_274 : i32
        %mul3A_276 = arith.constant 16 : i32
        %mul3A_277 = arith.muli %scan3A_275, %mul3A_276 : i32
        %get3A_278 = arith.index_cast %scan3A_248 : i32 to index
        %get3A_279 = arith.index_cast %mul3A_277 : i32 to index
        %get3A_280 = tpu.vector_load %arg14[%get3A_278, %get3A_279] {strides = array<i32>} : memref<16x1024xf32, #tpu.memory_space<vmem>>, vector<1x16xf32>,
        %get3A_281 = vector.shape_cast %get3A_280 : vector<1x16xf32> to vector<16xf32>
        %get3A_282 = arith.index_cast %scan3A_248 : i32 to index
        %get3A_283 = arith.index_cast %mul3A_277 : i32 to index
        %get3A_284 = tpu.vector_load %arg15[%get3A_282, %get3A_283] {strides = array<i32>} : memref<16x1024xf32, #tpu.memory_space<vmem>>, vector<1x16xf32>,
        %get3A_285 = vector.shape_cast %get3A_284 : vector<1x16xf32> to vector<16xf32>
        %add3A_286 = arith.addf %get3A_281, %get3A_285 : vector<16xf32>
        %swap3A_287 = arith.index_cast %scan3A_248 : i32 to index
        %swap3A_288 = arith.index_cast %mul3A_277 : i32 to index
        %swap3A_289 = tpu.vector_load %arg14[%swap3A_287, %swap3A_288] {strides = array<i32>} : memref<16x1024xf32, #tpu.memory_space<vmem>>, vector<1x16xf32>,
        %swap3A_290 = vector.shape_cast %swap3A_289 : vector<1x16xf32> to vector<16xf32>
        %swap3A_291 = vector.shape_cast %add3A_286 : vector<16xf32> to vector<1x16xf32>
        tpu.vector_store %arg14[%swap3A_287, %swap3A_288], %swap3A_291 {strides = array<i32>} : memref<16x1024xf32, #tpu.memory_space<vmem>>, vector<1x16xf32>,
        %scan3A_292 = arith.constant 0 : i32
        %scan3A_293 = arith.constant 2 : i32
        %scan3A_294 = arith.addi %scan3A_257, %scan3A_293 : i32
        %mul3A_295 = arith.constant 16 : i32
        %mul3A_296 = arith.muli %scan3A_294, %mul3A_295 : i32
        %get3A_297 = arith.index_cast %scan3A_248 : i32 to index
        %get3A_298 = arith.index_cast %mul3A_296 : i32 to index
        %get3A_299 = tpu.vector_load %arg14[%get3A_297, %get3A_298] {strides = array<i32>} : memref<16x1024xf32, #tpu.memory_space<vmem>>, vector<1x16xf32>,
        %get3A_300 = vector.shape_cast %get3A_299 : vector<1x16xf32> to vector<16xf32>
        %get3A_301 = arith.index_cast %scan3A_248 : i32 to index
        %get3A_302 = arith.index_cast %mul3A_296 : i32 to index
        %get3A_303 = tpu.vector_load %arg15[%get3A_301, %get3A_302] {strides = array<i32>} : memref<16x1024xf32, #tpu.memory_space<vmem>>, vector<1x16xf32>,
        %get3A_304 = vector.shape_cast %get3A_303 : vector<1x16xf32> to vector<16xf32>
        %add3A_305 = arith.addf %get3A_300, %get3A_304 : vector<16xf32>
        %swap3A_306 = arith.index_cast %scan3A_248 : i32 to index
        %swap3A_307 = arith.index_cast %mul3A_296 : i32 to index
        %swap3A_308 = tpu.vector_load %arg14[%swap3A_306, %swap3A_307] {strides = array<i32>} : memref<16x1024xf32, #tpu.memory_space<vmem>>, vector<1x16xf32>,
        %swap3A_309 = vector.shape_cast %swap3A_308 : vector<1x16xf32> to vector<16xf32>
        %swap3A_310 = vector.shape_cast %add3A_305 : vector<16xf32> to vector<1x16xf32>
        tpu.vector_store %arg14[%swap3A_306, %swap3A_307], %swap3A_310 {strides = array<i32>} : memref<16x1024xf32, #tpu.memory_space<vmem>>, vector<1x16xf32>,
        %scan3A_311 = arith.constant 0 : i32
        %scan3A_312 = arith.constant 3 : i32
        %scan3A_313 = arith.addi %scan3A_257, %scan3A_312 : i32
        %mul3A_314 = arith.constant 16 : i32
        %mul3A_315 = arith.muli %scan3A_313, %mul3A_314 : i32
        %get3A_316 = arith.index_cast %scan3A_248 : i32 to index
        %get3A_317 = arith.index_cast %mul3A_315 : i32 to index
        %get3A_318 = tpu.vector_load %arg14[%get3A_316, %get3A_317] {strides = array<i32>} : memref<16x1024xf32, #tpu.memory_space<vmem>>, vector<1x16xf32>,
        %get3A_319 = vector.shape_cast %get3A_318 : vector<1x16xf32> to vector<16xf32>
        %get3A_320 = arith.index_cast %scan3A_248 : i32 to index
        %get3A_321 = arith.index_cast %mul3A_315 : i32 to index
        %get3A_322 = tpu.vector_load %arg15[%get3A_320, %get3A_321] {strides = array<i32>} : memref<16x1024xf32, #tpu.memory_space<vmem>>, vector<1x16xf32>,
        %get3A_323 = vector.shape_cast %get3A_322 : vector<1x16xf32> to vector<16xf32>
        %add3A_324 = arith.addf %get3A_319, %get3A_323 : vector<16xf32>
        %swap3A_325 = arith.index_cast %scan3A_248 : i32 to index
        %swap3A_326 = arith.index_cast %mul3A_315 : i32 to index
        %swap3A_327 = tpu.vector_load %arg14[%swap3A_325, %swap3A_326] {strides = array<i32>} : memref<16x1024xf32, #tpu.memory_space<vmem>>, vector<1x16xf32>,
        %swap3A_328 = vector.shape_cast %swap3A_327 : vector<1x16xf32> to vector<16xf32>
        %swap3A_329 = vector.shape_cast %add3A_324 : vector<16xf32> to vector<1x16xf32>
        tpu.vector_store %arg14[%swap3A_325, %swap3A_326], %swap3A_329 {strides = array<i32>} : memref<16x1024xf32, #tpu.memory_space<vmem>>, vector<1x16xf32>,
        %scan3A_330 = arith.constant 0 : i32
        %scan3A_331 = arith.constant 4 : i32
        %scan3A_332 = arith.addi %scan3A_257, %scan3A_331 : i32
        %mul3A_333 = arith.constant 16 : i32
        %mul3A_334 = arith.muli %scan3A_332, %mul3A_333 : i32
        %get3A_335 = arith.index_cast %scan3A_248 : i32 to index
        %get3A_336 = arith.index_cast %mul3A_334 : i32 to index
        %get3A_337 = tpu.vector_load %arg14[%get3A_335, %get3A_336] {strides = array<i32>} : memref<16x1024xf32, #tpu.memory_space<vmem>>, vector<1x16xf32>,
        %get3A_338 = vector.shape_cast %get3A_337 : vector<1x16xf32> to vector<16xf32>
        %get3A_339 = arith.index_cast %scan3A_248 : i32 to index
        %get3A_340 = arith.index_cast %mul3A_334 : i32 to index
        %get3A_341 = tpu.vector_load %arg15[%get3A_339, %get3A_340] {strides = array<i32>} : memref<16x1024xf32, #tpu.memory_space<vmem>>, vector<1x16xf32>,
        %get3A_342 = vector.shape_cast %get3A_341 : vector<1x16xf32> to vector<16xf32>
        %add3A_343 = arith.addf %get3A_338, %get3A_342 : vector<16xf32>
        %swap3A_344 = arith.index_cast %scan3A_248 : i32 to index
        %swap3A_345 = arith.index_cast %mul3A_334 : i32 to index
        %swap3A_346 = tpu.vector_load %arg14[%swap3A_344, %swap3A_345] {strides = array<i32>} : memref<16x1024xf32, #tpu.memory_space<vmem>>, vector<1x16xf32>,
        %swap3A_347 = vector.shape_cast %swap3A_346 : vector<1x16xf32> to vector<16xf32>
        %swap3A_348 = vector.shape_cast %add3A_343 : vector<16xf32> to vector<1x16xf32>
        tpu.vector_store %arg14[%swap3A_344, %swap3A_345], %swap3A_348 {strides = array<i32>} : memref<16x1024xf32, #tpu.memory_space<vmem>>, vector<1x16xf32>,
        %scan3A_349 = arith.constant 0 : i32
        %scan3A_350 = arith.constant 5 : i32
        %scan3A_351 = arith.addi %scan3A_257, %scan3A_350 : i32
        %mul3A_352 = arith.constant 16 : i32
        %mul3A_353 = arith.muli %scan3A_351, %mul3A_352 : i32
        %get3A_354 = arith.index_cast %scan3A_248 : i32 to index
        %get3A_355 = arith.index_cast %mul3A_353 : i32 to index
        %get3A_356 = tpu.vector_load %arg14[%get3A_354, %get3A_355] {strides = array<i32>} : memref<16x1024xf32, #tpu.memory_space<vmem>>, vector<1x16xf32>,
        %get3A_357 = vector.shape_cast %get3A_356 : vector<1x16xf32> to vector<16xf32>
        %get3A_358 = arith.index_cast %scan3A_248 : i32 to index
        %get3A_359 = arith.index_cast %mul3A_353 : i32 to index
        %get3A_360 = tpu.vector_load %arg15[%get3A_358, %get3A_359] {strides = array<i32>} : memref<16x1024xf32, #tpu.memory_space<vmem>>, vector<1x16xf32>,
        %get3A_361 = vector.shape_cast %get3A_360 : vector<1x16xf32> to vector<16xf32>
        %add3A_362 = arith.addf %get3A_357, %get3A_361 : vector<16xf32>
        %swap3A_363 = arith.index_cast %scan3A_248 : i32 to index
        %swap3A_364 = arith.index_cast %mul3A_353 : i32 to index
        %swap3A_365 = tpu.vector_load %arg14[%swap3A_363, %swap3A_364] {strides = array<i32>} : memref<16x1024xf32, #tpu.memory_space<vmem>>, vector<1x16xf32>,
        %swap3A_366 = vector.shape_cast %swap3A_365 : vector<1x16xf32> to vector<16xf32>
        %swap3A_367 = vector.shape_cast %add3A_362 : vector<16xf32> to vector<1x16xf32>
        tpu.vector_store %arg14[%swap3A_363, %swap3A_364], %swap3A_367 {strides = array<i32>} : memref<16x1024xf32, #tpu.memory_space<vmem>>, vector<1x16xf32>,
        %scan3A_368 = arith.constant 0 : i32
        %scan3A_369 = arith.constant 6 : i32
        %scan3A_370 = arith.addi %scan3A_257, %scan3A_369 : i32
        %mul3A_371 = arith.constant 16 : i32
        %mul3A_372 = arith.muli %scan3A_370, %mul3A_371 : i32
        %get3A_373 = arith.index_cast %scan3A_248 : i32 to index
        %get3A_374 = arith.index_cast %mul3A_372 : i32 to index
        %get3A_375 = tpu.vector_load %arg14[%get3A_373, %get3A_374] {strides = array<i32>} : memref<16x1024xf32, #tpu.memory_space<vmem>>, vector<1x16xf32>,
        %get3A_376 = vector.shape_cast %get3A_375 : vector<1x16xf32> to vector<16xf32>
        %get3A_377 = arith.index_cast %scan3A_248 : i32 to index
        %get3A_378 = arith.index_cast %mul3A_372 : i32 to index
        %get3A_379 = tpu.vector_load %arg15[%get3A_377, %get3A_378] {strides = array<i32>} : memref<16x1024xf32, #tpu.memory_space<vmem>>, vector<1x16xf32>,
        %get3A_380 = vector.shape_cast %get3A_379 : vector<1x16xf32> to vector<16xf32>
        %add3A_381 = arith.addf %get3A_376, %get3A_380 : vector<16xf32>
        %swap3A_382 = arith.index_cast %scan3A_248 : i32 to index
        %swap3A_383 = arith.index_cast %mul3A_372 : i32 to index
        %swap3A_384 = tpu.vector_load %arg14[%swap3A_382, %swap3A_383] {strides = array<i32>} : memref<16x1024xf32, #tpu.memory_space<vmem>>, vector<1x16xf32>,
        %swap3A_385 = vector.shape_cast %swap3A_384 : vector<1x16xf32> to vector<16xf32>
        %swap3A_386 = vector.shape_cast %add3A_381 : vector<16xf32> to vector<1x16xf32>
        tpu.vector_store %arg14[%swap3A_382, %swap3A_383], %swap3A_386 {strides = array<i32>} : memref<16x1024xf32, #tpu.memory_space<vmem>>, vector<1x16xf32>,
        %scan3A_387 = arith.constant 0 : i32
        %scan3A_388 = arith.constant 7 : i32
        %scan3A_389 = arith.addi %scan3A_257, %scan3A_388 : i32
        %mul3A_390 = arith.constant 16 : i32
        %mul3A_391 = arith.muli %scan3A_389, %mul3A_390 : i32
        %get3A_392 = arith.index_cast %scan3A_248 : i32 to index
        %get3A_393 = arith.index_cast %mul3A_391 : i32 to index
        %get3A_394 = tpu.vector_load %arg14[%get3A_392, %get3A_393] {strides = array<i32>} : memref<16x1024xf32, #tpu.memory_space<vmem>>, vector<1x16xf32>,
        %get3A_395 = vector.shape_cast %get3A_394 : vector<1x16xf32> to vector<16xf32>
        %get3A_396 = arith.index_cast %scan3A_248 : i32 to index
        %get3A_397 = arith.index_cast %mul3A_391 : i32 to index
        %get3A_398 = tpu.vector_load %arg15[%get3A_396, %get3A_397] {strides = array<i32>} : memref<16x1024xf32, #tpu.memory_space<vmem>>, vector<1x16xf32>,
        %get3A_399 = vector.shape_cast %get3A_398 : vector<1x16xf32> to vector<16xf32>
        %add3A_400 = arith.addf %get3A_395, %get3A_399 : vector<16xf32>
        %swap3A_401 = arith.index_cast %scan3A_248 : i32 to index
        %swap3A_402 = arith.index_cast %mul3A_391 : i32 to index
        %swap3A_403 = tpu.vector_load %arg14[%swap3A_401, %swap3A_402] {strides = array<i32>} : memref<16x1024xf32, #tpu.memory_space<vmem>>, vector<1x16xf32>,
        %swap3A_404 = vector.shape_cast %swap3A_403 : vector<1x16xf32> to vector<16xf32>
        %swap3A_405 = vector.shape_cast %add3A_400 : vector<16xf32> to vector<1x16xf32>
        tpu.vector_store %arg14[%swap3A_401, %swap3A_402], %swap3A_405 {strides = array<i32>} : memref<16x1024xf32, #tpu.memory_space<vmem>>, vector<1x16xf32>,
        %scan3A_406 = arith.constant 0 : i32
        scf.yield %scan3A_406 : i32
      }
      %scan3A_256 = arith.constant 64 : i32
      scf.yield %scan3A_255 : i32
    }
    %scan3A_233 = arith.constant 16 : i32
    %add3A_234 = arith.constant 112 : i32
    %add3A_235 = arith.addi %mul3A_2, %add3A_234 : i32
    %dma_start3A_236 = arith.constant 0 : i32
    %dma_start3A_237 = tpu.memref_slice %arg5[%add3A_235, %dma_start3A_236] : memref<4096x1024xf32, #tpu.memory_space<hbm>> -> memref<16x1024xf32, #tpu.memory_space<hbm>>
    %dma_start3A_238 = arith.constant 0 : i32
    %dma_start3A_239 = tpu.memref_slice %arg5[%add3A_235, %dma_start3A_238] : memref<4096x1024xf32, #tpu.memory_space<hbm>> -> memref<16x1024xf32, #tpu.memory_space<hbm>>
    tpu.enqueue_dma source(%arg14 : memref<16x1024xf32, #tpu.memory_space<vmem>>) target(%dma_start3A_239 : memref<16x1024xf32, #tpu.memory_space<hbm>>) target_semaphore(%arg17 : memref<!tpu.dma_semaphore, #tpu.memory_space<semaphore_mem>>)
    %dma_wait3A_240 = arith.constant 0 : i32
    %dma_wait3A_241 = tpu.memref_slice %arg5[%add3A_216, %dma_wait3A_240] : memref<4096x1024xf32, #tpu.memory_space<hbm>> -> memref<16x1024xf32, #tpu.memory_space<hbm>>
    %dma_wait3A_242 = arith.constant 0 : i32
    %dma_wait3A_243 = tpu.memref_slice %arg5[%add3A_216, %dma_wait3A_242] : memref<4096x1024xf32, #tpu.memory_space<hbm>> -> memref<16x1024xf32, #tpu.memory_space<hbm>>
    tpu.wait_dma2 semaphore(%arg11 : memref<!tpu.dma_semaphore, #tpu.memory_space<semaphore_mem>>) src(%arg8 : memref<16x1024xf32, #tpu.memory_space<vmem>>) dst(%dma_wait3A_243 : memref<16x1024xf32, #tpu.memory_space<hbm>>)
    %dma_wait3A_244 = arith.constant 0 : i32
    %dma_wait3A_245 = tpu.memref_slice %arg5[%add3A_235, %dma_wait3A_244] : memref<4096x1024xf32, #tpu.memory_space<hbm>> -> memref<16x1024xf32, #tpu.memory_space<hbm>>
    %dma_wait3A_246 = arith.constant 0 : i32
    %dma_wait3A_247 = tpu.memref_slice %arg5[%add3A_235, %dma_wait3A_246] : memref<4096x1024xf32, #tpu.memory_space<hbm>> -> memref<16x1024xf32, #tpu.memory_space<hbm>>
    tpu.wait_dma2 semaphore(%arg17 : memref<!tpu.dma_semaphore, #tpu.memory_space<semaphore_mem>>) src(%arg14 : memref<16x1024xf32, #tpu.memory_space<vmem>>) dst(%dma_wait3A_247 : memref<16x1024xf32, #tpu.memory_space<hbm>>)
    return
  }
}

#map = affine_map<(d0, d1) -> (0, 0)>
#map1 = affine_map<(d0, d1) -> (0)>
module attributes {stable_mosaic.version = 14 : i64} {
  func.func @k(%arg0: i32, %arg1: i32, %arg2: memref<4096x1024xf32, #tpu.memory_space<hbm>>, %arg3: memref<4096xi32, #tpu.memory_space<hbm>>, %arg4: memref<4096xi32, #tpu.memory_space<hbm>>, %arg5: memref<8192xi32, #tpu.memory_space<hbm>>, %arg6: memref<8192xf32, #tpu.memory_space<hbm>>, %arg7: memref<10240x1024xf32, #tpu.memory_space<hbm>>, %arg8: memref<10240xf32, #tpu.memory_space<hbm>>, %arg9: memref<32x1024xf32, #tpu.memory_space<vmem>>, %arg10: memref<32xi32, #tpu.memory_space<vmem>>, %arg11: memref<32xi32, #tpu.memory_space<vmem>>, %arg12: memref<64xi32, #tpu.memory_space<vmem>>, %arg13: memref<64xf32, #tpu.memory_space<vmem>>, %arg14: memref<!tpu.dma_semaphore, #tpu.memory_space<semaphore_mem>>, %arg15: memref<!tpu.dma_semaphore, #tpu.memory_space<semaphore_mem>>, %arg16: memref<32x1024xf32, #tpu.memory_space<vmem>>, %arg17: memref<32xi32, #tpu.memory_space<vmem>>, %arg18: memref<32xi32, #tpu.memory_space<vmem>>, %arg19: memref<64xi32, #tpu.memory_space<vmem>>, %arg20: memref<64xf32, #tpu.memory_space<vmem>>, %arg21: memref<!tpu.dma_semaphore, #tpu.memory_space<semaphore_mem>>, %arg22: memref<!tpu.dma_semaphore, #tpu.memory_space<semaphore_mem>>) attributes {dimension_semantics = [#tpu.dimension_semantics<core_parallel>, #tpu.dimension_semantics<subcore_parallel>], iteration_bounds = array<i64: 2, 16>, scalar_prefetch = 0 : i64, scratch_operands = 14 : i64, tpu.core_type = #tpu.core_type<sc_vector_subcore>, window_params = [{transform_indices = #map}, {transform_indices = #map1}, {transform_indices = #map1}, {transform_indices = #map1}, {transform_indices = #map1}, {transform_indices = #map}, {transform_indices = #map1}]} {
    %mul3A = arith.constant 2 : i32
    %mul3A_0 = arith.muli %arg1, %mul3A : i32
    %add3A = arith.addi %mul3A_0, %arg0 : i32
    %mul3A_1 = arith.constant 128 : i32
    %mul3A_2 = arith.muli %add3A, %mul3A_1 : i32
    %add3A_3 = arith.constant 0 : i32
    %add3A_4 = arith.addi %mul3A_2, %add3A_3 : i32
    %add3A_5 = arith.constant 0 : i32
    %add3A_6 = arith.addi %add3A_5, %add3A_4 : i32
    %dma_start3A = arith.constant 0 : i32
    %dma_start3A_7 = tpu.memref_slice %arg2[%add3A_6, %dma_start3A] : memref<4096x1024xf32, #tpu.memory_space<hbm>> -> memref<32x1024xf32, #tpu.memory_space<hbm>>
    %dma_start3A_8 = arith.constant 0 : i32
    %dma_start3A_9 = tpu.memref_slice %arg2[%add3A_6, %dma_start3A_8] : memref<4096x1024xf32, #tpu.memory_space<hbm>> -> memref<32x1024xf32, #tpu.memory_space<hbm>>
    tpu.enqueue_dma source(%dma_start3A_9 : memref<32x1024xf32, #tpu.memory_space<hbm>>) target(%arg9 : memref<32x1024xf32, #tpu.memory_space<vmem>>) target_semaphore(%arg14 : memref<!tpu.dma_semaphore, #tpu.memory_space<semaphore_mem>>)
    %dma_start3A_10 = tpu.memref_slice %arg3[%add3A_4] : memref<4096xi32, #tpu.memory_space<hbm>> -> memref<32xi32, #tpu.memory_space<hbm>>
    %dma_start3A_11 = tpu.memref_slice %arg3[%add3A_4] : memref<4096xi32, #tpu.memory_space<hbm>> -> memref<32xi32, #tpu.memory_space<hbm>>
    tpu.enqueue_dma source(%dma_start3A_11 : memref<32xi32, #tpu.memory_space<hbm>>) target(%arg10 : memref<32xi32, #tpu.memory_space<vmem>>) target_semaphore(%arg14 : memref<!tpu.dma_semaphore, #tpu.memory_space<semaphore_mem>>)
    %dma_start3A_12 = tpu.memref_slice %arg4[%add3A_4] : memref<4096xi32, #tpu.memory_space<hbm>> -> memref<32xi32, #tpu.memory_space<hbm>>
    %dma_start3A_13 = tpu.memref_slice %arg4[%add3A_4] : memref<4096xi32, #tpu.memory_space<hbm>> -> memref<32xi32, #tpu.memory_space<hbm>>
    tpu.enqueue_dma source(%dma_start3A_13 : memref<32xi32, #tpu.memory_space<hbm>>) target(%arg11 : memref<32xi32, #tpu.memory_space<vmem>>) target_semaphore(%arg14 : memref<!tpu.dma_semaphore, #tpu.memory_space<semaphore_mem>>)
    %mul3A_14 = arith.constant 2 : i32
    %mul3A_15 = arith.muli %mul3A_14, %add3A_4 : i32
    %dma_start3A_16 = tpu.memref_slice %arg5[%mul3A_15] : memref<8192xi32, #tpu.memory_space<hbm>> -> memref<64xi32, #tpu.memory_space<hbm>>
    %dma_start3A_17 = tpu.memref_slice %arg5[%mul3A_15] : memref<8192xi32, #tpu.memory_space<hbm>> -> memref<64xi32, #tpu.memory_space<hbm>>
    tpu.enqueue_dma source(%dma_start3A_17 : memref<64xi32, #tpu.memory_space<hbm>>) target(%arg12 : memref<64xi32, #tpu.memory_space<vmem>>) target_semaphore(%arg14 : memref<!tpu.dma_semaphore, #tpu.memory_space<semaphore_mem>>)
    %mul3A_18 = arith.constant 2 : i32
    %mul3A_19 = arith.muli %mul3A_18, %add3A_4 : i32
    %dma_start3A_20 = tpu.memref_slice %arg6[%mul3A_19] : memref<8192xf32, #tpu.memory_space<hbm>> -> memref<64xf32, #tpu.memory_space<hbm>>
    %dma_start3A_21 = tpu.memref_slice %arg6[%mul3A_19] : memref<8192xf32, #tpu.memory_space<hbm>> -> memref<64xf32, #tpu.memory_space<hbm>>
    tpu.enqueue_dma source(%dma_start3A_21 : memref<64xf32, #tpu.memory_space<hbm>>) target(%arg13 : memref<64xf32, #tpu.memory_space<vmem>>) target_semaphore(%arg14 : memref<!tpu.dma_semaphore, #tpu.memory_space<semaphore_mem>>)
    %dma_wait3A = arith.constant 0 : i32
    %dma_wait3A_22 = tpu.memref_slice %arg2[%add3A_6, %dma_wait3A] : memref<4096x1024xf32, #tpu.memory_space<hbm>> -> memref<32x1024xf32, #tpu.memory_space<hbm>>
    %dma_wait3A_23 = arith.constant 0 : i32
    %dma_wait3A_24 = tpu.memref_slice %arg2[%add3A_6, %dma_wait3A_23] : memref<4096x1024xf32, #tpu.memory_space<hbm>> -> memref<32x1024xf32, #tpu.memory_space<hbm>>
    tpu.wait_dma2 semaphore(%arg14 : memref<!tpu.dma_semaphore, #tpu.memory_space<semaphore_mem>>) src(%dma_wait3A_24 : memref<32x1024xf32, #tpu.memory_space<hbm>>) dst(%arg9 : memref<32x1024xf32, #tpu.memory_space<vmem>>)
    %dma_wait3A_25 = tpu.memref_slice %arg3[%add3A_4] : memref<4096xi32, #tpu.memory_space<hbm>> -> memref<32xi32, #tpu.memory_space<hbm>>
    %dma_wait3A_26 = tpu.memref_slice %arg3[%add3A_4] : memref<4096xi32, #tpu.memory_space<hbm>> -> memref<32xi32, #tpu.memory_space<hbm>>
    tpu.wait_dma2 semaphore(%arg14 : memref<!tpu.dma_semaphore, #tpu.memory_space<semaphore_mem>>) src(%dma_wait3A_26 : memref<32xi32, #tpu.memory_space<hbm>>) dst(%arg10 : memref<32xi32, #tpu.memory_space<vmem>>)
    %dma_wait3A_27 = tpu.memref_slice %arg4[%add3A_4] : memref<4096xi32, #tpu.memory_space<hbm>> -> memref<32xi32, #tpu.memory_space<hbm>>
    %dma_wait3A_28 = tpu.memref_slice %arg4[%add3A_4] : memref<4096xi32, #tpu.memory_space<hbm>> -> memref<32xi32, #tpu.memory_space<hbm>>
    tpu.wait_dma2 semaphore(%arg14 : memref<!tpu.dma_semaphore, #tpu.memory_space<semaphore_mem>>) src(%dma_wait3A_28 : memref<32xi32, #tpu.memory_space<hbm>>) dst(%arg11 : memref<32xi32, #tpu.memory_space<vmem>>)
    %dma_wait3A_29 = tpu.memref_slice %arg5[%mul3A_15] : memref<8192xi32, #tpu.memory_space<hbm>> -> memref<64xi32, #tpu.memory_space<hbm>>
    %dma_wait3A_30 = tpu.memref_slice %arg5[%mul3A_15] : memref<8192xi32, #tpu.memory_space<hbm>> -> memref<64xi32, #tpu.memory_space<hbm>>
    tpu.wait_dma2 semaphore(%arg14 : memref<!tpu.dma_semaphore, #tpu.memory_space<semaphore_mem>>) src(%dma_wait3A_30 : memref<64xi32, #tpu.memory_space<hbm>>) dst(%arg12 : memref<64xi32, #tpu.memory_space<vmem>>)
    %dma_wait3A_31 = tpu.memref_slice %arg6[%mul3A_19] : memref<8192xf32, #tpu.memory_space<hbm>> -> memref<64xf32, #tpu.memory_space<hbm>>
    %dma_wait3A_32 = tpu.memref_slice %arg6[%mul3A_19] : memref<8192xf32, #tpu.memory_space<hbm>> -> memref<64xf32, #tpu.memory_space<hbm>>
    tpu.wait_dma2 semaphore(%arg14 : memref<!tpu.dma_semaphore, #tpu.memory_space<semaphore_mem>>) src(%dma_wait3A_32 : memref<64xf32, #tpu.memory_space<hbm>>) dst(%arg13 : memref<64xf32, #tpu.memory_space<vmem>>)
    %dma_start3A_33 = arith.constant 0 : i32
    %dma_start3A_34 = arith.constant 0 : i32
    %dma_start3A_35 = tpu.memref_slice %arg7[%dma_start3A_33, %dma_start3A_34] : memref<10240x1024xf32, #tpu.memory_space<hbm>> -> memref<10240x1024xf32, #tpu.memory_space<hbm>>
    tpu.enqueue_indirect_dma source(%arg9 : memref<32x1024xf32, #tpu.memory_space<vmem>>) target(%dma_start3A_35 : memref<10240x1024xf32, #tpu.memory_space<hbm>>) offsets(%arg10 : memref<32xi32, #tpu.memory_space<vmem>>) semaphore(%arg15 : memref<!tpu.dma_semaphore, #tpu.memory_space<semaphore_mem>>)
    %dma_start3A_36 = arith.constant 0 : i32
    %dma_start3A_37 = arith.constant 0 : i32
    %dma_start3A_38 = tpu.memref_slice %arg7[%dma_start3A_36, %dma_start3A_37] : memref<10240x1024xf32, #tpu.memory_space<hbm>> -> memref<10240x1024xf32, #tpu.memory_space<hbm>>
    tpu.enqueue_indirect_dma source(%arg9 : memref<32x1024xf32, #tpu.memory_space<vmem>>) target(%dma_start3A_38 : memref<10240x1024xf32, #tpu.memory_space<hbm>>) offsets(%arg11 : memref<32xi32, #tpu.memory_space<vmem>>) semaphore(%arg15 : memref<!tpu.dma_semaphore, #tpu.memory_space<semaphore_mem>>)
    %dma_start3A_39 = arith.constant 0 : i32
    %dma_start3A_40 = tpu.memref_slice %arg8[%dma_start3A_39] : memref<10240xf32, #tpu.memory_space<hbm>> -> memref<10240xf32, #tpu.memory_space<hbm>>
    tpu.enqueue_indirect_dma source(%arg13 : memref<64xf32, #tpu.memory_space<vmem>>) target(%dma_start3A_40 : memref<10240xf32, #tpu.memory_space<hbm>>) offsets(%arg12 : memref<64xi32, #tpu.memory_space<vmem>>) semaphore(%arg15 : memref<!tpu.dma_semaphore, #tpu.memory_space<semaphore_mem>>)
    %add3A_41 = arith.constant 32 : i32
    %add3A_42 = arith.addi %mul3A_2, %add3A_41 : i32
    %add3A_43 = arith.constant 0 : i32
    %add3A_44 = arith.addi %add3A_43, %add3A_42 : i32
    %dma_start3A_45 = arith.constant 0 : i32
    %dma_start3A_46 = tpu.memref_slice %arg2[%add3A_44, %dma_start3A_45] : memref<4096x1024xf32, #tpu.memory_space<hbm>> -> memref<32x1024xf32, #tpu.memory_space<hbm>>
    %dma_start3A_47 = arith.constant 0 : i32
    %dma_start3A_48 = tpu.memref_slice %arg2[%add3A_44, %dma_start3A_47] : memref<4096x1024xf32, #tpu.memory_space<hbm>> -> memref<32x1024xf32, #tpu.memory_space<hbm>>
    tpu.enqueue_dma source(%dma_start3A_48 : memref<32x1024xf32, #tpu.memory_space<hbm>>) target(%arg16 : memref<32x1024xf32, #tpu.memory_space<vmem>>) target_semaphore(%arg21 : memref<!tpu.dma_semaphore, #tpu.memory_space<semaphore_mem>>)
    %dma_start3A_49 = tpu.memref_slice %arg3[%add3A_42] : memref<4096xi32, #tpu.memory_space<hbm>> -> memref<32xi32, #tpu.memory_space<hbm>>
    %dma_start3A_50 = tpu.memref_slice %arg3[%add3A_42] : memref<4096xi32, #tpu.memory_space<hbm>> -> memref<32xi32, #tpu.memory_space<hbm>>
    tpu.enqueue_dma source(%dma_start3A_50 : memref<32xi32, #tpu.memory_space<hbm>>) target(%arg17 : memref<32xi32, #tpu.memory_space<vmem>>) target_semaphore(%arg21 : memref<!tpu.dma_semaphore, #tpu.memory_space<semaphore_mem>>)
    %dma_start3A_51 = tpu.memref_slice %arg4[%add3A_42] : memref<4096xi32, #tpu.memory_space<hbm>> -> memref<32xi32, #tpu.memory_space<hbm>>
    %dma_start3A_52 = tpu.memref_slice %arg4[%add3A_42] : memref<4096xi32, #tpu.memory_space<hbm>> -> memref<32xi32, #tpu.memory_space<hbm>>
    tpu.enqueue_dma source(%dma_start3A_52 : memref<32xi32, #tpu.memory_space<hbm>>) target(%arg18 : memref<32xi32, #tpu.memory_space<vmem>>) target_semaphore(%arg21 : memref<!tpu.dma_semaphore, #tpu.memory_space<semaphore_mem>>)
    %mul3A_53 = arith.constant 2 : i32
    %mul3A_54 = arith.muli %mul3A_53, %add3A_42 : i32
    %dma_start3A_55 = tpu.memref_slice %arg5[%mul3A_54] : memref<8192xi32, #tpu.memory_space<hbm>> -> memref<64xi32, #tpu.memory_space<hbm>>
    %dma_start3A_56 = tpu.memref_slice %arg5[%mul3A_54] : memref<8192xi32, #tpu.memory_space<hbm>> -> memref<64xi32, #tpu.memory_space<hbm>>
    tpu.enqueue_dma source(%dma_start3A_56 : memref<64xi32, #tpu.memory_space<hbm>>) target(%arg19 : memref<64xi32, #tpu.memory_space<vmem>>) target_semaphore(%arg21 : memref<!tpu.dma_semaphore, #tpu.memory_space<semaphore_mem>>)
    %mul3A_57 = arith.constant 2 : i32
    %mul3A_58 = arith.muli %mul3A_57, %add3A_42 : i32
    %dma_start3A_59 = tpu.memref_slice %arg6[%mul3A_58] : memref<8192xf32, #tpu.memory_space<hbm>> -> memref<64xf32, #tpu.memory_space<hbm>>
    %dma_start3A_60 = tpu.memref_slice %arg6[%mul3A_58] : memref<8192xf32, #tpu.memory_space<hbm>> -> memref<64xf32, #tpu.memory_space<hbm>>
    tpu.enqueue_dma source(%dma_start3A_60 : memref<64xf32, #tpu.memory_space<hbm>>) target(%arg20 : memref<64xf32, #tpu.memory_space<vmem>>) target_semaphore(%arg21 : memref<!tpu.dma_semaphore, #tpu.memory_space<semaphore_mem>>)
    %dma_wait3A_61 = arith.constant 0 : i32
    %dma_wait3A_62 = tpu.memref_slice %arg2[%add3A_44, %dma_wait3A_61] : memref<4096x1024xf32, #tpu.memory_space<hbm>> -> memref<32x1024xf32, #tpu.memory_space<hbm>>
    %dma_wait3A_63 = arith.constant 0 : i32
    %dma_wait3A_64 = tpu.memref_slice %arg2[%add3A_44, %dma_wait3A_63] : memref<4096x1024xf32, #tpu.memory_space<hbm>> -> memref<32x1024xf32, #tpu.memory_space<hbm>>
    tpu.wait_dma2 semaphore(%arg21 : memref<!tpu.dma_semaphore, #tpu.memory_space<semaphore_mem>>) src(%dma_wait3A_64 : memref<32x1024xf32, #tpu.memory_space<hbm>>) dst(%arg16 : memref<32x1024xf32, #tpu.memory_space<vmem>>)
    %dma_wait3A_65 = tpu.memref_slice %arg3[%add3A_42] : memref<4096xi32, #tpu.memory_space<hbm>> -> memref<32xi32, #tpu.memory_space<hbm>>
    %dma_wait3A_66 = tpu.memref_slice %arg3[%add3A_42] : memref<4096xi32, #tpu.memory_space<hbm>> -> memref<32xi32, #tpu.memory_space<hbm>>
    tpu.wait_dma2 semaphore(%arg21 : memref<!tpu.dma_semaphore, #tpu.memory_space<semaphore_mem>>) src(%dma_wait3A_66 : memref<32xi32, #tpu.memory_space<hbm>>) dst(%arg17 : memref<32xi32, #tpu.memory_space<vmem>>)
    %dma_wait3A_67 = tpu.memref_slice %arg4[%add3A_42] : memref<4096xi32, #tpu.memory_space<hbm>> -> memref<32xi32, #tpu.memory_space<hbm>>
    %dma_wait3A_68 = tpu.memref_slice %arg4[%add3A_42] : memref<4096xi32, #tpu.memory_space<hbm>> -> memref<32xi32, #tpu.memory_space<hbm>>
    tpu.wait_dma2 semaphore(%arg21 : memref<!tpu.dma_semaphore, #tpu.memory_space<semaphore_mem>>) src(%dma_wait3A_68 : memref<32xi32, #tpu.memory_space<hbm>>) dst(%arg18 : memref<32xi32, #tpu.memory_space<vmem>>)
    %dma_wait3A_69 = tpu.memref_slice %arg5[%mul3A_54] : memref<8192xi32, #tpu.memory_space<hbm>> -> memref<64xi32, #tpu.memory_space<hbm>>
    %dma_wait3A_70 = tpu.memref_slice %arg5[%mul3A_54] : memref<8192xi32, #tpu.memory_space<hbm>> -> memref<64xi32, #tpu.memory_space<hbm>>
    tpu.wait_dma2 semaphore(%arg21 : memref<!tpu.dma_semaphore, #tpu.memory_space<semaphore_mem>>) src(%dma_wait3A_70 : memref<64xi32, #tpu.memory_space<hbm>>) dst(%arg19 : memref<64xi32, #tpu.memory_space<vmem>>)
    %dma_wait3A_71 = tpu.memref_slice %arg6[%mul3A_58] : memref<8192xf32, #tpu.memory_space<hbm>> -> memref<64xf32, #tpu.memory_space<hbm>>
    %dma_wait3A_72 = tpu.memref_slice %arg6[%mul3A_58] : memref<8192xf32, #tpu.memory_space<hbm>> -> memref<64xf32, #tpu.memory_space<hbm>>
    tpu.wait_dma2 semaphore(%arg21 : memref<!tpu.dma_semaphore, #tpu.memory_space<semaphore_mem>>) src(%dma_wait3A_72 : memref<64xf32, #tpu.memory_space<hbm>>) dst(%arg20 : memref<64xf32, #tpu.memory_space<vmem>>)
    %dma_start3A_73 = arith.constant 0 : i32
    %dma_start3A_74 = arith.constant 0 : i32
    %dma_start3A_75 = tpu.memref_slice %arg7[%dma_start3A_73, %dma_start3A_74] : memref<10240x1024xf32, #tpu.memory_space<hbm>> -> memref<10240x1024xf32, #tpu.memory_space<hbm>>
    tpu.enqueue_indirect_dma source(%arg16 : memref<32x1024xf32, #tpu.memory_space<vmem>>) target(%dma_start3A_75 : memref<10240x1024xf32, #tpu.memory_space<hbm>>) offsets(%arg17 : memref<32xi32, #tpu.memory_space<vmem>>) semaphore(%arg22 : memref<!tpu.dma_semaphore, #tpu.memory_space<semaphore_mem>>)
    %dma_start3A_76 = arith.constant 0 : i32
    %dma_start3A_77 = arith.constant 0 : i32
    %dma_start3A_78 = tpu.memref_slice %arg7[%dma_start3A_76, %dma_start3A_77] : memref<10240x1024xf32, #tpu.memory_space<hbm>> -> memref<10240x1024xf32, #tpu.memory_space<hbm>>
    tpu.enqueue_indirect_dma source(%arg16 : memref<32x1024xf32, #tpu.memory_space<vmem>>) target(%dma_start3A_78 : memref<10240x1024xf32, #tpu.memory_space<hbm>>) offsets(%arg18 : memref<32xi32, #tpu.memory_space<vmem>>) semaphore(%arg22 : memref<!tpu.dma_semaphore, #tpu.memory_space<semaphore_mem>>)
    %dma_start3A_79 = arith.constant 0 : i32
    %dma_start3A_80 = tpu.memref_slice %arg8[%dma_start3A_79] : memref<10240xf32, #tpu.memory_space<hbm>> -> memref<10240xf32, #tpu.memory_space<hbm>>
    tpu.enqueue_indirect_dma source(%arg20 : memref<64xf32, #tpu.memory_space<vmem>>) target(%dma_start3A_80 : memref<10240xf32, #tpu.memory_space<hbm>>) offsets(%arg19 : memref<64xi32, #tpu.memory_space<vmem>>) semaphore(%arg22 : memref<!tpu.dma_semaphore, #tpu.memory_space<semaphore_mem>>)
    %dma_wait3A_81 = arith.constant 0 : i32
    %dma_wait3A_82 = arith.constant 0 : i32
    %dma_wait3A_83 = tpu.memref_slice %arg7[%dma_wait3A_81, %dma_wait3A_82] : memref<10240x1024xf32, #tpu.memory_space<hbm>> -> memref<10240x1024xf32, #tpu.memory_space<hbm>>
    tpu.wait_indirect_dma semaphore(%arg15 : memref<!tpu.dma_semaphore, #tpu.memory_space<semaphore_mem>>) src(%arg9 : memref<32x1024xf32, #tpu.memory_space<vmem>>) dst(%dma_wait3A_83 : memref<10240x1024xf32, #tpu.memory_space<hbm>>)
    %dma_wait3A_84 = arith.constant 0 : i32
    %dma_wait3A_85 = arith.constant 0 : i32
    %dma_wait3A_86 = tpu.memref_slice %arg7[%dma_wait3A_84, %dma_wait3A_85] : memref<10240x1024xf32, #tpu.memory_space<hbm>> -> memref<10240x1024xf32, #tpu.memory_space<hbm>>
    tpu.wait_indirect_dma semaphore(%arg15 : memref<!tpu.dma_semaphore, #tpu.memory_space<semaphore_mem>>) src(%arg9 : memref<32x1024xf32, #tpu.memory_space<vmem>>) dst(%dma_wait3A_86 : memref<10240x1024xf32, #tpu.memory_space<hbm>>)
    %dma_wait3A_87 = arith.constant 0 : i32
    %dma_wait3A_88 = tpu.memref_slice %arg8[%dma_wait3A_87] : memref<10240xf32, #tpu.memory_space<hbm>> -> memref<10240xf32, #tpu.memory_space<hbm>>
    tpu.wait_indirect_dma semaphore(%arg15 : memref<!tpu.dma_semaphore, #tpu.memory_space<semaphore_mem>>) src(%arg13 : memref<64xf32, #tpu.memory_space<vmem>>) dst(%dma_wait3A_88 : memref<10240xf32, #tpu.memory_space<hbm>>)
    %add3A_89 = arith.constant 64 : i32
    %add3A_90 = arith.addi %mul3A_2, %add3A_89 : i32
    %add3A_91 = arith.constant 0 : i32
    %add3A_92 = arith.addi %add3A_91, %add3A_90 : i32
    %dma_start3A_93 = arith.constant 0 : i32
    %dma_start3A_94 = tpu.memref_slice %arg2[%add3A_92, %dma_start3A_93] : memref<4096x1024xf32, #tpu.memory_space<hbm>> -> memref<32x1024xf32, #tpu.memory_space<hbm>>
    %dma_start3A_95 = arith.constant 0 : i32
    %dma_start3A_96 = tpu.memref_slice %arg2[%add3A_92, %dma_start3A_95] : memref<4096x1024xf32, #tpu.memory_space<hbm>> -> memref<32x1024xf32, #tpu.memory_space<hbm>>
    tpu.enqueue_dma source(%dma_start3A_96 : memref<32x1024xf32, #tpu.memory_space<hbm>>) target(%arg9 : memref<32x1024xf32, #tpu.memory_space<vmem>>) target_semaphore(%arg14 : memref<!tpu.dma_semaphore, #tpu.memory_space<semaphore_mem>>)
    %dma_start3A_97 = tpu.memref_slice %arg3[%add3A_90] : memref<4096xi32, #tpu.memory_space<hbm>> -> memref<32xi32, #tpu.memory_space<hbm>>
    %dma_start3A_98 = tpu.memref_slice %arg3[%add3A_90] : memref<4096xi32, #tpu.memory_space<hbm>> -> memref<32xi32, #tpu.memory_space<hbm>>
    tpu.enqueue_dma source(%dma_start3A_98 : memref<32xi32, #tpu.memory_space<hbm>>) target(%arg10 : memref<32xi32, #tpu.memory_space<vmem>>) target_semaphore(%arg14 : memref<!tpu.dma_semaphore, #tpu.memory_space<semaphore_mem>>)
    %dma_start3A_99 = tpu.memref_slice %arg4[%add3A_90] : memref<4096xi32, #tpu.memory_space<hbm>> -> memref<32xi32, #tpu.memory_space<hbm>>
    %dma_start3A_100 = tpu.memref_slice %arg4[%add3A_90] : memref<4096xi32, #tpu.memory_space<hbm>> -> memref<32xi32, #tpu.memory_space<hbm>>
    tpu.enqueue_dma source(%dma_start3A_100 : memref<32xi32, #tpu.memory_space<hbm>>) target(%arg11 : memref<32xi32, #tpu.memory_space<vmem>>) target_semaphore(%arg14 : memref<!tpu.dma_semaphore, #tpu.memory_space<semaphore_mem>>)
    %mul3A_101 = arith.constant 2 : i32
    %mul3A_102 = arith.muli %mul3A_101, %add3A_90 : i32
    %dma_start3A_103 = tpu.memref_slice %arg5[%mul3A_102] : memref<8192xi32, #tpu.memory_space<hbm>> -> memref<64xi32, #tpu.memory_space<hbm>>
    %dma_start3A_104 = tpu.memref_slice %arg5[%mul3A_102] : memref<8192xi32, #tpu.memory_space<hbm>> -> memref<64xi32, #tpu.memory_space<hbm>>
    tpu.enqueue_dma source(%dma_start3A_104 : memref<64xi32, #tpu.memory_space<hbm>>) target(%arg12 : memref<64xi32, #tpu.memory_space<vmem>>) target_semaphore(%arg14 : memref<!tpu.dma_semaphore, #tpu.memory_space<semaphore_mem>>)
    %mul3A_105 = arith.constant 2 : i32
    %mul3A_106 = arith.muli %mul3A_105, %add3A_90 : i32
    %dma_start3A_107 = tpu.memref_slice %arg6[%mul3A_106] : memref<8192xf32, #tpu.memory_space<hbm>> -> memref<64xf32, #tpu.memory_space<hbm>>
    %dma_start3A_108 = tpu.memref_slice %arg6[%mul3A_106] : memref<8192xf32, #tpu.memory_space<hbm>> -> memref<64xf32, #tpu.memory_space<hbm>>
    tpu.enqueue_dma source(%dma_start3A_108 : memref<64xf32, #tpu.memory_space<hbm>>) target(%arg13 : memref<64xf32, #tpu.memory_space<vmem>>) target_semaphore(%arg14 : memref<!tpu.dma_semaphore, #tpu.memory_space<semaphore_mem>>)
    %dma_wait3A_109 = arith.constant 0 : i32
    %dma_wait3A_110 = tpu.memref_slice %arg2[%add3A_92, %dma_wait3A_109] : memref<4096x1024xf32, #tpu.memory_space<hbm>> -> memref<32x1024xf32, #tpu.memory_space<hbm>>
    %dma_wait3A_111 = arith.constant 0 : i32
    %dma_wait3A_112 = tpu.memref_slice %arg2[%add3A_92, %dma_wait3A_111] : memref<4096x1024xf32, #tpu.memory_space<hbm>> -> memref<32x1024xf32, #tpu.memory_space<hbm>>
    tpu.wait_dma2 semaphore(%arg14 : memref<!tpu.dma_semaphore, #tpu.memory_space<semaphore_mem>>) src(%dma_wait3A_112 : memref<32x1024xf32, #tpu.memory_space<hbm>>) dst(%arg9 : memref<32x1024xf32, #tpu.memory_space<vmem>>)
    %dma_wait3A_113 = tpu.memref_slice %arg3[%add3A_90] : memref<4096xi32, #tpu.memory_space<hbm>> -> memref<32xi32, #tpu.memory_space<hbm>>
    %dma_wait3A_114 = tpu.memref_slice %arg3[%add3A_90] : memref<4096xi32, #tpu.memory_space<hbm>> -> memref<32xi32, #tpu.memory_space<hbm>>
    tpu.wait_dma2 semaphore(%arg14 : memref<!tpu.dma_semaphore, #tpu.memory_space<semaphore_mem>>) src(%dma_wait3A_114 : memref<32xi32, #tpu.memory_space<hbm>>) dst(%arg10 : memref<32xi32, #tpu.memory_space<vmem>>)
    %dma_wait3A_115 = tpu.memref_slice %arg4[%add3A_90] : memref<4096xi32, #tpu.memory_space<hbm>> -> memref<32xi32, #tpu.memory_space<hbm>>
    %dma_wait3A_116 = tpu.memref_slice %arg4[%add3A_90] : memref<4096xi32, #tpu.memory_space<hbm>> -> memref<32xi32, #tpu.memory_space<hbm>>
    tpu.wait_dma2 semaphore(%arg14 : memref<!tpu.dma_semaphore, #tpu.memory_space<semaphore_mem>>) src(%dma_wait3A_116 : memref<32xi32, #tpu.memory_space<hbm>>) dst(%arg11 : memref<32xi32, #tpu.memory_space<vmem>>)
    %dma_wait3A_117 = tpu.memref_slice %arg5[%mul3A_102] : memref<8192xi32, #tpu.memory_space<hbm>> -> memref<64xi32, #tpu.memory_space<hbm>>
    %dma_wait3A_118 = tpu.memref_slice %arg5[%mul3A_102] : memref<8192xi32, #tpu.memory_space<hbm>> -> memref<64xi32, #tpu.memory_space<hbm>>
    tpu.wait_dma2 semaphore(%arg14 : memref<!tpu.dma_semaphore, #tpu.memory_space<semaphore_mem>>) src(%dma_wait3A_118 : memref<64xi32, #tpu.memory_space<hbm>>) dst(%arg12 : memref<64xi32, #tpu.memory_space<vmem>>)
    %dma_wait3A_119 = tpu.memref_slice %arg6[%mul3A_106] : memref<8192xf32, #tpu.memory_space<hbm>> -> memref<64xf32, #tpu.memory_space<hbm>>
    %dma_wait3A_120 = tpu.memref_slice %arg6[%mul3A_106] : memref<8192xf32, #tpu.memory_space<hbm>> -> memref<64xf32, #tpu.memory_space<hbm>>
    tpu.wait_dma2 semaphore(%arg14 : memref<!tpu.dma_semaphore, #tpu.memory_space<semaphore_mem>>) src(%dma_wait3A_120 : memref<64xf32, #tpu.memory_space<hbm>>) dst(%arg13 : memref<64xf32, #tpu.memory_space<vmem>>)
    %dma_start3A_121 = arith.constant 0 : i32
    %dma_start3A_122 = arith.constant 0 : i32
    %dma_start3A_123 = tpu.memref_slice %arg7[%dma_start3A_121, %dma_start3A_122] : memref<10240x1024xf32, #tpu.memory_space<hbm>> -> memref<10240x1024xf32, #tpu.memory_space<hbm>>
    tpu.enqueue_indirect_dma source(%arg9 : memref<32x1024xf32, #tpu.memory_space<vmem>>) target(%dma_start3A_123 : memref<10240x1024xf32, #tpu.memory_space<hbm>>) offsets(%arg10 : memref<32xi32, #tpu.memory_space<vmem>>) semaphore(%arg15 : memref<!tpu.dma_semaphore, #tpu.memory_space<semaphore_mem>>)
    %dma_start3A_124 = arith.constant 0 : i32
    %dma_start3A_125 = arith.constant 0 : i32
    %dma_start3A_126 = tpu.memref_slice %arg7[%dma_start3A_124, %dma_start3A_125] : memref<10240x1024xf32, #tpu.memory_space<hbm>> -> memref<10240x1024xf32, #tpu.memory_space<hbm>>
    tpu.enqueue_indirect_dma source(%arg9 : memref<32x1024xf32, #tpu.memory_space<vmem>>) target(%dma_start3A_126 : memref<10240x1024xf32, #tpu.memory_space<hbm>>) offsets(%arg11 : memref<32xi32, #tpu.memory_space<vmem>>) semaphore(%arg15 : memref<!tpu.dma_semaphore, #tpu.memory_space<semaphore_mem>>)
    %dma_start3A_127 = arith.constant 0 : i32
    %dma_start3A_128 = tpu.memref_slice %arg8[%dma_start3A_127] : memref<10240xf32, #tpu.memory_space<hbm>> -> memref<10240xf32, #tpu.memory_space<hbm>>
    tpu.enqueue_indirect_dma source(%arg13 : memref<64xf32, #tpu.memory_space<vmem>>) target(%dma_start3A_128 : memref<10240xf32, #tpu.memory_space<hbm>>) offsets(%arg12 : memref<64xi32, #tpu.memory_space<vmem>>) semaphore(%arg15 : memref<!tpu.dma_semaphore, #tpu.memory_space<semaphore_mem>>)
    %dma_wait3A_129 = arith.constant 0 : i32
    %dma_wait3A_130 = arith.constant 0 : i32
    %dma_wait3A_131 = tpu.memref_slice %arg7[%dma_wait3A_129, %dma_wait3A_130] : memref<10240x1024xf32, #tpu.memory_space<hbm>> -> memref<10240x1024xf32, #tpu.memory_space<hbm>>
    tpu.wait_indirect_dma semaphore(%arg22 : memref<!tpu.dma_semaphore, #tpu.memory_space<semaphore_mem>>) src(%arg16 : memref<32x1024xf32, #tpu.memory_space<vmem>>) dst(%dma_wait3A_131 : memref<10240x1024xf32, #tpu.memory_space<hbm>>)
    %dma_wait3A_132 = arith.constant 0 : i32
    %dma_wait3A_133 = arith.constant 0 : i32
    %dma_wait3A_134 = tpu.memref_slice %arg7[%dma_wait3A_132, %dma_wait3A_133] : memref<10240x1024xf32, #tpu.memory_space<hbm>> -> memref<10240x1024xf32, #tpu.memory_space<hbm>>
    tpu.wait_indirect_dma semaphore(%arg22 : memref<!tpu.dma_semaphore, #tpu.memory_space<semaphore_mem>>) src(%arg16 : memref<32x1024xf32, #tpu.memory_space<vmem>>) dst(%dma_wait3A_134 : memref<10240x1024xf32, #tpu.memory_space<hbm>>)
    %dma_wait3A_135 = arith.constant 0 : i32
    %dma_wait3A_136 = tpu.memref_slice %arg8[%dma_wait3A_135] : memref<10240xf32, #tpu.memory_space<hbm>> -> memref<10240xf32, #tpu.memory_space<hbm>>
    tpu.wait_indirect_dma semaphore(%arg22 : memref<!tpu.dma_semaphore, #tpu.memory_space<semaphore_mem>>) src(%arg20 : memref<64xf32, #tpu.memory_space<vmem>>) dst(%dma_wait3A_136 : memref<10240xf32, #tpu.memory_space<hbm>>)
    %add3A_137 = arith.constant 96 : i32
    %add3A_138 = arith.addi %mul3A_2, %add3A_137 : i32
    %add3A_139 = arith.constant 0 : i32
    %add3A_140 = arith.addi %add3A_139, %add3A_138 : i32
    %dma_start3A_141 = arith.constant 0 : i32
    %dma_start3A_142 = tpu.memref_slice %arg2[%add3A_140, %dma_start3A_141] : memref<4096x1024xf32, #tpu.memory_space<hbm>> -> memref<32x1024xf32, #tpu.memory_space<hbm>>
    %dma_start3A_143 = arith.constant 0 : i32
    %dma_start3A_144 = tpu.memref_slice %arg2[%add3A_140, %dma_start3A_143] : memref<4096x1024xf32, #tpu.memory_space<hbm>> -> memref<32x1024xf32, #tpu.memory_space<hbm>>
    tpu.enqueue_dma source(%dma_start3A_144 : memref<32x1024xf32, #tpu.memory_space<hbm>>) target(%arg16 : memref<32x1024xf32, #tpu.memory_space<vmem>>) target_semaphore(%arg21 : memref<!tpu.dma_semaphore, #tpu.memory_space<semaphore_mem>>)
    %dma_start3A_145 = tpu.memref_slice %arg3[%add3A_138] : memref<4096xi32, #tpu.memory_space<hbm>> -> memref<32xi32, #tpu.memory_space<hbm>>
    %dma_start3A_146 = tpu.memref_slice %arg3[%add3A_138] : memref<4096xi32, #tpu.memory_space<hbm>> -> memref<32xi32, #tpu.memory_space<hbm>>
    tpu.enqueue_dma source(%dma_start3A_146 : memref<32xi32, #tpu.memory_space<hbm>>) target(%arg17 : memref<32xi32, #tpu.memory_space<vmem>>) target_semaphore(%arg21 : memref<!tpu.dma_semaphore, #tpu.memory_space<semaphore_mem>>)
    %dma_start3A_147 = tpu.memref_slice %arg4[%add3A_138] : memref<4096xi32, #tpu.memory_space<hbm>> -> memref<32xi32, #tpu.memory_space<hbm>>
    %dma_start3A_148 = tpu.memref_slice %arg4[%add3A_138] : memref<4096xi32, #tpu.memory_space<hbm>> -> memref<32xi32, #tpu.memory_space<hbm>>
    tpu.enqueue_dma source(%dma_start3A_148 : memref<32xi32, #tpu.memory_space<hbm>>) target(%arg18 : memref<32xi32, #tpu.memory_space<vmem>>) target_semaphore(%arg21 : memref<!tpu.dma_semaphore, #tpu.memory_space<semaphore_mem>>)
    %mul3A_149 = arith.constant 2 : i32
    %mul3A_150 = arith.muli %mul3A_149, %add3A_138 : i32
    %dma_start3A_151 = tpu.memref_slice %arg5[%mul3A_150] : memref<8192xi32, #tpu.memory_space<hbm>> -> memref<64xi32, #tpu.memory_space<hbm>>
    %dma_start3A_152 = tpu.memref_slice %arg5[%mul3A_150] : memref<8192xi32, #tpu.memory_space<hbm>> -> memref<64xi32, #tpu.memory_space<hbm>>
    tpu.enqueue_dma source(%dma_start3A_152 : memref<64xi32, #tpu.memory_space<hbm>>) target(%arg19 : memref<64xi32, #tpu.memory_space<vmem>>) target_semaphore(%arg21 : memref<!tpu.dma_semaphore, #tpu.memory_space<semaphore_mem>>)
    %mul3A_153 = arith.constant 2 : i32
    %mul3A_154 = arith.muli %mul3A_153, %add3A_138 : i32
    %dma_start3A_155 = tpu.memref_slice %arg6[%mul3A_154] : memref<8192xf32, #tpu.memory_space<hbm>> -> memref<64xf32, #tpu.memory_space<hbm>>
    %dma_start3A_156 = tpu.memref_slice %arg6[%mul3A_154] : memref<8192xf32, #tpu.memory_space<hbm>> -> memref<64xf32, #tpu.memory_space<hbm>>
    tpu.enqueue_dma source(%dma_start3A_156 : memref<64xf32, #tpu.memory_space<hbm>>) target(%arg20 : memref<64xf32, #tpu.memory_space<vmem>>) target_semaphore(%arg21 : memref<!tpu.dma_semaphore, #tpu.memory_space<semaphore_mem>>)
    %dma_wait3A_157 = arith.constant 0 : i32
    %dma_wait3A_158 = tpu.memref_slice %arg2[%add3A_140, %dma_wait3A_157] : memref<4096x1024xf32, #tpu.memory_space<hbm>> -> memref<32x1024xf32, #tpu.memory_space<hbm>>
    %dma_wait3A_159 = arith.constant 0 : i32
    %dma_wait3A_160 = tpu.memref_slice %arg2[%add3A_140, %dma_wait3A_159] : memref<4096x1024xf32, #tpu.memory_space<hbm>> -> memref<32x1024xf32, #tpu.memory_space<hbm>>
    tpu.wait_dma2 semaphore(%arg21 : memref<!tpu.dma_semaphore, #tpu.memory_space<semaphore_mem>>) src(%dma_wait3A_160 : memref<32x1024xf32, #tpu.memory_space<hbm>>) dst(%arg16 : memref<32x1024xf32, #tpu.memory_space<vmem>>)
    %dma_wait3A_161 = tpu.memref_slice %arg3[%add3A_138] : memref<4096xi32, #tpu.memory_space<hbm>> -> memref<32xi32, #tpu.memory_space<hbm>>
    %dma_wait3A_162 = tpu.memref_slice %arg3[%add3A_138] : memref<4096xi32, #tpu.memory_space<hbm>> -> memref<32xi32, #tpu.memory_space<hbm>>
    tpu.wait_dma2 semaphore(%arg21 : memref<!tpu.dma_semaphore, #tpu.memory_space<semaphore_mem>>) src(%dma_wait3A_162 : memref<32xi32, #tpu.memory_space<hbm>>) dst(%arg17 : memref<32xi32, #tpu.memory_space<vmem>>)
    %dma_wait3A_163 = tpu.memref_slice %arg4[%add3A_138] : memref<4096xi32, #tpu.memory_space<hbm>> -> memref<32xi32, #tpu.memory_space<hbm>>
    %dma_wait3A_164 = tpu.memref_slice %arg4[%add3A_138] : memref<4096xi32, #tpu.memory_space<hbm>> -> memref<32xi32, #tpu.memory_space<hbm>>
    tpu.wait_dma2 semaphore(%arg21 : memref<!tpu.dma_semaphore, #tpu.memory_space<semaphore_mem>>) src(%dma_wait3A_164 : memref<32xi32, #tpu.memory_space<hbm>>) dst(%arg18 : memref<32xi32, #tpu.memory_space<vmem>>)
    %dma_wait3A_165 = tpu.memref_slice %arg5[%mul3A_150] : memref<8192xi32, #tpu.memory_space<hbm>> -> memref<64xi32, #tpu.memory_space<hbm>>
    %dma_wait3A_166 = tpu.memref_slice %arg5[%mul3A_150] : memref<8192xi32, #tpu.memory_space<hbm>> -> memref<64xi32, #tpu.memory_space<hbm>>
    tpu.wait_dma2 semaphore(%arg21 : memref<!tpu.dma_semaphore, #tpu.memory_space<semaphore_mem>>) src(%dma_wait3A_166 : memref<64xi32, #tpu.memory_space<hbm>>) dst(%arg19 : memref<64xi32, #tpu.memory_space<vmem>>)
    %dma_wait3A_167 = tpu.memref_slice %arg6[%mul3A_154] : memref<8192xf32, #tpu.memory_space<hbm>> -> memref<64xf32, #tpu.memory_space<hbm>>
    %dma_wait3A_168 = tpu.memref_slice %arg6[%mul3A_154] : memref<8192xf32, #tpu.memory_space<hbm>> -> memref<64xf32, #tpu.memory_space<hbm>>
    tpu.wait_dma2 semaphore(%arg21 : memref<!tpu.dma_semaphore, #tpu.memory_space<semaphore_mem>>) src(%dma_wait3A_168 : memref<64xf32, #tpu.memory_space<hbm>>) dst(%arg20 : memref<64xf32, #tpu.memory_space<vmem>>)
    %dma_start3A_169 = arith.constant 0 : i32
    %dma_start3A_170 = arith.constant 0 : i32
    %dma_start3A_171 = tpu.memref_slice %arg7[%dma_start3A_169, %dma_start3A_170] : memref<10240x1024xf32, #tpu.memory_space<hbm>> -> memref<10240x1024xf32, #tpu.memory_space<hbm>>
    tpu.enqueue_indirect_dma source(%arg16 : memref<32x1024xf32, #tpu.memory_space<vmem>>) target(%dma_start3A_171 : memref<10240x1024xf32, #tpu.memory_space<hbm>>) offsets(%arg17 : memref<32xi32, #tpu.memory_space<vmem>>) semaphore(%arg22 : memref<!tpu.dma_semaphore, #tpu.memory_space<semaphore_mem>>)
    %dma_start3A_172 = arith.constant 0 : i32
    %dma_start3A_173 = arith.constant 0 : i32
    %dma_start3A_174 = tpu.memref_slice %arg7[%dma_start3A_172, %dma_start3A_173] : memref<10240x1024xf32, #tpu.memory_space<hbm>> -> memref<10240x1024xf32, #tpu.memory_space<hbm>>
    tpu.enqueue_indirect_dma source(%arg16 : memref<32x1024xf32, #tpu.memory_space<vmem>>) target(%dma_start3A_174 : memref<10240x1024xf32, #tpu.memory_space<hbm>>) offsets(%arg18 : memref<32xi32, #tpu.memory_space<vmem>>) semaphore(%arg22 : memref<!tpu.dma_semaphore, #tpu.memory_space<semaphore_mem>>)
    %dma_start3A_175 = arith.constant 0 : i32
    %dma_start3A_176 = tpu.memref_slice %arg8[%dma_start3A_175] : memref<10240xf32, #tpu.memory_space<hbm>> -> memref<10240xf32, #tpu.memory_space<hbm>>
    tpu.enqueue_indirect_dma source(%arg20 : memref<64xf32, #tpu.memory_space<vmem>>) target(%dma_start3A_176 : memref<10240xf32, #tpu.memory_space<hbm>>) offsets(%arg19 : memref<64xi32, #tpu.memory_space<vmem>>) semaphore(%arg22 : memref<!tpu.dma_semaphore, #tpu.memory_space<semaphore_mem>>)
    %dma_wait3A_177 = arith.constant 0 : i32
    %dma_wait3A_178 = arith.constant 0 : i32
    %dma_wait3A_179 = tpu.memref_slice %arg7[%dma_wait3A_177, %dma_wait3A_178] : memref<10240x1024xf32, #tpu.memory_space<hbm>> -> memref<10240x1024xf32, #tpu.memory_space<hbm>>
    tpu.wait_indirect_dma semaphore(%arg15 : memref<!tpu.dma_semaphore, #tpu.memory_space<semaphore_mem>>) src(%arg9 : memref<32x1024xf32, #tpu.memory_space<vmem>>) dst(%dma_wait3A_179 : memref<10240x1024xf32, #tpu.memory_space<hbm>>)
    %dma_wait3A_180 = arith.constant 0 : i32
    %dma_wait3A_181 = arith.constant 0 : i32
    %dma_wait3A_182 = tpu.memref_slice %arg7[%dma_wait3A_180, %dma_wait3A_181] : memref<10240x1024xf32, #tpu.memory_space<hbm>> -> memref<10240x1024xf32, #tpu.memory_space<hbm>>
    tpu.wait_indirect_dma semaphore(%arg15 : memref<!tpu.dma_semaphore, #tpu.memory_space<semaphore_mem>>) src(%arg9 : memref<32x1024xf32, #tpu.memory_space<vmem>>) dst(%dma_wait3A_182 : memref<10240x1024xf32, #tpu.memory_space<hbm>>)
    %dma_wait3A_183 = arith.constant 0 : i32
    %dma_wait3A_184 = tpu.memref_slice %arg8[%dma_wait3A_183] : memref<10240xf32, #tpu.memory_space<hbm>> -> memref<10240xf32, #tpu.memory_space<hbm>>
    tpu.wait_indirect_dma semaphore(%arg15 : memref<!tpu.dma_semaphore, #tpu.memory_space<semaphore_mem>>) src(%arg13 : memref<64xf32, #tpu.memory_space<vmem>>) dst(%dma_wait3A_184 : memref<10240xf32, #tpu.memory_space<hbm>>)
    %dma_wait3A_185 = arith.constant 0 : i32
    %dma_wait3A_186 = arith.constant 0 : i32
    %dma_wait3A_187 = tpu.memref_slice %arg7[%dma_wait3A_185, %dma_wait3A_186] : memref<10240x1024xf32, #tpu.memory_space<hbm>> -> memref<10240x1024xf32, #tpu.memory_space<hbm>>
    tpu.wait_indirect_dma semaphore(%arg22 : memref<!tpu.dma_semaphore, #tpu.memory_space<semaphore_mem>>) src(%arg16 : memref<32x1024xf32, #tpu.memory_space<vmem>>) dst(%dma_wait3A_187 : memref<10240x1024xf32, #tpu.memory_space<hbm>>)
    %dma_wait3A_188 = arith.constant 0 : i32
    %dma_wait3A_189 = arith.constant 0 : i32
    %dma_wait3A_190 = tpu.memref_slice %arg7[%dma_wait3A_188, %dma_wait3A_189] : memref<10240x1024xf32, #tpu.memory_space<hbm>> -> memref<10240x1024xf32, #tpu.memory_space<hbm>>
    tpu.wait_indirect_dma semaphore(%arg22 : memref<!tpu.dma_semaphore, #tpu.memory_space<semaphore_mem>>) src(%arg16 : memref<32x1024xf32, #tpu.memory_space<vmem>>) dst(%dma_wait3A_190 : memref<10240x1024xf32, #tpu.memory_space<hbm>>)
    %dma_wait3A_191 = arith.constant 0 : i32
    %dma_wait3A_192 = tpu.memref_slice %arg8[%dma_wait3A_191] : memref<10240xf32, #tpu.memory_space<hbm>> -> memref<10240xf32, #tpu.memory_space<hbm>>
    tpu.wait_indirect_dma semaphore(%arg22 : memref<!tpu.dma_semaphore, #tpu.memory_space<semaphore_mem>>) src(%arg20 : memref<64xf32, #tpu.memory_space<vmem>>) dst(%dma_wait3A_192 : memref<10240xf32, #tpu.memory_space<hbm>>)
    return
  }
}

module attributes {stable_mosaic.version = 14 : i64} {
  func.func @_router_body(%arg0: i32, %arg1: memref<512x1024xf32, #tpu.memory_space<vmem>>, %arg2: memref<1024x128xf32, #tpu.memory_space<vmem>>, %arg3: memref<128xf32, #tpu.memory_space<vmem>>, %arg4: memref<8x128xf32, #tpu.memory_space<vmem>>, %arg5: memref<512x128xf32, #tpu.memory_space<vmem>>, %arg6: memref<512x8xf32, #tpu.memory_space<vmem>>, %arg7: memref<512x2xi32, #tpu.memory_space<vmem>>, %arg8: memref<512x2xf32, #tpu.memory_space<vmem>>, %arg9: memref<512x2xf32, #tpu.memory_space<vmem>>, %arg10: memref<1x8xf32, #tpu.memory_space<vmem>>, %arg11: memref<1x8xf32, #tpu.memory_space<vmem>>) attributes {dimension_semantics = [#tpu.dimension_semantics<arbitrary>], iteration_bounds = array<i64: 8>, scalar_prefetch = 0 : i64, scratch_operands = 1 : i64, tpu.core_type = #tpu.core_type<tc>, window_params = [{transform_indices = @transform_0, window_bounds = array<i64: 512, 1024>}, {pipeline_mode = #tpu.pipeline_mode<synchronous>, transform_indices = @transform_1, window_bounds = array<i64: 1024, 128>}, {pipeline_mode = #tpu.pipeline_mode<synchronous>, transform_indices = @transform_2, window_bounds = array<i64: 128>}, {pipeline_mode = #tpu.pipeline_mode<synchronous>, transform_indices = @transform_3, window_bounds = array<i64: 8, 128>}, {transform_indices = @transform_4, window_bounds = array<i64: 512, 128>}, {transform_indices = @transform_5, window_bounds = array<i64: 512, 8>}, {transform_indices = @transform_6, window_bounds = array<i64: 512, 2>}, {transform_indices = @transform_7, window_bounds = array<i64: 512, 2>}, {transform_indices = @transform_8, window_bounds = array<i64: 512, 2>}, {pipeline_mode = #tpu.pipeline_mode<synchronous>, transform_indices = @transform_9, window_bounds = array<i64: 1, 8>}]} {
    %get3A = arith.constant 0 : index
    %get3A_0 = arith.constant 0 : index
    %get3A_1 = vector.load %arg1[%get3A, %get3A_0] : memref<512x1024xf32, #tpu.memory_space<vmem>>, vector<512x1024xf32>
    %get3A_2 = arith.constant 0 : index
    %get3A_3 = arith.constant 0 : index
    %get3A_4 = vector.load %arg2[%get3A_2, %get3A_3] : memref<1024x128xf32, #tpu.memory_space<vmem>>, vector<1024x128xf32>
    %dot_general3A = arith.constant dense<0.000000e+00> : vector<512x128xf32>
    %dot_general3A_5 = tpu.matmul %get3A_1, %get3A_4, %dot_general3A {dimension_numbers = #tpu.dot_dimension_numbers<[1], [0], [0], [1], [0, 0, 1, 1], [], []>, transpose_lhs_hint = false} : vector<512x1024xf32>, vector<1024x128xf32>, vector<512x128xf32> -> vector<512x128xf32>
    %get3A_6 = arith.constant 0 : index
    %get3A_7 = vector.load %arg3[%get3A_6] : memref<128xf32, #tpu.memory_space<vmem>>, vector<128xf32>
    %broadcast_in_dim3A = vector.shape_cast %get3A_7 : vector<128xf32> to vector<1x128xf32>
    %add3A = vector.broadcast %broadcast_in_dim3A : vector<1x128xf32> to vector<512x128xf32>
    %add3A_8 = arith.addf %dot_general3A_5, %add3A : vector<512x128xf32>
    %swap3A = arith.constant 0 : index
    %swap3A_9 = arith.constant 0 : index
    %swap3A_10 = vector.load %arg5[%swap3A, %swap3A_9] : memref<512x128xf32, #tpu.memory_space<vmem>>, vector<512x128xf32>
    tpu.vector_store %arg5[%swap3A, %swap3A_9], %add3A_8 {strides = array<i32>} : memref<512x128xf32, #tpu.memory_space<vmem>>, vector<512x128xf32>,
    %get3A_11 = arith.constant 0 : index
    %get3A_12 = arith.constant 0 : index
    %get3A_13 = vector.load %arg4[%get3A_11, %get3A_12] : memref<8x128xf32, #tpu.memory_space<vmem>>, vector<8x128xf32>
    %broadcast_in_dim3A_14 = vector.shape_cast %add3A_8 : vector<512x128xf32> to vector<512x1x128xf32>
    %broadcast_in_dim3A_15 = vector.shape_cast %get3A_13 : vector<8x128xf32> to vector<1x8x128xf32>
    %sub3A = vector.broadcast %broadcast_in_dim3A_14 : vector<512x1x128xf32> to vector<512x8x128xf32>
    %sub3A_16 = vector.broadcast %broadcast_in_dim3A_15 : vector<1x8x128xf32> to vector<512x8x128xf32>
    %sub3A_17 = arith.subf %sub3A, %sub3A_16 : vector<512x8x128xf32>
    %mul3A = arith.mulf %sub3A_17, %sub3A_17 : vector<512x8x128xf32>
    %reduce_sum3A = arith.constant dense<0.000000e+00> : vector<512x8xf32>
    %reduce_sum3A_18 = vector.multi_reduction <add>, %mul3A, %reduce_sum3A [2] : vector<512x8x128xf32> to vector<512x8xf32>
    %neg3A = arith.constant 0.000000e+00 : f32
    %neg3A_19 = vector.broadcast %neg3A : f32 to vector<512x8xf32>
    %neg3A_20 = arith.subf %neg3A_19, %reduce_sum3A_18 : vector<512x8xf32>
    %reduce_max3A = arith.constant dense<0xFF800000> : vector<512xf32>
    %reduce_max3A_21 = vector.multi_reduction <maximumf>, %neg3A_20, %reduce_max3A [1] : vector<512x8xf32> to vector<512xf32>
    %broadcast_in_dim3A_22 = vector.shape_cast %reduce_max3A_21 : vector<512xf32> to vector<512x1xf32>
    %sub3A_23 = vector.broadcast %broadcast_in_dim3A_22 : vector<512x1xf32> to vector<512x8xf32>
    %sub3A_24 = arith.subf %neg3A_20, %sub3A_23 : vector<512x8xf32>
    %exp3A = math.exp %sub3A_24 : vector<512x8xf32>
    %reduce_sum3A_25 = arith.constant dense<0.000000e+00> : vector<512xf32>
    %reduce_sum3A_26 = vector.multi_reduction <add>, %exp3A, %reduce_sum3A_25 [1] : vector<512x8xf32> to vector<512xf32>
    %broadcast_in_dim3A_27 = vector.shape_cast %reduce_sum3A_26 : vector<512xf32> to vector<512x1xf32>
    %div3A = vector.broadcast %broadcast_in_dim3A_27 : vector<512x1xf32> to vector<512x8xf32>
    %div3A_28 = arith.divf %exp3A, %div3A : vector<512x8xf32>
    %swap3A_29 = arith.constant 0 : index
    %swap3A_30 = arith.constant 0 : index
    %swap3A_31 = vector.load %arg6[%swap3A_29, %swap3A_30] : memref<512x8xf32, #tpu.memory_space<vmem>>, vector<512x8xf32>
    tpu.vector_store %arg6[%swap3A_29, %swap3A_30], %div3A_28 {strides = array<i32>} : memref<512x8xf32, #tpu.memory_space<vmem>>, vector<512x8xf32>,
    %iota3A = tpu.iota {dimensions = array<i32: 1>} : vector<512x8xi32>
    %reduce_max3A_32 = arith.constant dense<0xFF800000> : vector<512xf32>
    %reduce_max3A_33 = vector.multi_reduction <maximumf>, %neg3A_20, %reduce_max3A_32 [1] : vector<512x8xf32> to vector<512xf32>
    %broadcast_in_dim3A_34 = vector.shape_cast %reduce_max3A_33 : vector<512xf32> to vector<512x1xf32>
    %eq3A = vector.broadcast %broadcast_in_dim3A_34 : vector<512x1xf32> to vector<512x8xf32>
    %eq3A_35 = arith.cmpf oeq, %neg3A_20, %eq3A : vector<512x8xf32>
    %jit3A = arith.constant 8 : i32
    %broadcast_in_dim3A_36 = vector.broadcast %jit3A : i32 to vector<512x8xi32>
    %select_n3A = arith.select %eq3A_35, %iota3A, %broadcast_in_dim3A_36 : vector<512x8xi1>, vector<512x8xi32>
    %reduce_min3A = arith.constant dense<2147483647> : vector<512xi32>
    %reduce_min3A_37 = vector.multi_reduction <minsi>, %select_n3A, %reduce_min3A [1] : vector<512x8xi32> to vector<512xi32>
    %broadcast_in_dim3A_38 = vector.shape_cast %reduce_min3A_37 : vector<512xi32> to vector<512x1xi32>
    %eq3A_39 = vector.broadcast %broadcast_in_dim3A_38 : vector<512x1xi32> to vector<512x8xi32>
    %eq3A_40 = arith.cmpi eq, %iota3A, %eq3A_39 : vector<512x8xi32>
    %jit3A_41 = arith.constant 0xFF800000 : f32
    %broadcast_in_dim3A_42 = vector.broadcast %jit3A_41 : f32 to vector<512x8xf32>
    %select_n3A_43 = arith.select %eq3A_40, %broadcast_in_dim3A_42, %neg3A_20 : vector<512x8xi1>, vector<512x8xf32>
    %reduce_max3A_44 = arith.constant dense<0xFF800000> : vector<512xf32>
    %reduce_max3A_45 = vector.multi_reduction <maximumf>, %select_n3A_43, %reduce_max3A_44 [1] : vector<512x8xf32> to vector<512xf32>
    %broadcast_in_dim3A_46 = vector.shape_cast %reduce_max3A_45 : vector<512xf32> to vector<512x1xf32>
    %eq3A_47 = vector.broadcast %broadcast_in_dim3A_46 : vector<512x1xf32> to vector<512x8xf32>
    %eq3A_48 = arith.cmpf oeq, %select_n3A_43, %eq3A_47 : vector<512x8xf32>
    %jit3A_49 = arith.constant 8 : i32
    %broadcast_in_dim3A_50 = vector.broadcast %jit3A_49 : i32 to vector<512x8xi32>
    %select_n3A_51 = arith.select %eq3A_48, %iota3A, %broadcast_in_dim3A_50 : vector<512x8xi1>, vector<512x8xi32>
    %reduce_min3A_52 = arith.constant dense<2147483647> : vector<512xi32>
    %reduce_min3A_53 = vector.multi_reduction <minsi>, %select_n3A_51, %reduce_min3A_52 [1] : vector<512x8xi32> to vector<512xi32>
    %broadcast_in_dim3A_54 = vector.shape_cast %reduce_min3A_53 : vector<512xi32> to vector<512x1xi32>
    %sub3A_55 = arith.subf %broadcast_in_dim3A_46, %broadcast_in_dim3A_34 : vector<512x1xf32>
    %exp3A_56 = math.exp %sub3A_55 : vector<512x1xf32>
    %add3A_57 = arith.constant 1.000000e+00 : f32
    %add3A_58 = vector.broadcast %add3A_57 : f32 to vector<512x1xf32>
    %add3A_59 = arith.addf %add3A_58, %exp3A_56 : vector<512x1xf32>
    %div3A_60 = arith.constant 1.000000e+00 : f32
    %div3A_61 = vector.broadcast %div3A_60 : f32 to vector<512x1xf32>
    %div3A_62 = arith.divf %div3A_61, %add3A_59 : vector<512x1xf32>
    %add3A_63 = arith.constant 1.000000e+00 : f32
    %add3A_64 = vector.broadcast %add3A_63 : f32 to vector<512x1xf32>
    %add3A_65 = arith.addf %add3A_64, %exp3A_56 : vector<512x1xf32>
    %div3A_66 = arith.divf %exp3A_56, %add3A_65 : vector<512x1xf32>
    %concatenate3A = tpu.concatenate %broadcast_in_dim3A_38, %broadcast_in_dim3A_54 in 1 : vector<512x1xi32>, vector<512x1xi32> -> vector<512x2xi32>
    %swap3A_67 = arith.constant 0 : index
    %swap3A_68 = arith.constant 0 : index
    %swap3A_69 = vector.load %arg7[%swap3A_67, %swap3A_68] : memref<512x2xi32, #tpu.memory_space<vmem>>, vector<512x2xi32>
    tpu.vector_store %arg7[%swap3A_67, %swap3A_68], %concatenate3A {strides = array<i32>} : memref<512x2xi32, #tpu.memory_space<vmem>>, vector<512x2xi32>,
    %concatenate3A_70 = tpu.concatenate %div3A_62, %div3A_66 in 1 : vector<512x1xf32>, vector<512x1xf32> -> vector<512x2xf32>
    %swap3A_71 = arith.constant 0 : index
    %swap3A_72 = arith.constant 0 : index
    %swap3A_73 = vector.load %arg8[%swap3A_71, %swap3A_72] : memref<512x2xf32, #tpu.memory_space<vmem>>, vector<512x2xf32>
    tpu.vector_store %arg8[%swap3A_71, %swap3A_72], %concatenate3A_70 {strides = array<i32>} : memref<512x2xf32, #tpu.memory_space<vmem>>, vector<512x2xf32>,
    %eq3A_74 = arith.constant 0 : i32
    %eq3A_75 = arith.cmpi eq, %arg0, %eq3A_74 : i32
    %convert_element_type3A = arith.extui %eq3A_75 : i1 to i32
    %cond3A = arith.constant 0 : i32
    %cond3A_76 = arith.cmpi ne, %convert_element_type3A, %cond3A : i32
    scf.if %cond3A_76 {
      %broadcast_in_dim3A_137 = arith.constant 0.000000e+00 : f32
      %broadcast_in_dim3A_138 = vector.broadcast %broadcast_in_dim3A_137 : f32 to vector<1x8xf32>
      %swap3A_139 = arith.constant 0 : index
      %swap3A_140 = arith.constant 0 : index
      %swap3A_141 = vector.load %arg11[%swap3A_139, %swap3A_140] : memref<1x8xf32, #tpu.memory_space<vmem>>, vector<1x8xf32>
      tpu.vector_store %arg11[%swap3A_139, %swap3A_140], %broadcast_in_dim3A_138 {strides = array<i32>} : memref<1x8xf32, #tpu.memory_space<vmem>>, vector<1x8xf32>,
    } else {
    }
    %eq3A_77 = vector.broadcast %broadcast_in_dim3A_38 : vector<512x1xi32> to vector<512x8xi32>
    %eq3A_78 = arith.cmpi eq, %iota3A, %eq3A_77 : vector<512x8xi32>
    %jit3A_79 = arith.constant 1.000000e+00 : f32
    %jit3A_80 = arith.constant 0.000000e+00 : f32
    %broadcast_in_dim3A_81 = vector.broadcast %jit3A_79 : f32 to vector<512x8xf32>
    %broadcast_in_dim3A_82 = vector.broadcast %jit3A_80 : f32 to vector<512x8xf32>
    %select_n3A_83 = arith.select %eq3A_78, %broadcast_in_dim3A_81, %broadcast_in_dim3A_82 : vector<512x8xi1>, vector<512x8xf32>
    %eq3A_84 = vector.broadcast %broadcast_in_dim3A_54 : vector<512x1xi32> to vector<512x8xi32>
    %eq3A_85 = arith.cmpi eq, %iota3A, %eq3A_84 : vector<512x8xi32>
    %jit3A_86 = arith.constant 1.000000e+00 : f32
    %jit3A_87 = arith.constant 0.000000e+00 : f32
    %broadcast_in_dim3A_88 = vector.broadcast %jit3A_86 : f32 to vector<512x8xf32>
    %broadcast_in_dim3A_89 = vector.broadcast %jit3A_87 : f32 to vector<512x8xf32>
    %select_n3A_90 = arith.select %eq3A_85, %broadcast_in_dim3A_88, %broadcast_in_dim3A_89 : vector<512x8xi1>, vector<512x8xf32>
    %add3A_91 = arith.addf %select_n3A_83, %select_n3A_90 : vector<512x8xf32>
    %iota3A_92 = tpu.iota {dimensions = array<i32: 0>} : vector<512x512xi32>
    %iota3A_93 = tpu.iota {dimensions = array<i32: 1>} : vector<512x512xi32>
    %ge3A = arith.cmpi sge, %iota3A_92, %iota3A_93 : vector<512x512xi32>
    %jit3A_94 = arith.constant 1.000000e+00 : f32
    %jit3A_95 = arith.constant 0.000000e+00 : f32
    %broadcast_in_dim3A_96 = vector.broadcast %jit3A_94 : f32 to vector<512x512xf32>
    %broadcast_in_dim3A_97 = vector.broadcast %jit3A_95 : f32 to vector<512x512xf32>
    %select_n3A_98 = arith.select %ge3A, %broadcast_in_dim3A_96, %broadcast_in_dim3A_97 : vector<512x512xi1>, vector<512x512xf32>
    %dot_general3A_99 = arith.constant dense<0.000000e+00> : vector<512x8xf32>
    %dot_general3A_100 = tpu.matmul %select_n3A_98, %add3A_91, %dot_general3A_99 {dimension_numbers = #tpu.dot_dimension_numbers<[1], [0], [0], [1], [0, 0, 1, 1], [], []>, transpose_lhs_hint = false} : vector<512x512xf32>, vector<512x8xf32>, vector<512x8xf32> -> vector<512x8xf32>
    %sub3A_101 = arith.subf %dot_general3A_100, %add3A_91 : vector<512x8xf32>
    %get3A_102 = arith.constant 0 : index
    %get3A_103 = arith.constant 0 : index
    %get3A_104 = vector.load %arg11[%get3A_102, %get3A_103] : memref<1x8xf32, #tpu.memory_space<vmem>>, vector<1x8xf32>
    %add3A_105 = vector.broadcast %get3A_104 : vector<1x8xf32> to vector<512x8xf32>
    %add3A_106 = arith.addf %sub3A_101, %add3A_105 : vector<512x8xf32>
    %eq3A_107 = vector.broadcast %broadcast_in_dim3A_38 : vector<512x1xi32> to vector<512x8xi32>
    %eq3A_108 = arith.cmpi eq, %iota3A, %eq3A_107 : vector<512x8xi32>
    %jit3A_109 = arith.constant 0.000000e+00 : f32
    %broadcast_in_dim3A_110 = vector.broadcast %jit3A_109 : f32 to vector<512x8xf32>
    %select_n3A_111 = arith.select %eq3A_108, %add3A_106, %broadcast_in_dim3A_110 : vector<512x8xi1>, vector<512x8xf32>
    %reduce_sum3A_112 = arith.constant dense<0.000000e+00> : vector<512xf32>
    %reduce_sum3A_113 = vector.multi_reduction <add>, %select_n3A_111, %reduce_sum3A_112 [1] : vector<512x8xf32> to vector<512xf32>
    %broadcast_in_dim3A_114 = vector.shape_cast %reduce_sum3A_113 : vector<512xf32> to vector<512x1xf32>
    %eq3A_115 = vector.broadcast %broadcast_in_dim3A_54 : vector<512x1xi32> to vector<512x8xi32>
    %eq3A_116 = arith.cmpi eq, %iota3A, %eq3A_115 : vector<512x8xi32>
    %jit3A_117 = arith.constant 0.000000e+00 : f32
    %broadcast_in_dim3A_118 = vector.broadcast %jit3A_117 : f32 to vector<512x8xf32>
    %select_n3A_119 = arith.select %eq3A_116, %add3A_106, %broadcast_in_dim3A_118 : vector<512x8xi1>, vector<512x8xf32>
    %reduce_sum3A_120 = arith.constant dense<0.000000e+00> : vector<512xf32>
    %reduce_sum3A_121 = vector.multi_reduction <add>, %select_n3A_119, %reduce_sum3A_120 [1] : vector<512x8xf32> to vector<512xf32>
    %broadcast_in_dim3A_122 = vector.shape_cast %reduce_sum3A_121 : vector<512xf32> to vector<512x1xf32>
    %concatenate3A_123 = tpu.concatenate %broadcast_in_dim3A_114, %broadcast_in_dim3A_122 in 1 : vector<512x1xf32>, vector<512x1xf32> -> vector<512x2xf32>
    %swap3A_124 = arith.constant 0 : index
    %swap3A_125 = arith.constant 0 : index
    %swap3A_126 = vector.load %arg9[%swap3A_124, %swap3A_125] : memref<512x2xf32, #tpu.memory_space<vmem>>, vector<512x2xf32>
    tpu.vector_store %arg9[%swap3A_124, %swap3A_125], %concatenate3A_123 {strides = array<i32>} : memref<512x2xf32, #tpu.memory_space<vmem>>, vector<512x2xf32>,
    %get3A_127 = arith.constant 0 : index
    %get3A_128 = arith.constant 0 : index
    %get3A_129 = vector.load %arg11[%get3A_127, %get3A_128] : memref<1x8xf32, #tpu.memory_space<vmem>>, vector<1x8xf32>
    %slice3A = vector.extract_strided_slice %dot_general3A_100 {offsets = [511, 0], sizes = [1, 8], strides = [1, 1]} : vector<512x8xf32> to vector<1x8xf32>
    %add3A_130 = arith.addf %get3A_129, %slice3A : vector<1x8xf32>
    %swap3A_131 = arith.constant 0 : index
    %swap3A_132 = arith.constant 0 : index
    %swap3A_133 = vector.load %arg11[%swap3A_131, %swap3A_132] : memref<1x8xf32, #tpu.memory_space<vmem>>, vector<1x8xf32>
    tpu.vector_store %arg11[%swap3A_131, %swap3A_132], %add3A_130 {strides = array<i32>} : memref<1x8xf32, #tpu.memory_space<vmem>>, vector<1x8xf32>,
    %swap3A_134 = arith.constant 0 : index
    %swap3A_135 = arith.constant 0 : index
    %swap3A_136 = vector.load %arg10[%swap3A_134, %swap3A_135] : memref<1x8xf32, #tpu.memory_space<vmem>>, vector<1x8xf32>
    tpu.vector_store %arg10[%swap3A_134, %swap3A_135], %add3A_130 {strides = array<i32>} : memref<1x8xf32, #tpu.memory_space<vmem>>, vector<1x8xf32>,
    return
  }
  func.func @transform_0(%arg0: i32) -> (i32, i32) {
    %c0_i32 = arith.constant 0 : i32
    %c0_i32_0 = arith.constant 0 : i32
    return %arg0, %c0_i32 : i32, i32
  }
  func.func @transform_1(%arg0: i32) -> (i32, i32) {
    %c0_i32 = arith.constant 0 : i32
    %c0_i32_0 = arith.constant 0 : i32
    %c0_i32_1 = arith.constant 0 : i32
    return %c0_i32, %c0_i32_0 : i32, i32
  }
  func.func @transform_2(%arg0: i32) -> i32 {
    %c0_i32 = arith.constant 0 : i32
    %c0_i32_0 = arith.constant 0 : i32
    return %c0_i32 : i32
  }
  func.func @transform_3(%arg0: i32) -> (i32, i32) {
    %c0_i32 = arith.constant 0 : i32
    %c0_i32_0 = arith.constant 0 : i32
    %c0_i32_1 = arith.constant 0 : i32
    return %c0_i32, %c0_i32_0 : i32, i32
  }
  func.func @transform_4(%arg0: i32) -> (i32, i32) {
    %c0_i32 = arith.constant 0 : i32
    %c0_i32_0 = arith.constant 0 : i32
    return %arg0, %c0_i32 : i32, i32
  }
  func.func @transform_5(%arg0: i32) -> (i32, i32) {
    %c0_i32 = arith.constant 0 : i32
    %c0_i32_0 = arith.constant 0 : i32
    return %arg0, %c0_i32 : i32, i32
  }
  func.func @transform_6(%arg0: i32) -> (i32, i32) {
    %c0_i32 = arith.constant 0 : i32
    %c0_i32_0 = arith.constant 0 : i32
    return %arg0, %c0_i32 : i32, i32
  }
  func.func @transform_7(%arg0: i32) -> (i32, i32) {
    %c0_i32 = arith.constant 0 : i32
    %c0_i32_0 = arith.constant 0 : i32
    return %arg0, %c0_i32 : i32, i32
  }
  func.func @transform_8(%arg0: i32) -> (i32, i32) {
    %c0_i32 = arith.constant 0 : i32
    %c0_i32_0 = arith.constant 0 : i32
    return %arg0, %c0_i32 : i32, i32
  }
  func.func @transform_9(%arg0: i32) -> (i32, i32) {
    %c0_i32 = arith.constant 0 : i32
    %c0_i32_0 = arith.constant 0 : i32
    %c0_i32_1 = arith.constant 0 : i32
    return %c0_i32, %c0_i32_0 : i32, i32
  }
}

module attributes {stable_mosaic.version = 14 : i64} {
  func.func @_plan_body(%arg0: i32, %arg1: memref<4096x2xi32, #tpu.memory_space<vmem>>, %arg2: memref<4096x2xf32, #tpu.memory_space<vmem>>, %arg3: memref<1x8xf32, #tpu.memory_space<vmem>>, %arg4: memref<4096x2xi32, #tpu.memory_space<vmem>>, %arg5: memref<1x40xi32, #tpu.memory_space<vmem>>) attributes {dimension_semantics = [#tpu.dimension_semantics<arbitrary>], iteration_bounds = array<i64: 1>, scalar_prefetch = 0 : i64, scratch_operands = 0 : i64, tpu.core_type = #tpu.core_type<tc>, window_params = [{pipeline_mode = #tpu.pipeline_mode<synchronous>, transform_indices = @transform_0, window_bounds = array<i64: 4096, 2>}, {pipeline_mode = #tpu.pipeline_mode<synchronous>, transform_indices = @transform_1, window_bounds = array<i64: 4096, 2>}, {pipeline_mode = #tpu.pipeline_mode<synchronous>, transform_indices = @transform_2, window_bounds = array<i64: 1, 8>}, {pipeline_mode = #tpu.pipeline_mode<synchronous>, transform_indices = @transform_3, window_bounds = array<i64: 4096, 2>}, {pipeline_mode = #tpu.pipeline_mode<synchronous>, transform_indices = @transform_4, window_bounds = array<i64: 1, 40>}]} {
    %get3A = arith.constant 0 : index
    %get3A_0 = arith.constant 0 : index
    %get3A_1 = vector.load %arg3[%get3A, %get3A_0] : memref<1x8xf32, #tpu.memory_space<vmem>>, vector<1x8xf32>
    %add3A = arith.constant 2.550000e+02 : f32
    %add3A_2 = vector.broadcast %add3A : f32 to vector<1x8xf32>
    %add3A_3 = arith.addf %get3A_1, %add3A_2 : vector<1x8xf32>
    %div3A = arith.constant 2.560000e+02 : f32
    %div3A_4 = vector.broadcast %div3A : f32 to vector<1x8xf32>
    %div3A_5 = arith.divf %add3A_3, %div3A_4 : vector<1x8xf32>
    %floor3A = math.floor %div3A_5 : vector<1x8xf32>
    %mul3A = arith.constant 2.560000e+02 : f32
    %mul3A_6 = vector.broadcast %mul3A : f32 to vector<1x8xf32>
    %mul3A_7 = arith.mulf %floor3A, %mul3A_6 : vector<1x8xf32>
    %iota3A = tpu.iota {dimensions = array<i32: 0>} : vector<8x8xi32>
    %iota3A_8 = tpu.iota {dimensions = array<i32: 1>} : vector<8x8xi32>
    %le3A = arith.cmpi sle, %iota3A, %iota3A_8 : vector<8x8xi32>
    %jit3A = arith.constant 1.000000e+00 : f32
    %jit3A_9 = arith.constant 0.000000e+00 : f32
    %broadcast_in_dim3A = vector.broadcast %jit3A : f32 to vector<8x8xf32>
    %broadcast_in_dim3A_10 = vector.broadcast %jit3A_9 : f32 to vector<8x8xf32>
    %select_n3A = arith.select %le3A, %broadcast_in_dim3A, %broadcast_in_dim3A_10 : vector<8x8xi1>, vector<8x8xf32>
    %dot_general3A = arith.constant dense<0.000000e+00> : vector<1x8xf32>
    %dot_general3A_11 = tpu.matmul %mul3A_7, %select_n3A, %dot_general3A {dimension_numbers = #tpu.dot_dimension_numbers<[1], [0], [0], [1], [0, 0, 1, 1], [], []>, transpose_lhs_hint = false} : vector<1x8xf32>, vector<8x8xf32>, vector<1x8xf32> -> vector<1x8xf32>
    %sub3A = arith.subf %dot_general3A_11, %mul3A_7 : vector<1x8xf32>
    %get3A_12 = arith.constant 0 : index
    %get3A_13 = arith.constant 0 : index
    %get3A_14 = vector.load %arg1[%get3A_12, %get3A_13] : memref<4096x2xi32, #tpu.memory_space<vmem>>, vector<4096x2xi32>
    %get3A_15 = arith.constant 0 : index
    %get3A_16 = arith.constant 0 : index
    %get3A_17 = vector.load %arg2[%get3A_15, %get3A_16] : memref<4096x2xf32, #tpu.memory_space<vmem>>, vector<4096x2xf32>
    %eq3A = arith.constant 0 : i32
    %eq3A_18 = vector.broadcast %eq3A : i32 to vector<4096x2xi32>
    %eq3A_19 = arith.cmpi eq, %get3A_14, %eq3A_18 : vector<4096x2xi32>
    %slice3A = vector.extract_strided_slice %sub3A {offsets = [0, 0], sizes = [1, 1], strides = [1, 1]} : vector<1x8xf32> to vector<1x1xf32>
    %jit3A_20 = arith.constant 0.000000e+00 : f32
    %broadcast_in_dim3A_21 = vector.shape_cast %slice3A : vector<1x1xf32> to vector<1x1xf32>
    %broadcast_in_dim3A_22 = vector.broadcast %broadcast_in_dim3A_21 : vector<1x1xf32> to vector<4096x2xf32>
    %broadcast_in_dim3A_23 = vector.broadcast %jit3A_20 : f32 to vector<4096x2xf32>
    %select_n3A_24 = arith.select %eq3A_19, %broadcast_in_dim3A_22, %broadcast_in_dim3A_23 : vector<4096x2xi1>, vector<4096x2xf32>
    %add3A_25 = arith.addf %get3A_17, %select_n3A_24 : vector<4096x2xf32>
    %eq3A_26 = arith.constant 1 : i32
    %eq3A_27 = vector.broadcast %eq3A_26 : i32 to vector<4096x2xi32>
    %eq3A_28 = arith.cmpi eq, %get3A_14, %eq3A_27 : vector<4096x2xi32>
    %slice3A_29 = vector.extract_strided_slice %sub3A {offsets = [0, 1], sizes = [1, 1], strides = [1, 1]} : vector<1x8xf32> to vector<1x1xf32>
    %jit3A_30 = arith.constant 0.000000e+00 : f32
    %broadcast_in_dim3A_31 = vector.shape_cast %slice3A_29 : vector<1x1xf32> to vector<1x1xf32>
    %broadcast_in_dim3A_32 = vector.broadcast %broadcast_in_dim3A_31 : vector<1x1xf32> to vector<4096x2xf32>
    %broadcast_in_dim3A_33 = vector.broadcast %jit3A_30 : f32 to vector<4096x2xf32>
    %select_n3A_34 = arith.select %eq3A_28, %broadcast_in_dim3A_32, %broadcast_in_dim3A_33 : vector<4096x2xi1>, vector<4096x2xf32>
    %add3A_35 = arith.addf %add3A_25, %select_n3A_34 : vector<4096x2xf32>
    %eq3A_36 = arith.constant 2 : i32
    %eq3A_37 = vector.broadcast %eq3A_36 : i32 to vector<4096x2xi32>
    %eq3A_38 = arith.cmpi eq, %get3A_14, %eq3A_37 : vector<4096x2xi32>
    %slice3A_39 = vector.extract_strided_slice %sub3A {offsets = [0, 2], sizes = [1, 1], strides = [1, 1]} : vector<1x8xf32> to vector<1x1xf32>
    %jit3A_40 = arith.constant 0.000000e+00 : f32
    %broadcast_in_dim3A_41 = vector.shape_cast %slice3A_39 : vector<1x1xf32> to vector<1x1xf32>
    %broadcast_in_dim3A_42 = vector.broadcast %broadcast_in_dim3A_41 : vector<1x1xf32> to vector<4096x2xf32>
    %broadcast_in_dim3A_43 = vector.broadcast %jit3A_40 : f32 to vector<4096x2xf32>
    %select_n3A_44 = arith.select %eq3A_38, %broadcast_in_dim3A_42, %broadcast_in_dim3A_43 : vector<4096x2xi1>, vector<4096x2xf32>
    %add3A_45 = arith.addf %add3A_35, %select_n3A_44 : vector<4096x2xf32>
    %eq3A_46 = arith.constant 3 : i32
    %eq3A_47 = vector.broadcast %eq3A_46 : i32 to vector<4096x2xi32>
    %eq3A_48 = arith.cmpi eq, %get3A_14, %eq3A_47 : vector<4096x2xi32>
    %slice3A_49 = vector.extract_strided_slice %sub3A {offsets = [0, 3], sizes = [1, 1], strides = [1, 1]} : vector<1x8xf32> to vector<1x1xf32>
    %jit3A_50 = arith.constant 0.000000e+00 : f32
    %broadcast_in_dim3A_51 = vector.shape_cast %slice3A_49 : vector<1x1xf32> to vector<1x1xf32>
    %broadcast_in_dim3A_52 = vector.broadcast %broadcast_in_dim3A_51 : vector<1x1xf32> to vector<4096x2xf32>
    %broadcast_in_dim3A_53 = vector.broadcast %jit3A_50 : f32 to vector<4096x2xf32>
    %select_n3A_54 = arith.select %eq3A_48, %broadcast_in_dim3A_52, %broadcast_in_dim3A_53 : vector<4096x2xi1>, vector<4096x2xf32>
    %add3A_55 = arith.addf %add3A_45, %select_n3A_54 : vector<4096x2xf32>
    %eq3A_56 = arith.constant 4 : i32
    %eq3A_57 = vector.broadcast %eq3A_56 : i32 to vector<4096x2xi32>
    %eq3A_58 = arith.cmpi eq, %get3A_14, %eq3A_57 : vector<4096x2xi32>
    %slice3A_59 = vector.extract_strided_slice %sub3A {offsets = [0, 4], sizes = [1, 1], strides = [1, 1]} : vector<1x8xf32> to vector<1x1xf32>
    %jit3A_60 = arith.constant 0.000000e+00 : f32
    %broadcast_in_dim3A_61 = vector.shape_cast %slice3A_59 : vector<1x1xf32> to vector<1x1xf32>
    %broadcast_in_dim3A_62 = vector.broadcast %broadcast_in_dim3A_61 : vector<1x1xf32> to vector<4096x2xf32>
    %broadcast_in_dim3A_63 = vector.broadcast %jit3A_60 : f32 to vector<4096x2xf32>
    %select_n3A_64 = arith.select %eq3A_58, %broadcast_in_dim3A_62, %broadcast_in_dim3A_63 : vector<4096x2xi1>, vector<4096x2xf32>
    %add3A_65 = arith.addf %add3A_55, %select_n3A_64 : vector<4096x2xf32>
    %eq3A_66 = arith.constant 5 : i32
    %eq3A_67 = vector.broadcast %eq3A_66 : i32 to vector<4096x2xi32>
    %eq3A_68 = arith.cmpi eq, %get3A_14, %eq3A_67 : vector<4096x2xi32>
    %slice3A_69 = vector.extract_strided_slice %sub3A {offsets = [0, 5], sizes = [1, 1], strides = [1, 1]} : vector<1x8xf32> to vector<1x1xf32>
    %jit3A_70 = arith.constant 0.000000e+00 : f32
    %broadcast_in_dim3A_71 = vector.shape_cast %slice3A_69 : vector<1x1xf32> to vector<1x1xf32>
    %broadcast_in_dim3A_72 = vector.broadcast %broadcast_in_dim3A_71 : vector<1x1xf32> to vector<4096x2xf32>
    %broadcast_in_dim3A_73 = vector.broadcast %jit3A_70 : f32 to vector<4096x2xf32>
    %select_n3A_74 = arith.select %eq3A_68, %broadcast_in_dim3A_72, %broadcast_in_dim3A_73 : vector<4096x2xi1>, vector<4096x2xf32>
    %add3A_75 = arith.addf %add3A_65, %select_n3A_74 : vector<4096x2xf32>
    %eq3A_76 = arith.constant 6 : i32
    %eq3A_77 = vector.broadcast %eq3A_76 : i32 to vector<4096x2xi32>
    %eq3A_78 = arith.cmpi eq, %get3A_14, %eq3A_77 : vector<4096x2xi32>
    %slice3A_79 = vector.extract_strided_slice %sub3A {offsets = [0, 6], sizes = [1, 1], strides = [1, 1]} : vector<1x8xf32> to vector<1x1xf32>
    %jit3A_80 = arith.constant 0.000000e+00 : f32
    %broadcast_in_dim3A_81 = vector.shape_cast %slice3A_79 : vector<1x1xf32> to vector<1x1xf32>
    %broadcast_in_dim3A_82 = vector.broadcast %broadcast_in_dim3A_81 : vector<1x1xf32> to vector<4096x2xf32>
    %broadcast_in_dim3A_83 = vector.broadcast %jit3A_80 : f32 to vector<4096x2xf32>
    %select_n3A_84 = arith.select %eq3A_78, %broadcast_in_dim3A_82, %broadcast_in_dim3A_83 : vector<4096x2xi1>, vector<4096x2xf32>
    %add3A_85 = arith.addf %add3A_75, %select_n3A_84 : vector<4096x2xf32>
    %eq3A_86 = arith.constant 7 : i32
    %eq3A_87 = vector.broadcast %eq3A_86 : i32 to vector<4096x2xi32>
    %eq3A_88 = arith.cmpi eq, %get3A_14, %eq3A_87 : vector<4096x2xi32>
    %slice3A_89 = vector.extract_strided_slice %sub3A {offsets = [0, 7], sizes = [1, 1], strides = [1, 1]} : vector<1x8xf32> to vector<1x1xf32>
    %jit3A_90 = arith.constant 0.000000e+00 : f32
    %broadcast_in_dim3A_91 = vector.shape_cast %slice3A_89 : vector<1x1xf32> to vector<1x1xf32>
    %broadcast_in_dim3A_92 = vector.broadcast %broadcast_in_dim3A_91 : vector<1x1xf32> to vector<4096x2xf32>
    %broadcast_in_dim3A_93 = vector.broadcast %jit3A_90 : f32 to vector<4096x2xf32>
    %select_n3A_94 = arith.select %eq3A_88, %broadcast_in_dim3A_92, %broadcast_in_dim3A_93 : vector<4096x2xi1>, vector<4096x2xf32>
    %add3A_95 = arith.addf %add3A_85, %select_n3A_94 : vector<4096x2xf32>
    %convert_element_type3A = arith.fptosi %add3A_95 : vector<4096x2xf32> to vector<4096x2xi32>
    %swap3A = arith.constant 0 : index
    %swap3A_96 = arith.constant 0 : index
    %swap3A_97 = vector.load %arg4[%swap3A, %swap3A_96] : memref<4096x2xi32, #tpu.memory_space<vmem>>, vector<4096x2xi32>
    tpu.vector_store %arg4[%swap3A, %swap3A_96], %convert_element_type3A {strides = array<i32>} : memref<4096x2xi32, #tpu.memory_space<vmem>>, vector<4096x2xi32>,
    %iota3A_98 = tpu.iota {dimensions = array<i32: 1>} : vector<1x40xi32>
    %convert_element_type3A_99 = arith.sitofp %iota3A_98 : vector<1x40xi32> to vector<1x40xf32>
    %mul3A_100 = arith.constant 2.560000e+02 : f32
    %mul3A_101 = vector.broadcast %mul3A_100 : f32 to vector<1x40xf32>
    %mul3A_102 = arith.mulf %convert_element_type3A_99, %mul3A_101 : vector<1x40xf32>
    %broadcast_in_dim3A_103 = arith.constant 0.000000e+00 : f32
    %broadcast_in_dim3A_104 = vector.broadcast %broadcast_in_dim3A_103 : f32 to vector<1x40xf32>
    %slice3A_105 = vector.extract_strided_slice %dot_general3A_11 {offsets = [0, 0], sizes = [1, 1], strides = [1, 1]} : vector<1x8xf32> to vector<1x1xf32>
    %ge3A = vector.broadcast %slice3A_105 : vector<1x1xf32> to vector<1x40xf32>
    %ge3A_106 = arith.cmpf oge, %mul3A_102, %ge3A : vector<1x40xf32>
    %jit3A_107 = arith.constant 1.000000e+00 : f32
    %jit3A_108 = arith.constant 0.000000e+00 : f32
    %broadcast_in_dim3A_109 = vector.broadcast %jit3A_107 : f32 to vector<1x40xf32>
    %broadcast_in_dim3A_110 = vector.broadcast %jit3A_108 : f32 to vector<1x40xf32>
    %select_n3A_111 = arith.select %ge3A_106, %broadcast_in_dim3A_109, %broadcast_in_dim3A_110 : vector<1x40xi1>, vector<1x40xf32>
    %add3A_112 = arith.addf %broadcast_in_dim3A_104, %select_n3A_111 : vector<1x40xf32>
    %slice3A_113 = vector.extract_strided_slice %dot_general3A_11 {offsets = [0, 1], sizes = [1, 1], strides = [1, 1]} : vector<1x8xf32> to vector<1x1xf32>
    %ge3A_114 = vector.broadcast %slice3A_113 : vector<1x1xf32> to vector<1x40xf32>
    %ge3A_115 = arith.cmpf oge, %mul3A_102, %ge3A_114 : vector<1x40xf32>
    %jit3A_116 = arith.constant 1.000000e+00 : f32
    %jit3A_117 = arith.constant 0.000000e+00 : f32
    %broadcast_in_dim3A_118 = vector.broadcast %jit3A_116 : f32 to vector<1x40xf32>
    %broadcast_in_dim3A_119 = vector.broadcast %jit3A_117 : f32 to vector<1x40xf32>
    %select_n3A_120 = arith.select %ge3A_115, %broadcast_in_dim3A_118, %broadcast_in_dim3A_119 : vector<1x40xi1>, vector<1x40xf32>
    %add3A_121 = arith.addf %add3A_112, %select_n3A_120 : vector<1x40xf32>
    %slice3A_122 = vector.extract_strided_slice %dot_general3A_11 {offsets = [0, 2], sizes = [1, 1], strides = [1, 1]} : vector<1x8xf32> to vector<1x1xf32>
    %ge3A_123 = vector.broadcast %slice3A_122 : vector<1x1xf32> to vector<1x40xf32>
    %ge3A_124 = arith.cmpf oge, %mul3A_102, %ge3A_123 : vector<1x40xf32>
    %jit3A_125 = arith.constant 1.000000e+00 : f32
    %jit3A_126 = arith.constant 0.000000e+00 : f32
    %broadcast_in_dim3A_127 = vector.broadcast %jit3A_125 : f32 to vector<1x40xf32>
    %broadcast_in_dim3A_128 = vector.broadcast %jit3A_126 : f32 to vector<1x40xf32>
    %select_n3A_129 = arith.select %ge3A_124, %broadcast_in_dim3A_127, %broadcast_in_dim3A_128 : vector<1x40xi1>, vector<1x40xf32>
    %add3A_130 = arith.addf %add3A_121, %select_n3A_129 : vector<1x40xf32>
    %slice3A_131 = vector.extract_strided_slice %dot_general3A_11 {offsets = [0, 3], sizes = [1, 1], strides = [1, 1]} : vector<1x8xf32> to vector<1x1xf32>
    %ge3A_132 = vector.broadcast %slice3A_131 : vector<1x1xf32> to vector<1x40xf32>
    %ge3A_133 = arith.cmpf oge, %mul3A_102, %ge3A_132 : vector<1x40xf32>
    %jit3A_134 = arith.constant 1.000000e+00 : f32
    %jit3A_135 = arith.constant 0.000000e+00 : f32
    %broadcast_in_dim3A_136 = vector.broadcast %jit3A_134 : f32 to vector<1x40xf32>
    %broadcast_in_dim3A_137 = vector.broadcast %jit3A_135 : f32 to vector<1x40xf32>
    %select_n3A_138 = arith.select %ge3A_133, %broadcast_in_dim3A_136, %broadcast_in_dim3A_137 : vector<1x40xi1>, vector<1x40xf32>
    %add3A_139 = arith.addf %add3A_130, %select_n3A_138 : vector<1x40xf32>
    %slice3A_140 = vector.extract_strided_slice %dot_general3A_11 {offsets = [0, 4], sizes = [1, 1], strides = [1, 1]} : vector<1x8xf32> to vector<1x1xf32>
    %ge3A_141 = vector.broadcast %slice3A_140 : vector<1x1xf32> to vector<1x40xf32>
    %ge3A_142 = arith.cmpf oge, %mul3A_102, %ge3A_141 : vector<1x40xf32>
    %jit3A_143 = arith.constant 1.000000e+00 : f32
    %jit3A_144 = arith.constant 0.000000e+00 : f32
    %broadcast_in_dim3A_145 = vector.broadcast %jit3A_143 : f32 to vector<1x40xf32>
    %broadcast_in_dim3A_146 = vector.broadcast %jit3A_144 : f32 to vector<1x40xf32>
    %select_n3A_147 = arith.select %ge3A_142, %broadcast_in_dim3A_145, %broadcast_in_dim3A_146 : vector<1x40xi1>, vector<1x40xf32>
    %add3A_148 = arith.addf %add3A_139, %select_n3A_147 : vector<1x40xf32>
    %slice3A_149 = vector.extract_strided_slice %dot_general3A_11 {offsets = [0, 5], sizes = [1, 1], strides = [1, 1]} : vector<1x8xf32> to vector<1x1xf32>
    %ge3A_150 = vector.broadcast %slice3A_149 : vector<1x1xf32> to vector<1x40xf32>
    %ge3A_151 = arith.cmpf oge, %mul3A_102, %ge3A_150 : vector<1x40xf32>
    %jit3A_152 = arith.constant 1.000000e+00 : f32
    %jit3A_153 = arith.constant 0.000000e+00 : f32
    %broadcast_in_dim3A_154 = vector.broadcast %jit3A_152 : f32 to vector<1x40xf32>
    %broadcast_in_dim3A_155 = vector.broadcast %jit3A_153 : f32 to vector<1x40xf32>
    %select_n3A_156 = arith.select %ge3A_151, %broadcast_in_dim3A_154, %broadcast_in_dim3A_155 : vector<1x40xi1>, vector<1x40xf32>
    %add3A_157 = arith.addf %add3A_148, %select_n3A_156 : vector<1x40xf32>
    %slice3A_158 = vector.extract_strided_slice %dot_general3A_11 {offsets = [0, 6], sizes = [1, 1], strides = [1, 1]} : vector<1x8xf32> to vector<1x1xf32>
    %ge3A_159 = vector.broadcast %slice3A_158 : vector<1x1xf32> to vector<1x40xf32>
    %ge3A_160 = arith.cmpf oge, %mul3A_102, %ge3A_159 : vector<1x40xf32>
    %jit3A_161 = arith.constant 1.000000e+00 : f32
    %jit3A_162 = arith.constant 0.000000e+00 : f32
    %broadcast_in_dim3A_163 = vector.broadcast %jit3A_161 : f32 to vector<1x40xf32>
    %broadcast_in_dim3A_164 = vector.broadcast %jit3A_162 : f32 to vector<1x40xf32>
    %select_n3A_165 = arith.select %ge3A_160, %broadcast_in_dim3A_163, %broadcast_in_dim3A_164 : vector<1x40xi1>, vector<1x40xf32>
    %add3A_166 = arith.addf %add3A_157, %select_n3A_165 : vector<1x40xf32>
    %slice3A_167 = vector.extract_strided_slice %dot_general3A_11 {offsets = [0, 7], sizes = [1, 1], strides = [1, 1]} : vector<1x8xf32> to vector<1x1xf32>
    %ge3A_168 = vector.broadcast %slice3A_167 : vector<1x1xf32> to vector<1x40xf32>
    %ge3A_169 = arith.cmpf oge, %mul3A_102, %ge3A_168 : vector<1x40xf32>
    %jit3A_170 = arith.constant 1.000000e+00 : f32
    %jit3A_171 = arith.constant 0.000000e+00 : f32
    %broadcast_in_dim3A_172 = vector.broadcast %jit3A_170 : f32 to vector<1x40xf32>
    %broadcast_in_dim3A_173 = vector.broadcast %jit3A_171 : f32 to vector<1x40xf32>
    %select_n3A_174 = arith.select %ge3A_169, %broadcast_in_dim3A_172, %broadcast_in_dim3A_173 : vector<1x40xi1>, vector<1x40xf32>
    %add3A_175 = arith.addf %add3A_166, %select_n3A_174 : vector<1x40xf32>
    %min3A = arith.constant 7.000000e+00 : f32
    %min3A_176 = vector.broadcast %min3A : f32 to vector<1x40xf32>
    %min3A_177 = arith.minimumf %add3A_175, %min3A_176 : vector<1x40xf32>
    %convert_element_type3A_178 = arith.fptosi %min3A_177 : vector<1x40xf32> to vector<1x40xi32>
    %swap3A_179 = arith.constant 0 : index
    %swap3A_180 = arith.constant 0 : index
    %swap3A_181 = vector.load %arg5[%swap3A_179, %swap3A_180] : memref<1x40xi32, #tpu.memory_space<vmem>>, vector<1x40xi32>
    tpu.vector_store %arg5[%swap3A_179, %swap3A_180], %convert_element_type3A_178 {strides = array<i32>} : memref<1x40xi32, #tpu.memory_space<vmem>>, vector<1x40xi32>,
    return
  }
  func.func @transform_0(%arg0: i32) -> (i32, i32) {
    %c0_i32 = arith.constant 0 : i32
    %c0_i32_0 = arith.constant 0 : i32
    %c0_i32_1 = arith.constant 0 : i32
    return %c0_i32, %c0_i32_0 : i32, i32
  }
  func.func @transform_1(%arg0: i32) -> (i32, i32) {
    %c0_i32 = arith.constant 0 : i32
    %c0_i32_0 = arith.constant 0 : i32
    %c0_i32_1 = arith.constant 0 : i32
    return %c0_i32, %c0_i32_0 : i32, i32
  }
  func.func @transform_2(%arg0: i32) -> (i32, i32) {
    %c0_i32 = arith.constant 0 : i32
    %c0_i32_0 = arith.constant 0 : i32
    %c0_i32_1 = arith.constant 0 : i32
    return %c0_i32, %c0_i32_0 : i32, i32
  }
  func.func @transform_3(%arg0: i32) -> (i32, i32) {
    %c0_i32 = arith.constant 0 : i32
    %c0_i32_0 = arith.constant 0 : i32
    %c0_i32_1 = arith.constant 0 : i32
    return %c0_i32, %c0_i32_0 : i32, i32
  }
  func.func @transform_4(%arg0: i32) -> (i32, i32) {
    %c0_i32 = arith.constant 0 : i32
    %c0_i32_0 = arith.constant 0 : i32
    %c0_i32_1 = arith.constant 0 : i32
    return %c0_i32, %c0_i32_0 : i32, i32
  }
}

module attributes {stable_mosaic.version = 14 : i64} {
  func.func @_experts_body(%arg0: i32, %arg1: memref<40xi32, #tpu.memory_space<smem>>, %arg2: memref<256x1024xf32, #tpu.memory_space<vmem>>, %arg3: memref<1x1024x1024xf32, #tpu.memory_space<vmem>>, %arg4: memref<1x1x1024xf32, #tpu.memory_space<vmem>>, %arg5: memref<1x1024x512xf32, #tpu.memory_space<vmem>>, %arg6: memref<1x1x512xf32, #tpu.memory_space<vmem>>, %arg7: memref<1x512x1024xf32, #tpu.memory_space<vmem>>, %arg8: memref<1x1x1024xf32, #tpu.memory_space<vmem>>, %arg9: memref<256x1xf32, #tpu.memory_space<vmem>>, %arg10: memref<256x1024xf32, #tpu.memory_space<vmem>>) attributes {dimension_semantics = [#tpu.dimension_semantics<arbitrary>], iteration_bounds = array<i64: 40>, scalar_prefetch = 1 : i64, scratch_operands = 0 : i64, tpu.core_type = #tpu.core_type<tc>, window_params = [{transform_indices = @transform_0, window_bounds = array<i64: 256, 1024>}, {transform_indices = @transform_1, window_bounds = array<i64: 1, 1024, 1024>}, {transform_indices = @transform_2, window_bounds = array<i64: 1, 1, 1024>}, {transform_indices = @transform_3, window_bounds = array<i64: 1, 1024, 512>}, {transform_indices = @transform_4, window_bounds = array<i64: 1, 1, 512>}, {transform_indices = @transform_5, window_bounds = array<i64: 1, 512, 1024>}, {transform_indices = @transform_6, window_bounds = array<i64: 1, 1, 1024>}, {transform_indices = @transform_7, window_bounds = array<i64: 256, 1>}, {transform_indices = @transform_8, window_bounds = array<i64: 256, 1024>}]} {
    %get3A = arith.constant 0 : index
    %get3A_0 = arith.constant 0 : index
    %get3A_1 = vector.load %arg2[%get3A, %get3A_0] : memref<256x1024xf32, #tpu.memory_space<vmem>>, vector<256x1024xf32>
    %get3A_2 = arith.constant 0 : index
    %get3A_3 = arith.constant 0 : index
    %get3A_4 = arith.constant 0 : index
    %get3A_5 = vector.load %arg3[%get3A_2, %get3A_3, %get3A_4] : memref<1x1024x1024xf32, #tpu.memory_space<vmem>>, vector<1x1024x1024xf32>
    %get3A_6 = vector.shape_cast %get3A_5 : vector<1x1024x1024xf32> to vector<1024x1024xf32>
    %dot_general3A = arith.constant dense<0.000000e+00> : vector<256x1024xf32>
    %dot_general3A_7 = tpu.matmul %get3A_1, %get3A_6, %dot_general3A {dimension_numbers = #tpu.dot_dimension_numbers<[1], [0], [0], [1], [0, 0, 1, 1], [], []>, transpose_lhs_hint = false} : vector<256x1024xf32>, vector<1024x1024xf32>, vector<256x1024xf32> -> vector<256x1024xf32>
    %get3A_8 = arith.constant 0 : index
    %get3A_9 = arith.constant 0 : index
    %get3A_10 = arith.constant 0 : index
    %get3A_11 = vector.load %arg4[%get3A_8, %get3A_9, %get3A_10] : memref<1x1x1024xf32, #tpu.memory_space<vmem>>, vector<1x1x1024xf32>
    %get3A_12 = vector.shape_cast %get3A_11 : vector<1x1x1024xf32> to vector<1x1024xf32>
    %add3A = vector.broadcast %get3A_12 : vector<1x1024xf32> to vector<256x1024xf32>
    %add3A_13 = arith.addf %dot_general3A_7, %add3A : vector<256x1024xf32>
    %max3A = arith.constant 0.000000e+00 : f32
    %max3A_14 = vector.broadcast %max3A : f32 to vector<256x1024xf32>
    %max3A_15 = arith.maximumf %add3A_13, %max3A_14 : vector<256x1024xf32>
    %get3A_16 = arith.constant 0 : index
    %get3A_17 = arith.constant 0 : index
    %get3A_18 = arith.constant 0 : index
    %get3A_19 = vector.load %arg5[%get3A_16, %get3A_17, %get3A_18] : memref<1x1024x512xf32, #tpu.memory_space<vmem>>, vector<1x1024x512xf32>
    %get3A_20 = vector.shape_cast %get3A_19 : vector<1x1024x512xf32> to vector<1024x512xf32>
    %dot_general3A_21 = arith.constant dense<0.000000e+00> : vector<256x512xf32>
    %dot_general3A_22 = tpu.matmul %max3A_15, %get3A_20, %dot_general3A_21 {dimension_numbers = #tpu.dot_dimension_numbers<[1], [0], [0], [1], [0, 0, 1, 1], [], []>, transpose_lhs_hint = false} : vector<256x1024xf32>, vector<1024x512xf32>, vector<256x512xf32> -> vector<256x512xf32>
    %get3A_23 = arith.constant 0 : index
    %get3A_24 = arith.constant 0 : index
    %get3A_25 = arith.constant 0 : index
    %get3A_26 = vector.load %arg6[%get3A_23, %get3A_24, %get3A_25] : memref<1x1x512xf32, #tpu.memory_space<vmem>>, vector<1x1x512xf32>
    %get3A_27 = vector.shape_cast %get3A_26 : vector<1x1x512xf32> to vector<1x512xf32>
    %add3A_28 = vector.broadcast %get3A_27 : vector<1x512xf32> to vector<256x512xf32>
    %add3A_29 = arith.addf %dot_general3A_22, %add3A_28 : vector<256x512xf32>
    %max3A_30 = arith.constant 0.000000e+00 : f32
    %max3A_31 = vector.broadcast %max3A_30 : f32 to vector<256x512xf32>
    %max3A_32 = arith.maximumf %add3A_29, %max3A_31 : vector<256x512xf32>
    %get3A_33 = arith.constant 0 : index
    %get3A_34 = arith.constant 0 : index
    %get3A_35 = arith.constant 0 : index
    %get3A_36 = vector.load %arg7[%get3A_33, %get3A_34, %get3A_35] : memref<1x512x1024xf32, #tpu.memory_space<vmem>>, vector<1x512x1024xf32>
    %get3A_37 = vector.shape_cast %get3A_36 : vector<1x512x1024xf32> to vector<512x1024xf32>
    %dot_general3A_38 = arith.constant dense<0.000000e+00> : vector<256x1024xf32>
    %dot_general3A_39 = tpu.matmul %max3A_32, %get3A_37, %dot_general3A_38 {dimension_numbers = #tpu.dot_dimension_numbers<[1], [0], [0], [1], [0, 0, 1, 1], [], []>, transpose_lhs_hint = false} : vector<256x512xf32>, vector<512x1024xf32>, vector<256x1024xf32> -> vector<256x1024xf32>
    %get3A_40 = arith.constant 0 : index
    %get3A_41 = arith.constant 0 : index
    %get3A_42 = arith.constant 0 : index
    %get3A_43 = vector.load %arg8[%get3A_40, %get3A_41, %get3A_42] : memref<1x1x1024xf32, #tpu.memory_space<vmem>>, vector<1x1x1024xf32>
    %get3A_44 = vector.shape_cast %get3A_43 : vector<1x1x1024xf32> to vector<1x1024xf32>
    %add3A_45 = vector.broadcast %get3A_44 : vector<1x1024xf32> to vector<256x1024xf32>
    %add3A_46 = arith.addf %dot_general3A_39, %add3A_45 : vector<256x1024xf32>
    %get3A_47 = arith.constant 0 : index
    %get3A_48 = arith.constant 0 : index
    %get3A_49 = vector.load %arg9[%get3A_47, %get3A_48] : memref<256x1xf32, #tpu.memory_space<vmem>>, vector<256x1xf32>
    %mul3A = vector.broadcast %get3A_49 : vector<256x1xf32> to vector<256x1024xf32>
    %mul3A_50 = arith.mulf %add3A_46, %mul3A : vector<256x1024xf32>
    %swap3A = arith.constant 0 : index
    %swap3A_51 = arith.constant 0 : index
    %swap3A_52 = vector.load %arg10[%swap3A, %swap3A_51] : memref<256x1024xf32, #tpu.memory_space<vmem>>, vector<256x1024xf32>
    tpu.vector_store %arg10[%swap3A, %swap3A_51], %mul3A_50 {strides = array<i32>} : memref<256x1024xf32, #tpu.memory_space<vmem>>, vector<256x1024xf32>,
    return
  }
  func.func @transform_0(%arg0: i32, %arg1: memref<40xi32, #tpu.memory_space<smem>>) -> (i32, i32) {
    %c0_i32 = arith.constant 0 : i32
    %c0_i32_0 = arith.constant 0 : i32
    return %arg0, %c0_i32 : i32, i32
  }
  func.func @transform_1(%arg0: i32, %arg1: memref<40xi32, #tpu.memory_space<smem>>) -> (i32, i32, i32) {
    %get3A = arith.index_cast %arg0 : i32 to index
    %get3A_0 = memref.load %arg1[%get3A] : memref<40xi32, #tpu.memory_space<smem>>
    %c0_i32 = arith.constant 0 : i32
    %c0_i32_1 = arith.constant 0 : i32
    %c0_i32_2 = arith.constant 0 : i32
    return %get3A_0, %c0_i32, %c0_i32_1 : i32, i32, i32
  }
  func.func @transform_2(%arg0: i32, %arg1: memref<40xi32, #tpu.memory_space<smem>>) -> (i32, i32, i32) {
    %get3A = arith.index_cast %arg0 : i32 to index
    %get3A_0 = memref.load %arg1[%get3A] : memref<40xi32, #tpu.memory_space<smem>>
    %c0_i32 = arith.constant 0 : i32
    %c0_i32_1 = arith.constant 0 : i32
    %c0_i32_2 = arith.constant 0 : i32
    return %get3A_0, %c0_i32, %c0_i32_1 : i32, i32, i32
  }
  func.func @transform_3(%arg0: i32, %arg1: memref<40xi32, #tpu.memory_space<smem>>) -> (i32, i32, i32) {
    %get3A = arith.index_cast %arg0 : i32 to index
    %get3A_0 = memref.load %arg1[%get3A] : memref<40xi32, #tpu.memory_space<smem>>
    %c0_i32 = arith.constant 0 : i32
    %c0_i32_1 = arith.constant 0 : i32
    %c0_i32_2 = arith.constant 0 : i32
    return %get3A_0, %c0_i32, %c0_i32_1 : i32, i32, i32
  }
  func.func @transform_4(%arg0: i32, %arg1: memref<40xi32, #tpu.memory_space<smem>>) -> (i32, i32, i32) {
    %get3A = arith.index_cast %arg0 : i32 to index
    %get3A_0 = memref.load %arg1[%get3A] : memref<40xi32, #tpu.memory_space<smem>>
    %c0_i32 = arith.constant 0 : i32
    %c0_i32_1 = arith.constant 0 : i32
    %c0_i32_2 = arith.constant 0 : i32
    return %get3A_0, %c0_i32, %c0_i32_1 : i32, i32, i32
  }
  func.func @transform_5(%arg0: i32, %arg1: memref<40xi32, #tpu.memory_space<smem>>) -> (i32, i32, i32) {
    %get3A = arith.index_cast %arg0 : i32 to index
    %get3A_0 = memref.load %arg1[%get3A] : memref<40xi32, #tpu.memory_space<smem>>
    %c0_i32 = arith.constant 0 : i32
    %c0_i32_1 = arith.constant 0 : i32
    %c0_i32_2 = arith.constant 0 : i32
    return %get3A_0, %c0_i32, %c0_i32_1 : i32, i32, i32
  }
  func.func @transform_6(%arg0: i32, %arg1: memref<40xi32, #tpu.memory_space<smem>>) -> (i32, i32, i32) {
    %get3A = arith.index_cast %arg0 : i32 to index
    %get3A_0 = memref.load %arg1[%get3A] : memref<40xi32, #tpu.memory_space<smem>>
    %c0_i32 = arith.constant 0 : i32
    %c0_i32_1 = arith.constant 0 : i32
    %c0_i32_2 = arith.constant 0 : i32
    return %get3A_0, %c0_i32, %c0_i32_1 : i32, i32, i32
  }
  func.func @transform_7(%arg0: i32, %arg1: memref<40xi32, #tpu.memory_space<smem>>) -> (i32, i32) {
    %c0_i32 = arith.constant 0 : i32
    %c0_i32_0 = arith.constant 0 : i32
    return %arg0, %c0_i32 : i32, i32
  }
  func.func @transform_8(%arg0: i32, %arg1: memref<40xi32, #tpu.memory_space<smem>>) -> (i32, i32) {
    %c0_i32 = arith.constant 0 : i32
    %c0_i32_0 = arith.constant 0 : i32
    return %arg0, %c0_i32 : i32, i32
  }
}

</mosaic_0001>

<sc_bundles>
// kernel: kernel.10.cloned.1.call-start
scs
__scs_entry_jumppad:
0x0: {  	(pc) =	sbr.rel $0x88, $3  }
0x1: {  	(tag) =	ssettag $0x0;
	lr =	simm.s32 $0x1  }
0x2: {  	[smem:$0x3F97] =	sst lr;
	_ =	strace $0xD0000000  }
0x3: {  	_ = 	snop  }
0x4: {  	_ = 	snop  }
0x5: {  	_ = 	snop  }
0x6: {  	_ = 	snop  }
0x7: {  	_ = 	snop  }
__scs_overlays_trampoline_lowered:
0x8: {  	[smem:$0x3FA6] =	sst s0  }
0x9: {  	[smem:$0x3FA7] =	sst s1  }
0xa: {  	[smem:$0x3FA8] =	sst s2  }
0xb: {  	[smem:$0x3FA9] =	sst s3  }
0xc: {  	[smem:$0x3FAA] =	sst s4  }
0xd: {  	[smem:$0x3FAB] =	sst s5  }
0xe: {  	[smem:$0x3FAC] =	sst s6  }
0xf: {  	[smem:$0x3FAD] =	sst s7  }
0x10: {  	[smem:$0x3FAE] =	sst s8  }
0x11: {  	[smem:$0x3FAF] =	sst s9;
	s0 =	simm.s32 @!p0 $0x0  }
0x12: {  	s1 =	sld [smem:$0x3F95];
	s0 =	simm.s32 @p0 $0x1  }
0x13: {  	[smem:$0x3FB0] =	sst s0;
	s0 =	simm.s32 @!p1 $0x0  }
0x14: {  	s2 =	sld [smem:$0x3F94];
	s0 =	simm.s32 @p1 $0x1  }
0x15: {  	[smem:$0x3FB1] =	sst s0;
	s0 =	simm.s32 @!p2 $0x0  }
0x16: {  	s3 =	sld [smem:$0x3FDB];
	s0 =	simm.s32 @p2 $0x1  }
0x17: {  	s4 =	simm.s32 $0x1BF5;
	[smem:$0x3FB3] =	sst s0  }
0x18: {  	s0 =	sld [smem:$0x3F96];
	_ =	swait.ge [sflag:s4], $0x0  }
0x19: {  	s7 =	sld [smem:$0x3F97]  }
0x1a: {  	s8 =	sadd.s32 $0xFFFFE003, lr  }
0x1b: {  	s9 =	sadd.s32 $0xFFFFFEF7, lr;
	s5 =	simm.s32 $0xFFFFFFFF;
	p2 =	slt.u32 s8, $0xFFFFF086  }
0x1c: {  	p1 =	slt.u32 s9, $0xF7A;
	s5 =	simm.s32 @!p2 $0x0  }
0x1d: {  	s5 =	simm.s32 @p1 $0x1;
	p0 =	seq.s32 s7, s2  }
0x1e: {  	s7 =	smul.u32 @!p0 $0xF7A, s2;
	p2 =	seq.s32 @!p0 s5, $0x0  }
0x1f: {  	s9 =	smul.u32 $0xF7A, s1;
	s8 =	simm.s32 @!p0 $0x1BF5;
	p2 =	por !p2, p0  }
0x20: {  	[sflag:s8] =	ssyncset.s32 @!p0 $0xFFFFF086;
	s6 =	sadd.s32 @!p0 s3, s7;
	s7 =	simm.s32 @!p0 $0x108  }
0x21: {  	s3 =	sadd.s32 s3, s9;
	s6 =	sadd.s32 @!p0 $0x88, s6;
	s7 =	simm.s32 @p2 $0x1082  }
0x22: {  	[simem:s7], [sflag:s8] =	dma.local @!p0 [hbm:s6], $0xF7A  }
0x23: {  	s9 =	sor.u32 $0xD0000000, s2;
	s6 =	simm.s32 $0x108;
	_ =	swait.ge @!p0 [sflag:s8], $0x0  }
0x24: {  	s3 =	sadd.s32 $0x88, s3;
	s6 =	simm.s32 @!p1 $0x1082;
	[sflag:s4] =	ssyncset.s32 $0xFFFFF086  }
0x25: {  	[simem:s6], [sflag:s4] =	dma.local [hbm:s3], $0xF7A  }
0x26: {  	[smem:$0x3F97] =	sst s1;
	(tag) =	ssettag s2;
	_ =	strace s9  }
0x27: {  	s1 =	sld [smem:$0x3FA7]  }
0x28: {  	s2 =	sld [smem:$0x3FA8]  }
0x29: {  	s4 =	sld [smem:$0x3FAA]  }
0x2a: {  	p0 =	seq.s32 s5, $0x0;
	s5 =	sld [smem:$0x3FAB]  }
0x2b: {  	s6 =	sld [smem:$0x3FAC]  }
0x2c: {  	s7 =	sld [smem:$0x3FAD]  }
0x2d: {  	s3 =	simm.s32 $0x108;
	s8 =	sld [smem:$0x3FAE]  }
0x2e: {  	s3 =	simm.s32 @!p0 $0x1082;
	s9 =	sld [smem:$0x3FAF]  }
0x2f: {  	lr =	sadd.s32 s0, s3;
	s0 =	sld [smem:$0x3FA6]  }
0x30: {  	s3 =	sld [smem:$0x3FA9]  }
0x31: {  	[smem:$0x3FB2] =	sst s10  }
0x32: {  	s10 =	sld [smem:$0x3FB0];
	_ =	sdelay $0x3  }
0x33: {  	p0 =	seq.s32 s10, $0x1;
	s10 =	sld [smem:$0x3FB2];
	_ =	sdelay $0x3  }
0x34: {  	[smem:$0x3FB2] =	sst s10  }
0x35: {  	s10 =	sld [smem:$0x3FB1];
	_ =	sdelay $0x3  }
0x36: {  	p1 =	seq.s32 s10, $0x1;
	s10 =	sld [smem:$0x3FB2];
	_ =	sdelay $0x3  }
0x37: {  	[smem:$0x3FB2] =	sst s10  }
0x38: {  	s10 =	sld [smem:$0x3FB3]  }
0x39: {  	_ = 	snop;
	(pc) =	sbr.ind lr, $3  }
0x3a: {  	_ = 	snop  }
0x3b: {  	_ = 	snop  }
0x3c: {  	p2 =	seq.s32 s10, $0x1;
	s10 =	sld [smem:$0x3FB2]  }
0x3d: {  	_ =	shalt  }
0x3e: {  	_ =	shalt  }
0x3f: {  	_ =	shalt  }
0x40: {  	_ =	shalt  }
0x41: {  	_ =	shalt  }
0x42: {  	_ =	shalt  }
0x43: {  	_ =	shalt  }
0x44: {  	_ =	shalt  }
0x45: {  	_ =	shalt  }
0x46: {  	_ =	shalt  }
0x47: {  	_ =	shalt  }
0x48: {  	_ =	shalt  }
0x49: {  	_ =	shalt  }
0x4a: {  	_ =	shalt  }
0x4b: {  	_ =	shalt  }
0x4c: {  	_ =	shalt  }
0x4d: {  	_ =	shalt  }
0x4e: {  	_ =	shalt  }
0x4f: {  	_ =	shalt  }
0x50: {  	_ =	shalt  }
0x51: {  	_ =	shalt  }
0x52: {  	_ =	shalt  }
0x53: {  	_ =	shalt  }
0x54: {  	_ =	shalt  }
0x55: {  	_ =	shalt  }
0x56: {  	_ =	shalt  }
0x57: {  	_ =	shalt  }
0x58: {  	_ =	shalt  }
0x59: {  	_ =	shalt  }
0x5a: {  	_ =	shalt  }
0x5b: {  	_ =	shalt  }
0x5c: {  	_ =	shalt  }
0x5d: {  	_ =	shalt  }
0x5e: {  	_ =	shalt  }
0x5f: {  	_ =	shalt  }
0x60: {  	_ =	shalt  }
0x61: {  	_ =	shalt  }
0x62: {  	_ =	shalt  }
0x63: {  	_ =	shalt  }
0x64: {  	_ =	shalt  }
0x65: {  	_ =	shalt  }
0x66: {  	_ =	shalt  }
0x67: {  	_ =	shalt  }
0x68: {  	_ =	shalt  }
0x69: {  	_ =	shalt  }
0x6a: {  	_ =	shalt  }
0x6b: {  	_ =	shalt  }
0x6c: {  	_ =	shalt  }
0x6d: {  	_ =	shalt  }
0x6e: {  	_ =	shalt  }
0x6f: {  	_ =	shalt  }
0x70: {  	_ =	shalt  }
0x71: {  	_ =	shalt  }
0x72: {  	_ =	shalt  }
0x73: {  	_ =	shalt  }
0x74: {  	_ =	shalt  }
0x75: {  	_ =	shalt  }
0x76: {  	_ =	shalt  }
0x77: {  	_ =	shalt  }
0x78: {  	_ =	shalt  }
0x79: {  	_ =	shalt  }
0x7a: {  	_ =	shalt  }
0x7b: {  	_ =	shalt  }
0x7c: {  	_ =	shalt  }
0x7d: {  	_ =	shalt  }
0x7e: {  	_ =	shalt  }
0x7f: {  	_ =	shalt  }
0x80: {  	_ =	shalt  }
0x81: {  	_ =	shalt  }
0x82: {  	_ =	shalt  }
0x83: {  	_ =	shalt  }
0x84: {  	_ =	shalt  }
0x85: {  	_ =	shalt  }
0x86: {  	_ =	shalt  }
0x87: {  	_ =	shalt  }
.Lfunc_end0:
.L_simem_size_0:
called_computation.1_lowered:
.L_overlay_start_0:
0x88: {  	s2 =	sld [smem:$0x3FD9]  }
0x89: {  	s3 =	sld [smem:$0x3FFE];
	_ =	sdelay $0x1  }
0x8a: {  	s1 =	srdreg.scid  }
0x8b: {  	s0 =	sand.u32 $0x1, s1  }
0x8c: {  	s14 =	sshll.u32 s0, $0xA;
	s2 =	sadd.s32 s3, s2  }
0x8d: {  	s2 =	sadd.s32 s2, s14  }
0x8e: {  	[smem:$0x3FBE] =	sst s2  }
0x8f: {  	_ = 	snop  }
0x90: {  	s2 =	sld [smem:$0x3FD0];
	_ =	sdelay $0x2  }
0x91: {  	s15 =	simm.s32 $0xA;
	s4 =	simm.s32 $0x10  }
0x92: {  	[smem:s4], [sflag:s15] =	dma.local [hbm:s2], $0x1  }
0x93: {  	_ =	swait.eq [sflag:s15], $0x1  }
0x94: {  	[sflag:s15] =	ssyncset.done $0x0  }
0x95: {  	[sflag:s15] =	ssyncadd.s32 $0xFFFFFFFF  }
0x96: {  	s16 =	sld [smem:$0x10];
	(tm) =	ssettm $0x1  }
0x97: {  	s17 =	sld [smem:$0x3FFB];
	_ =	sdelay $0x3  }
0x98: {  	_ =	strace s17  }
0x99: {  	s3 =	sld [smem:$0x3FFC];
	_ =	sdelay $0x3  }
0x9a: {  	_ =	strace s3  }
0x9b: {  	s3 =	sld [smem:$0x3FFD];
	_ =	sdelay $0x3  }
0x9c: {  	_ =	strace s3  }
0x9d: {  	_ =	strace $0x8FFFFFFF  }
0x9e: {  	s18 =	sld [smem:$0x3FDB];
	_ =	sdelay $0x1  }
0x9f: {  	s19 =	simm.s32 $_scs_section_size  }
0xa0: {  	s5 =	simm.s32 $_size__tile_overlayer_lowered;
	s6 =	simm.s32 $_tile_overlayer_lowered  }
0xa1: {  	s22 =	simm.s32 $0x1BFF;
	s21 =	sshll.u32 s6, $0x1;
	s3 =	sadd.s32 s19, s18  }
0xa2: {  	s7 =	simm.s32 $0x0;
	s20 =	sshll.u32 s5, $0x1;
	s5 =	sadd.s32 s21, s3  }
0xa3: {  	[timem:s7], [sflag:s22] =	dma.local [hbm:s5], s20  }
0xa4: {  	_ =	swait.ge [sflag:s22], s20  }
0xa5: {  	s4 =	ssub.s32 $0x0, s20;
	[sflag:s22] =	ssyncset.done $0x0  }
0xa6: {  	[sflag:s22] =	ssyncadd.s32 s4;
	_ =	sdelay $0x1  }
0xa7: {  	s23 =	simm.s32 $0x1B8B  }
0xa8: {  	_ =	swait.ge [sflag:s23], $0x1  }
0xa9: {  	[sflag:s23] =	ssyncset.done $0x0  }
0xaa: {  	s25 =	simm.s32 $0x1B8E;
	s24 =	sld [smem:$0x3FFE];
	[sflag:s23] =	ssyncadd.s32 $0xFFFFFFFF  }
0xab: {  	s26 =	simm.s32 $execute0_lowered;
	[smem:$0x3FD2] =	sst s25  }
0xac: {  	s5 =	sshll.u32 s26, $0x1;
	_ =	strace $0x80000049;
	[dreg:$0x1] =	wrdreg $0xFFFFFFFF  }
0xad: {  	s28 =	simm.s32 $_size_execute0_lowered;
	s3 =	sadd.s32 s3, s5;
	[dreg:$0x0] =	wrdreg $0x0  }
0xae: {  	s5 =	sshll.u32 s28, $0x1;
	[dreg:$0x2] =	wrdreg s3  }
0xaf: {  	[dreg:$0x3] =	wrdreg s5  }
0xb0: {  	[dreg:$0x4] =	wrdreg $0xC0  }
0xb1: {  	_ =	task [dreg:s7], $0x5FFFF  }
0xb2: {  	[dreg:$0x1] =	wrdreg $0xFFFFFFFF  }
0xb3: {  	[dreg:$0x0] =	wrdreg $0x60  }
0xb4: {  	[dreg:$0x2] =	wrdreg s24  }
0xb5: {  	[dreg:$0x3] =	wrdreg s16  }
0xb6: {  	[dreg:$0x4] =	wrdreg $0x9  }
0xb7: {  	_ =	task.clear_ibuf [dreg:s7], $0x5FFFF;
	_ =	strace $0x90000049  }
0xb8: {  	s29 =	simm.s32 $0x9;
	_ =	strace $0x8000004B  }
0xb9: {  	_ =	swait.ge [sflag:s29], $0x1  }
0xba: {  	[sflag:s29] =	ssyncadd.s32 $0xFFFFFFFF  }
0xbb: {  	_ =	strace $0x9000004B  }
0xbc: {  	_ =	sfence  }
0xbd: {  	s30 =	sld [smem:$0x0];
	_ =	sdelay $0x2  }
0xbe: {  	s31 =	sshll.u32 s1, $0xD;
	s1 =	sshrl.u32 s1, $0x2  }
0xbf: {  	s3 =	sand.u32 $0x4000, s31;
	s1 =	sadd.s32 s1, s30  }
0xc0: {  	s0 =	sor.u32 s3, s0;
	s1 =	sshll.u32 s1, $0x11  }
0xc1: {  	s0 =	sor.u32 s1, s0  }
0xc2: {  	s0 =	sadd.s32 $0x8F2B, s0  }
0xc3: {  	[sflag:s0] =	ssyncadd.remote.s32 $0x1  }
0xc4: {  	_ =	sfence.sel $0xFFFF  }
0xc5: {  	[dreg:$0x0] =	wrdreg $0xFFFFFFFF;
	(pc) =	sbr.abs _section_cstart, $3  }
0xc6: {  	[dreg:$0x1] =	wrdreg $0xFFFFFFFF  }
0xc7: {  	_ =	task.clear_ibuf [dreg:s7], $0x2FFFF;
	_ =	strace $0x9FFFFFFF  }
0xc8: {  	(tm) =	ssettm $0x7FFFFFFF  }
0xc9: {  	_ =	shalt  }
tec
execute0_lowered:
.L_overlay_start_1:
0x0: {  	(tag) =	ssettag $0x1  }
0x1: {  	s0 =	rddreg [dreg:$0x0]  }
0x2: {  	s2 =	srdreg.scid;
	s1 =	simm.s32 $0x0;
	s14 =	rddreg [dreg:$0x1]  }
0x3: {  	s3 =	stileid.u32;
	s2 =	sand.u32 $0x1, s2;
	[smem:$0x7FF] =	sst s1  }
0x4: {  	s3 =	sshll.u32 s3, $0x8;
	s5 =	sadd.s32 $0x2600, s0;
	s28 =	sadd.s32 $0x142D00, s0  }
0x5: {  	s30 =	sadd.s32 $0x142E00, s0;
	s4 =	sshll.u32 s2, $0x7;
	s2 =	ssub.s32 $0x2, s2  }
0x6: {  	s31 =	sadd.s32 $0x142F00, s0;
	s3 =	sor.u32 s4, s3;
	s6 =	sshrl.u32 s2, $0x1  }
0x7: {  	s4 =	sadd.s32 $0x2400, s0;
	s7 =	sshrl.u32 s3, $0x3;
	s2 =	ssub.s32 s2, s6  }
0x8: {  	s6 =	sor.u32 $0x10, s3;
	s8 =	sor.u32 $0x20, s3;
	s18 =	sshll.u32 s3, $0x7  }
0x9: {  	s19 =	sor.u32 $0x30, s3;
	s11 =	sor.u32 $0x40, s3;
	s13 =	sor.u32 $0x50, s3  }
0xa: {  	s25 =	sor.u32 $0x60, s3;
	s3 =	sor.u32 $0x70, s3;
	s15 =	sadd.s32 s5, s7  }
0xb: {  	s7 =	sadd.s32 s4, s7;
	s16 =	sshrl.u32 s6, $0x3;
	s17 =	sshrl.u32 s8, $0x3  }
0xc: {  	s20 =	sshrl.u32 s19, $0x3;
	s21 =	sshrl.u32 s11, $0x3;
	s23 =	sshrl.u32 s13, $0x3  }
0xd: {  	s26 =	sshrl.u32 s25, $0x3;
	s29 =	sshrl.u32 s3, $0x3;
	[dreg:$0x3] =	wrdreg s15  }
0xe: {  	s19 =	sshll.u32 s19, $0x7;
	[dreg:$0x4] =	wrdreg s7;
	s9 =	sadd.s32 s5, s16  }
0xf: {  	s3 =	sshll.u32 s3, $0x7;
	s7 =	sadd.s32 s4, s16;
	[dreg:$0x5] =	wrdreg s9  }
0x10: {  	s10 =	sadd.s32 s5, s17;
	s12 =	sadd.s32 s5, s20;
	[dreg:$0x6] =	wrdreg s7  }
0x11: {  	s22 =	sadd.s32 s5, s21;
	s24 =	sadd.s32 s5, s23;
	[dreg:$0x7] =	wrdreg s10  }
0x12: {  	s15 =	sadd.s32 s5, s26;
	s5 =	sadd.s32 s5, s29;
	[dreg:$0x9] =	wrdreg s12  }
0x13: {  	s16 =	sadd.s32 s14, s18;
	s18 =	sshll.u32 s8, $0x7;
	[dreg:$0xb] =	wrdreg s22  }
0x14: {  	s3 =	sadd.s32 s14, s3;
	s8 =	simm.s32 $0xDA00;
	[dreg:$0xd] =	wrdreg s24  }
0x15: {  	s7 =	sadd.s32 s4, s17;
	s12 =	sadd.s32 s4, s21;
	[dreg:$0xf] =	wrdreg s15  }
0x16: {  	[dreg:$0x11] =	wrdreg s5;
	s17 =	sshll.u32 s6, $0x7;
	s21 =	sadd.s32 s14, s19  }
0x17: {  	s22 =	sshll.u32 s11, $0x7;
	s24 =	sshll.u32 s25, $0x7;
	[dreg:$0x8] =	wrdreg s7  }
0x18: {  	s5 =	simm.s32 $0xC200;
	s7 =	sadd.s32 s4, s20;
	[dreg:$0xc] =	wrdreg s12  }
0x19: {  	s6 =	simm.s32 $0xCA00;
	[dreg:$0xa] =	wrdreg s7;
	s7 =	sadd.s32 s4, s23  }
0x1a: {  	s9 =	simm.s32 $0xE200;
	[dreg:$0xe] =	wrdreg s7;
	s7 =	sadd.s32 s4, s26  }
0x1b: {  	s10 =	simm.s32 $0xEA00;
	s4 =	sadd.s32 s4, s29;
	[dreg:$0x10] =	wrdreg s7  }
0x1c: {  	s11 =	simm.s32 $0xF200;
	s15 =	simm.s32 $0x2;
	[dreg:$0x12] =	wrdreg s4  }
0x1d: {  	s4 =	sadd.s32 s14, s17;
	_ =	strace $0x8000004A;
	[dreg:$0x13] =	wrdreg s16  }
0x1e: {  	s20 =	sadd.s32 s14, s18;
	s12 =	simm.s32 $0xFA00;
	[dreg:$0x14] =	wrdreg s4  }
0x1f: {  	s18 =	simm.s32 $0x0;
	s23 =	sshll.u32 s13, $0x7;
	[dreg:$0x15] =	wrdreg s20  }
0x20: {  	s13 =	simm.s32 $0x1;
	s25 =	sadd.s32 s14, s23;
	[dreg:$0x16] =	wrdreg s21  }
0x21: {  	s26 =	sadd.s32 s14, s24;
	s29 =	smax.u32 s2, $0x1;
	[dreg:$0x18] =	wrdreg s25  }
0x22: {  	s2 =	simm.s32 $0xB200;
	s7 =	simm.s32 $0xD200;
	[dreg:$0x19] =	wrdreg s26  }
0x23: {  	s17 =	simm.s32 $0x4;
	s4 =	sadd.s32 s14, s22;
	[dreg:$0x1a] =	wrdreg s3  }
0x24: {  	v2 =	vlaneseq.u32;
	s26 =	sadd.s32 $0x142C00, s0;
	[dreg:$0x1b] =	wrdreg s29;
	s0 =	simm.s32 $0x5  }
0x25: {  	vm0 =	vmmov $0xffff;
	v1 =	vshrl.u32 v2, $0x3;
	s3 =	simm.s32 $0x100;
	s22 =	simm.s32 $0x8200;
	s14 =	simm.s32 $0xAA00  }
0x26: {  	v0 =	vand.u32 $0x7, v2;
	v2 =	vor.u32 $0x8, v2;
	v1 =	vmul.u32 $0x8, v1;
	s16 =	simm.s32 $0x3;
	[dreg:$0x17] =	wrdreg s4;
	s4 =	simm.s32 $0xBA00  }
.LBB2_1:
0x27: {  	s19 =	rddreg [dreg:$0x3]  }
0x28: {  	[tilespmem:s1], [sflag:$0x5] =	stream.linear.gather [hbm4b:s19+s1], $0x10, $0x38;
	[tilespmem:$0x10200] =	vst v63  }
0x29: {  	_ =	swait.ge [sflag:s0], $0x10  }
0x2a: {  	[sflag:s0] =	ssyncset.done $0x0  }
0x2b: {  	s20 =	simm.s32 $0x80;
	s29 =	rddreg [dreg:$0x4];
	[sflag:s0] =	ssyncadd.s32 $0xFFFFFFF0  }
0x2c: {  	[tilespmem:s20], [sflag:$0x5] =	stream.linear.gather [hbm4b:s29+s1], $0x10, $0x38;
	[tilespmem:$0x10200] =	vst v63  }
0x2d: {  	_ =	swait.ge [sflag:s0], $0x10  }
0x2e: {  	[sflag:s0] =	ssyncset.done $0x0  }
0x2f: {  	[sflag:s0] =	ssyncadd.s32 $0xFFFFFFF0  }
0x30: {  	v3 =	vld [tilespmem:$0x0];
	_ =	sdelay $0x4  }
0x31: {  	v4 =	vshll.u32 v3, $0x3  }
0x32: {  	v3 =	vand.u32 $0x7, v3;
	v4 =	vand.u32 $0xFFFFFFC0, v4  }
0x33: {  	v3 =	vor.u32 v3, v4  }
0x34: {  	v4 =	vperm.xlane v3, v0;
	_ =	sdelay $0x1  }
0x35: {  	v4 =	vadd.s32 v1, v4;
	_ =	sdelay $0x4  }
0x36: {  	[tilespmem:s3], [sflag:$0x1] =	stream.indirect_vreg.gather [hbm4b:s26+s1], $0x80, v4, vm0, $0xb8;
	[tilespmem:$0x10200] =	vst v63  }
0x37: {  	s21 =	simm.s32 $0x900;
	v3 =	vperm.xlane v3, v2  }
0x38: {  	[tilespmem:s21], [sflag:$0x1] =	stream.indirect_vreg.gather [hbm4b:s28+s1], $0x80, v4, vm0, $0xb8;
	[tilespmem:$0x10200] =	vst v63  }
0x39: {  	s23 =	simm.s32 $0x1100;
	v3 =	vadd.s32 v1, v3  }
0x3a: {  	[tilespmem:s23], [sflag:$0x1] =	stream.indirect_vreg.gather [hbm4b:s30+s1], $0x80, v4, vm0, $0xb8;
	[tilespmem:$0x10200] =	vst v63  }
0x3b: {  	s24 =	simm.s32 $0x1900  }
0x3c: {  	[tilespmem:s24], [sflag:$0x1] =	stream.indirect_vreg.gather [hbm4b:s31+s1], $0x80, v4, vm0, $0xb8;
	[tilespmem:$0x10200] =	vst v63  }
0x3d: {  	s25 =	simm.s32 $0x2100  }
0x3e: {  	[tilespmem:s25], [sflag:$0x1] =	stream.indirect_vreg.gather [hbm4b:s26+s1], $0x80, v3, vm0, $0xb8;
	[tilespmem:$0x10200] =	vst v63  }
0x3f: {  	s29 =	simm.s32 $0x2900  }
0x40: {  	[tilespmem:s29], [sflag:$0x1] =	stream.indirect_vreg.gather [hbm4b:s28+s1], $0x80, v3, vm0, $0xb8;
	[tilespmem:$0x10200] =	vst v63  }
0x41: {  	s20 =	simm.s32 $0x3100  }
0x42: {  	[tilespmem:s20], [sflag:$0x1] =	stream.indirect_vreg.gather [hbm4b:s30+s1], $0x80, v3, vm0, $0xb8;
	[tilespmem:$0x10200] =	vst v63  }
0x43: {  	s21 =	simm.s32 $0x3900  }
0x44: {  	[tilespmem:s21], [sflag:$0x1] =	stream.indirect_vreg.gather [hbm4b:s31+s1], $0x80, v3, vm0, $0xb8;
	[tilespmem:$0x10200] =	vst v63  }
0x45: {  	v3 =	vld [tilespmem:$0x80];
	_ =	sdelay $0x4  }
0x46: {  	v61 =	vshll.u32 v3, $0x3  }
0x47: {  	v3 =	vand.u32 $0x7, v3;
	v4 =	vand.u32 $0xFFFFFFC0, v61  }
0x48: {  	v3 =	vor.u32 v3, v4  }
0x49: {  	v4 =	vperm.xlane v3, v0;
	_ =	sdelay $0x1  }
0x4a: {  	v4 =	vadd.s32 v1, v4;
	_ =	sdelay $0x3  }
0x4b: {  	s23 =	simm.s32 $0x4100  }
0x4c: {  	[tilespmem:s23], [sflag:$0x1] =	stream.indirect_vreg.gather [hbm4b:s26+s1], $0x80, v4, vm0, $0xb8;
	[tilespmem:$0x10200] =	vst v63  }
0x4d: {  	s24 =	simm.s32 $0x4900;
	v3 =	vperm.xlane v3, v2  }
0x4e: {  	[tilespmem:s24], [sflag:$0x1] =	stream.indirect_vreg.gather [hbm4b:s28+s1], $0x80, v4, vm0, $0xb8;
	[tilespmem:$0x10200] =	vst v63  }
0x4f: {  	s25 =	simm.s32 $0x5100;
	v3 =	vadd.s32 v1, v3  }
0x50: {  	[tilespmem:s25], [sflag:$0x1] =	stream.indirect_vreg.gather [hbm4b:s30+s1], $0x80, v4, vm0, $0xb8;
	[tilespmem:$0x10200] =	vst v63  }
0x51: {  	s29 =	simm.s32 $0x5900  }
0x52: {  	[tilespmem:s29], [sflag:$0x1] =	stream.indirect_vreg.gather [hbm4b:s31+s1], $0x80, v4, vm0, $0xb8;
	[tilespmem:$0x10200] =	vst v63  }
0x53: {  	s20 =	simm.s32 $0x6100  }
0x54: {  	[tilespmem:s20], [sflag:$0x1] =	stream.indirect_vreg.gather [hbm4b:s26+s1], $0x80, v3, vm0, $0xb8;
	[tilespmem:$0x10200] =	vst v63  }
0x55: {  	s21 =	simm.s32 $0x6900  }
0x56: {  	[tilespmem:s21], [sflag:$0x1] =	stream.indirect_vreg.gather [hbm4b:s28+s1], $0x80, v3, vm0, $0xb8;
	[tilespmem:$0x10200] =	vst v63  }
0x57: {  	s23 =	simm.s32 $0x7100  }
0x58: {  	[tilespmem:s23], [sflag:$0x1] =	stream.indirect_vreg.gather [hbm4b:s30+s1], $0x80, v3, vm0, $0xb8;
	[tilespmem:$0x10200] =	vst v63  }
0x59: {  	s24 =	simm.s32 $0x7900  }
0x5a: {  	[tilespmem:s24], [sflag:$0x1] =	stream.indirect_vreg.gather [hbm4b:s31+s1], $0x80, v3, vm0, $0xb8;
	[tilespmem:$0x10200] =	vst v63  }
0x5b: {  	s25 =	rddreg [dreg:$0x5];
	s29 =	simm.s32 $0x8100  }
0x5c: {  	[tilespmem:s29], [sflag:$0x5] =	stream.linear.gather [hbm4b:s25+s1], $0x10, $0x38;
	[tilespmem:$0x10200] =	vst v63  }
0x5d: {  	_ =	swait.ge [sflag:s0], $0x10  }
0x5e: {  	[sflag:s0] =	ssyncset.done $0x0  }
0x5f: {  	s21 =	simm.s32 $0x8180;
	s20 =	rddreg [dreg:$0x6];
	[sflag:s0] =	ssyncadd.s32 $0xFFFFFFF0  }
0x60: {  	[tilespmem:s21], [sflag:$0x5] =	stream.linear.gather [hbm4b:s20+s1], $0x10, $0x38;
	[tilespmem:$0x10200] =	vst v63  }
0x61: {  	_ =	swait.ge [sflag:s0], $0x10  }
0x62: {  	[sflag:s0] =	ssyncset.done $0x0  }
0x63: {  	[sflag:s0] =	ssyncadd.s32 $0xFFFFFFF0  }
0x64: {  	v3 =	vld [tilespmem:$0x8100];
	_ =	sdelay $0x4  }
0x65: {  	v62 =	vshll.u32 v3, $0x3  }
0x66: {  	v3 =	vand.u32 $0x7, v3;
	v4 =	vand.u32 $0xFFFFFFC0, v62  }
0x67: {  	v3 =	vor.u32 v3, v4  }
0x68: {  	v4 =	vperm.xlane v3, v0;
	_ =	sdelay $0x1  }
0x69: {  	v4 =	vadd.s32 v1, v4;
	_ =	sdelay $0x4  }
0x6a: {  	[tilespmem:s22], [sflag:$0x3] =	stream.indirect_vreg.gather [hbm4b:s26+s1], $0x80, v4, vm0, $0xb8;
	[tilespmem:$0x10200] =	vst v63  }
0x6b: {  	s23 =	simm.s32 $0x8A00;
	v3 =	vperm.xlane v3, v2  }
0x6c: {  	[tilespmem:s23], [sflag:$0x3] =	stream.indirect_vreg.gather [hbm4b:s28+s1], $0x80, v4, vm0, $0xb8;
	[tilespmem:$0x10200] =	vst v63  }
0x6d: {  	s24 =	simm.s32 $0x9200;
	v3 =	vadd.s32 v1, v3  }
0x6e: {  	[tilespmem:s24], [sflag:$0x3] =	stream.indirect_vreg.gather [hbm4b:s30+s1], $0x80, v4, vm0, $0xb8;
	[tilespmem:$0x10200] =	vst v63  }
0x6f: {  	s25 =	simm.s32 $0x9A00  }
0x70: {  	[tilespmem:s25], [sflag:$0x3] =	stream.indirect_vreg.gather [hbm4b:s31+s1], $0x80, v4, vm0, $0xb8;
	[tilespmem:$0x10200] =	vst v63  }
0x71: {  	s29 =	simm.s32 $0xA200  }
0x72: {  	[tilespmem:s29], [sflag:$0x3] =	stream.indirect_vreg.gather [hbm4b:s26+s1], $0x80, v3, vm0, $0xb8;
	[tilespmem:$0x10200] =	vst v63  }
0x73: {  	_ = 	snop  }
0x74: {  	[tilespmem:s14], [sflag:$0x3] =	stream.indirect_vreg.gather [hbm4b:s28+s1], $0x80, v3, vm0, $0xb8;
	[tilespmem:$0x10200] =	vst v63  }
0x75: {  	_ = 	snop  }
0x76: {  	[tilespmem:s2], [sflag:$0x3] =	stream.indirect_vreg.gather [hbm4b:s30+s1], $0x80, v3, vm0, $0xb8;
	[tilespmem:$0x10200] =	vst v63  }
0x77: {  	_ = 	snop  }
0x78: {  	[tilespmem:s4], [sflag:$0x3] =	stream.indirect_vreg.gather [hbm4b:s31+s1], $0x80, v3, vm0, $0xb8;
	[tilespmem:$0x10200] =	vst v63  }
0x79: {  	v3 =	vld [tilespmem:$0x8180];
	_ =	sdelay $0x4  }
0x7a: {  	v63 =	vshll.u32 v3, $0x3  }
0x7b: {  	v3 =	vand.u32 $0x7, v3;
	v4 =	vand.u32 $0xFFFFFFC0, v63  }
0x7c: {  	v3 =	vor.u32 v3, v4  }
0x7d: {  	v4 =	vperm.xlane v3, v0;
	_ =	sdelay $0x1  }
0x7e: {  	v4 =	vadd.s32 v1, v4;
	_ =	sdelay $0x4  }
0x7f: {  	[tilespmem:s5], [sflag:$0x3] =	stream.indirect_vreg.gather [hbm4b:s26+s1], $0x80, v4, vm0, $0xb8;
	[tilespmem:$0x10200] =	vst v63  }
0x80: {  	v3 =	vperm.xlane v3, v2  }
0x81: {  	[tilespmem:s6], [sflag:$0x3] =	stream.indirect_vreg.gather [hbm4b:s28+s1], $0x80, v4, vm0, $0xb8;
	[tilespmem:$0x10200] =	vst v63  }
0x82: {  	v3 =	vadd.s32 v1, v3  }
0x83: {  	[tilespmem:s7], [sflag:$0x3] =	stream.indirect_vreg.gather [hbm4b:s30+s1], $0x80, v4, vm0, $0xb8;
	[tilespmem:$0x10200] =	vst v63  }
0x84: {  	_ = 	snop  }
0x85: {  	[tilespmem:s8], [sflag:$0x3] =	stream.indirect_vreg.gather [hbm4b:s31+s1], $0x80, v4, vm0, $0xb8;
	[tilespmem:$0x10200] =	vst v63  }
0x86: {  	_ = 	snop  }
0x87: {  	[tilespmem:s9], [sflag:$0x3] =	stream.indirect_vreg.gather [hbm4b:s26+s1], $0x80, v3, vm0, $0xb8;
	[tilespmem:$0x10200] =	vst v63  }
0x88: {  	_ = 	snop  }
0x89: {  	[tilespmem:s10], [sflag:$0x3] =	stream.indirect_vreg.gather [hbm4b:s28+s1], $0x80, v3, vm0, $0xb8;
	[tilespmem:$0x10200] =	vst v63  }
0x8a: {  	_ = 	snop  }
0x8b: {  	[tilespmem:s11], [sflag:$0x3] =	stream.indirect_vreg.gather [hbm4b:s30+s1], $0x80, v3, vm0, $0xb8;
	[tilespmem:$0x10200] =	vst v63  }
0x8c: {  	_ = 	snop  }
0x8d: {  	[tilespmem:s12], [sflag:$0x3] =	stream.indirect_vreg.gather [hbm4b:s31+s1], $0x80, v3, vm0, $0xb8;
	[tilespmem:$0x10200] =	vst v63  }
0x8e: {  	_ =	swait.ge [sflag:s13], $0x4000  }
0x8f: {  	[sflag:s13] =	ssyncset.done $0x0  }
0x90: {  	[sflag:s13] =	ssyncadd.s32 $0xFFFFC000  }
0x91: {  	_ =	swait.ge [sflag:s13], $0x4000  }
0x92: {  	s19 =	simm.s32 $0x0;
	[sflag:s13] =	ssyncset.done $0x0  }
0x93: {  	s20 =	simm.s32 $0x0;
	s21 =	simm.s32 $0x0;
	[sflag:s13] =	ssyncadd.s32 $0xFFFFC000  }
.LBB2_2:
0x94: {  	s23 =	sshll.u32 s20, $0x2;
	s24 =	sand.u32 $0x7, s19  }
0x95: {  	s23 =	sand.u32 $0xFFFF8000, s23;
	s24 =	sshll.u32 s24, $0x9  }
0x96: {  	s23 =	sor.u32 s24, s23  }
0x97: {  	s24 =	sshrl.u32 s23, $0x2  }
0x98: {  	s23 =	sadd.s32 $0x140, s24  }
0x99: {  	s24 =	sadd.s32 $0x4140, s24;
	v3 =	vld [tilespmem:s23+$0xFFFFFFC0]  }
0x9a: {  	v4 =	vld [tilespmem:s24+$0xFFFFFFC0];
	_ =	sdelay $0x4  }
0x9b: {  	v3 =	vadd.f32 v4, v3;
	_ =	sdelay $0x1  }
0x9c: {  	[tilespmem:s23+$0xFFFFFFC0] =	vst v3;
	v3 =	vld [tilespmem:s23+$0xFFFFFFD0]  }
0x9d: {  	v4 =	vld [tilespmem:s24+$0xFFFFFFD0];
	_ =	sdelay $0x4  }
0x9e: {  	v3 =	vadd.f32 v4, v3;
	_ =	sdelay $0x1  }
0x9f: {  	[tilespmem:s23+$0xFFFFFFD0] =	vst v3;
	v3 =	vld [tilespmem:s23+$0xFFFFFFE0]  }
0xa0: {  	v4 =	vld [tilespmem:s24+$0xFFFFFFE0];
	_ =	sdelay $0x4  }
0xa1: {  	v3 =	vadd.f32 v4, v3;
	_ =	sdelay $0x1  }
0xa2: {  	[tilespmem:s23+$0xFFFFFFE0] =	vst v3;
	v3 =	vld [tilespmem:s23+$0xFFFFFFF0]  }
0xa3: {  	v4 =	vld [tilespmem:s24+$0xFFFFFFF0];
	_ =	sdelay $0x4  }
0xa4: {  	v3 =	vadd.f32 v4, v3;
	_ =	sdelay $0x1  }
0xa5: {  	[tilespmem:s23+$0xFFFFFFF0] =	vst v3;
	v3 =	vld [tilespmem:s23+$0x0]  }
0xa6: {  	v4 =	vld [tilespmem:s24+$0x0];
	_ =	sdelay $0x4  }
0xa7: {  	v3 =	vadd.f32 v4, v3;
	_ =	sdelay $0x1  }
0xa8: {  	[tilespmem:s23+$0x0] =	vst v3;
	v3 =	vld [tilespmem:s23+$0x10]  }
0xa9: {  	v4 =	vld [tilespmem:s24+$0x10];
	_ =	sdelay $0x4  }
0xaa: {  	v3 =	vadd.f32 v4, v3;
	_ =	sdelay $0x1  }
0xab: {  	[tilespmem:s23+$0x10] =	vst v3;
	v3 =	vld [tilespmem:s23+$0x20]  }
0xac: {  	v4 =	vld [tilespmem:s24+$0x20];
	_ =	sdelay $0x4  }
0xad: {  	v3 =	vadd.f32 v4, v3;
	_ =	sdelay $0x1  }
0xae: {  	[tilespmem:s23+$0x20] =	vst v3;
	v3 =	vld [tilespmem:s23+$0x30]  }
0xaf: {  	v4 =	vld [tilespmem:s24+$0x30];
	_ =	sdelay $0x4  }
0xb0: {  	v3 =	vadd.f32 v4, v3  }
0xb1: {  	s25 =	simm.s32 $0x0;
	s29 =	sadd.s32 $0x400, s23  }
.LBB2_3:
0xb2: {  	v4 =	vld [tilespmem:s29+$0xFFFFFFC0];
	[tilespmem:s23+$0x30] =	vst v3;
	s24 =	sadd.s32 $0x400, s24;
	s23 =	smov.u32 s29  }
0xb3: {  	s25 =	sadd.s32 $0x8, s25;
	v3 =	vld [tilespmem:s24+$0xFFFFFFC0]  }
0xb4: {  	p0 =	slt.u32 s25, $0x38;
	_ =	sdelay $0x3  }
0xb5: {  	v3 =	vadd.f32 v3, v4;
	_ =	sdelay $0x1  }
0xb6: {  	[tilespmem:s29+$0xFFFFFFC0] =	vst v3;
	v3 =	vld [tilespmem:s29+$0xFFFFFFD0]  }
0xb7: {  	v4 =	vld [tilespmem:s24+$0xFFFFFFD0];
	_ =	sdelay $0x4  }
0xb8: {  	v3 =	vadd.f32 v4, v3;
	_ =	sdelay $0x1  }
0xb9: {  	[tilespmem:s29+$0xFFFFFFD0] =	vst v3;
	v3 =	vld [tilespmem:s29+$0xFFFFFFE0]  }
0xba: {  	v4 =	vld [tilespmem:s24+$0xFFFFFFE0];
	_ =	sdelay $0x4  }
0xbb: {  	v3 =	vadd.f32 v4, v3;
	_ =	sdelay $0x1  }
0xbc: {  	[tilespmem:s29+$0xFFFFFFE0] =	vst v3;
	v3 =	vld [tilespmem:s29+$0xFFFFFFF0]  }
0xbd: {  	v4 =	vld [tilespmem:s24+$0xFFFFFFF0];
	_ =	sdelay $0x4  }
0xbe: {  	v3 =	vadd.f32 v4, v3;
	_ =	sdelay $0x1  }
0xbf: {  	[tilespmem:s29+$0xFFFFFFF0] =	vst v3;
	v3 =	vld [tilespmem:s29+$0x0]  }
0xc0: {  	v4 =	vld [tilespmem:s24+$0x0];
	_ =	sdelay $0x4  }
0xc1: {  	v3 =	vadd.f32 v4, v3;
	_ =	sdelay $0x1  }
0xc2: {  	[tilespmem:s29+$0x0] =	vst v3;
	v3 =	vld [tilespmem:s29+$0x10]  }
0xc3: {  	v4 =	vld [tilespmem:s24+$0x10];
	_ =	sdelay $0x4  }
0xc4: {  	v3 =	vadd.f32 v4, v3;
	_ =	sdelay $0x1  }
0xc5: {  	[tilespmem:s29+$0x10] =	vst v3;
	v3 =	vld [tilespmem:s29+$0x20]  }
0xc6: {  	v4 =	vld [tilespmem:s24+$0x20];
	_ =	sdelay $0x4  }
0xc7: {  	v3 =	vadd.f32 v4, v3;
	_ =	sdelay $0x1  }
0xc8: {  	[tilespmem:s29+$0x20] =	vst v3;
	v3 =	vld [tilespmem:s29+$0x30]  }
0xc9: {  	v4 =	vld [tilespmem:s24+$0x30];
	_ =	sdelay $0x1  }
.Ltmp0:
0xca: {  	(pc) =	sbr.rel @p0 .LBB2_3-.Ltmp0, $3  }
0xcb: {  	_ =	sdelay $0x1  }
0xcc: {  	v3 =	vadd.f32 v4, v3  }
0xcd: {  	s29 =	sadd.s32 $0x400, s29  }
0xce: {  	s21 =	sadd.s32 $0x1, s21  }
0xcf: {  	p0 =	sne.s32 s21, $0x10  }
.Ltmp1:
0xd0: {  	_ = 	snop;
	(pc) =	sbr.rel @p0 .LBB2_2-.Ltmp1, $2  }
0xd1: {  	_ =	sdelay $0x2  }
0xd2: {  	[tilespmem:s23+$0x30] =	vst v3;
	s20 =	sadd.s32 $0x400, s20;
	s19 =	sadd.s32 $0x1, s19  }
0xd3: {  	s19 =	simm.s32 $0x0;
	s20 =	rddreg [dreg:$0x13]  }
0xd4: {  	[hbm4b:s20+s19] =	stream.linear.scatter [tilespmem:s3], [sflag:$0x2], $0x4000, $0x38;
	[tilespmem:$0x10200] =	vst v63  }
0xd5: {  	_ =	swait.ge [sflag:s15], $0x4000  }
0xd6: {  	[sflag:s15] =	ssyncset.done $0x0  }
0xd7: {  	s25 =	rddreg [dreg:$0x7];
	[sflag:s15] =	ssyncadd.s32 $0xFFFFC000  }
0xd8: {  	[tilespmem:s19], [sflag:$0x5] =	stream.linear.gather [hbm4b:s25+s19], $0x10, $0x38;
	[tilespmem:$0x10200] =	vst v63  }
0xd9: {  	_ =	swait.ge [sflag:s0], $0x10  }
0xda: {  	[sflag:s0] =	ssyncset.done $0x0  }
0xdb: {  	s21 =	simm.s32 $0x80;
	s29 =	rddreg [dreg:$0x8];
	[sflag:s0] =	ssyncadd.s32 $0xFFFFFFF0  }
0xdc: {  	[tilespmem:s21], [sflag:$0x5] =	stream.linear.gather [hbm4b:s29+s19], $0x10, $0x38;
	[tilespmem:$0x10200] =	vst v63  }
0xdd: {  	_ =	swait.ge [sflag:s0], $0x10  }
0xde: {  	[sflag:s0] =	ssyncset.done $0x0  }
0xdf: {  	[sflag:s0] =	ssyncadd.s32 $0xFFFFFFF0  }
0xe0: {  	v3 =	vld [tilespmem:$0x0];
	_ =	sdelay $0x4  }
0xe1: {  	v4 =	vshll.u32 v3, $0x3  }
0xe2: {  	v3 =	vand.u32 $0x7, v3;
	v4 =	vand.u32 $0xFFFFFFC0, v4  }
0xe3: {  	v3 =	vor.u32 v3, v4  }
0xe4: {  	v4 =	vperm.xlane v3, v0;
	_ =	sdelay $0x1  }
0xe5: {  	v4 =	vadd.s32 v1, v4;
	_ =	sdelay $0x4  }
0xe6: {  	[tilespmem:s3], [sflag:$0x1] =	stream.indirect_vreg.gather [hbm4b:s26+s19], $0x80, v4, vm0, $0xb8;
	[tilespmem:$0x10200] =	vst v63  }
0xe7: {  	s21 =	simm.s32 $0x900;
	v3 =	vperm.xlane v3, v2  }
0xe8: {  	[tilespmem:s21], [sflag:$0x1] =	stream.indirect_vreg.gather [hbm4b:s28+s19], $0x80, v4, vm0, $0xb8;
	[tilespmem:$0x10200] =	vst v63  }
0xe9: {  	s23 =	simm.s32 $0x1100;
	v3 =	vadd.s32 v1, v3  }
0xea: {  	[tilespmem:s23], [sflag:$0x1] =	stream.indirect_vreg.gather [hbm4b:s30+s19], $0x80, v4, vm0, $0xb8;
	[tilespmem:$0x10200] =	vst v63  }
0xeb: {  	s24 =	simm.s32 $0x1900  }
0xec: {  	[tilespmem:s24], [sflag:$0x1] =	stream.indirect_vreg.gather [hbm4b:s31+s19], $0x80, v4, vm0, $0xb8;
	[tilespmem:$0x10200] =	vst v63  }
0xed: {  	s25 =	simm.s32 $0x2100  }
0xee: {  	[tilespmem:s25], [sflag:$0x1] =	stream.indirect_vreg.gather [hbm4b:s26+s19], $0x80, v3, vm0, $0xb8;
	[tilespmem:$0x10200] =	vst v63  }
0xef: {  	s29 =	simm.s32 $0x2900  }
0xf0: {  	[tilespmem:s29], [sflag:$0x1] =	stream.indirect_vreg.gather [hbm4b:s28+s19], $0x80, v3, vm0, $0xb8;
	[tilespmem:$0x10200] =	vst v63  }
0xf1: {  	s21 =	simm.s32 $0x3100  }
0xf2: {  	[tilespmem:s21], [sflag:$0x1] =	stream.indirect_vreg.gather [hbm4b:s30+s19], $0x80, v3, vm0, $0xb8;
	[tilespmem:$0x10200] =	vst v63  }
0xf3: {  	s23 =	simm.s32 $0x3900  }
0xf4: {  	[tilespmem:s23], [sflag:$0x1] =	stream.indirect_vreg.gather [hbm4b:s31+s19], $0x80, v3, vm0, $0xb8;
	[tilespmem:$0x10200] =	vst v63  }
0xf5: {  	v3 =	vld [tilespmem:$0x80];
	_ =	sdelay $0x4  }
0xf6: {  	v63 =	vshll.u32 v3, $0x3  }
0xf7: {  	v3 =	vand.u32 $0x7, v3;
	v4 =	vand.u32 $0xFFFFFFC0, v63  }
0xf8: {  	v3 =	vor.u32 v3, v4  }
0xf9: {  	v4 =	vperm.xlane v3, v0;
	_ =	sdelay $0x1  }
0xfa: {  	v4 =	vadd.s32 v1, v4;
	_ =	sdelay $0x3  }
0xfb: {  	s24 =	simm.s32 $0x4100  }
0xfc: {  	[tilespmem:s24], [sflag:$0x1] =	stream.indirect_vreg.gather [hbm4b:s26+s19], $0x80, v4, vm0, $0xb8;
	[tilespmem:$0x10200] =	vst v63  }
0xfd: {  	s25 =	simm.s32 $0x4900;
	v3 =	vperm.xlane v3, v2  }
0xfe: {  	[tilespmem:s25], [sflag:$0x1] =	stream.indirect_vreg.gather [hbm4b:s28+s19], $0x80, v4, vm0, $0xb8;
	[tilespmem:$0x10200] =	vst v63  }
0xff: {  	s29 =	simm.s32 $0x5100;
	v3 =	vadd.s32 v1, v3  }
0x100: {  	[tilespmem:s29], [sflag:$0x1] =	stream.indirect_vreg.gather [hbm4b:s30+s19], $0x80, v4, vm0, $0xb8;
	[tilespmem:$0x10200] =	vst v63  }
0x101: {  	s21 =	simm.s32 $0x5900  }
0x102: {  	[tilespmem:s21], [sflag:$0x1] =	stream.indirect_vreg.gather [hbm4b:s31+s19], $0x80, v4, vm0, $0xb8;
	[tilespmem:$0x10200] =	vst v63  }
0x103: {  	s23 =	simm.s32 $0x6100  }
0x104: {  	[tilespmem:s23], [sflag:$0x1] =	stream.indirect_vreg.gather [hbm4b:s26+s19], $0x80, v3, vm0, $0xb8;
	[tilespmem:$0x10200] =	vst v63  }
0x105: {  	s24 =	simm.s32 $0x6900  }
0x106: {  	[tilespmem:s24], [sflag:$0x1] =	stream.indirect_vreg.gather [hbm4b:s28+s19], $0x80, v3, vm0, $0xb8;
	[tilespmem:$0x10200] =	vst v63  }
0x107: {  	s25 =	simm.s32 $0x7100  }
0x108: {  	[tilespmem:s25], [sflag:$0x1] =	stream.indirect_vreg.gather [hbm4b:s30+s19], $0x80, v3, vm0, $0xb8;
	[tilespmem:$0x10200] =	vst v63  }
0x109: {  	s29 =	simm.s32 $0x7900  }
0x10a: {  	[tilespmem:s29], [sflag:$0x1] =	stream.indirect_vreg.gather [hbm4b:s31+s19], $0x80, v3, vm0, $0xb8;
	[tilespmem:$0x10200] =	vst v63  }
0x10b: {  	_ =	swait.ge [sflag:s16], $0x4000  }
0x10c: {  	[sflag:s16] =	ssyncset.done $0x0  }
0x10d: {  	[sflag:s16] =	ssyncadd.s32 $0xFFFFC000  }
0x10e: {  	_ =	swait.ge [sflag:s16], $0x4000  }
0x10f: {  	[sflag:s16] =	ssyncset.done $0x0  }
0x110: {  	s20 =	simm.s32 $0x0;
	s21 =	simm.s32 $0x0;
	[sflag:s16] =	ssyncadd.s32 $0xFFFFC000  }
.LBB2_6:
0x111: {  	s23 =	sshll.u32 s20, $0x2;
	s24 =	sand.u32 $0x7, s19  }
0x112: {  	s23 =	sand.u32 $0xFFFF8000, s23;
	s24 =	sshll.u32 s24, $0x9  }
0x113: {  	s23 =	sor.u32 s24, s23  }
0x114: {  	s24 =	sshrl.u32 s23, $0x2  }
0x115: {  	s23 =	sadd.s32 $0x8240, s24  }
0x116: {  	s24 =	sadd.s32 $0xC240, s24;
	v3 =	vld [tilespmem:s23+$0xFFFFFFC0]  }
0x117: {  	v4 =	vld [tilespmem:s24+$0xFFFFFFC0];
	_ =	sdelay $0x4  }
0x118: {  	v3 =	vadd.f32 v4, v3;
	_ =	sdelay $0x1  }
0x119: {  	[tilespmem:s23+$0xFFFFFFC0] =	vst v3;
	v3 =	vld [tilespmem:s23+$0xFFFFFFD0]  }
0x11a: {  	v4 =	vld [tilespmem:s24+$0xFFFFFFD0];
	_ =	sdelay $0x4  }
0x11b: {  	v3 =	vadd.f32 v4, v3;
	_ =	sdelay $0x1  }
0x11c: {  	[tilespmem:s23+$0xFFFFFFD0] =	vst v3;
	v3 =	vld [tilespmem:s23+$0xFFFFFFE0]  }
0x11d: {  	v4 =	vld [tilespmem:s24+$0xFFFFFFE0];
	_ =	sdelay $0x4  }
0x11e: {  	v3 =	vadd.f32 v4, v3;
	_ =	sdelay $0x1  }
0x11f: {  	[tilespmem:s23+$0xFFFFFFE0] =	vst v3;
	v3 =	vld [tilespmem:s23+$0xFFFFFFF0]  }
0x120: {  	v4 =	vld [tilespmem:s24+$0xFFFFFFF0];
	_ =	sdelay $0x4  }
0x121: {  	v3 =	vadd.f32 v4, v3;
	_ =	sdelay $0x1  }
0x122: {  	[tilespmem:s23+$0xFFFFFFF0] =	vst v3;
	v3 =	vld [tilespmem:s23+$0x0]  }
0x123: {  	v4 =	vld [tilespmem:s24+$0x0];
	_ =	sdelay $0x4  }
0x124: {  	v3 =	vadd.f32 v4, v3;
	_ =	sdelay $0x1  }
0x125: {  	[tilespmem:s23+$0x0] =	vst v3;
	v3 =	vld [tilespmem:s23+$0x10]  }
0x126: {  	v4 =	vld [tilespmem:s24+$0x10];
	_ =	sdelay $0x4  }
0x127: {  	v3 =	vadd.f32 v4, v3;
	_ =	sdelay $0x1  }
0x128: {  	[tilespmem:s23+$0x10] =	vst v3;
	v3 =	vld [tilespmem:s23+$0x20]  }
0x129: {  	v4 =	vld [tilespmem:s24+$0x20];
	_ =	sdelay $0x4  }
0x12a: {  	v3 =	vadd.f32 v4, v3;
	_ =	sdelay $0x1  }
0x12b: {  	[tilespmem:s23+$0x20] =	vst v3;
	v3 =	vld [tilespmem:s23+$0x30]  }
0x12c: {  	v4 =	vld [tilespmem:s24+$0x30];
	_ =	sdelay $0x4  }
0x12d: {  	v3 =	vadd.f32 v4, v3  }
0x12e: {  	s25 =	simm.s32 $0x0;
	s29 =	sadd.s32 $0x400, s23  }
.LBB2_7:
0x12f: {  	v4 =	vld [tilespmem:s29+$0xFFFFFFC0];
	[tilespmem:s23+$0x30] =	vst v3;
	s24 =	sadd.s32 $0x400, s24;
	s23 =	smov.u32 s29  }
0x130: {  	s25 =	sadd.s32 $0x8, s25;
	v3 =	vld [tilespmem:s24+$0xFFFFFFC0]  }
0x131: {  	p0 =	slt.u32 s25, $0x38;
	_ =	sdelay $0x3  }
0x132: {  	v3 =	vadd.f32 v3, v4;
	_ =	sdelay $0x1  }
0x133: {  	[tilespmem:s29+$0xFFFFFFC0] =	vst v3;
	v3 =	vld [tilespmem:s29+$0xFFFFFFD0]  }
0x134: {  	v4 =	vld [tilespmem:s24+$0xFFFFFFD0];
	_ =	sdelay $0x4  }
0x135: {  	v3 =	vadd.f32 v4, v3;
	_ =	sdelay $0x1  }
0x136: {  	[tilespmem:s29+$0xFFFFFFD0] =	vst v3;
	v3 =	vld [tilespmem:s29+$0xFFFFFFE0]  }
0x137: {  	v4 =	vld [tilespmem:s24+$0xFFFFFFE0];
	_ =	sdelay $0x4  }
0x138: {  	v3 =	vadd.f32 v4, v3;
	_ =	sdelay $0x1  }
0x139: {  	[tilespmem:s29+$0xFFFFFFE0] =	vst v3;
	v3 =	vld [tilespmem:s29+$0xFFFFFFF0]  }
0x13a: {  	v4 =	vld [tilespmem:s24+$0xFFFFFFF0];
	_ =	sdelay $0x4  }
0x13b: {  	v3 =	vadd.f32 v4, v3;
	_ =	sdelay $0x1  }
0x13c: {  	[tilespmem:s29+$0xFFFFFFF0] =	vst v3;
	v3 =	vld [tilespmem:s29+$0x0]  }
0x13d: {  	v4 =	vld [tilespmem:s24+$0x0];
	_ =	sdelay $0x4  }
0x13e: {  	v3 =	vadd.f32 v4, v3;
	_ =	sdelay $0x1  }
0x13f: {  	[tilespmem:s29+$0x0] =	vst v3;
	v3 =	vld [tilespmem:s29+$0x10]  }
0x140: {  	v4 =	vld [tilespmem:s24+$0x10];
	_ =	sdelay $0x4  }
0x141: {  	v3 =	vadd.f32 v4, v3;
	_ =	sdelay $0x1  }
0x142: {  	[tilespmem:s29+$0x10] =	vst v3;
	v3 =	vld [tilespmem:s29+$0x20]  }
0x143: {  	v4 =	vld [tilespmem:s24+$0x20];
	_ =	sdelay $0x4  }
0x144: {  	v3 =	vadd.f32 v4, v3;
	_ =	sdelay $0x1  }
0x145: {  	[tilespmem:s29+$0x20] =	vst v3;
	v3 =	vld [tilespmem:s29+$0x30]  }
0x146: {  	v4 =	vld [tilespmem:s24+$0x30];
	_ =	sdelay $0x1  }
.Ltmp2:
0x147: {  	(pc) =	sbr.rel @p0 .LBB2_7-.Ltmp2, $3  }
0x148: {  	_ =	sdelay $0x1  }
0x149: {  	v3 =	vadd.f32 v4, v3  }
0x14a: {  	s29 =	sadd.s32 $0x400, s29  }
0x14b: {  	s21 =	sadd.s32 $0x1, s21  }
0x14c: {  	p0 =	sne.s32 s21, $0x10  }
.Ltmp3:
0x14d: {  	_ = 	snop;
	(pc) =	sbr.rel @p0 .LBB2_6-.Ltmp3, $2  }
0x14e: {  	_ =	sdelay $0x2  }
0x14f: {  	[tilespmem:s23+$0x30] =	vst v3;
	s20 =	sadd.s32 $0x400, s20;
	s19 =	sadd.s32 $0x1, s19  }
0x150: {  	s19 =	simm.s32 $0x0;
	s20 =	rddreg [dreg:$0x14]  }
0x151: {  	[hbm4b:s20+s19] =	stream.linear.scatter [tilespmem:s22], [sflag:$0x4], $0x4000, $0x38;
	[tilespmem:$0x10200] =	vst v63  }
0x152: {  	_ =	swait.ge [sflag:s17], $0x4000  }
0x153: {  	[sflag:s17] =	ssyncset.done $0x0  }
0x154: {  	s21 =	simm.s32 $0x8100;
	s24 =	rddreg [dreg:$0x9];
	[sflag:s17] =	ssyncadd.s32 $0xFFFFC000  }
0x155: {  	[tilespmem:s21], [sflag:$0x5] =	stream.linear.gather [hbm4b:s24+s19], $0x10, $0x38;
	[tilespmem:$0x10200] =	vst v63  }
0x156: {  	_ =	swait.ge [sflag:s0], $0x10  }
0x157: {  	[sflag:s0] =	ssyncset.done $0x0  }
0x158: {  	s29 =	simm.s32 $0x8180;
	s25 =	rddreg [dreg:$0xa];
	[sflag:s0] =	ssyncadd.s32 $0xFFFFFFF0  }
0x159: {  	[tilespmem:s29], [sflag:$0x5] =	stream.linear.gather [hbm4b:s25+s19], $0x10, $0x38;
	[tilespmem:$0x10200] =	vst v63  }
0x15a: {  	_ =	swait.ge [sflag:s0], $0x10  }
0x15b: {  	[sflag:s0] =	ssyncset.done $0x0  }
0x15c: {  	[sflag:s0] =	ssyncadd.s32 $0xFFFFFFF0  }
0x15d: {  	v3 =	vld [tilespmem:$0x8100];
	_ =	sdelay $0x4  }
0x15e: {  	v4 =	vshll.u32 v3, $0x3  }
0x15f: {  	v3 =	vand.u32 $0x7, v3;
	v4 =	vand.u32 $0xFFFFFFC0, v4  }
0x160: {  	v3 =	vor.u32 v3, v4  }
0x161: {  	v4 =	vperm.xlane v3, v0;
	_ =	sdelay $0x1  }
0x162: {  	v4 =	vadd.s32 v1, v4;
	_ =	sdelay $0x4  }
0x163: {  	[tilespmem:s22], [sflag:$0x3] =	stream.indirect_vreg.gather [hbm4b:s26+s19], $0x80, v4, vm0, $0xb8;
	[tilespmem:$0x10200] =	vst v63  }
0x164: {  	s23 =	simm.s32 $0x8A00;
	v3 =	vperm.xlane v3, v2  }
0x165: {  	[tilespmem:s23], [sflag:$0x3] =	stream.indirect_vreg.gather [hbm4b:s28+s19], $0x80, v4, vm0, $0xb8;
	[tilespmem:$0x10200] =	vst v63  }
0x166: {  	s24 =	simm.s32 $0x9200;
	v3 =	vadd.s32 v1, v3  }
0x167: {  	[tilespmem:s24], [sflag:$0x3] =	stream.indirect_vreg.gather [hbm4b:s30+s19], $0x80, v4, vm0, $0xb8;
	[tilespmem:$0x10200] =	vst v63  }
0x168: {  	s25 =	simm.s32 $0x9A00  }
0x169: {  	[tilespmem:s25], [sflag:$0x3] =	stream.indirect_vreg.gather [hbm4b:s31+s19], $0x80, v4, vm0, $0xb8;
	[tilespmem:$0x10200] =	vst v63  }
0x16a: {  	s29 =	simm.s32 $0xA200  }
0x16b: {  	[tilespmem:s29], [sflag:$0x3] =	stream.indirect_vreg.gather [hbm4b:s26+s19], $0x80, v3, vm0, $0xb8;
	[tilespmem:$0x10200] =	vst v63  }
0x16c: {  	_ = 	snop  }
0x16d: {  	[tilespmem:s14], [sflag:$0x3] =	stream.indirect_vreg.gather [hbm4b:s28+s19], $0x80, v3, vm0, $0xb8;
	[tilespmem:$0x10200] =	vst v63  }
0x16e: {  	_ = 	snop  }
0x16f: {  	[tilespmem:s2], [sflag:$0x3] =	stream.indirect_vreg.gather [hbm4b:s30+s19], $0x80, v3, vm0, $0xb8;
	[tilespmem:$0x10200] =	vst v63  }
0x170: {  	_ = 	snop  }
0x171: {  	[tilespmem:s4], [sflag:$0x3] =	stream.indirect_vreg.gather [hbm4b:s31+s19], $0x80, v3, vm0, $0xb8;
	[tilespmem:$0x10200] =	vst v63  }
0x172: {  	v3 =	vld [tilespmem:$0x8180];
	_ =	sdelay $0x4  }
0x173: {  	v63 =	vshll.u32 v3, $0x3  }
0x174: {  	v3 =	vand.u32 $0x7, v3;
	v4 =	vand.u32 $0xFFFFFFC0, v63  }
0x175: {  	v3 =	vor.u32 v3, v4  }
0x176: {  	v4 =	vperm.xlane v3, v0;
	_ =	sdelay $0x1  }
0x177: {  	v4 =	vadd.s32 v1, v4;
	_ =	sdelay $0x4  }
0x178: {  	[tilespmem:s5], [sflag:$0x3] =	stream.indirect_vreg.gather [hbm4b:s26+s19], $0x80, v4, vm0, $0xb8;
	[tilespmem:$0x10200] =	vst v63  }
0x179: {  	v3 =	vperm.xlane v3, v2  }
0x17a: {  	[tilespmem:s6], [sflag:$0x3] =	stream.indirect_vreg.gather [hbm4b:s28+s19], $0x80, v4, vm0, $0xb8;
	[tilespmem:$0x10200] =	vst v63  }
0x17b: {  	v3 =	vadd.s32 v1, v3  }
0x17c: {  	[tilespmem:s7], [sflag:$0x3] =	stream.indirect_vreg.gather [hbm4b:s30+s19], $0x80, v4, vm0, $0xb8;
	[tilespmem:$0x10200] =	vst v63  }
0x17d: {  	_ = 	snop  }
0x17e: {  	[tilespmem:s8], [sflag:$0x3] =	stream.indirect_vreg.gather [hbm4b:s31+s19], $0x80, v4, vm0, $0xb8;
	[tilespmem:$0x10200] =	vst v63  }
0x17f: {  	_ = 	snop  }
0x180: {  	[tilespmem:s9], [sflag:$0x3] =	stream.indirect_vreg.gather [hbm4b:s26+s19], $0x80, v3, vm0, $0xb8;
	[tilespmem:$0x10200] =	vst v63  }
0x181: {  	_ = 	snop  }
0x182: {  	[tilespmem:s10], [sflag:$0x3] =	stream.indirect_vreg.gather [hbm4b:s28+s19], $0x80, v3, vm0, $0xb8;
	[tilespmem:$0x10200] =	vst v63  }
0x183: {  	_ = 	snop  }
0x184: {  	[tilespmem:s11], [sflag:$0x3] =	stream.indirect_vreg.gather [hbm4b:s30+s19], $0x80, v3, vm0, $0xb8;
	[tilespmem:$0x10200] =	vst v63  }
0x185: {  	_ = 	snop  }
0x186: {  	[tilespmem:s12], [sflag:$0x3] =	stream.indirect_vreg.gather [hbm4b:s31+s19], $0x80, v3, vm0, $0xb8;
	[tilespmem:$0x10200] =	vst v63  }
0x187: {  	_ =	swait.ge [sflag:s13], $0x4000  }
0x188: {  	[sflag:s13] =	ssyncset.done $0x0  }
0x189: {  	[sflag:s13] =	ssyncadd.s32 $0xFFFFC000  }
0x18a: {  	_ =	swait.ge [sflag:s13], $0x4000  }
0x18b: {  	[sflag:s13] =	ssyncset.done $0x0  }
0x18c: {  	s20 =	simm.s32 $0x0;
	s21 =	simm.s32 $0x0;
	[sflag:s13] =	ssyncadd.s32 $0xFFFFC000  }
.LBB2_10:
0x18d: {  	s23 =	sshll.u32 s20, $0x2;
	s24 =	sand.u32 $0x7, s19  }
0x18e: {  	s23 =	sand.u32 $0xFFFF8000, s23;
	s24 =	sshll.u32 s24, $0x9  }
0x18f: {  	s23 =	sor.u32 s24, s23  }
0x190: {  	s24 =	sshrl.u32 s23, $0x2  }
0x191: {  	s23 =	sadd.s32 $0x140, s24  }
0x192: {  	s24 =	sadd.s32 $0x4140, s24;
	v3 =	vld [tilespmem:s23+$0xFFFFFFC0]  }
0x193: {  	v4 =	vld [tilespmem:s24+$0xFFFFFFC0];
	_ =	sdelay $0x4  }
0x194: {  	v3 =	vadd.f32 v4, v3;
	_ =	sdelay $0x1  }
0x195: {  	[tilespmem:s23+$0xFFFFFFC0] =	vst v3;
	v3 =	vld [tilespmem:s23+$0xFFFFFFD0]  }
0x196: {  	v4 =	vld [tilespmem:s24+$0xFFFFFFD0];
	_ =	sdelay $0x4  }
0x197: {  	v3 =	vadd.f32 v4, v3;
	_ =	sdelay $0x1  }
0x198: {  	[tilespmem:s23+$0xFFFFFFD0] =	vst v3;
	v3 =	vld [tilespmem:s23+$0xFFFFFFE0]  }
0x199: {  	v4 =	vld [tilespmem:s24+$0xFFFFFFE0];
	_ =	sdelay $0x4  }
0x19a: {  	v3 =	vadd.f32 v4, v3;
	_ =	sdelay $0x1  }
0x19b: {  	[tilespmem:s23+$0xFFFFFFE0] =	vst v3;
	v3 =	vld [tilespmem:s23+$0xFFFFFFF0]  }
0x19c: {  	v4 =	vld [tilespmem:s24+$0xFFFFFFF0];
	_ =	sdelay $0x4  }
0x19d: {  	v3 =	vadd.f32 v4, v3;
	_ =	sdelay $0x1  }
0x19e: {  	[tilespmem:s23+$0xFFFFFFF0] =	vst v3;
	v3 =	vld [tilespmem:s23+$0x0]  }
0x19f: {  	v4 =	vld [tilespmem:s24+$0x0];
	_ =	sdelay $0x4  }
0x1a0: {  	v3 =	vadd.f32 v4, v3;
	_ =	sdelay $0x1  }
0x1a1: {  	[tilespmem:s23+$0x0] =	vst v3;
	v3 =	vld [tilespmem:s23+$0x10]  }
0x1a2: {  	v4 =	vld [tilespmem:s24+$0x10];
	_ =	sdelay $0x4  }
0x1a3: {  	v3 =	vadd.f32 v4, v3;
	_ =	sdelay $0x1  }
0x1a4: {  	[tilespmem:s23+$0x10] =	vst v3;
	v3 =	vld [tilespmem:s23+$0x20]  }
0x1a5: {  	v4 =	vld [tilespmem:s24+$0x20];
	_ =	sdelay $0x4  }
0x1a6: {  	v3 =	vadd.f32 v4, v3;
	_ =	sdelay $0x1  }
0x1a7: {  	[tilespmem:s23+$0x20] =	vst v3;
	v3 =	vld [tilespmem:s23+$0x30]  }
0x1a8: {  	v4 =	vld [tilespmem:s24+$0x30];
	_ =	sdelay $0x4  }
0x1a9: {  	v3 =	vadd.f32 v4, v3  }
0x1aa: {  	s25 =	simm.s32 $0x0;
	s29 =	sadd.s32 $0x400, s23  }
.LBB2_11:
0x1ab: {  	v4 =	vld [tilespmem:s29+$0xFFFFFFC0];
	[tilespmem:s23+$0x30] =	vst v3;
	s24 =	sadd.s32 $0x400, s24;
	s23 =	smov.u32 s29  }
0x1ac: {  	s25 =	sadd.s32 $0x8, s25;
	v3 =	vld [tilespmem:s24+$0xFFFFFFC0]  }
0x1ad: {  	p0 =	slt.u32 s25, $0x38;
	_ =	sdelay $0x3  }
0x1ae: {  	v3 =	vadd.f32 v3, v4;
	_ =	sdelay $0x1  }
0x1af: {  	[tilespmem:s29+$0xFFFFFFC0] =	vst v3;
	v3 =	vld [tilespmem:s29+$0xFFFFFFD0]  }
0x1b0: {  	v4 =	vld [tilespmem:s24+$0xFFFFFFD0];
	_ =	sdelay $0x4  }
0x1b1: {  	v3 =	vadd.f32 v4, v3;
	_ =	sdelay $0x1  }
0x1b2: {  	[tilespmem:s29+$0xFFFFFFD0] =	vst v3;
	v3 =	vld [tilespmem:s29+$0xFFFFFFE0]  }
0x1b3: {  	v4 =	vld [tilespmem:s24+$0xFFFFFFE0];
	_ =	sdelay $0x4  }
0x1b4: {  	v3 =	vadd.f32 v4, v3;
	_ =	sdelay $0x1  }
0x1b5: {  	[tilespmem:s29+$0xFFFFFFE0] =	vst v3;
	v3 =	vld [tilespmem:s29+$0xFFFFFFF0]  }
0x1b6: {  	v4 =	vld [tilespmem:s24+$0xFFFFFFF0];
	_ =	sdelay $0x4  }
0x1b7: {  	v3 =	vadd.f32 v4, v3;
	_ =	sdelay $0x1  }
0x1b8: {  	[tilespmem:s29+$0xFFFFFFF0] =	vst v3;
	v3 =	vld [tilespmem:s29+$0x0]  }
0x1b9: {  	v4 =	vld [tilespmem:s24+$0x0];
	_ =	sdelay $0x4  }
0x1ba: {  	v3 =	vadd.f32 v4, v3;
	_ =	sdelay $0x1  }
0x1bb: {  	[tilespmem:s29+$0x0] =	vst v3;
	v3 =	vld [tilespmem:s29+$0x10]  }
0x1bc: {  	v4 =	vld [tilespmem:s24+$0x10];
	_ =	sdelay $0x4  }
0x1bd: {  	v3 =	vadd.f32 v4, v3;
	_ =	sdelay $0x1  }
0x1be: {  	[tilespmem:s29+$0x10] =	vst v3;
	v3 =	vld [tilespmem:s29+$0x20]  }
0x1bf: {  	v4 =	vld [tilespmem:s24+$0x20];
	_ =	sdelay $0x4  }
0x1c0: {  	v3 =	vadd.f32 v4, v3;
	_ =	sdelay $0x1  }
0x1c1: {  	[tilespmem:s29+$0x20] =	vst v3;
	v3 =	vld [tilespmem:s29+$0x30]  }
0x1c2: {  	v4 =	vld [tilespmem:s24+$0x30];
	_ =	sdelay $0x1  }
.Ltmp4:
0x1c3: {  	(pc) =	sbr.rel @p0 .LBB2_11-.Ltmp4, $3  }
0x1c4: {  	_ =	sdelay $0x1  }
0x1c5: {  	v3 =	vadd.f32 v4, v3  }
0x1c6: {  	s29 =	sadd.s32 $0x400, s29  }
0x1c7: {  	s21 =	sadd.s32 $0x1, s21  }
0x1c8: {  	p0 =	sne.s32 s21, $0x10  }
.Ltmp5:
0x1c9: {  	_ = 	snop;
	(pc) =	sbr.rel @p0 .LBB2_10-.Ltmp5, $2  }
0x1ca: {  	_ =	sdelay $0x2  }
0x1cb: {  	[tilespmem:s23+$0x30] =	vst v3;
	s20 =	sadd.s32 $0x400, s20;
	s19 =	sadd.s32 $0x1, s19  }
0x1cc: {  	s19 =	simm.s32 $0x0;
	s20 =	rddreg [dreg:$0x15]  }
0x1cd: {  	[hbm4b:s20+s19] =	stream.linear.scatter [tilespmem:s3], [sflag:$0x2], $0x4000, $0x38;
	[tilespmem:$0x10200] =	vst v63  }
0x1ce: {  	_ =	swait.ge [sflag:s15], $0x4000  }
0x1cf: {  	[sflag:s15] =	ssyncset.done $0x0  }
0x1d0: {  	s25 =	rddreg [dreg:$0xb];
	[sflag:s15] =	ssyncadd.s32 $0xFFFFC000  }
0x1d1: {  	[tilespmem:s19], [sflag:$0x5] =	stream.linear.gather [hbm4b:s25+s19], $0x10, $0x38;
	[tilespmem:$0x10200] =	vst v63  }
0x1d2: {  	_ =	swait.ge [sflag:s0], $0x10  }
0x1d3: {  	[sflag:s0] =	ssyncset.done $0x0  }
0x1d4: {  	s21 =	simm.s32 $0x80;
	s29 =	rddreg [dreg:$0xc];
	[sflag:s0] =	ssyncadd.s32 $0xFFFFFFF0  }
0x1d5: {  	[tilespmem:s21], [sflag:$0x5] =	stream.linear.gather [hbm4b:s29+s19], $0x10, $0x38;
	[tilespmem:$0x10200] =	vst v63  }
0x1d6: {  	_ =	swait.ge [sflag:s0], $0x10  }
0x1d7: {  	[sflag:s0] =	ssyncset.done $0x0  }
0x1d8: {  	[sflag:s0] =	ssyncadd.s32 $0xFFFFFFF0  }
0x1d9: {  	v3 =	vld [tilespmem:$0x0];
	_ =	sdelay $0x4  }
0x1da: {  	v4 =	vshll.u32 v3, $0x3  }
0x1db: {  	v3 =	vand.u32 $0x7, v3;
	v4 =	vand.u32 $0xFFFFFFC0, v4  }
0x1dc: {  	v3 =	vor.u32 v3, v4  }
0x1dd: {  	v4 =	vperm.xlane v3, v0;
	_ =	sdelay $0x1  }
0x1de: {  	v4 =	vadd.s32 v1, v4;
	_ =	sdelay $0x4  }
0x1df: {  	[tilespmem:s3], [sflag:$0x1] =	stream.indirect_vreg.gather [hbm4b:s26+s19], $0x80, v4, vm0, $0xb8;
	[tilespmem:$0x10200] =	vst v63  }
0x1e0: {  	s21 =	simm.s32 $0x900;
	v3 =	vperm.xlane v3, v2  }
0x1e1: {  	[tilespmem:s21], [sflag:$0x1] =	stream.indirect_vreg.gather [hbm4b:s28+s19], $0x80, v4, vm0, $0xb8;
	[tilespmem:$0x10200] =	vst v63  }
0x1e2: {  	s23 =	simm.s32 $0x1100;
	v3 =	vadd.s32 v1, v3  }
0x1e3: {  	[tilespmem:s23], [sflag:$0x1] =	stream.indirect_vreg.gather [hbm4b:s30+s19], $0x80, v4, vm0, $0xb8;
	[tilespmem:$0x10200] =	vst v63  }
0x1e4: {  	s24 =	simm.s32 $0x1900  }
0x1e5: {  	[tilespmem:s24], [sflag:$0x1] =	stream.indirect_vreg.gather [hbm4b:s31+s19], $0x80, v4, vm0, $0xb8;
	[tilespmem:$0x10200] =	vst v63  }
0x1e6: {  	s25 =	simm.s32 $0x2100  }
0x1e7: {  	[tilespmem:s25], [sflag:$0x1] =	stream.indirect_vreg.gather [hbm4b:s26+s19], $0x80, v3, vm0, $0xb8;
	[tilespmem:$0x10200] =	vst v63  }
0x1e8: {  	s29 =	simm.s32 $0x2900  }
0x1e9: {  	[tilespmem:s29], [sflag:$0x1] =	stream.indirect_vreg.gather [hbm4b:s28+s19], $0x80, v3, vm0, $0xb8;
	[tilespmem:$0x10200] =	vst v63  }
0x1ea: {  	s21 =	simm.s32 $0x3100  }
0x1eb: {  	[tilespmem:s21], [sflag:$0x1] =	stream.indirect_vreg.gather [hbm4b:s30+s19], $0x80, v3, vm0, $0xb8;
	[tilespmem:$0x10200] =	vst v63  }
0x1ec: {  	s23 =	simm.s32 $0x3900  }
0x1ed: {  	[tilespmem:s23], [sflag:$0x1] =	stream.indirect_vreg.gather [hbm4b:s31+s19], $0x80, v3, vm0, $0xb8;
	[tilespmem:$0x10200] =	vst v63  }
0x1ee: {  	v3 =	vld [tilespmem:$0x80];
	_ =	sdelay $0x4  }
0x1ef: {  	v63 =	vshll.u32 v3, $0x3  }
0x1f0: {  	v3 =	vand.u32 $0x7, v3;
	v4 =	vand.u32 $0xFFFFFFC0, v63  }
0x1f1: {  	v3 =	vor.u32 v3, v4  }
0x1f2: {  	v4 =	vperm.xlane v3, v0;
	_ =	sdelay $0x1  }
0x1f3: {  	v4 =	vadd.s32 v1, v4;
	_ =	sdelay $0x3  }
0x1f4: {  	s24 =	simm.s32 $0x4100  }
0x1f5: {  	[tilespmem:s24], [sflag:$0x1] =	stream.indirect_vreg.gather [hbm4b:s26+s19], $0x80, v4, vm0, $0xb8;
	[tilespmem:$0x10200] =	vst v63  }
0x1f6: {  	s25 =	simm.s32 $0x4900;
	v3 =	vperm.xlane v3, v2  }
0x1f7: {  	[tilespmem:s25], [sflag:$0x1] =	stream.indirect_vreg.gather [hbm4b:s28+s19], $0x80, v4, vm0, $0xb8;
	[tilespmem:$0x10200] =	vst v63  }
0x1f8: {  	s29 =	simm.s32 $0x5100;
	v3 =	vadd.s32 v1, v3  }
0x1f9: {  	[tilespmem:s29], [sflag:$0x1] =	stream.indirect_vreg.gather [hbm4b:s30+s19], $0x80, v4, vm0, $0xb8;
	[tilespmem:$0x10200] =	vst v63  }
0x1fa: {  	s21 =	simm.s32 $0x5900  }
0x1fb: {  	[tilespmem:s21], [sflag:$0x1] =	stream.indirect_vreg.gather [hbm4b:s31+s19], $0x80, v4, vm0, $0xb8;
	[tilespmem:$0x10200] =	vst v63  }
0x1fc: {  	s23 =	simm.s32 $0x6100  }
0x1fd: {  	[tilespmem:s23], [sflag:$0x1] =	stream.indirect_vreg.gather [hbm4b:s26+s19], $0x80, v3, vm0, $0xb8;
	[tilespmem:$0x10200] =	vst v63  }
0x1fe: {  	s24 =	simm.s32 $0x6900  }
0x1ff: {  	[tilespmem:s24], [sflag:$0x1] =	stream.indirect_vreg.gather [hbm4b:s28+s19], $0x80, v3, vm0, $0xb8;
	[tilespmem:$0x10200] =	vst v63  }
0x200: {  	s25 =	simm.s32 $0x7100  }
0x201: {  	[tilespmem:s25], [sflag:$0x1] =	stream.indirect_vreg.gather [hbm4b:s30+s19], $0x80, v3, vm0, $0xb8;
	[tilespmem:$0x10200] =	vst v63  }
0x202: {  	s29 =	simm.s32 $0x7900  }
0x203: {  	[tilespmem:s29], [sflag:$0x1] =	stream.indirect_vreg.gather [hbm4b:s31+s19], $0x80, v3, vm0, $0xb8;
	[tilespmem:$0x10200] =	vst v63  }
0x204: {  	_ =	swait.ge [sflag:s16], $0x4000  }
0x205: {  	[sflag:s16] =	ssyncset.done $0x0  }
0x206: {  	[sflag:s16] =	ssyncadd.s32 $0xFFFFC000  }
0x207: {  	_ =	swait.ge [sflag:s16], $0x4000  }
0x208: {  	[sflag:s16] =	ssyncset.done $0x0  }
0x209: {  	s20 =	simm.s32 $0x0;
	s21 =	simm.s32 $0x0;
	[sflag:s16] =	ssyncadd.s32 $0xFFFFC000  }
.LBB2_14:
0x20a: {  	s23 =	sshll.u32 s20, $0x2;
	s24 =	sand.u32 $0x7, s19  }
0x20b: {  	s23 =	sand.u32 $0xFFFF8000, s23;
	s24 =	sshll.u32 s24, $0x9  }
0x20c: {  	s23 =	sor.u32 s24, s23  }
0x20d: {  	s24 =	sshrl.u32 s23, $0x2  }
0x20e: {  	s23 =	sadd.s32 $0x8240, s24  }
0x20f: {  	s24 =	sadd.s32 $0xC240, s24;
	v3 =	vld [tilespmem:s23+$0xFFFFFFC0]  }
0x210: {  	v4 =	vld [tilespmem:s24+$0xFFFFFFC0];
	_ =	sdelay $0x4  }
0x211: {  	v3 =	vadd.f32 v4, v3;
	_ =	sdelay $0x1  }
0x212: {  	[tilespmem:s23+$0xFFFFFFC0] =	vst v3;
	v3 =	vld [tilespmem:s23+$0xFFFFFFD0]  }
0x213: {  	v4 =	vld [tilespmem:s24+$0xFFFFFFD0];
	_ =	sdelay $0x4  }
0x214: {  	v3 =	vadd.f32 v4, v3;
	_ =	sdelay $0x1  }
0x215: {  	[tilespmem:s23+$0xFFFFFFD0] =	vst v3;
	v3 =	vld [tilespmem:s23+$0xFFFFFFE0]  }
0x216: {  	v4 =	vld [tilespmem:s24+$0xFFFFFFE0];
	_ =	sdelay $0x4  }
0x217: {  	v3 =	vadd.f32 v4, v3;
	_ =	sdelay $0x1  }
0x218: {  	[tilespmem:s23+$0xFFFFFFE0] =	vst v3;
	v3 =	vld [tilespmem:s23+$0xFFFFFFF0]  }
0x219: {  	v4 =	vld [tilespmem:s24+$0xFFFFFFF0];
	_ =	sdelay $0x4  }
0x21a: {  	v3 =	vadd.f32 v4, v3;
	_ =	sdelay $0x1  }
0x21b: {  	[tilespmem:s23+$0xFFFFFFF0] =	vst v3;
	v3 =	vld [tilespmem:s23+$0x0]  }
0x21c: {  	v4 =	vld [tilespmem:s24+$0x0];
	_ =	sdelay $0x4  }
0x21d: {  	v3 =	vadd.f32 v4, v3;
	_ =	sdelay $0x1  }
0x21e: {  	[tilespmem:s23+$0x0] =	vst v3;
	v3 =	vld [tilespmem:s23+$0x10]  }
0x21f: {  	v4 =	vld [tilespmem:s24+$0x10];
	_ =	sdelay $0x4  }
0x220: {  	v3 =	vadd.f32 v4, v3;
	_ =	sdelay $0x1  }
0x221: {  	[tilespmem:s23+$0x10] =	vst v3;
	v3 =	vld [tilespmem:s23+$0x20]  }
0x222: {  	v4 =	vld [tilespmem:s24+$0x20];
	_ =	sdelay $0x4  }
0x223: {  	v3 =	vadd.f32 v4, v3;
	_ =	sdelay $0x1  }
0x224: {  	[tilespmem:s23+$0x20] =	vst v3;
	v3 =	vld [tilespmem:s23+$0x30]  }
0x225: {  	v4 =	vld [tilespmem:s24+$0x30];
	_ =	sdelay $0x4  }
0x226: {  	v3 =	vadd.f32 v4, v3  }
0x227: {  	s25 =	simm.s32 $0x0;
	s29 =	sadd.s32 $0x400, s23  }
.LBB2_15:
0x228: {  	v4 =	vld [tilespmem:s29+$0xFFFFFFC0];
	[tilespmem:s23+$0x30] =	vst v3;
	s24 =	sadd.s32 $0x400, s24;
	s23 =	smov.u32 s29  }
0x229: {  	s25 =	sadd.s32 $0x8, s25;
	v3 =	vld [tilespmem:s24+$0xFFFFFFC0]  }
0x22a: {  	p0 =	slt.u32 s25, $0x38;
	_ =	sdelay $0x3  }
0x22b: {  	v3 =	vadd.f32 v3, v4;
	_ =	sdelay $0x1  }
0x22c: {  	[tilespmem:s29+$0xFFFFFFC0] =	vst v3;
	v3 =	vld [tilespmem:s29+$0xFFFFFFD0]  }
0x22d: {  	v4 =	vld [tilespmem:s24+$0xFFFFFFD0];
	_ =	sdelay $0x4  }
0x22e: {  	v3 =	vadd.f32 v4, v3;
	_ =	sdelay $0x1  }
0x22f: {  	[tilespmem:s29+$0xFFFFFFD0] =	vst v3;
	v3 =	vld [tilespmem:s29+$0xFFFFFFE0]  }
0x230: {  	v4 =	vld [tilespmem:s24+$0xFFFFFFE0];
	_ =	sdelay $0x4  }
0x231: {  	v3 =	vadd.f32 v4, v3;
	_ =	sdelay $0x1  }
0x232: {  	[tilespmem:s29+$0xFFFFFFE0] =	vst v3;
	v3 =	vld [tilespmem:s29+$0xFFFFFFF0]  }
0x233: {  	v4 =	vld [tilespmem:s24+$0xFFFFFFF0];
	_ =	sdelay $0x4  }
0x234: {  	v3 =	vadd.f32 v4, v3;
	_ =	sdelay $0x1  }
0x235: {  	[tilespmem:s29+$0xFFFFFFF0] =	vst v3;
	v3 =	vld [tilespmem:s29+$0x0]  }
0x236: {  	v4 =	vld [tilespmem:s24+$0x0];
	_ =	sdelay $0x4  }
0x237: {  	v3 =	vadd.f32 v4, v3;
	_ =	sdelay $0x1  }
0x238: {  	[tilespmem:s29+$0x0] =	vst v3;
	v3 =	vld [tilespmem:s29+$0x10]  }
0x239: {  	v4 =	vld [tilespmem:s24+$0x10];
	_ =	sdelay $0x4  }
0x23a: {  	v3 =	vadd.f32 v4, v3;
	_ =	sdelay $0x1  }
0x23b: {  	[tilespmem:s29+$0x10] =	vst v3;
	v3 =	vld [tilespmem:s29+$0x20]  }
0x23c: {  	v4 =	vld [tilespmem:s24+$0x20];
	_ =	sdelay $0x4  }
0x23d: {  	v3 =	vadd.f32 v4, v3;
	_ =	sdelay $0x1  }
0x23e: {  	[tilespmem:s29+$0x20] =	vst v3;
	v3 =	vld [tilespmem:s29+$0x30]  }
0x23f: {  	v4 =	vld [tilespmem:s24+$0x30];
	_ =	sdelay $0x1  }
.Ltmp6:
0x240: {  	(pc) =	sbr.rel @p0 .LBB2_15-.Ltmp6, $3  }
0x241: {  	_ =	sdelay $0x1  }
0x242: {  	v3 =	vadd.f32 v4, v3  }
0x243: {  	s29 =	sadd.s32 $0x400, s29  }
0x244: {  	s21 =	sadd.s32 $0x1, s21  }
0x245: {  	p0 =	sne.s32 s21, $0x10  }
.Ltmp7:
0x246: {  	_ = 	snop;
	(pc) =	sbr.rel @p0 .LBB2_14-.Ltmp7, $2  }
0x247: {  	_ =	sdelay $0x2  }
0x248: {  	[tilespmem:s23+$0x30] =	vst v3;
	s20 =	sadd.s32 $0x400, s20;
	s19 =	sadd.s32 $0x1, s19  }
0x249: {  	s19 =	simm.s32 $0x0;
	s20 =	rddreg [dreg:$0x16]  }
0x24a: {  	[hbm4b:s20+s19] =	stream.linear.scatter [tilespmem:s22], [sflag:$0x4], $0x4000, $0x38;
	[tilespmem:$0x10200] =	vst v63  }
0x24b: {  	_ =	swait.ge [sflag:s17], $0x4000  }
0x24c: {  	[sflag:s17] =	ssyncset.done $0x0  }
0x24d: {  	s21 =	simm.s32 $0x8100;
	s24 =	rddreg [dreg:$0xd];
	[sflag:s17] =	ssyncadd.s32 $0xFFFFC000  }
0x24e: {  	[tilespmem:s21], [sflag:$0x5] =	stream.linear.gather [hbm4b:s24+s19], $0x10, $0x38;
	[tilespmem:$0x10200] =	vst v63  }
0x24f: {  	_ =	swait.ge [sflag:s0], $0x10  }
0x250: {  	[sflag:s0] =	ssyncset.done $0x0  }
0x251: {  	s29 =	simm.s32 $0x8180;
	s25 =	rddreg [dreg:$0xe];
	[sflag:s0] =	ssyncadd.s32 $0xFFFFFFF0  }
0x252: {  	[tilespmem:s29], [sflag:$0x5] =	stream.linear.gather [hbm4b:s25+s19], $0x10, $0x38;
	[tilespmem:$0x10200] =	vst v63  }
0x253: {  	_ =	swait.ge [sflag:s0], $0x10  }
0x254: {  	[sflag:s0] =	ssyncset.done $0x0  }
0x255: {  	[sflag:s0] =	ssyncadd.s32 $0xFFFFFFF0  }
0x256: {  	v3 =	vld [tilespmem:$0x8100];
	_ =	sdelay $0x4  }
0x257: {  	v4 =	vshll.u32 v3, $0x3  }
0x258: {  	v3 =	vand.u32 $0x7, v3;
	v4 =	vand.u32 $0xFFFFFFC0, v4  }
0x259: {  	v3 =	vor.u32 v3, v4  }
0x25a: {  	v4 =	vperm.xlane v3, v0;
	_ =	sdelay $0x1  }
0x25b: {  	v4 =	vadd.s32 v1, v4;
	_ =	sdelay $0x4  }
0x25c: {  	[tilespmem:s22], [sflag:$0x3] =	stream.indirect_vreg.gather [hbm4b:s26+s19], $0x80, v4, vm0, $0xb8;
	[tilespmem:$0x10200] =	vst v63  }
0x25d: {  	s23 =	simm.s32 $0x8A00;
	v3 =	vperm.xlane v3, v2  }
0x25e: {  	[tilespmem:s23], [sflag:$0x3] =	stream.indirect_vreg.gather [hbm4b:s28+s19], $0x80, v4, vm0, $0xb8;
	[tilespmem:$0x10200] =	vst v63  }
0x25f: {  	s24 =	simm.s32 $0x9200;
	v3 =	vadd.s32 v1, v3  }
0x260: {  	[tilespmem:s24], [sflag:$0x3] =	stream.indirect_vreg.gather [hbm4b:s30+s19], $0x80, v4, vm0, $0xb8;
	[tilespmem:$0x10200] =	vst v63  }
0x261: {  	s25 =	simm.s32 $0x9A00  }
0x262: {  	[tilespmem:s25], [sflag:$0x3] =	stream.indirect_vreg.gather [hbm4b:s31+s19], $0x80, v4, vm0, $0xb8;
	[tilespmem:$0x10200] =	vst v63  }
0x263: {  	s29 =	simm.s32 $0xA200  }
0x264: {  	[tilespmem:s29], [sflag:$0x3] =	stream.indirect_vreg.gather [hbm4b:s26+s19], $0x80, v3, vm0, $0xb8;
	[tilespmem:$0x10200] =	vst v63  }
0x265: {  	_ = 	snop  }
0x266: {  	[tilespmem:s14], [sflag:$0x3] =	stream.indirect_vreg.gather [hbm4b:s28+s19], $0x80, v3, vm0, $0xb8;
	[tilespmem:$0x10200] =	vst v63  }
0x267: {  	_ = 	snop  }
0x268: {  	[tilespmem:s2], [sflag:$0x3] =	stream.indirect_vreg.gather [hbm4b:s30+s19], $0x80, v3, vm0, $0xb8;
	[tilespmem:$0x10200] =	vst v63  }
0x269: {  	_ = 	snop  }
0x26a: {  	[tilespmem:s4], [sflag:$0x3] =	stream.indirect_vreg.gather [hbm4b:s31+s19], $0x80, v3, vm0, $0xb8;
	[tilespmem:$0x10200] =	vst v63  }
0x26b: {  	v3 =	vld [tilespmem:$0x8180];
	_ =	sdelay $0x4  }
0x26c: {  	v63 =	vshll.u32 v3, $0x3  }
0x26d: {  	v3 =	vand.u32 $0x7, v3;
	v4 =	vand.u32 $0xFFFFFFC0, v63  }
0x26e: {  	v3 =	vor.u32 v3, v4  }
0x26f: {  	v4 =	vperm.xlane v3, v0;
	_ =	sdelay $0x1  }
0x270: {  	v4 =	vadd.s32 v1, v4;
	_ =	sdelay $0x4  }
0x271: {  	[tilespmem:s5], [sflag:$0x3] =	stream.indirect_vreg.gather [hbm4b:s26+s19], $0x80, v4, vm0, $0xb8;
	[tilespmem:$0x10200] =	vst v63  }
0x272: {  	v3 =	vperm.xlane v3, v2  }
0x273: {  	[tilespmem:s6], [sflag:$0x3] =	stream.indirect_vreg.gather [hbm4b:s28+s19], $0x80, v4, vm0, $0xb8;
	[tilespmem:$0x10200] =	vst v63  }
0x274: {  	v3 =	vadd.s32 v1, v3  }
0x275: {  	[tilespmem:s7], [sflag:$0x3] =	stream.indirect_vreg.gather [hbm4b:s30+s19], $0x80, v4, vm0, $0xb8;
	[tilespmem:$0x10200] =	vst v63  }
0x276: {  	_ = 	snop  }
0x277: {  	[tilespmem:s8], [sflag:$0x3] =	stream.indirect_vreg.gather [hbm4b:s31+s19], $0x80, v4, vm0, $0xb8;
	[tilespmem:$0x10200] =	vst v63  }
0x278: {  	_ = 	snop  }
0x279: {  	[tilespmem:s9], [sflag:$0x3] =	stream.indirect_vreg.gather [hbm4b:s26+s19], $0x80, v3, vm0, $0xb8;
	[tilespmem:$0x10200] =	vst v63  }
0x27a: {  	_ = 	snop  }
0x27b: {  	[tilespmem:s10], [sflag:$0x3] =	stream.indirect_vreg.gather [hbm4b:s28+s19], $0x80, v3, vm0, $0xb8;
	[tilespmem:$0x10200] =	vst v63  }
0x27c: {  	_ = 	snop  }
0x27d: {  	[tilespmem:s11], [sflag:$0x3] =	stream.indirect_vreg.gather [hbm4b:s30+s19], $0x80, v3, vm0, $0xb8;
	[tilespmem:$0x10200] =	vst v63  }
0x27e: {  	_ = 	snop  }
0x27f: {  	[tilespmem:s12], [sflag:$0x3] =	stream.indirect_vreg.gather [hbm4b:s31+s19], $0x80, v3, vm0, $0xb8;
	[tilespmem:$0x10200] =	vst v63  }
0x280: {  	_ =	swait.ge [sflag:s13], $0x4000  }
0x281: {  	[sflag:s13] =	ssyncset.done $0x0  }
0x282: {  	[sflag:s13] =	ssyncadd.s32 $0xFFFFC000  }
0x283: {  	_ =	swait.ge [sflag:s13], $0x4000  }
0x284: {  	[sflag:s13] =	ssyncset.done $0x0  }
0x285: {  	s20 =	simm.s32 $0x0;
	s21 =	simm.s32 $0x0;
	[sflag:s13] =	ssyncadd.s32 $0xFFFFC000  }
.LBB2_18:
0x286: {  	s23 =	sshll.u32 s20, $0x2;
	s24 =	sand.u32 $0x7, s19  }
0x287: {  	s23 =	sand.u32 $0xFFFF8000, s23;
	s24 =	sshll.u32 s24, $0x9  }
0x288: {  	s23 =	sor.u32 s24, s23  }
0x289: {  	s24 =	sshrl.u32 s23, $0x2  }
0x28a: {  	s23 =	sadd.s32 $0x140, s24  }
0x28b: {  	s24 =	sadd.s32 $0x4140, s24;
	v3 =	vld [tilespmem:s23+$0xFFFFFFC0]  }
0x28c: {  	v4 =	vld [tilespmem:s24+$0xFFFFFFC0];
	_ =	sdelay $0x4  }
0x28d: {  	v3 =	vadd.f32 v4, v3;
	_ =	sdelay $0x1  }
0x28e: {  	[tilespmem:s23+$0xFFFFFFC0] =	vst v3;
	v3 =	vld [tilespmem:s23+$0xFFFFFFD0]  }
0x28f: {  	v4 =	vld [tilespmem:s24+$0xFFFFFFD0];
	_ =	sdelay $0x4  }
0x290: {  	v3 =	vadd.f32 v4, v3;
	_ =	sdelay $0x1  }
0x291: {  	[tilespmem:s23+$0xFFFFFFD0] =	vst v3;
	v3 =	vld [tilespmem:s23+$0xFFFFFFE0]  }
0x292: {  	v4 =	vld [tilespmem:s24+$0xFFFFFFE0];
	_ =	sdelay $0x4  }
0x293: {  	v3 =	vadd.f32 v4, v3;
	_ =	sdelay $0x1  }
0x294: {  	[tilespmem:s23+$0xFFFFFFE0] =	vst v3;
	v3 =	vld [tilespmem:s23+$0xFFFFFFF0]  }
0x295: {  	v4 =	vld [tilespmem:s24+$0xFFFFFFF0];
	_ =	sdelay $0x4  }
0x296: {  	v3 =	vadd.f32 v4, v3;
	_ =	sdelay $0x1  }
0x297: {  	[tilespmem:s23+$0xFFFFFFF0] =	vst v3;
	v3 =	vld [tilespmem:s23+$0x0]  }
0x298: {  	v4 =	vld [tilespmem:s24+$0x0];
	_ =	sdelay $0x4  }
0x299: {  	v3 =	vadd.f32 v4, v3;
	_ =	sdelay $0x1  }
0x29a: {  	[tilespmem:s23+$0x0] =	vst v3;
	v3 =	vld [tilespmem:s23+$0x10]  }
0x29b: {  	v4 =	vld [tilespmem:s24+$0x10];
	_ =	sdelay $0x4  }
0x29c: {  	v3 =	vadd.f32 v4, v3;
	_ =	sdelay $0x1  }
0x29d: {  	[tilespmem:s23+$0x10] =	vst v3;
	v3 =	vld [tilespmem:s23+$0x20]  }
0x29e: {  	v4 =	vld [tilespmem:s24+$0x20];
	_ =	sdelay $0x4  }
0x29f: {  	v3 =	vadd.f32 v4, v3;
	_ =	sdelay $0x1  }
0x2a0: {  	[tilespmem:s23+$0x20] =	vst v3;
	v3 =	vld [tilespmem:s23+$0x30]  }
0x2a1: {  	v4 =	vld [tilespmem:s24+$0x30];
	_ =	sdelay $0x4  }
0x2a2: {  	v3 =	vadd.f32 v4, v3  }
0x2a3: {  	s25 =	simm.s32 $0x0;
	s29 =	sadd.s32 $0x400, s23  }
.LBB2_19:
0x2a4: {  	v4 =	vld [tilespmem:s29+$0xFFFFFFC0];
	[tilespmem:s23+$0x30] =	vst v3;
	s24 =	sadd.s32 $0x400, s24;
	s23 =	smov.u32 s29  }
0x2a5: {  	s25 =	sadd.s32 $0x8, s25;
	v3 =	vld [tilespmem:s24+$0xFFFFFFC0]  }
0x2a6: {  	p0 =	slt.u32 s25, $0x38;
	_ =	sdelay $0x3  }
0x2a7: {  	v3 =	vadd.f32 v3, v4;
	_ =	sdelay $0x1  }
0x2a8: {  	[tilespmem:s29+$0xFFFFFFC0] =	vst v3;
	v3 =	vld [tilespmem:s29+$0xFFFFFFD0]  }
0x2a9: {  	v4 =	vld [tilespmem:s24+$0xFFFFFFD0];
	_ =	sdelay $0x4  }
0x2aa: {  	v3 =	vadd.f32 v4, v3;
	_ =	sdelay $0x1  }
0x2ab: {  	[tilespmem:s29+$0xFFFFFFD0] =	vst v3;
	v3 =	vld [tilespmem:s29+$0xFFFFFFE0]  }
0x2ac: {  	v4 =	vld [tilespmem:s24+$0xFFFFFFE0];
	_ =	sdelay $0x4  }
0x2ad: {  	v3 =	vadd.f32 v4, v3;
	_ =	sdelay $0x1  }
0x2ae: {  	[tilespmem:s29+$0xFFFFFFE0] =	vst v3;
	v3 =	vld [tilespmem:s29+$0xFFFFFFF0]  }
0x2af: {  	v4 =	vld [tilespmem:s24+$0xFFFFFFF0];
	_ =	sdelay $0x4  }
0x2b0: {  	v3 =	vadd.f32 v4, v3;
	_ =	sdelay $0x1  }
0x2b1: {  	[tilespmem:s29+$0xFFFFFFF0] =	vst v3;
	v3 =	vld [tilespmem:s29+$0x0]  }
0x2b2: {  	v4 =	vld [tilespmem:s24+$0x0];
	_ =	sdelay $0x4  }
0x2b3: {  	v3 =	vadd.f32 v4, v3;
	_ =	sdelay $0x1  }
0x2b4: {  	[tilespmem:s29+$0x0] =	vst v3;
	v3 =	vld [tilespmem:s29+$0x10]  }
0x2b5: {  	v4 =	vld [tilespmem:s24+$0x10];
	_ =	sdelay $0x4  }
0x2b6: {  	v3 =	vadd.f32 v4, v3;
	_ =	sdelay $0x1  }
0x2b7: {  	[tilespmem:s29+$0x10] =	vst v3;
	v3 =	vld [tilespmem:s29+$0x20]  }
0x2b8: {  	v4 =	vld [tilespmem:s24+$0x20];
	_ =	sdelay $0x4  }
0x2b9: {  	v3 =	vadd.f32 v4, v3;
	_ =	sdelay $0x1  }
0x2ba: {  	[tilespmem:s29+$0x20] =	vst v3;
	v3 =	vld [tilespmem:s29+$0x30]  }
0x2bb: {  	v4 =	vld [tilespmem:s24+$0x30];
	_ =	sdelay $0x1  }
.Ltmp8:
0x2bc: {  	(pc) =	sbr.rel @p0 .LBB2_19-.Ltmp8, $3  }
0x2bd: {  	_ =	sdelay $0x1  }
0x2be: {  	v3 =	vadd.f32 v4, v3  }
0x2bf: {  	s29 =	sadd.s32 $0x400, s29  }
0x2c0: {  	s21 =	sadd.s32 $0x1, s21  }
0x2c1: {  	p0 =	sne.s32 s21, $0x10  }
.Ltmp9:
0x2c2: {  	_ = 	snop;
	(pc) =	sbr.rel @p0 .LBB2_18-.Ltmp9, $2  }
0x2c3: {  	_ =	sdelay $0x2  }
0x2c4: {  	[tilespmem:s23+$0x30] =	vst v3;
	s20 =	sadd.s32 $0x400, s20;
	s19 =	sadd.s32 $0x1, s19  }
0x2c5: {  	s19 =	simm.s32 $0x0;
	s20 =	rddreg [dreg:$0x17]  }
0x2c6: {  	[hbm4b:s20+s19] =	stream.linear.scatter [tilespmem:s3], [sflag:$0x2], $0x4000, $0x38;
	[tilespmem:$0x10200] =	vst v63  }
0x2c7: {  	_ =	swait.ge [sflag:s15], $0x4000  }
0x2c8: {  	[sflag:s15] =	ssyncset.done $0x0  }
0x2c9: {  	s25 =	rddreg [dreg:$0xf];
	[sflag:s15] =	ssyncadd.s32 $0xFFFFC000  }
0x2ca: {  	[tilespmem:s19], [sflag:$0x5] =	stream.linear.gather [hbm4b:s25+s19], $0x10, $0x38;
	[tilespmem:$0x10200] =	vst v63  }
0x2cb: {  	_ =	swait.ge [sflag:s0], $0x10  }
0x2cc: {  	[sflag:s0] =	ssyncset.done $0x0  }
0x2cd: {  	s21 =	simm.s32 $0x80;
	s29 =	rddreg [dreg:$0x10];
	[sflag:s0] =	ssyncadd.s32 $0xFFFFFFF0  }
0x2ce: {  	[tilespmem:s21], [sflag:$0x5] =	stream.linear.gather [hbm4b:s29+s19], $0x10, $0x38;
	[tilespmem:$0x10200] =	vst v63  }
0x2cf: {  	_ =	swait.ge [sflag:s0], $0x10  }
0x2d0: {  	[sflag:s0] =	ssyncset.done $0x0  }
0x2d1: {  	[sflag:s0] =	ssyncadd.s32 $0xFFFFFFF0  }
0x2d2: {  	v3 =	vld [tilespmem:$0x0];
	_ =	sdelay $0x4  }
0x2d3: {  	v4 =	vshll.u32 v3, $0x3  }
0x2d4: {  	v3 =	vand.u32 $0x7, v3;
	v4 =	vand.u32 $0xFFFFFFC0, v4  }
0x2d5: {  	v3 =	vor.u32 v3, v4  }
0x2d6: {  	v4 =	vperm.xlane v3, v0;
	_ =	sdelay $0x1  }
0x2d7: {  	v4 =	vadd.s32 v1, v4;
	_ =	sdelay $0x4  }
0x2d8: {  	[tilespmem:s3], [sflag:$0x1] =	stream.indirect_vreg.gather [hbm4b:s26+s19], $0x80, v4, vm0, $0xb8;
	[tilespmem:$0x10200] =	vst v63  }
0x2d9: {  	s21 =	simm.s32 $0x900;
	v3 =	vperm.xlane v3, v2  }
0x2da: {  	[tilespmem:s21], [sflag:$0x1] =	stream.indirect_vreg.gather [hbm4b:s28+s19], $0x80, v4, vm0, $0xb8;
	[tilespmem:$0x10200] =	vst v63  }
0x2db: {  	s23 =	simm.s32 $0x1100;
	v3 =	vadd.s32 v1, v3  }
0x2dc: {  	[tilespmem:s23], [sflag:$0x1] =	stream.indirect_vreg.gather [hbm4b:s30+s19], $0x80, v4, vm0, $0xb8;
	[tilespmem:$0x10200] =	vst v63  }
0x2dd: {  	s24 =	simm.s32 $0x1900  }
0x2de: {  	[tilespmem:s24], [sflag:$0x1] =	stream.indirect_vreg.gather [hbm4b:s31+s19], $0x80, v4, vm0, $0xb8;
	[tilespmem:$0x10200] =	vst v63  }
0x2df: {  	s25 =	simm.s32 $0x2100  }
0x2e0: {  	[tilespmem:s25], [sflag:$0x1] =	stream.indirect_vreg.gather [hbm4b:s26+s19], $0x80, v3, vm0, $0xb8;
	[tilespmem:$0x10200] =	vst v63  }
0x2e1: {  	s29 =	simm.s32 $0x2900  }
0x2e2: {  	[tilespmem:s29], [sflag:$0x1] =	stream.indirect_vreg.gather [hbm4b:s28+s19], $0x80, v3, vm0, $0xb8;
	[tilespmem:$0x10200] =	vst v63  }
0x2e3: {  	s21 =	simm.s32 $0x3100  }
0x2e4: {  	[tilespmem:s21], [sflag:$0x1] =	stream.indirect_vreg.gather [hbm4b:s30+s19], $0x80, v3, vm0, $0xb8;
	[tilespmem:$0x10200] =	vst v63  }
0x2e5: {  	s23 =	simm.s32 $0x3900  }
0x2e6: {  	[tilespmem:s23], [sflag:$0x1] =	stream.indirect_vreg.gather [hbm4b:s31+s19], $0x80, v3, vm0, $0xb8;
	[tilespmem:$0x10200] =	vst v63  }
0x2e7: {  	v3 =	vld [tilespmem:$0x80];
	_ =	sdelay $0x4  }
0x2e8: {  	v63 =	vshll.u32 v3, $0x3  }
0x2e9: {  	v3 =	vand.u32 $0x7, v3;
	v4 =	vand.u32 $0xFFFFFFC0, v63  }
0x2ea: {  	v3 =	vor.u32 v3, v4  }
0x2eb: {  	v4 =	vperm.xlane v3, v0;
	_ =	sdelay $0x1  }
0x2ec: {  	v4 =	vadd.s32 v1, v4;
	_ =	sdelay $0x3  }
0x2ed: {  	s24 =	simm.s32 $0x4100  }
0x2ee: {  	[tilespmem:s24], [sflag:$0x1] =	stream.indirect_vreg.gather [hbm4b:s26+s19], $0x80, v4, vm0, $0xb8;
	[tilespmem:$0x10200] =	vst v63  }
0x2ef: {  	s25 =	simm.s32 $0x4900;
	v3 =	vperm.xlane v3, v2  }
0x2f0: {  	[tilespmem:s25], [sflag:$0x1] =	stream.indirect_vreg.gather [hbm4b:s28+s19], $0x80, v4, vm0, $0xb8;
	[tilespmem:$0x10200] =	vst v63  }
0x2f1: {  	s29 =	simm.s32 $0x5100;
	v3 =	vadd.s32 v1, v3  }
0x2f2: {  	[tilespmem:s29], [sflag:$0x1] =	stream.indirect_vreg.gather [hbm4b:s30+s19], $0x80, v4, vm0, $0xb8;
	[tilespmem:$0x10200] =	vst v63  }
0x2f3: {  	s21 =	simm.s32 $0x5900  }
0x2f4: {  	[tilespmem:s21], [sflag:$0x1] =	stream.indirect_vreg.gather [hbm4b:s31+s19], $0x80, v4, vm0, $0xb8;
	[tilespmem:$0x10200] =	vst v63  }
0x2f5: {  	s23 =	simm.s32 $0x6100  }
0x2f6: {  	[tilespmem:s23], [sflag:$0x1] =	stream.indirect_vreg.gather [hbm4b:s26+s19], $0x80, v3, vm0, $0xb8;
	[tilespmem:$0x10200] =	vst v63  }
0x2f7: {  	s24 =	simm.s32 $0x6900  }
0x2f8: {  	[tilespmem:s24], [sflag:$0x1] =	stream.indirect_vreg.gather [hbm4b:s28+s19], $0x80, v3, vm0, $0xb8;
	[tilespmem:$0x10200] =	vst v63  }
0x2f9: {  	s25 =	simm.s32 $0x7100  }
0x2fa: {  	[tilespmem:s25], [sflag:$0x1] =	stream.indirect_vreg.gather [hbm4b:s30+s19], $0x80, v3, vm0, $0xb8;
	[tilespmem:$0x10200] =	vst v63  }
0x2fb: {  	s29 =	simm.s32 $0x7900  }
0x2fc: {  	[tilespmem:s29], [sflag:$0x1] =	stream.indirect_vreg.gather [hbm4b:s31+s19], $0x80, v3, vm0, $0xb8;
	[tilespmem:$0x10200] =	vst v63  }
0x2fd: {  	_ =	swait.ge [sflag:s16], $0x4000  }
0x2fe: {  	[sflag:s16] =	ssyncset.done $0x0  }
0x2ff: {  	[sflag:s16] =	ssyncadd.s32 $0xFFFFC000  }
0x300: {  	_ =	swait.ge [sflag:s16], $0x4000  }
0x301: {  	[sflag:s16] =	ssyncset.done $0x0  }
0x302: {  	s20 =	simm.s32 $0x0;
	s21 =	simm.s32 $0x0;
	[sflag:s16] =	ssyncadd.s32 $0xFFFFC000  }
.LBB2_22:
0x303: {  	s23 =	sshll.u32 s20, $0x2;
	s24 =	sand.u32 $0x7, s19  }
0x304: {  	s23 =	sand.u32 $0xFFFF8000, s23;
	s24 =	sshll.u32 s24, $0x9  }
0x305: {  	s23 =	sor.u32 s24, s23  }
0x306: {  	s24 =	sshrl.u32 s23, $0x2  }
0x307: {  	s23 =	sadd.s32 $0x8240, s24  }
0x308: {  	s24 =	sadd.s32 $0xC240, s24;
	v3 =	vld [tilespmem:s23+$0xFFFFFFC0]  }
0x309: {  	v4 =	vld [tilespmem:s24+$0xFFFFFFC0];
	_ =	sdelay $0x4  }
0x30a: {  	v3 =	vadd.f32 v4, v3;
	_ =	sdelay $0x1  }
0x30b: {  	[tilespmem:s23+$0xFFFFFFC0] =	vst v3;
	v3 =	vld [tilespmem:s23+$0xFFFFFFD0]  }
0x30c: {  	v4 =	vld [tilespmem:s24+$0xFFFFFFD0];
	_ =	sdelay $0x4  }
0x30d: {  	v3 =	vadd.f32 v4, v3;
	_ =	sdelay $0x1  }
0x30e: {  	[tilespmem:s23+$0xFFFFFFD0] =	vst v3;
	v3 =	vld [tilespmem:s23+$0xFFFFFFE0]  }
0x30f: {  	v4 =	vld [tilespmem:s24+$0xFFFFFFE0];
	_ =	sdelay $0x4  }
0x310: {  	v3 =	vadd.f32 v4, v3;
	_ =	sdelay $0x1  }
0x311: {  	[tilespmem:s23+$0xFFFFFFE0] =	vst v3;
	v3 =	vld [tilespmem:s23+$0xFFFFFFF0]  }
0x312: {  	v4 =	vld [tilespmem:s24+$0xFFFFFFF0];
	_ =	sdelay $0x4  }
0x313: {  	v3 =	vadd.f32 v4, v3;
	_ =	sdelay $0x1  }
0x314: {  	[tilespmem:s23+$0xFFFFFFF0] =	vst v3;
	v3 =	vld [tilespmem:s23+$0x0]  }
0x315: {  	v4 =	vld [tilespmem:s24+$0x0];
	_ =	sdelay $0x4  }
0x316: {  	v3 =	vadd.f32 v4, v3;
	_ =	sdelay $0x1  }
0x317: {  	[tilespmem:s23+$0x0] =	vst v3;
	v3 =	vld [tilespmem:s23+$0x10]  }
0x318: {  	v4 =	vld [tilespmem:s24+$0x10];
	_ =	sdelay $0x4  }
0x319: {  	v3 =	vadd.f32 v4, v3;
	_ =	sdelay $0x1  }
0x31a: {  	[tilespmem:s23+$0x10] =	vst v3;
	v3 =	vld [tilespmem:s23+$0x20]  }
0x31b: {  	v4 =	vld [tilespmem:s24+$0x20];
	_ =	sdelay $0x4  }
0x31c: {  	v3 =	vadd.f32 v4, v3;
	_ =	sdelay $0x1  }
0x31d: {  	[tilespmem:s23+$0x20] =	vst v3;
	v3 =	vld [tilespmem:s23+$0x30]  }
0x31e: {  	v4 =	vld [tilespmem:s24+$0x30];
	_ =	sdelay $0x4  }
0x31f: {  	v3 =	vadd.f32 v4, v3  }
0x320: {  	s25 =	simm.s32 $0x0;
	s29 =	sadd.s32 $0x400, s23  }
.LBB2_23:
0x321: {  	v4 =	vld [tilespmem:s29+$0xFFFFFFC0];
	[tilespmem:s23+$0x30] =	vst v3;
	s24 =	sadd.s32 $0x400, s24;
	s23 =	smov.u32 s29  }
0x322: {  	s25 =	sadd.s32 $0x8, s25;
	v3 =	vld [tilespmem:s24+$0xFFFFFFC0]  }
0x323: {  	p0 =	slt.u32 s25, $0x38;
	_ =	sdelay $0x3  }
0x324: {  	v3 =	vadd.f32 v3, v4;
	_ =	sdelay $0x1  }
0x325: {  	[tilespmem:s29+$0xFFFFFFC0] =	vst v3;
	v3 =	vld [tilespmem:s29+$0xFFFFFFD0]  }
0x326: {  	v4 =	vld [tilespmem:s24+$0xFFFFFFD0];
	_ =	sdelay $0x4  }
0x327: {  	v3 =	vadd.f32 v4, v3;
	_ =	sdelay $0x1  }
0x328: {  	[tilespmem:s29+$0xFFFFFFD0] =	vst v3;
	v3 =	vld [tilespmem:s29+$0xFFFFFFE0]  }
0x329: {  	v4 =	vld [tilespmem:s24+$0xFFFFFFE0];
	_ =	sdelay $0x4  }
0x32a: {  	v3 =	vadd.f32 v4, v3;
	_ =	sdelay $0x1  }
0x32b: {  	[tilespmem:s29+$0xFFFFFFE0] =	vst v3;
	v3 =	vld [tilespmem:s29+$0xFFFFFFF0]  }
0x32c: {  	v4 =	vld [tilespmem:s24+$0xFFFFFFF0];
	_ =	sdelay $0x4  }
0x32d: {  	v3 =	vadd.f32 v4, v3;
	_ =	sdelay $0x1  }
0x32e: {  	[tilespmem:s29+$0xFFFFFFF0] =	vst v3;
	v3 =	vld [tilespmem:s29+$0x0]  }
0x32f: {  	v4 =	vld [tilespmem:s24+$0x0];
	_ =	sdelay $0x4  }
0x330: {  	v3 =	vadd.f32 v4, v3;
	_ =	sdelay $0x1  }
0x331: {  	[tilespmem:s29+$0x0] =	vst v3;
	v3 =	vld [tilespmem:s29+$0x10]  }
0x332: {  	v4 =	vld [tilespmem:s24+$0x10];
	_ =	sdelay $0x4  }
0x333: {  	v3 =	vadd.f32 v4, v3;
	_ =	sdelay $0x1  }
0x334: {  	[tilespmem:s29+$0x10] =	vst v3;
	v3 =	vld [tilespmem:s29+$0x20]  }
0x335: {  	v4 =	vld [tilespmem:s24+$0x20];
	_ =	sdelay $0x4  }
0x336: {  	v3 =	vadd.f32 v4, v3;
	_ =	sdelay $0x1  }
0x337: {  	[tilespmem:s29+$0x20] =	vst v3;
	v3 =	vld [tilespmem:s29+$0x30]  }
0x338: {  	v4 =	vld [tilespmem:s24+$0x30];
	_ =	sdelay $0x1  }
.Ltmp10:
0x339: {  	(pc) =	sbr.rel @p0 .LBB2_23-.Ltmp10, $3  }
0x33a: {  	_ =	sdelay $0x1  }
0x33b: {  	v3 =	vadd.f32 v4, v3  }
0x33c: {  	s29 =	sadd.s32 $0x400, s29  }
0x33d: {  	s21 =	sadd.s32 $0x1, s21  }
0x33e: {  	p0 =	sne.s32 s21, $0x10  }
.Ltmp11:
0x33f: {  	_ = 	snop;
	(pc) =	sbr.rel @p0 .LBB2_22-.Ltmp11, $2  }
0x340: {  	_ =	sdelay $0x2  }
0x341: {  	[tilespmem:s23+$0x30] =	vst v3;
	s20 =	sadd.s32 $0x400, s20;
	s19 =	sadd.s32 $0x1, s19  }
0x342: {  	s19 =	simm.s32 $0x0;
	s20 =	rddreg [dreg:$0x18]  }
0x343: {  	[hbm4b:s20+s19] =	stream.linear.scatter [tilespmem:s22], [sflag:$0x4], $0x4000, $0x38;
	[tilespmem:$0x10200] =	vst v63  }
0x344: {  	_ =	swait.ge [sflag:s17], $0x4000  }
0x345: {  	[sflag:s17] =	ssyncset.done $0x0  }
0x346: {  	s21 =	simm.s32 $0x8100;
	s24 =	rddreg [dreg:$0x11];
	[sflag:s17] =	ssyncadd.s32 $0xFFFFC000  }
0x347: {  	[tilespmem:s21], [sflag:$0x5] =	stream.linear.gather [hbm4b:s24+s19], $0x10, $0x38;
	[tilespmem:$0x10200] =	vst v63  }
0x348: {  	_ =	swait.ge [sflag:s0], $0x10  }
0x349: {  	[sflag:s0] =	ssyncset.done $0x0  }
0x34a: {  	s29 =	simm.s32 $0x8180;
	s25 =	rddreg [dreg:$0x12];
	[sflag:s0] =	ssyncadd.s32 $0xFFFFFFF0  }
0x34b: {  	[tilespmem:s29], [sflag:$0x5] =	stream.linear.gather [hbm4b:s25+s19], $0x10, $0x38;
	[tilespmem:$0x10200] =	vst v63  }
0x34c: {  	_ =	swait.ge [sflag:s0], $0x10  }
0x34d: {  	[sflag:s0] =	ssyncset.done $0x0  }
0x34e: {  	[sflag:s0] =	ssyncadd.s32 $0xFFFFFFF0  }
0x34f: {  	v3 =	vld [tilespmem:$0x8100];
	_ =	sdelay $0x4  }
0x350: {  	v4 =	vshll.u32 v3, $0x3  }
0x351: {  	v3 =	vand.u32 $0x7, v3;
	v4 =	vand.u32 $0xFFFFFFC0, v4  }
0x352: {  	v3 =	vor.u32 v3, v4  }
0x353: {  	v4 =	vperm.xlane v3, v0;
	_ =	sdelay $0x1  }
0x354: {  	v4 =	vadd.s32 v1, v4;
	_ =	sdelay $0x4  }
0x355: {  	[tilespmem:s22], [sflag:$0x3] =	stream.indirect_vreg.gather [hbm4b:s26+s19], $0x80, v4, vm0, $0xb8;
	[tilespmem:$0x10200] =	vst v63  }
0x356: {  	s23 =	simm.s32 $0x8A00;
	v3 =	vperm.xlane v3, v2  }
0x357: {  	[tilespmem:s23], [sflag:$0x3] =	stream.indirect_vreg.gather [hbm4b:s28+s19], $0x80, v4, vm0, $0xb8;
	[tilespmem:$0x10200] =	vst v63  }
0x358: {  	s24 =	simm.s32 $0x9200;
	v3 =	vadd.s32 v1, v3  }
0x359: {  	[tilespmem:s24], [sflag:$0x3] =	stream.indirect_vreg.gather [hbm4b:s30+s19], $0x80, v4, vm0, $0xb8;
	[tilespmem:$0x10200] =	vst v63  }
0x35a: {  	s25 =	simm.s32 $0x9A00  }
0x35b: {  	[tilespmem:s25], [sflag:$0x3] =	stream.indirect_vreg.gather [hbm4b:s31+s19], $0x80, v4, vm0, $0xb8;
	[tilespmem:$0x10200] =	vst v63  }
0x35c: {  	s29 =	simm.s32 $0xA200  }
0x35d: {  	[tilespmem:s29], [sflag:$0x3] =	stream.indirect_vreg.gather [hbm4b:s26+s19], $0x80, v3, vm0, $0xb8;
	[tilespmem:$0x10200] =	vst v63  }
0x35e: {  	_ = 	snop  }
0x35f: {  	[tilespmem:s14], [sflag:$0x3] =	stream.indirect_vreg.gather [hbm4b:s28+s19], $0x80, v3, vm0, $0xb8;
	[tilespmem:$0x10200] =	vst v63  }
0x360: {  	_ = 	snop  }
0x361: {  	[tilespmem:s2], [sflag:$0x3] =	stream.indirect_vreg.gather [hbm4b:s30+s19], $0x80, v3, vm0, $0xb8;
	[tilespmem:$0x10200] =	vst v63  }
0x362: {  	_ = 	snop  }
0x363: {  	[tilespmem:s4], [sflag:$0x3] =	stream.indirect_vreg.gather [hbm4b:s31+s19], $0x80, v3, vm0, $0xb8;
	[tilespmem:$0x10200] =	vst v63  }
0x364: {  	v3 =	vld [tilespmem:$0x8180];
	_ =	sdelay $0x4  }
0x365: {  	v63 =	vshll.u32 v3, $0x3  }
0x366: {  	v3 =	vand.u32 $0x7, v3;
	v4 =	vand.u32 $0xFFFFFFC0, v63  }
0x367: {  	v3 =	vor.u32 v3, v4  }
0x368: {  	v4 =	vperm.xlane v3, v0;
	_ =	sdelay $0x1  }
0x369: {  	v4 =	vadd.s32 v1, v4;
	_ =	sdelay $0x4  }
0x36a: {  	[tilespmem:s5], [sflag:$0x3] =	stream.indirect_vreg.gather [hbm4b:s26+s19], $0x80, v4, vm0, $0xb8;
	[tilespmem:$0x10200] =	vst v63  }
0x36b: {  	v3 =	vperm.xlane v3, v2  }
0x36c: {  	[tilespmem:s6], [sflag:$0x3] =	stream.indirect_vreg.gather [hbm4b:s28+s19], $0x80, v4, vm0, $0xb8;
	[tilespmem:$0x10200] =	vst v63  }
0x36d: {  	v3 =	vadd.s32 v1, v3  }
0x36e: {  	[tilespmem:s7], [sflag:$0x3] =	stream.indirect_vreg.gather [hbm4b:s30+s19], $0x80, v4, vm0, $0xb8;
	[tilespmem:$0x10200] =	vst v63  }
0x36f: {  	_ = 	snop  }
0x370: {  	[tilespmem:s8], [sflag:$0x3] =	stream.indirect_vreg.gather [hbm4b:s31+s19], $0x80, v4, vm0, $0xb8;
	[tilespmem:$0x10200] =	vst v63  }
0x371: {  	_ = 	snop  }
0x372: {  	[tilespmem:s9], [sflag:$0x3] =	stream.indirect_vreg.gather [hbm4b:s26+s19], $0x80, v3, vm0, $0xb8;
	[tilespmem:$0x10200] =	vst v63  }
0x373: {  	_ = 	snop  }
0x374: {  	[tilespmem:s10], [sflag:$0x3] =	stream.indirect_vreg.gather [hbm4b:s28+s19], $0x80, v3, vm0, $0xb8;
	[tilespmem:$0x10200] =	vst v63  }
0x375: {  	_ = 	snop  }
0x376: {  	[tilespmem:s11], [sflag:$0x3] =	stream.indirect_vreg.gather [hbm4b:s30+s19], $0x80, v3, vm0, $0xb8;
	[tilespmem:$0x10200] =	vst v63  }
0x377: {  	_ = 	snop  }
0x378: {  	[tilespmem:s12], [sflag:$0x3] =	stream.indirect_vreg.gather [hbm4b:s31+s19], $0x80, v3, vm0, $0xb8;
	[tilespmem:$0x10200] =	vst v63  }
0x379: {  	_ =	swait.ge [sflag:s13], $0x4000  }
0x37a: {  	[sflag:s13] =	ssyncset.done $0x0  }
0x37b: {  	[sflag:s13] =	ssyncadd.s32 $0xFFFFC000  }
0x37c: {  	_ =	swait.ge [sflag:s13], $0x4000  }
0x37d: {  	[sflag:s13] =	ssyncset.done $0x0  }
0x37e: {  	s20 =	simm.s32 $0x0;
	s21 =	simm.s32 $0x0;
	[sflag:s13] =	ssyncadd.s32 $0xFFFFC000  }
.LBB2_26:
0x37f: {  	s23 =	sshll.u32 s20, $0x2;
	s24 =	sand.u32 $0x7, s19  }
0x380: {  	s23 =	sand.u32 $0xFFFF8000, s23;
	s24 =	sshll.u32 s24, $0x9  }
0x381: {  	s23 =	sor.u32 s24, s23  }
0x382: {  	s24 =	sshrl.u32 s23, $0x2  }
0x383: {  	s23 =	sadd.s32 $0x140, s24  }
0x384: {  	s24 =	sadd.s32 $0x4140, s24;
	v3 =	vld [tilespmem:s23+$0xFFFFFFC0]  }
0x385: {  	v4 =	vld [tilespmem:s24+$0xFFFFFFC0];
	_ =	sdelay $0x4  }
0x386: {  	v3 =	vadd.f32 v4, v3;
	_ =	sdelay $0x1  }
0x387: {  	[tilespmem:s23+$0xFFFFFFC0] =	vst v3;
	v3 =	vld [tilespmem:s23+$0xFFFFFFD0]  }
0x388: {  	v4 =	vld [tilespmem:s24+$0xFFFFFFD0];
	_ =	sdelay $0x4  }
0x389: {  	v3 =	vadd.f32 v4, v3;
	_ =	sdelay $0x1  }
0x38a: {  	[tilespmem:s23+$0xFFFFFFD0] =	vst v3;
	v3 =	vld [tilespmem:s23+$0xFFFFFFE0]  }
0x38b: {  	v4 =	vld [tilespmem:s24+$0xFFFFFFE0];
	_ =	sdelay $0x4  }
0x38c: {  	v3 =	vadd.f32 v4, v3;
	_ =	sdelay $0x1  }
0x38d: {  	[tilespmem:s23+$0xFFFFFFE0] =	vst v3;
	v3 =	vld [tilespmem:s23+$0xFFFFFFF0]  }
0x38e: {  	v4 =	vld [tilespmem:s24+$0xFFFFFFF0];
	_ =	sdelay $0x4  }
0x38f: {  	v3 =	vadd.f32 v4, v3;
	_ =	sdelay $0x1  }
0x390: {  	[tilespmem:s23+$0xFFFFFFF0] =	vst v3;
	v3 =	vld [tilespmem:s23+$0x0]  }
0x391: {  	v4 =	vld [tilespmem:s24+$0x0];
	_ =	sdelay $0x4  }
0x392: {  	v3 =	vadd.f32 v4, v3;
	_ =	sdelay $0x1  }
0x393: {  	[tilespmem:s23+$0x0] =	vst v3;
	v3 =	vld [tilespmem:s23+$0x10]  }
0x394: {  	v4 =	vld [tilespmem:s24+$0x10];
	_ =	sdelay $0x4  }
0x395: {  	v3 =	vadd.f32 v4, v3;
	_ =	sdelay $0x1  }
0x396: {  	[tilespmem:s23+$0x10] =	vst v3;
	v3 =	vld [tilespmem:s23+$0x20]  }
0x397: {  	v4 =	vld [tilespmem:s24+$0x20];
	_ =	sdelay $0x4  }
0x398: {  	v3 =	vadd.f32 v4, v3;
	_ =	sdelay $0x1  }
0x399: {  	[tilespmem:s23+$0x20] =	vst v3;
	v3 =	vld [tilespmem:s23+$0x30]  }
0x39a: {  	v4 =	vld [tilespmem:s24+$0x30];
	_ =	sdelay $0x4  }
0x39b: {  	v3 =	vadd.f32 v4, v3  }
0x39c: {  	s25 =	simm.s32 $0x0;
	s29 =	sadd.s32 $0x400, s23  }
.LBB2_27:
0x39d: {  	v4 =	vld [tilespmem:s29+$0xFFFFFFC0];
	[tilespmem:s23+$0x30] =	vst v3;
	s24 =	sadd.s32 $0x400, s24;
	s23 =	smov.u32 s29  }
0x39e: {  	s25 =	sadd.s32 $0x8, s25;
	v3 =	vld [tilespmem:s24+$0xFFFFFFC0]  }
0x39f: {  	p0 =	slt.u32 s25, $0x38;
	_ =	sdelay $0x3  }
0x3a0: {  	v3 =	vadd.f32 v3, v4;
	_ =	sdelay $0x1  }
0x3a1: {  	[tilespmem:s29+$0xFFFFFFC0] =	vst v3;
	v3 =	vld [tilespmem:s29+$0xFFFFFFD0]  }
0x3a2: {  	v4 =	vld [tilespmem:s24+$0xFFFFFFD0];
	_ =	sdelay $0x4  }
0x3a3: {  	v3 =	vadd.f32 v4, v3;
	_ =	sdelay $0x1  }
0x3a4: {  	[tilespmem:s29+$0xFFFFFFD0] =	vst v3;
	v3 =	vld [tilespmem:s29+$0xFFFFFFE0]  }
0x3a5: {  	v4 =	vld [tilespmem:s24+$0xFFFFFFE0];
	_ =	sdelay $0x4  }
0x3a6: {  	v3 =	vadd.f32 v4, v3;
	_ =	sdelay $0x1  }
0x3a7: {  	[tilespmem:s29+$0xFFFFFFE0] =	vst v3;
	v3 =	vld [tilespmem:s29+$0xFFFFFFF0]  }
0x3a8: {  	v4 =	vld [tilespmem:s24+$0xFFFFFFF0];
	_ =	sdelay $0x4  }
0x3a9: {  	v3 =	vadd.f32 v4, v3;
	_ =	sdelay $0x1  }
0x3aa: {  	[tilespmem:s29+$0xFFFFFFF0] =	vst v3;
	v3 =	vld [tilespmem:s29+$0x0]  }
0x3ab: {  	v4 =	vld [tilespmem:s24+$0x0];
	_ =	sdelay $0x4  }
0x3ac: {  	v3 =	vadd.f32 v4, v3;
	_ =	sdelay $0x1  }
0x3ad: {  	[tilespmem:s29+$0x0] =	vst v3;
	v3 =	vld [tilespmem:s29+$0x10]  }
0x3ae: {  	v4 =	vld [tilespmem:s24+$0x10];
	_ =	sdelay $0x4  }
0x3af: {  	v3 =	vadd.f32 v4, v3;
	_ =	sdelay $0x1  }
0x3b0: {  	[tilespmem:s29+$0x10] =	vst v3;
	v3 =	vld [tilespmem:s29+$0x20]  }
0x3b1: {  	v4 =	vld [tilespmem:s24+$0x20];
	_ =	sdelay $0x4  }
0x3b2: {  	v3 =	vadd.f32 v4, v3;
	_ =	sdelay $0x1  }
0x3b3: {  	[tilespmem:s29+$0x20] =	vst v3;
	v3 =	vld [tilespmem:s29+$0x30]  }
0x3b4: {  	v4 =	vld [tilespmem:s24+$0x30];
	_ =	sdelay $0x1  }
.Ltmp12:
0x3b5: {  	(pc) =	sbr.rel @p0 .LBB2_27-.Ltmp12, $3  }
0x3b6: {  	_ =	sdelay $0x1  }
0x3b7: {  	v3 =	vadd.f32 v4, v3  }
0x3b8: {  	s29 =	sadd.s32 $0x400, s29  }
0x3b9: {  	s21 =	sadd.s32 $0x1, s21  }
0x3ba: {  	p0 =	sne.s32 s21, $0x10  }
.Ltmp13:
0x3bb: {  	_ = 	snop;
	(pc) =	sbr.rel @p0 .LBB2_26-.Ltmp13, $2  }
0x3bc: {  	_ =	sdelay $0x2  }
0x3bd: {  	[tilespmem:s23+$0x30] =	vst v3;
	s20 =	sadd.s32 $0x400, s20;
	s19 =	sadd.s32 $0x1, s19  }
0x3be: {  	s19 =	simm.s32 $0x0;
	s20 =	rddreg [dreg:$0x19]  }
0x3bf: {  	[hbm4b:s20+s19] =	stream.linear.scatter [tilespmem:s3], [sflag:$0x2], $0x4000, $0x38;
	[tilespmem:$0x10200] =	vst v63  }
0x3c0: {  	_ =	swait.ge [sflag:s16], $0x4000  }
0x3c1: {  	[sflag:s16] =	ssyncset.done $0x0  }
0x3c2: {  	[sflag:s16] =	ssyncadd.s32 $0xFFFFC000  }
0x3c3: {  	_ =	swait.ge [sflag:s16], $0x4000  }
0x3c4: {  	[sflag:s16] =	ssyncset.done $0x0  }
0x3c5: {  	s21 =	simm.s32 $0x0;
	s20 =	simm.s32 $0x0;
	[sflag:s16] =	ssyncadd.s32 $0xFFFFC000  }
.LBB2_30:
0x3c6: {  	s23 =	sshll.u32 s20, $0x2;
	s24 =	sand.u32 $0x7, s19  }
0x3c7: {  	s23 =	sand.u32 $0xFFFF8000, s23;
	s24 =	sshll.u32 s24, $0x9  }
0x3c8: {  	s23 =	sor.u32 s24, s23  }
0x3c9: {  	s24 =	sshrl.u32 s23, $0x2  }
0x3ca: {  	s23 =	sadd.s32 $0x8240, s24  }
0x3cb: {  	s24 =	sadd.s32 $0xC240, s24;
	v3 =	vld [tilespmem:s23+$0xFFFFFFC0]  }
0x3cc: {  	v4 =	vld [tilespmem:s24+$0xFFFFFFC0];
	_ =	sdelay $0x4  }
0x3cd: {  	v3 =	vadd.f32 v4, v3;
	_ =	sdelay $0x1  }
0x3ce: {  	[tilespmem:s23+$0xFFFFFFC0] =	vst v3;
	v3 =	vld [tilespmem:s23+$0xFFFFFFD0]  }
0x3cf: {  	v4 =	vld [tilespmem:s24+$0xFFFFFFD0];
	_ =	sdelay $0x4  }
0x3d0: {  	v3 =	vadd.f32 v4, v3;
	_ =	sdelay $0x1  }
0x3d1: {  	[tilespmem:s23+$0xFFFFFFD0] =	vst v3;
	v3 =	vld [tilespmem:s23+$0xFFFFFFE0]  }
0x3d2: {  	v4 =	vld [tilespmem:s24+$0xFFFFFFE0];
	_ =	sdelay $0x4  }
0x3d3: {  	v3 =	vadd.f32 v4, v3;
	_ =	sdelay $0x1  }
0x3d4: {  	[tilespmem:s23+$0xFFFFFFE0] =	vst v3;
	v3 =	vld [tilespmem:s23+$0xFFFFFFF0]  }
0x3d5: {  	v4 =	vld [tilespmem:s24+$0xFFFFFFF0];
	_ =	sdelay $0x4  }
0x3d6: {  	v3 =	vadd.f32 v4, v3;
	_ =	sdelay $0x1  }
0x3d7: {  	[tilespmem:s23+$0xFFFFFFF0] =	vst v3;
	v3 =	vld [tilespmem:s23+$0x0]  }
0x3d8: {  	v4 =	vld [tilespmem:s24+$0x0];
	_ =	sdelay $0x4  }
0x3d9: {  	v3 =	vadd.f32 v4, v3;
	_ =	sdelay $0x1  }
0x3da: {  	[tilespmem:s23+$0x0] =	vst v3;
	v3 =	vld [tilespmem:s23+$0x10]  }
0x3db: {  	v4 =	vld [tilespmem:s24+$0x10];
	_ =	sdelay $0x4  }
0x3dc: {  	v3 =	vadd.f32 v4, v3;
	_ =	sdelay $0x1  }
0x3dd: {  	[tilespmem:s23+$0x10] =	vst v3;
	v3 =	vld [tilespmem:s23+$0x20]  }
0x3de: {  	v4 =	vld [tilespmem:s24+$0x20];
	_ =	sdelay $0x4  }
0x3df: {  	v3 =	vadd.f32 v4, v3;
	_ =	sdelay $0x1  }
0x3e0: {  	[tilespmem:s23+$0x20] =	vst v3;
	v3 =	vld [tilespmem:s23+$0x30]  }
0x3e1: {  	v4 =	vld [tilespmem:s24+$0x30];
	_ =	sdelay $0x4  }
0x3e2: {  	v3 =	vadd.f32 v4, v3  }
0x3e3: {  	s25 =	simm.s32 $0x0;
	s29 =	sadd.s32 $0x400, s23  }
.LBB2_31:
0x3e4: {  	v4 =	vld [tilespmem:s29+$0xFFFFFFC0];
	[tilespmem:s23+$0x30] =	vst v3;
	s24 =	sadd.s32 $0x400, s24;
	s23 =	smov.u32 s29  }
0x3e5: {  	s25 =	sadd.s32 $0x8, s25;
	v3 =	vld [tilespmem:s24+$0xFFFFFFC0]  }
0x3e6: {  	p0 =	slt.u32 s25, $0x38;
	_ =	sdelay $0x3  }
0x3e7: {  	v3 =	vadd.f32 v3, v4;
	_ =	sdelay $0x1  }
0x3e8: {  	[tilespmem:s29+$0xFFFFFFC0] =	vst v3;
	v3 =	vld [tilespmem:s29+$0xFFFFFFD0]  }
0x3e9: {  	v4 =	vld [tilespmem:s24+$0xFFFFFFD0];
	_ =	sdelay $0x4  }
0x3ea: {  	v3 =	vadd.f32 v4, v3;
	_ =	sdelay $0x1  }
0x3eb: {  	[tilespmem:s29+$0xFFFFFFD0] =	vst v3;
	v3 =	vld [tilespmem:s29+$0xFFFFFFE0]  }
0x3ec: {  	v4 =	vld [tilespmem:s24+$0xFFFFFFE0];
	_ =	sdelay $0x4  }
0x3ed: {  	v3 =	vadd.f32 v4, v3;
	_ =	sdelay $0x1  }
0x3ee: {  	[tilespmem:s29+$0xFFFFFFE0] =	vst v3;
	v3 =	vld [tilespmem:s29+$0xFFFFFFF0]  }
0x3ef: {  	v4 =	vld [tilespmem:s24+$0xFFFFFFF0];
	_ =	sdelay $0x4  }
0x3f0: {  	v3 =	vadd.f32 v4, v3;
	_ =	sdelay $0x1  }
0x3f1: {  	[tilespmem:s29+$0xFFFFFFF0] =	vst v3;
	v3 =	vld [tilespmem:s29+$0x0]  }
0x3f2: {  	v4 =	vld [tilespmem:s24+$0x0];
	_ =	sdelay $0x4  }
0x3f3: {  	v3 =	vadd.f32 v4, v3;
	_ =	sdelay $0x1  }
0x3f4: {  	[tilespmem:s29+$0x0] =	vst v3;
	v3 =	vld [tilespmem:s29+$0x10]  }
0x3f5: {  	v4 =	vld [tilespmem:s24+$0x10];
	_ =	sdelay $0x4  }
0x3f6: {  	v3 =	vadd.f32 v4, v3;
	_ =	sdelay $0x1  }
0x3f7: {  	[tilespmem:s29+$0x10] =	vst v3;
	v3 =	vld [tilespmem:s29+$0x20]  }
0x3f8: {  	v4 =	vld [tilespmem:s24+$0x20];
	_ =	sdelay $0x4  }
0x3f9: {  	v3 =	vadd.f32 v4, v3;
	_ =	sdelay $0x1  }
0x3fa: {  	[tilespmem:s29+$0x20] =	vst v3;
	v3 =	vld [tilespmem:s29+$0x30]  }
0x3fb: {  	v4 =	vld [tilespmem:s24+$0x30];
	_ =	sdelay $0x1  }
.Ltmp14:
0x3fc: {  	(pc) =	sbr.rel @p0 .LBB2_31-.Ltmp14, $3  }
0x3fd: {  	_ =	sdelay $0x1  }
0x3fe: {  	v3 =	vadd.f32 v4, v3  }
0x3ff: {  	s29 =	sadd.s32 $0x400, s29  }
0x400: {  	s21 =	sadd.s32 $0x1, s21  }
0x401: {  	p0 =	sne.s32 s21, $0x10  }
.Ltmp15:
0x402: {  	_ = 	snop;
	(pc) =	sbr.rel @p0 .LBB2_30-.Ltmp15, $2  }
0x403: {  	_ =	sdelay $0x2  }
0x404: {  	[tilespmem:s23+$0x30] =	vst v3;
	s20 =	sadd.s32 $0x400, s20;
	s19 =	sadd.s32 $0x1, s19  }
0x405: {  	s19 =	rddreg [dreg:$0x1a]  }
0x406: {  	[hbm4b:s19+s1] =	stream.linear.scatter [tilespmem:s22], [sflag:$0x4], $0x4000, $0x38;
	[tilespmem:$0x10200] =	vst v63  }
0x407: {  	_ =	swait.ge [sflag:s15], $0x4000  }
0x408: {  	[sflag:s15] =	ssyncset.done $0x0  }
0x409: {  	[sflag:s15] =	ssyncadd.s32 $0xFFFFC000  }
0x40a: {  	_ =	swait.ge [sflag:s17], $0x4000  }
0x40b: {  	s18 =	sadd.s32 $0x1, s18;
	s29 =	rddreg [dreg:$0x1b]  }
0x40c: {  	p0 =	sne.s32 s18, s29  }
.Ltmp16:
0x40d: {  	_ = 	snop;
	(pc) =	sbr.rel @p0 .LBB2_1-.Ltmp16, $3  }
0x40e: {  	_ =	sdelay $0x1  }
0x40f: {  	[sflag:s17] =	ssyncset.done $0x0  }
0x410: {  	[sflag:s17] =	ssyncadd.s32 $0xFFFFC000  }
0x411: {  	_ =	sfence.sel $0x180000  }
0x412: {  	[bflag:$0x0] =	sbarrier.arrive $0xFFFF  }
0x413: {  	_ =	strace $0x9000004A  }
0x414: {  	s0 =	stileid.u32;
	[bflag:$0x2] =	sbarrier.arrive $0xFFFF  }
0x415: {  	p0 =	sne.s32 s0, $0x0;
	s0 =	rddreg [dreg:$0x2]  }
0x416: {  	s0 =	sadd.s32 @!p0 $0x100000, s0  }
0x417: {  	[sflag:s0] =	ssyncadd.tile.s32 @!p0 $0x1;
	_ =	shalt  }
.Lfunc_end2:
_tile_overlayer_lowered:
.L_overlay_start_2:
0x418: {  	(tag) =	ssettag $0x2  }
0x419: {  	s0 =	rddreg [dreg:$0x0];
	s2 =	stileid.u32  }
0x41a: {  	s1 =	rddreg [dreg:$0x1];
	p0 =	sne.s32 s2, $0x0  }
0x41b: {  	s3 =	rddreg [dreg:$0x2];
	[bflag:$0x3] =	sbarrier.arrive $0xFFFF;
	s2 =	simm.s32 @!p0 $0x1C05  }
0x41c: {  	[timem:s3], [sflag:s2] =	dma.local @!p0 [hbm:s0], s1  }
0x41d: {  	s0 =	simm.s32 @!p0 $0x5  }
0x41e: {  	_ =	swait.ge @!p0 [sflag:s0], s1  }
0x41f: {  	s1 =	ssub.s32 @!p0 $0x0, s1;
	[sflag:s0] =	ssyncset.done @!p0 $0x0  }
0x420: {  	[sflag:s0] =	ssyncadd.s32 @!p0 s1  }
0x421: {  	[bflag:$0x3] =	sbarrier.arrive $0xFFFF  }
0x422: {  	_ =	shalt  }

// kernel: kernel.7.cloned.1.call-start
scs
__scs_entry_jumppad:
0x0: {  	(pc) =	sbr.rel $0x88, $3  }
0x1: {  	(tag) =	ssettag $0x0;
	lr =	simm.s32 $0x1  }
0x2: {  	[smem:$0x3F97] =	sst lr;
	_ =	strace $0xD0000000  }
0x3: {  	_ = 	snop  }
0x4: {  	_ = 	snop  }
0x5: {  	_ = 	snop  }
0x6: {  	_ = 	snop  }
0x7: {  	_ = 	snop  }
__scs_overlays_trampoline_lowered:
0x8: {  	[smem:$0x3FA6] =	sst s0  }
0x9: {  	[smem:$0x3FA7] =	sst s1  }
0xa: {  	[smem:$0x3FA8] =	sst s2  }
0xb: {  	[smem:$0x3FA9] =	sst s3  }
0xc: {  	[smem:$0x3FAA] =	sst s4  }
0xd: {  	[smem:$0x3FAB] =	sst s5  }
0xe: {  	[smem:$0x3FAC] =	sst s6  }
0xf: {  	[smem:$0x3FAD] =	sst s7  }
0x10: {  	[smem:$0x3FAE] =	sst s8  }
0x11: {  	[smem:$0x3FAF] =	sst s9;
	s0 =	simm.s32 @!p0 $0x0  }
0x12: {  	s1 =	sld [smem:$0x3F95];
	s0 =	simm.s32 @p0 $0x1  }
0x13: {  	[smem:$0x3FB0] =	sst s0;
	s0 =	simm.s32 @!p1 $0x0  }
0x14: {  	s2 =	sld [smem:$0x3F94];
	s0 =	simm.s32 @p1 $0x1  }
0x15: {  	[smem:$0x3FB1] =	sst s0;
	s0 =	simm.s32 @!p2 $0x0  }
0x16: {  	s3 =	sld [smem:$0x3FDB];
	s0 =	simm.s32 @p2 $0x1  }
0x17: {  	s4 =	simm.s32 $0x1BF5;
	[smem:$0x3FB3] =	sst s0  }
0x18: {  	s0 =	sld [smem:$0x3F96];
	_ =	swait.ge [sflag:s4], $0x0  }
0x19: {  	s7 =	sld [smem:$0x3F97]  }
0x1a: {  	s8 =	sadd.s32 $0xFFFFE003, lr  }
0x1b: {  	s9 =	sadd.s32 $0xFFFFFEF7, lr;
	s5 =	simm.s32 $0xFFFFFFFF;
	p2 =	slt.u32 s8, $0xFFFFF086  }
0x1c: {  	p1 =	slt.u32 s9, $0xF7A;
	s5 =	simm.s32 @!p2 $0x0  }
0x1d: {  	s5 =	simm.s32 @p1 $0x1;
	p0 =	seq.s32 s7, s2  }
0x1e: {  	s7 =	smul.u32 @!p0 $0xF7A, s2;
	p2 =	seq.s32 @!p0 s5, $0x0  }
0x1f: {  	s9 =	smul.u32 $0xF7A, s1;
	s8 =	simm.s32 @!p0 $0x1BF5;
	p2 =	por !p2, p0  }
0x20: {  	[sflag:s8] =	ssyncset.s32 @!p0 $0xFFFFF086;
	s6 =	sadd.s32 @!p0 s3, s7;
	s7 =	simm.s32 @!p0 $0x108  }
0x21: {  	s3 =	sadd.s32 s3, s9;
	s6 =	sadd.s32 @!p0 $0x88, s6;
	s7 =	simm.s32 @p2 $0x1082  }
0x22: {  	[simem:s7], [sflag:s8] =	dma.local @!p0 [hbm:s6], $0xF7A  }
0x23: {  	s9 =	sor.u32 $0xD0000000, s2;
	s6 =	simm.s32 $0x108;
	_ =	swait.ge @!p0 [sflag:s8], $0x0  }
0x24: {  	s3 =	sadd.s32 $0x88, s3;
	s6 =	simm.s32 @!p1 $0x1082;
	[sflag:s4] =	ssyncset.s32 $0xFFFFF086  }
0x25: {  	[simem:s6], [sflag:s4] =	dma.local [hbm:s3], $0xF7A  }
0x26: {  	[smem:$0x3F97] =	sst s1;
	(tag) =	ssettag s2;
	_ =	strace s9  }
0x27: {  	s1 =	sld [smem:$0x3FA7]  }
0x28: {  	s2 =	sld [smem:$0x3FA8]  }
0x29: {  	s4 =	sld [smem:$0x3FAA]  }
0x2a: {  	p0 =	seq.s32 s5, $0x0;
	s5 =	sld [smem:$0x3FAB]  }
0x2b: {  	s6 =	sld [smem:$0x3FAC]  }
0x2c: {  	s7 =	sld [smem:$0x3FAD]  }
0x2d: {  	s3 =	simm.s32 $0x108;
	s8 =	sld [smem:$0x3FAE]  }
0x2e: {  	s3 =	simm.s32 @!p0 $0x1082;
	s9 =	sld [smem:$0x3FAF]  }
0x2f: {  	lr =	sadd.s32 s0, s3;
	s0 =	sld [smem:$0x3FA6]  }
0x30: {  	s3 =	sld [smem:$0x3FA9]  }
0x31: {  	[smem:$0x3FB2] =	sst s10  }
0x32: {  	s10 =	sld [smem:$0x3FB0];
	_ =	sdelay $0x3  }
0x33: {  	p0 =	seq.s32 s10, $0x1;
	s10 =	sld [smem:$0x3FB2];
	_ =	sdelay $0x3  }
0x34: {  	[smem:$0x3FB2] =	sst s10  }
0x35: {  	s10 =	sld [smem:$0x3FB1];
	_ =	sdelay $0x3  }
0x36: {  	p1 =	seq.s32 s10, $0x1;
	s10 =	sld [smem:$0x3FB2];
	_ =	sdelay $0x3  }
0x37: {  	[smem:$0x3FB2] =	sst s10  }
0x38: {  	s10 =	sld [smem:$0x3FB3]  }
0x39: {  	_ = 	snop;
	(pc) =	sbr.ind lr, $3  }
0x3a: {  	_ = 	snop  }
0x3b: {  	_ = 	snop  }
0x3c: {  	p2 =	seq.s32 s10, $0x1;
	s10 =	sld [smem:$0x3FB2]  }
0x3d: {  	_ =	shalt  }
0x3e: {  	_ =	shalt  }
0x3f: {  	_ =	shalt  }
0x40: {  	_ =	shalt  }
0x41: {  	_ =	shalt  }
0x42: {  	_ =	shalt  }
0x43: {  	_ =	shalt  }
0x44: {  	_ =	shalt  }
0x45: {  	_ =	shalt  }
0x46: {  	_ =	shalt  }
0x47: {  	_ =	shalt  }
0x48: {  	_ =	shalt  }
0x49: {  	_ =	shalt  }
0x4a: {  	_ =	shalt  }
0x4b: {  	_ =	shalt  }
0x4c: {  	_ =	shalt  }
0x4d: {  	_ =	shalt  }
0x4e: {  	_ =	shalt  }
0x4f: {  	_ =	shalt  }
0x50: {  	_ =	shalt  }
0x51: {  	_ =	shalt  }
0x52: {  	_ =	shalt  }
0x53: {  	_ =	shalt  }
0x54: {  	_ =	shalt  }
0x55: {  	_ =	shalt  }
0x56: {  	_ =	shalt  }
0x57: {  	_ =	shalt  }
0x58: {  	_ =	shalt  }
0x59: {  	_ =	shalt  }
0x5a: {  	_ =	shalt  }
0x5b: {  	_ =	shalt  }
0x5c: {  	_ =	shalt  }
0x5d: {  	_ =	shalt  }
0x5e: {  	_ =	shalt  }
0x5f: {  	_ =	shalt  }
0x60: {  	_ =	shalt  }
0x61: {  	_ =	shalt  }
0x62: {  	_ =	shalt  }
0x63: {  	_ =	shalt  }
0x64: {  	_ =	shalt  }
0x65: {  	_ =	shalt  }
0x66: {  	_ =	shalt  }
0x67: {  	_ =	shalt  }
0x68: {  	_ =	shalt  }
0x69: {  	_ =	shalt  }
0x6a: {  	_ =	shalt  }
0x6b: {  	_ =	shalt  }
0x6c: {  	_ =	shalt  }
0x6d: {  	_ =	shalt  }
0x6e: {  	_ =	shalt  }
0x6f: {  	_ =	shalt  }
0x70: {  	_ =	shalt  }
0x71: {  	_ =	shalt  }
0x72: {  	_ =	shalt  }
0x73: {  	_ =	shalt  }
0x74: {  	_ =	shalt  }
0x75: {  	_ =	shalt  }
0x76: {  	_ =	shalt  }
0x77: {  	_ =	shalt  }
0x78: {  	_ =	shalt  }
0x79: {  	_ =	shalt  }
0x7a: {  	_ =	shalt  }
0x7b: {  	_ =	shalt  }
0x7c: {  	_ =	shalt  }
0x7d: {  	_ =	shalt  }
0x7e: {  	_ =	shalt  }
0x7f: {  	_ =	shalt  }
0x80: {  	_ =	shalt  }
0x81: {  	_ =	shalt  }
0x82: {  	_ =	shalt  }
0x83: {  	_ =	shalt  }
0x84: {  	_ =	shalt  }
0x85: {  	_ =	shalt  }
0x86: {  	_ =	shalt  }
0x87: {  	_ =	shalt  }
.Lfunc_end0:
.L_simem_size_0:
called_computation_lowered:
.L_overlay_start_0:
0x88: {  	s2 =	sld [smem:$0x3FD9]  }
0x89: {  	s3 =	sld [smem:$0x3FFE];
	_ =	sdelay $0x1  }
0x8a: {  	s1 =	srdreg.scid  }
0x8b: {  	s0 =	sand.u32 $0x1, s1  }
0x8c: {  	s14 =	sshll.u32 s0, $0xA;
	s2 =	sadd.s32 s3, s2  }
0x8d: {  	s2 =	sadd.s32 s2, s14  }
0x8e: {  	[smem:$0x3FBE] =	sst s2  }
0x8f: {  	_ = 	snop  }
0x90: {  	s2 =	sld [smem:$0x3FD0];
	_ =	sdelay $0x2  }
0x91: {  	s4 =	simm.s32 $0xA;
	s5 =	simm.s32 $0x10;
	s15 =	sld [smem:$0x3FC9]  }
0x92: {  	[smem:s5], [sflag:s4] =	dma.local [hbm:s2], $0x1  }
0x93: {  	_ =	swait.eq [sflag:s4], $0x1  }
0x94: {  	[sflag:s4] =	ssyncset.done $0x0  }
0x95: {  	s16 =	sld [smem:$0x10];
	[sflag:s4] =	ssyncadd.s32 $0xFFFFFFFF  }
0x96: {  	s17 =	sld [smem:$0x12];
	(tm) =	ssettm $0x1  }
0x97: {  	s18 =	sld [smem:$0x3FFB];
	_ =	sdelay $0x3  }
0x98: {  	_ =	strace s18  }
0x99: {  	s5 =	sld [smem:$0x3FFC];
	_ =	sdelay $0x3  }
0x9a: {  	_ =	strace s5  }
0x9b: {  	s5 =	sld [smem:$0x3FFD];
	_ =	sdelay $0x3  }
0x9c: {  	_ =	strace s5  }
0x9d: {  	_ =	strace $0x8FFFFFFF  }
0x9e: {  	s19 =	sld [smem:$0x3FDB];
	_ =	sdelay $0x1  }
0x9f: {  	s6 =	simm.s32 $_scs_section_size  }
0xa0: {  	s7 =	simm.s32 $_size__tile_overlayer_lowered;
	s8 =	simm.s32 $_tile_overlayer_lowered  }
0xa1: {  	s22 =	simm.s32 $0x1BFF;
	s21 =	sshll.u32 s8, $0x1;
	s5 =	sadd.s32 s6, s19  }
0xa2: {  	s9 =	simm.s32 $0x0;
	s20 =	sshll.u32 s7, $0x1;
	s7 =	sadd.s32 s21, s5  }
0xa3: {  	[timem:s9], [sflag:s22] =	dma.local [hbm:s7], s20  }
0xa4: {  	_ =	swait.ge [sflag:s22], s20  }
0xa5: {  	s6 =	ssub.s32 $0x0, s20;
	[sflag:s22] =	ssyncset.done $0x0  }
0xa6: {  	[sflag:s22] =	ssyncadd.s32 s6;
	_ =	sdelay $0x1  }
0xa7: {  	s23 =	simm.s32 $0x1B8B  }
0xa8: {  	_ =	swait.ge [sflag:s23], $0x1  }
0xa9: {  	[sflag:s23] =	ssyncset.done $0x0  }
0xaa: {  	s25 =	simm.s32 $0x1B8E;
	s24 =	sld [smem:$0x3FFE];
	[sflag:s23] =	ssyncadd.s32 $0xFFFFFFFF  }
0xab: {  	s26 =	simm.s32 $execute0_lowered;
	[smem:$0x3FD2] =	sst s25  }
0xac: {  	s7 =	sshll.u32 s26, $0x1;
	_ =	strace $0x80000046;
	[dreg:$0x1] =	wrdreg $0xFFFFFFFF  }
0xad: {  	s28 =	simm.s32 $_size_execute0_lowered;
	s5 =	sadd.s32 s5, s7;
	[dreg:$0x0] =	wrdreg $0x0  }
0xae: {  	s7 =	sshll.u32 s28, $0x1;
	[dreg:$0x2] =	wrdreg s5  }
0xaf: {  	[dreg:$0x3] =	wrdreg s7  }
0xb0: {  	[dreg:$0x4] =	wrdreg $0xC0  }
0xb1: {  	_ =	task [dreg:s9], $0x5FFFF  }
0xb2: {  	[dreg:$0x1] =	wrdreg $0xFFFFFFFF  }
0xb3: {  	[dreg:$0x0] =	wrdreg $0x60  }
0xb4: {  	[dreg:$0x2] =	wrdreg s15  }
0xb5: {  	[dreg:$0x3] =	wrdreg s24  }
0xb6: {  	[dreg:$0x4] =	wrdreg s16  }
0xb7: {  	[dreg:$0x5] =	wrdreg s17  }
0xb8: {  	[dreg:$0x6] =	wrdreg $0x9  }
0xb9: {  	_ =	task.clear_ibuf [dreg:s9], $0x7FFFF;
	_ =	strace $0x90000046  }
0xba: {  	s29 =	simm.s32 $0x9;
	_ =	strace $0x80000048  }
0xbb: {  	_ =	swait.ge [sflag:s29], $0x1  }
0xbc: {  	[sflag:s29] =	ssyncadd.s32 $0xFFFFFFFF  }
0xbd: {  	_ =	strace $0x90000048  }
0xbe: {  	_ =	sfence  }
0xbf: {  	s30 =	sld [smem:$0x0];
	_ =	sdelay $0x2  }
0xc0: {  	s31 =	sshll.u32 s1, $0xD;
	s1 =	sshrl.u32 s1, $0x2  }
0xc1: {  	s3 =	sand.u32 $0x4000, s31;
	s1 =	sadd.s32 s1, s30  }
0xc2: {  	s0 =	sor.u32 s3, s0;
	s1 =	sshll.u32 s1, $0x11  }
0xc3: {  	s0 =	sor.u32 s1, s0  }
0xc4: {  	s0 =	sadd.s32 $0x8F2B, s0  }
0xc5: {  	[sflag:s0] =	ssyncadd.remote.s32 $0x1  }
0xc6: {  	_ =	sfence.sel $0xFFFF  }
0xc7: {  	[dreg:$0x0] =	wrdreg $0xFFFFFFFF;
	(pc) =	sbr.abs _section_cstart, $3  }
0xc8: {  	[dreg:$0x1] =	wrdreg $0xFFFFFFFF  }
0xc9: {  	_ =	task.clear_ibuf [dreg:s9], $0x2FFFF;
	_ =	strace $0x9FFFFFFF  }
0xca: {  	(tm) =	ssettm $0x7FFFFFFF  }
0xcb: {  	_ =	shalt  }
tec
execute0_lowered:
.L_overlay_start_1:
0x0: {  	(tag) =	ssettag $0x1  }
0x1: {  	s2 =	rddreg [dreg:$0x0]  }
0x2: {  	s0 =	rddreg [dreg:$0x1]  }
0x3: {  	s1 =	rddreg [dreg:$0x2]  }
0x4: {  	s4 =	srdreg.scid;
	s6 =	stileid.u32  }
0x5: {  	s3 =	simm.s32 $0x0;
	s5 =	sand.u32 $0x1, s4;
	s20 =	sshll.u32 s6, $0x1  }
0x6: {  	[smem:$0x7FF] =	sst s3;
	s6 =	sadd.s32 $0x2600, s0;
	s4 =	sor.u32 s5, s20  }
0x7: {  	s7 =	sadd.s32 $0x2400, s0;
	s9 =	sadd.s32 $0x2800, s0;
	s8 =	sshll.u32 s4, $0xE  }
0x8: {  	_ =	strace $0x80000047;
	s10 =	sshll.u32 s4, $0x4;
	s8 =	sadd.s32 s2, s8  }
0x9: {  	s11 =	sshll.u32 s4, $0x7;
	s21 =	sadd.s32 s6, s10;
	[dreg:$0x5] =	wrdreg s8  }
0xa: {  	s4 =	sshll.u32 s4, $0x5;
	s22 =	sadd.s32 s7, s10;
	[dreg:$0x6] =	wrdreg s21  }
0xb: {  	s23 =	sadd.s32 s1, s4;
	s24 =	sor.u32 $0x20, s11;
	[dreg:$0x7] =	wrdreg s22  }
0xc: {  	s4 =	sadd.s32 s9, s4;
	[dreg:$0x8] =	wrdreg s23;
	s25 =	sshll.u32 s24, $0x7  }
0xd: {  	[dreg:$0x9] =	wrdreg s4;
	s12 =	sshrl.u32 s24, $0x3;
	s8 =	sadd.s32 s2, s25  }
0xe: {  	s31 =	simm.s32 $0x7000;
	s26 =	sadd.s32 s6, s12;
	[dreg:$0xa] =	wrdreg s8  }
0xf: {  	s10 =	sshrl.u32 s24, $0x2;
	s28 =	sadd.s32 s7, s12;
	[dreg:$0xb] =	wrdreg s26  }
0x10: {  	s30 =	sor.u32 $0x40, s11;
	s29 =	sadd.s32 s1, s10;
	[dreg:$0xc] =	wrdreg s28  }
0x11: {  	s14 =	sshll.u32 s30, $0x7;
	s13 =	sadd.s32 s9, s10;
	[dreg:$0xd] =	wrdreg s29  }
0x12: {  	s16 =	sshrl.u32 s30, $0x3;
	s15 =	sadd.s32 s2, s14;
	[dreg:$0xe] =	wrdreg s13  }
0x13: {  	s5 =	ssub.s32 $0x2, s5;
	s17 =	sadd.s32 s6, s16;
	[dreg:$0xf] =	wrdreg s15  }
0x14: {  	s19 =	sshrl.u32 s30, $0x2;
	s18 =	sadd.s32 s7, s16;
	[dreg:$0x10] =	wrdreg s17  }
0x15: {  	s11 =	sor.u32 $0x60, s11;
	s20 =	sadd.s32 s1, s19;
	[dreg:$0x11] =	wrdreg s18  }
0x16: {  	s22 =	sshll.u32 s11, $0x7;
	s21 =	sadd.s32 s9, s19;
	[dreg:$0x12] =	wrdreg s20  }
0x17: {  	s23 =	sshrl.u32 s11, $0x3;
	s2 =	sadd.s32 s2, s22;
	[dreg:$0x13] =	wrdreg s21  }
0x18: {  	s4 =	sadd.s32 $0x2C00, s0;
	s25 =	sadd.s32 s6, s23;
	[dreg:$0x14] =	wrdreg s2  }
0x19: {  	s24 =	sshrl.u32 s5, $0x1;
	s6 =	sadd.s32 $0x2E00, s0;
	[dreg:$0x15] =	wrdreg s25  }
0x1a: {  	s26 =	sadd.s32 s7, s23;
	s28 =	sshrl.u32 s11, $0x2;
	s29 =	ssub.s32 s5, s24  }
0x1b: {  	s5 =	sadd.s32 $0x2D00, s0;
	s7 =	sadd.s32 $0x2F00, s0;
	s13 =	simm.s32 $0x1  }
0x1c: {  	v2 =	vlaneseq.u32;
	s0 =	simm.s32 $0x3;
	[dreg:$0x16] =	wrdreg s26;
	s1 =	sadd.s32 s1, s28  }
0x1d: {  	vm0 =	vmmov $0xffff;
	v1 =	vshrl.u32 v2, $0x3;
	s25 =	simm.s32 $0x2;
	s30 =	sadd.s32 s9, s28;
	[dreg:$0x17] =	wrdreg s1  }
0x1e: {  	v0 =	vand.u32 $0x7, v2;
	v2 =	vor.u32 $0x8, v2;
	v1 =	vmul.u32 $0x8, v1;
	s24 =	smax.u32 s29, $0x1;
	s26 =	simm.s32 $0x4;
	[dreg:$0x18] =	wrdreg s30  }
.LBB2_1:
0x1f: {  	s28 =	rddreg [dreg:$0x5]  }
0x20: {  	[tilespmem:s3], [sflag:$0x1] =	stream.linear.gather [hbm4b:s28+s3], $0x8000, $0x38;
	[tilespmem:$0x10400] =	vst v63  }
0x21: {  	s29 =	rddreg [dreg:$0x6];
	s1 =	simm.s32 $0x8000  }
0x22: {  	[tilespmem:s1], [sflag:$0x1] =	stream.linear.gather [hbm4b:s29+s3], $0x20, $0x38;
	[tilespmem:$0x10400] =	vst v63  }
0x23: {  	s19 =	rddreg [dreg:$0x7];
	s21 =	simm.s32 $0x8080  }
0x24: {  	[tilespmem:s21], [sflag:$0x1] =	stream.linear.gather [hbm4b:s19+s3], $0x20, $0x38;
	[tilespmem:$0x10400] =	vst v63  }
0x25: {  	s20 =	rddreg [dreg:$0x8];
	s23 =	simm.s32 $0x8100  }
0x26: {  	[tilespmem:s23], [sflag:$0x1] =	stream.linear.gather [hbm4b:s20+s3], $0x40, $0x38;
	[tilespmem:$0x10400] =	vst v63  }
0x27: {  	s22 =	rddreg [dreg:$0x9];
	s29 =	simm.s32 $0x8180  }
0x28: {  	[tilespmem:s29], [sflag:$0x1] =	stream.linear.gather [hbm4b:s22+s3], $0x40, $0x38;
	[tilespmem:$0x10400] =	vst v63  }
0x29: {  	_ =	swait.ge [sflag:s13], $0x8000  }
0x2a: {  	[sflag:s13] =	ssyncset.done $0x0  }
0x2b: {  	[sflag:s13] =	ssyncadd.s32 $0xFFFF8000  }
0x2c: {  	_ =	swait.ge [sflag:s13], $0x20  }
0x2d: {  	[sflag:s13] =	ssyncset.done $0x0  }
0x2e: {  	[sflag:s13] =	ssyncadd.s32 $0xFFFFFFE0  }
0x2f: {  	_ =	swait.ge [sflag:s13], $0x20  }
0x30: {  	[sflag:s13] =	ssyncset.done $0x0  }
0x31: {  	[sflag:s13] =	ssyncadd.s32 $0xFFFFFFE0  }
0x32: {  	_ =	swait.ge [sflag:s13], $0x40  }
0x33: {  	[sflag:s13] =	ssyncset.done $0x0  }
0x34: {  	[sflag:s13] =	ssyncadd.s32 $0xFFFFFFC0  }
0x35: {  	_ =	swait.ge [sflag:s13], $0x40  }
0x36: {  	[sflag:s13] =	ssyncset.done $0x0  }
0x37: {  	[sflag:s13] =	ssyncadd.s32 $0xFFFFFFC0  }
0x38: {  	v3 =	vld [tilespmem:$0x8000];
	_ =	sdelay $0x4  }
0x39: {  	v4 =	vshll.u32 v3, $0x3  }
0x3a: {  	v3 =	vand.u32 $0x7, v3;
	v4 =	vand.u32 $0xFFFFFFC0, v4  }
0x3b: {  	v3 =	vor.u32 v3, v4  }
0x3c: {  	v4 =	vperm.xlane v3, v0;
	_ =	sdelay $0x1  }
0x3d: {  	v4 =	vadd.s32 v1, v4;
	_ =	sdelay $0x4  }
0x3e: {  	[hbm4b:s4+s3] =	stream.indirect_vreg.scatter [tilespmem:s3], [sflag:$0x2], $0x80, v4, vm0, $0xb8;
	[tilespmem:$0x10400] =	vst v63  }
0x3f: {  	s30 =	simm.s32 $0x800;
	v3 =	vperm.xlane v3, v2  }
0x40: {  	[hbm4b:s5+s3] =	stream.indirect_vreg.scatter [tilespmem:s30], [sflag:$0x2], $0x80, v4, vm0, $0xb8;
	[tilespmem:$0x10400] =	vst v63  }
0x41: {  	s8 =	simm.s32 $0x1000;
	v3 =	vadd.s32 v1, v3  }
0x42: {  	[hbm4b:s6+s3] =	stream.indirect_vreg.scatter [tilespmem:s8], [sflag:$0x2], $0x80, v4, vm0, $0xb8;
	[tilespmem:$0x10400] =	vst v63  }
0x43: {  	s9 =	simm.s32 $0x1800  }
0x44: {  	[hbm4b:s7+s3] =	stream.indirect_vreg.scatter [tilespmem:s9], [sflag:$0x2], $0x80, v4, vm0, $0xb8;
	[tilespmem:$0x10400] =	vst v63  }
0x45: {  	s11 =	simm.s32 $0x2000  }
0x46: {  	[hbm4b:s4+s3] =	stream.indirect_vreg.scatter [tilespmem:s11], [sflag:$0x2], $0x80, v3, vm0, $0xb8;
	[tilespmem:$0x10400] =	vst v63  }
0x47: {  	s12 =	simm.s32 $0x2800  }
0x48: {  	[hbm4b:s5+s3] =	stream.indirect_vreg.scatter [tilespmem:s12], [sflag:$0x2], $0x80, v3, vm0, $0xb8;
	[tilespmem:$0x10400] =	vst v63  }
0x49: {  	s14 =	simm.s32 $0x3000  }
0x4a: {  	[hbm4b:s6+s3] =	stream.indirect_vreg.scatter [tilespmem:s14], [sflag:$0x2], $0x80, v3, vm0, $0xb8;
	[tilespmem:$0x10400] =	vst v63  }
0x4b: {  	s15 =	simm.s32 $0x3800  }
0x4c: {  	[hbm4b:s7+s3] =	stream.indirect_vreg.scatter [tilespmem:s15], [sflag:$0x2], $0x80, v3, vm0, $0xb8;
	[tilespmem:$0x10400] =	vst v63  }
0x4d: {  	v3 =	vld [tilespmem:$0x8010];
	_ =	sdelay $0x4  }
0x4e: {  	v49 =	vshll.u32 v3, $0x3  }
0x4f: {  	v3 =	vand.u32 $0x7, v3;
	v4 =	vand.u32 $0xFFFFFFC0, v49  }
0x50: {  	v3 =	vor.u32 v3, v4  }
0x51: {  	v4 =	vperm.xlane v3, v0;
	_ =	sdelay $0x1  }
0x52: {  	v4 =	vadd.s32 v1, v4;
	_ =	sdelay $0x3  }
0x53: {  	s19 =	simm.s32 $0x4000  }
0x54: {  	[hbm4b:s4+s3] =	stream.indirect_vreg.scatter [tilespmem:s19], [sflag:$0x2], $0x80, v4, vm0, $0xb8;
	[tilespmem:$0x10400] =	vst v63  }
0x55: {  	s16 =	simm.s32 $0x4800;
	v3 =	vperm.xlane v3, v2  }
0x56: {  	[hbm4b:s5+s3] =	stream.indirect_vreg.scatter [tilespmem:s16], [sflag:$0x2], $0x80, v4, vm0, $0xb8;
	[tilespmem:$0x10400] =	vst v63  }
0x57: {  	s17 =	simm.s32 $0x5000;
	v3 =	vadd.s32 v1, v3  }
0x58: {  	[hbm4b:s6+s3] =	stream.indirect_vreg.scatter [tilespmem:s17], [sflag:$0x2], $0x80, v4, vm0, $0xb8;
	[tilespmem:$0x10400] =	vst v63  }
0x59: {  	s18 =	simm.s32 $0x5800  }
0x5a: {  	[hbm4b:s7+s3] =	stream.indirect_vreg.scatter [tilespmem:s18], [sflag:$0x2], $0x80, v4, vm0, $0xb8;
	[tilespmem:$0x10400] =	vst v63  }
0x5b: {  	s23 =	simm.s32 $0x6000  }
0x5c: {  	[hbm4b:s4+s3] =	stream.indirect_vreg.scatter [tilespmem:s23], [sflag:$0x2], $0x80, v3, vm0, $0xb8;
	[tilespmem:$0x10400] =	vst v63  }
0x5d: {  	s28 =	simm.s32 $0x6800  }
0x5e: {  	[hbm4b:s5+s3] =	stream.indirect_vreg.scatter [tilespmem:s28], [sflag:$0x2], $0x80, v3, vm0, $0xb8;
	[tilespmem:$0x10400] =	vst v63  }
0x5f: {  	_ = 	snop  }
0x60: {  	[hbm4b:s6+s3] =	stream.indirect_vreg.scatter [tilespmem:s31], [sflag:$0x2], $0x80, v3, vm0, $0xb8;
	[tilespmem:$0x10400] =	vst v63  }
0x61: {  	s29 =	simm.s32 $0x7800  }
0x62: {  	[hbm4b:s7+s3] =	stream.indirect_vreg.scatter [tilespmem:s29], [sflag:$0x2], $0x80, v3, vm0, $0xb8;
	[tilespmem:$0x10400] =	vst v63  }
0x63: {  	v3 =	vld [tilespmem:$0x8080];
	_ =	sdelay $0x4  }
0x64: {  	v50 =	vshll.u32 v3, $0x3  }
0x65: {  	v3 =	vand.u32 $0x7, v3;
	v4 =	vand.u32 $0xFFFFFFC0, v50  }
0x66: {  	v3 =	vor.u32 v3, v4  }
0x67: {  	v4 =	vperm.xlane v3, v0;
	_ =	sdelay $0x1  }
0x68: {  	v4 =	vadd.s32 v1, v4;
	_ =	sdelay $0x4  }
0x69: {  	[hbm4b:s4+s3] =	stream.indirect_vreg.scatter [tilespmem:s3], [sflag:$0x2], $0x80, v4, vm0, $0xb8;
	[tilespmem:$0x10400] =	vst v63  }
0x6a: {  	s20 =	simm.s32 $0x800;
	v3 =	vperm.xlane v3, v2  }
0x6b: {  	[hbm4b:s5+s3] =	stream.indirect_vreg.scatter [tilespmem:s20], [sflag:$0x2], $0x80, v4, vm0, $0xb8;
	[tilespmem:$0x10400] =	vst v63  }
0x6c: {  	s8 =	simm.s32 $0x1000;
	v3 =	vadd.s32 v1, v3  }
0x6d: {  	[hbm4b:s6+s3] =	stream.indirect_vreg.scatter [tilespmem:s8], [sflag:$0x2], $0x80, v4, vm0, $0xb8;
	[tilespmem:$0x10400] =	vst v63  }
0x6e: {  	s9 =	simm.s32 $0x1800  }
0x6f: {  	[hbm4b:s7+s3] =	stream.indirect_vreg.scatter [tilespmem:s9], [sflag:$0x2], $0x80, v4, vm0, $0xb8;
	[tilespmem:$0x10400] =	vst v63  }
0x70: {  	s11 =	simm.s32 $0x2000  }
0x71: {  	[hbm4b:s4+s3] =	stream.indirect_vreg.scatter [tilespmem:s11], [sflag:$0x2], $0x80, v3, vm0, $0xb8;
	[tilespmem:$0x10400] =	vst v63  }
0x72: {  	s12 =	simm.s32 $0x2800  }
0x73: {  	[hbm4b:s5+s3] =	stream.indirect_vreg.scatter [tilespmem:s12], [sflag:$0x2], $0x80, v3, vm0, $0xb8;
	[tilespmem:$0x10400] =	vst v63  }
0x74: {  	s14 =	simm.s32 $0x3000  }
0x75: {  	[hbm4b:s6+s3] =	stream.indirect_vreg.scatter [tilespmem:s14], [sflag:$0x2], $0x80, v3, vm0, $0xb8;
	[tilespmem:$0x10400] =	vst v63  }
0x76: {  	s21 =	simm.s32 $0x3800  }
0x77: {  	[hbm4b:s7+s3] =	stream.indirect_vreg.scatter [tilespmem:s21], [sflag:$0x2], $0x80, v3, vm0, $0xb8;
	[tilespmem:$0x10400] =	vst v63  }
0x78: {  	v3 =	vld [tilespmem:$0x8090];
	_ =	sdelay $0x4  }
0x79: {  	v51 =	vshll.u32 v3, $0x3  }
0x7a: {  	v3 =	vand.u32 $0x7, v3;
	v4 =	vand.u32 $0xFFFFFFC0, v51  }
0x7b: {  	v3 =	vor.u32 v3, v4  }
0x7c: {  	v4 =	vperm.xlane v3, v0;
	_ =	sdelay $0x1  }
0x7d: {  	v4 =	vadd.s32 v1, v4;
	_ =	sdelay $0x4  }
0x7e: {  	[hbm4b:s4+s3] =	stream.indirect_vreg.scatter [tilespmem:s19], [sflag:$0x2], $0x80, v4, vm0, $0xb8;
	[tilespmem:$0x10400] =	vst v63  }
0x7f: {  	s22 =	simm.s32 $0x4800;
	v3 =	vperm.xlane v3, v2  }
0x80: {  	[hbm4b:s5+s3] =	stream.indirect_vreg.scatter [tilespmem:s22], [sflag:$0x2], $0x80, v4, vm0, $0xb8;
	[tilespmem:$0x10400] =	vst v63  }
0x81: {  	s15 =	simm.s32 $0x5000;
	v3 =	vadd.s32 v1, v3  }
0x82: {  	[hbm4b:s6+s3] =	stream.indirect_vreg.scatter [tilespmem:s15], [sflag:$0x2], $0x80, v4, vm0, $0xb8;
	[tilespmem:$0x10400] =	vst v63  }
0x83: {  	s16 =	simm.s32 $0x5800  }
0x84: {  	[hbm4b:s7+s3] =	stream.indirect_vreg.scatter [tilespmem:s16], [sflag:$0x2], $0x80, v4, vm0, $0xb8;
	[tilespmem:$0x10400] =	vst v63  }
0x85: {  	s17 =	simm.s32 $0x6000  }
0x86: {  	[hbm4b:s4+s3] =	stream.indirect_vreg.scatter [tilespmem:s17], [sflag:$0x2], $0x80, v3, vm0, $0xb8;
	[tilespmem:$0x10400] =	vst v63  }
0x87: {  	s18 =	simm.s32 $0x6800  }
0x88: {  	[hbm4b:s5+s3] =	stream.indirect_vreg.scatter [tilespmem:s18], [sflag:$0x2], $0x80, v3, vm0, $0xb8;
	[tilespmem:$0x10400] =	vst v63  }
0x89: {  	_ = 	snop  }
0x8a: {  	[hbm4b:s6+s3] =	stream.indirect_vreg.scatter [tilespmem:s31], [sflag:$0x2], $0x80, v3, vm0, $0xb8;
	[tilespmem:$0x10400] =	vst v63  }
0x8b: {  	s2 =	simm.s32 $0x8100;
	s30 =	simm.s32 $0x7800  }
0x8c: {  	[hbm4b:s7+s3] =	stream.indirect_vreg.scatter [tilespmem:s30], [sflag:$0x2], $0x80, v3, vm0, $0xb8;
	[tilespmem:$0x10400] =	vst v63  }
0x8d: {  	s10 =	simm.s32 $0x8180;
	s16 =	simm.s32 $0x40;
	s30 =	rddreg [dreg:$0x3]  }
0x8e: {  	[hbm4b:s30+s16] =	stream.indirect.scatter [tilespmem:s10], [sflag:$0x2], $0x1, s2, s16, $0xb8;
	[tilespmem:$0x10400] =	vst v63  }
0x8f: {  	s20 =	simm.s32 $0x8200;
	s15 =	rddreg [dreg:$0xa]  }
0x90: {  	[tilespmem:s20], [sflag:$0x3] =	stream.linear.gather [hbm4b:s15+s3], $0x8000, $0x38;
	[tilespmem:$0x10400] =	vst v63  }
0x91: {  	s21 =	simm.s32 $0x10200;
	s17 =	rddreg [dreg:$0xb]  }
0x92: {  	[tilespmem:s21], [sflag:$0x3] =	stream.linear.gather [hbm4b:s17+s3], $0x20, $0x38;
	[tilespmem:$0x10400] =	vst v63  }
0x93: {  	s23 =	simm.s32 $0x10280;
	s18 =	rddreg [dreg:$0xc]  }
0x94: {  	[tilespmem:s23], [sflag:$0x3] =	stream.linear.gather [hbm4b:s18+s3], $0x20, $0x38;
	[tilespmem:$0x10400] =	vst v63  }
0x95: {  	s8 =	simm.s32 $0x10300;
	s22 =	rddreg [dreg:$0xd]  }
0x96: {  	[tilespmem:s8], [sflag:$0x3] =	stream.linear.gather [hbm4b:s22+s3], $0x40, $0x38;
	[tilespmem:$0x10400] =	vst v63  }
0x97: {  	s1 =	rddreg [dreg:$0xe];
	s9 =	simm.s32 $0x10380  }
0x98: {  	[tilespmem:s9], [sflag:$0x3] =	stream.linear.gather [hbm4b:s1+s3], $0x40, $0x38;
	[tilespmem:$0x10400] =	vst v63  }
0x99: {  	_ =	swait.ge [sflag:s0], $0x8000  }
0x9a: {  	[sflag:s0] =	ssyncset.done $0x0  }
0x9b: {  	[sflag:s0] =	ssyncadd.s32 $0xFFFF8000  }
0x9c: {  	_ =	swait.ge [sflag:s0], $0x20  }
0x9d: {  	[sflag:s0] =	ssyncset.done $0x0  }
0x9e: {  	[sflag:s0] =	ssyncadd.s32 $0xFFFFFFE0  }
0x9f: {  	_ =	swait.ge [sflag:s0], $0x20  }
0xa0: {  	[sflag:s0] =	ssyncset.done $0x0  }
0xa1: {  	[sflag:s0] =	ssyncadd.s32 $0xFFFFFFE0  }
0xa2: {  	_ =	swait.ge [sflag:s0], $0x40  }
0xa3: {  	[sflag:s0] =	ssyncset.done $0x0  }
0xa4: {  	[sflag:s0] =	ssyncadd.s32 $0xFFFFFFC0  }
0xa5: {  	_ =	swait.ge [sflag:s0], $0x40  }
0xa6: {  	[sflag:s0] =	ssyncset.done $0x0  }
0xa7: {  	[sflag:s0] =	ssyncadd.s32 $0xFFFFFFC0  }
0xa8: {  	v3 =	vld [tilespmem:$0x10200];
	_ =	sdelay $0x4  }
0xa9: {  	v52 =	vshll.u32 v3, $0x3  }
0xaa: {  	v3 =	vand.u32 $0x7, v3;
	v4 =	vand.u32 $0xFFFFFFC0, v52  }
0xab: {  	v3 =	vor.u32 v3, v4  }
0xac: {  	v4 =	vperm.xlane v3, v0;
	_ =	sdelay $0x1  }
0xad: {  	v4 =	vadd.s32 v1, v4;
	_ =	sdelay $0x4  }
0xae: {  	[hbm4b:s4+s3] =	stream.indirect_vreg.scatter [tilespmem:s20], [sflag:$0x4], $0x80, v4, vm0, $0xb8;
	[tilespmem:$0x10400] =	vst v63  }
0xaf: {  	s10 =	simm.s32 $0x8A00;
	v3 =	vperm.xlane v3, v2  }
0xb0: {  	[hbm4b:s5+s3] =	stream.indirect_vreg.scatter [tilespmem:s10], [sflag:$0x4], $0x80, v4, vm0, $0xb8;
	[tilespmem:$0x10400] =	vst v63  }
0xb1: {  	s11 =	simm.s32 $0x9200;
	v3 =	vadd.s32 v1, v3  }
0xb2: {  	[hbm4b:s6+s3] =	stream.indirect_vreg.scatter [tilespmem:s11], [sflag:$0x4], $0x80, v4, vm0, $0xb8;
	[tilespmem:$0x10400] =	vst v63  }
0xb3: {  	s12 =	simm.s32 $0x9A00  }
0xb4: {  	[hbm4b:s7+s3] =	stream.indirect_vreg.scatter [tilespmem:s12], [sflag:$0x4], $0x80, v4, vm0, $0xb8;
	[tilespmem:$0x10400] =	vst v63  }
0xb5: {  	s14 =	simm.s32 $0xA200  }
0xb6: {  	[hbm4b:s4+s3] =	stream.indirect_vreg.scatter [tilespmem:s14], [sflag:$0x4], $0x80, v3, vm0, $0xb8;
	[tilespmem:$0x10400] =	vst v63  }
0xb7: {  	s15 =	simm.s32 $0xAA00  }
0xb8: {  	[hbm4b:s5+s3] =	stream.indirect_vreg.scatter [tilespmem:s15], [sflag:$0x4], $0x80, v3, vm0, $0xb8;
	[tilespmem:$0x10400] =	vst v63  }
0xb9: {  	s16 =	simm.s32 $0xB200  }
0xba: {  	[hbm4b:s6+s3] =	stream.indirect_vreg.scatter [tilespmem:s16], [sflag:$0x4], $0x80, v3, vm0, $0xb8;
	[tilespmem:$0x10400] =	vst v63  }
0xbb: {  	s21 =	simm.s32 $0xBA00  }
0xbc: {  	[hbm4b:s7+s3] =	stream.indirect_vreg.scatter [tilespmem:s21], [sflag:$0x4], $0x80, v3, vm0, $0xb8;
	[tilespmem:$0x10400] =	vst v63  }
0xbd: {  	v3 =	vld [tilespmem:$0x10210];
	_ =	sdelay $0x4  }
0xbe: {  	v53 =	vshll.u32 v3, $0x3  }
0xbf: {  	v3 =	vand.u32 $0x7, v3;
	v4 =	vand.u32 $0xFFFFFFC0, v53  }
0xc0: {  	v3 =	vor.u32 v3, v4  }
0xc1: {  	v4 =	vperm.xlane v3, v0;
	_ =	sdelay $0x1  }
0xc2: {  	v4 =	vadd.s32 v1, v4;
	_ =	sdelay $0x3  }
0xc3: {  	s22 =	simm.s32 $0xC200  }
0xc4: {  	[hbm4b:s4+s3] =	stream.indirect_vreg.scatter [tilespmem:s22], [sflag:$0x4], $0x80, v4, vm0, $0xb8;
	[tilespmem:$0x10400] =	vst v63  }
0xc5: {  	s23 =	simm.s32 $0xCA00;
	v3 =	vperm.xlane v3, v2  }
0xc6: {  	[hbm4b:s5+s3] =	stream.indirect_vreg.scatter [tilespmem:s23], [sflag:$0x4], $0x80, v4, vm0, $0xb8;
	[tilespmem:$0x10400] =	vst v63  }
0xc7: {  	s11 =	simm.s32 $0xD200;
	v3 =	vadd.s32 v1, v3  }
0xc8: {  	[hbm4b:s6+s3] =	stream.indirect_vreg.scatter [tilespmem:s11], [sflag:$0x4], $0x80, v4, vm0, $0xb8;
	[tilespmem:$0x10400] =	vst v63  }
0xc9: {  	s12 =	simm.s32 $0xDA00  }
0xca: {  	[hbm4b:s7+s3] =	stream.indirect_vreg.scatter [tilespmem:s12], [sflag:$0x4], $0x80, v4, vm0, $0xb8;
	[tilespmem:$0x10400] =	vst v63  }
0xcb: {  	s14 =	simm.s32 $0xE200  }
0xcc: {  	[hbm4b:s4+s3] =	stream.indirect_vreg.scatter [tilespmem:s14], [sflag:$0x4], $0x80, v3, vm0, $0xb8;
	[tilespmem:$0x10400] =	vst v63  }
0xcd: {  	s15 =	simm.s32 $0xEA00  }
0xce: {  	[hbm4b:s5+s3] =	stream.indirect_vreg.scatter [tilespmem:s15], [sflag:$0x4], $0x80, v3, vm0, $0xb8;
	[tilespmem:$0x10400] =	vst v63  }
0xcf: {  	s16 =	simm.s32 $0xF200  }
0xd0: {  	[hbm4b:s6+s3] =	stream.indirect_vreg.scatter [tilespmem:s16], [sflag:$0x4], $0x80, v3, vm0, $0xb8;
	[tilespmem:$0x10400] =	vst v63  }
0xd1: {  	s2 =	simm.s32 $0xFA00  }
0xd2: {  	[hbm4b:s7+s3] =	stream.indirect_vreg.scatter [tilespmem:s2], [sflag:$0x4], $0x80, v3, vm0, $0xb8;
	[tilespmem:$0x10400] =	vst v63  }
0xd3: {  	v3 =	vld [tilespmem:$0x10280];
	_ =	sdelay $0x4  }
0xd4: {  	v54 =	vshll.u32 v3, $0x3  }
0xd5: {  	v3 =	vand.u32 $0x7, v3;
	v4 =	vand.u32 $0xFFFFFFC0, v54  }
0xd6: {  	v3 =	vor.u32 v3, v4  }
0xd7: {  	v4 =	vperm.xlane v3, v0;
	_ =	sdelay $0x1  }
0xd8: {  	v4 =	vadd.s32 v1, v4;
	_ =	sdelay $0x4  }
0xd9: {  	[hbm4b:s4+s3] =	stream.indirect_vreg.scatter [tilespmem:s20], [sflag:$0x4], $0x80, v4, vm0, $0xb8;
	[tilespmem:$0x10400] =	vst v63  }
0xda: {  	s18 =	simm.s32 $0x8A00;
	v3 =	vperm.xlane v3, v2  }
0xdb: {  	[hbm4b:s5+s3] =	stream.indirect_vreg.scatter [tilespmem:s18], [sflag:$0x4], $0x80, v4, vm0, $0xb8;
	[tilespmem:$0x10400] =	vst v63  }
0xdc: {  	s17 =	simm.s32 $0x9200;
	v3 =	vadd.s32 v1, v3  }
0xdd: {  	[hbm4b:s6+s3] =	stream.indirect_vreg.scatter [tilespmem:s17], [sflag:$0x4], $0x80, v4, vm0, $0xb8;
	[tilespmem:$0x10400] =	vst v63  }
0xde: {  	s1 =	simm.s32 $0x9A00  }
0xdf: {  	[hbm4b:s7+s3] =	stream.indirect_vreg.scatter [tilespmem:s1], [sflag:$0x4], $0x80, v4, vm0, $0xb8;
	[tilespmem:$0x10400] =	vst v63  }
0xe0: {  	s8 =	simm.s32 $0xA200  }
0xe1: {  	[hbm4b:s4+s3] =	stream.indirect_vreg.scatter [tilespmem:s8], [sflag:$0x4], $0x80, v3, vm0, $0xb8;
	[tilespmem:$0x10400] =	vst v63  }
0xe2: {  	s9 =	simm.s32 $0xAA00  }
0xe3: {  	[hbm4b:s5+s3] =	stream.indirect_vreg.scatter [tilespmem:s9], [sflag:$0x4], $0x80, v3, vm0, $0xb8;
	[tilespmem:$0x10400] =	vst v63  }
0xe4: {  	s10 =	simm.s32 $0xB200  }
0xe5: {  	[hbm4b:s6+s3] =	stream.indirect_vreg.scatter [tilespmem:s10], [sflag:$0x4], $0x80, v3, vm0, $0xb8;
	[tilespmem:$0x10400] =	vst v63  }
0xe6: {  	s21 =	simm.s32 $0xBA00  }
0xe7: {  	[hbm4b:s7+s3] =	stream.indirect_vreg.scatter [tilespmem:s21], [sflag:$0x4], $0x80, v3, vm0, $0xb8;
	[tilespmem:$0x10400] =	vst v63  }
0xe8: {  	v3 =	vld [tilespmem:$0x10290];
	_ =	sdelay $0x4  }
0xe9: {  	v55 =	vshll.u32 v3, $0x3  }
0xea: {  	v3 =	vand.u32 $0x7, v3;
	v4 =	vand.u32 $0xFFFFFFC0, v55  }
0xeb: {  	v3 =	vor.u32 v3, v4  }
0xec: {  	v4 =	vperm.xlane v3, v0;
	_ =	sdelay $0x1  }
0xed: {  	v4 =	vadd.s32 v1, v4;
	_ =	sdelay $0x3  }
0xee: {  	s22 =	simm.s32 $0xC200  }
0xef: {  	[hbm4b:s4+s3] =	stream.indirect_vreg.scatter [tilespmem:s22], [sflag:$0x4], $0x80, v4, vm0, $0xb8;
	[tilespmem:$0x10400] =	vst v63  }
0xf0: {  	s23 =	simm.s32 $0xCA00;
	v3 =	vperm.xlane v3, v2  }
0xf1: {  	[hbm4b:s5+s3] =	stream.indirect_vreg.scatter [tilespmem:s23], [sflag:$0x4], $0x80, v4, vm0, $0xb8;
	[tilespmem:$0x10400] =	vst v63  }
0xf2: {  	s11 =	simm.s32 $0xD200;
	v3 =	vadd.s32 v1, v3  }
0xf3: {  	[hbm4b:s6+s3] =	stream.indirect_vreg.scatter [tilespmem:s11], [sflag:$0x4], $0x80, v4, vm0, $0xb8;
	[tilespmem:$0x10400] =	vst v63  }
0xf4: {  	s12 =	simm.s32 $0xDA00  }
0xf5: {  	[hbm4b:s7+s3] =	stream.indirect_vreg.scatter [tilespmem:s12], [sflag:$0x4], $0x80, v4, vm0, $0xb8;
	[tilespmem:$0x10400] =	vst v63  }
0xf6: {  	s14 =	simm.s32 $0xE200  }
0xf7: {  	[hbm4b:s4+s3] =	stream.indirect_vreg.scatter [tilespmem:s14], [sflag:$0x4], $0x80, v3, vm0, $0xb8;
	[tilespmem:$0x10400] =	vst v63  }
0xf8: {  	s15 =	simm.s32 $0xEA00  }
0xf9: {  	[hbm4b:s5+s3] =	stream.indirect_vreg.scatter [tilespmem:s15], [sflag:$0x4], $0x80, v3, vm0, $0xb8;
	[tilespmem:$0x10400] =	vst v63  }
0xfa: {  	s16 =	simm.s32 $0xF200  }
0xfb: {  	[hbm4b:s6+s3] =	stream.indirect_vreg.scatter [tilespmem:s16], [sflag:$0x4], $0x80, v3, vm0, $0xb8;
	[tilespmem:$0x10400] =	vst v63  }
0xfc: {  	s2 =	simm.s32 $0xFA00  }
0xfd: {  	[hbm4b:s7+s3] =	stream.indirect_vreg.scatter [tilespmem:s2], [sflag:$0x4], $0x80, v3, vm0, $0xb8;
	[tilespmem:$0x10400] =	vst v63  }
0xfe: {  	s28 =	simm.s32 $0x10380;
	s29 =	simm.s32 $0x10300;
	s2 =	simm.s32 $0x40  }
0xff: {  	[hbm4b:s30+s2] =	stream.indirect.scatter [tilespmem:s28], [sflag:$0x4], $0x1, s29, s2, $0xb8;
	[tilespmem:$0x10400] =	vst v63  }
0x100: {  	_ =	swait.ge [sflag:s25], $0x8000  }
0x101: {  	[sflag:s25] =	ssyncset.done $0x0  }
0x102: {  	[sflag:s25] =	ssyncadd.s32 $0xFFFF8000  }
0x103: {  	_ =	swait.ge [sflag:s25], $0x8000  }
0x104: {  	[sflag:s25] =	ssyncset.done $0x0  }
0x105: {  	[sflag:s25] =	ssyncadd.s32 $0xFFFF8000  }
0x106: {  	_ =	swait.ge [sflag:s25], $0x40  }
0x107: {  	[sflag:s25] =	ssyncset.done $0x0  }
0x108: {  	s15 =	rddreg [dreg:$0xf];
	[sflag:s25] =	ssyncadd.s32 $0xFFFFFFC0  }
0x109: {  	[tilespmem:s3], [sflag:$0x1] =	stream.linear.gather [hbm4b:s15+s3], $0x8000, $0x38;
	[tilespmem:$0x10400] =	vst v63  }
0x10a: {  	s18 =	simm.s32 $0x8000;
	s16 =	rddreg [dreg:$0x10]  }
0x10b: {  	[tilespmem:s18], [sflag:$0x1] =	stream.linear.gather [hbm4b:s16+s3], $0x20, $0x38;
	[tilespmem:$0x10400] =	vst v63  }
0x10c: {  	s22 =	simm.s32 $0x8080;
	s17 =	rddreg [dreg:$0x11]  }
0x10d: {  	[tilespmem:s22], [sflag:$0x1] =	stream.linear.gather [hbm4b:s17+s3], $0x20, $0x38;
	[tilespmem:$0x10400] =	vst v63  }
0x10e: {  	s1 =	simm.s32 $0x8100;
	s21 =	rddreg [dreg:$0x12]  }
0x10f: {  	[tilespmem:s1], [sflag:$0x1] =	stream.linear.gather [hbm4b:s21+s3], $0x40, $0x38;
	[tilespmem:$0x10400] =	vst v63  }
0x110: {  	s29 =	simm.s32 $0x8180;
	s23 =	rddreg [dreg:$0x13]  }
0x111: {  	[tilespmem:s29], [sflag:$0x1] =	stream.linear.gather [hbm4b:s23+s3], $0x40, $0x38;
	[tilespmem:$0x10400] =	vst v63  }
0x112: {  	_ =	swait.ge [sflag:s13], $0x8000  }
0x113: {  	[sflag:s13] =	ssyncset.done $0x0  }
0x114: {  	[sflag:s13] =	ssyncadd.s32 $0xFFFF8000  }
0x115: {  	_ =	swait.ge [sflag:s13], $0x20  }
0x116: {  	[sflag:s13] =	ssyncset.done $0x0  }
0x117: {  	[sflag:s13] =	ssyncadd.s32 $0xFFFFFFE0  }
0x118: {  	_ =	swait.ge [sflag:s13], $0x20  }
0x119: {  	[sflag:s13] =	ssyncset.done $0x0  }
0x11a: {  	[sflag:s13] =	ssyncadd.s32 $0xFFFFFFE0  }
0x11b: {  	_ =	swait.ge [sflag:s13], $0x40  }
0x11c: {  	[sflag:s13] =	ssyncset.done $0x0  }
0x11d: {  	[sflag:s13] =	ssyncadd.s32 $0xFFFFFFC0  }
0x11e: {  	_ =	swait.ge [sflag:s13], $0x40  }
0x11f: {  	[sflag:s13] =	ssyncset.done $0x0  }
0x120: {  	[sflag:s13] =	ssyncadd.s32 $0xFFFFFFC0  }
0x121: {  	v3 =	vld [tilespmem:$0x8000];
	_ =	sdelay $0x4  }
0x122: {  	v56 =	vshll.u32 v3, $0x3  }
0x123: {  	v3 =	vand.u32 $0x7, v3;
	v4 =	vand.u32 $0xFFFFFFC0, v56  }
0x124: {  	v3 =	vor.u32 v3, v4  }
0x125: {  	v4 =	vperm.xlane v3, v0;
	_ =	sdelay $0x1  }
0x126: {  	v4 =	vadd.s32 v1, v4;
	_ =	sdelay $0x4  }
0x127: {  	[hbm4b:s4+s3] =	stream.indirect_vreg.scatter [tilespmem:s3], [sflag:$0x2], $0x80, v4, vm0, $0xb8;
	[tilespmem:$0x10400] =	vst v63  }
0x128: {  	s8 =	simm.s32 $0x800;
	v3 =	vperm.xlane v3, v2  }
0x129: {  	[hbm4b:s5+s3] =	stream.indirect_vreg.scatter [tilespmem:s8], [sflag:$0x2], $0x80, v4, vm0, $0xb8;
	[tilespmem:$0x10400] =	vst v63  }
0x12a: {  	s9 =	simm.s32 $0x1000;
	v3 =	vadd.s32 v1, v3  }
0x12b: {  	[hbm4b:s6+s3] =	stream.indirect_vreg.scatter [tilespmem:s9], [sflag:$0x2], $0x80, v4, vm0, $0xb8;
	[tilespmem:$0x10400] =	vst v63  }
0x12c: {  	s10 =	simm.s32 $0x1800  }
0x12d: {  	[hbm4b:s7+s3] =	stream.indirect_vreg.scatter [tilespmem:s10], [sflag:$0x2], $0x80, v4, vm0, $0xb8;
	[tilespmem:$0x10400] =	vst v63  }
0x12e: {  	s11 =	simm.s32 $0x2000  }
0x12f: {  	[hbm4b:s4+s3] =	stream.indirect_vreg.scatter [tilespmem:s11], [sflag:$0x2], $0x80, v3, vm0, $0xb8;
	[tilespmem:$0x10400] =	vst v63  }
0x130: {  	s12 =	simm.s32 $0x2800  }
0x131: {  	[hbm4b:s5+s3] =	stream.indirect_vreg.scatter [tilespmem:s12], [sflag:$0x2], $0x80, v3, vm0, $0xb8;
	[tilespmem:$0x10400] =	vst v63  }
0x132: {  	s21 =	simm.s32 $0x3000  }
0x133: {  	[hbm4b:s6+s3] =	stream.indirect_vreg.scatter [tilespmem:s21], [sflag:$0x2], $0x80, v3, vm0, $0xb8;
	[tilespmem:$0x10400] =	vst v63  }
0x134: {  	s22 =	simm.s32 $0x3800  }
0x135: {  	[hbm4b:s7+s3] =	stream.indirect_vreg.scatter [tilespmem:s22], [sflag:$0x2], $0x80, v3, vm0, $0xb8;
	[tilespmem:$0x10400] =	vst v63  }
0x136: {  	v3 =	vld [tilespmem:$0x8010];
	_ =	sdelay $0x4  }
0x137: {  	v57 =	vshll.u32 v3, $0x3  }
0x138: {  	v3 =	vand.u32 $0x7, v3;
	v4 =	vand.u32 $0xFFFFFFC0, v57  }
0x139: {  	v3 =	vor.u32 v3, v4  }
0x13a: {  	v4 =	vperm.xlane v3, v0;
	_ =	sdelay $0x1  }
0x13b: {  	v4 =	vadd.s32 v1, v4;
	_ =	sdelay $0x4  }
0x13c: {  	[hbm4b:s4+s3] =	stream.indirect_vreg.scatter [tilespmem:s19], [sflag:$0x2], $0x80, v4, vm0, $0xb8;
	[tilespmem:$0x10400] =	vst v63  }
0x13d: {  	s14 =	simm.s32 $0x4800;
	v3 =	vperm.xlane v3, v2  }
0x13e: {  	[hbm4b:s5+s3] =	stream.indirect_vreg.scatter [tilespmem:s14], [sflag:$0x2], $0x80, v4, vm0, $0xb8;
	[tilespmem:$0x10400] =	vst v63  }
0x13f: {  	s15 =	simm.s32 $0x5000;
	v3 =	vadd.s32 v1, v3  }
0x140: {  	[hbm4b:s6+s3] =	stream.indirect_vreg.scatter [tilespmem:s15], [sflag:$0x2], $0x80, v4, vm0, $0xb8;
	[tilespmem:$0x10400] =	vst v63  }
0x141: {  	s16 =	simm.s32 $0x5800  }
0x142: {  	[hbm4b:s7+s3] =	stream.indirect_vreg.scatter [tilespmem:s16], [sflag:$0x2], $0x80, v4, vm0, $0xb8;
	[tilespmem:$0x10400] =	vst v63  }
0x143: {  	s17 =	simm.s32 $0x6000  }
0x144: {  	[hbm4b:s4+s3] =	stream.indirect_vreg.scatter [tilespmem:s17], [sflag:$0x2], $0x80, v3, vm0, $0xb8;
	[tilespmem:$0x10400] =	vst v63  }
0x145: {  	s23 =	simm.s32 $0x6800  }
0x146: {  	[hbm4b:s5+s3] =	stream.indirect_vreg.scatter [tilespmem:s23], [sflag:$0x2], $0x80, v3, vm0, $0xb8;
	[tilespmem:$0x10400] =	vst v63  }
0x147: {  	_ = 	snop  }
0x148: {  	[hbm4b:s6+s3] =	stream.indirect_vreg.scatter [tilespmem:s31], [sflag:$0x2], $0x80, v3, vm0, $0xb8;
	[tilespmem:$0x10400] =	vst v63  }
0x149: {  	s28 =	simm.s32 $0x7800  }
0x14a: {  	[hbm4b:s7+s3] =	stream.indirect_vreg.scatter [tilespmem:s28], [sflag:$0x2], $0x80, v3, vm0, $0xb8;
	[tilespmem:$0x10400] =	vst v63  }
0x14b: {  	v3 =	vld [tilespmem:$0x8080];
	_ =	sdelay $0x4  }
0x14c: {  	v58 =	vshll.u32 v3, $0x3  }
0x14d: {  	v3 =	vand.u32 $0x7, v3;
	v4 =	vand.u32 $0xFFFFFFC0, v58  }
0x14e: {  	v3 =	vor.u32 v3, v4  }
0x14f: {  	v4 =	vperm.xlane v3, v0;
	_ =	sdelay $0x1  }
0x150: {  	v4 =	vadd.s32 v1, v4;
	_ =	sdelay $0x4  }
0x151: {  	[hbm4b:s4+s3] =	stream.indirect_vreg.scatter [tilespmem:s3], [sflag:$0x2], $0x80, v4, vm0, $0xb8;
	[tilespmem:$0x10400] =	vst v63  }
0x152: {  	v3 =	vperm.xlane v3, v2  }
0x153: {  	[hbm4b:s5+s3] =	stream.indirect_vreg.scatter [tilespmem:s8], [sflag:$0x2], $0x80, v4, vm0, $0xb8;
	[tilespmem:$0x10400] =	vst v63  }
0x154: {  	v3 =	vadd.s32 v1, v3  }
0x155: {  	[hbm4b:s6+s3] =	stream.indirect_vreg.scatter [tilespmem:s9], [sflag:$0x2], $0x80, v4, vm0, $0xb8;
	[tilespmem:$0x10400] =	vst v63  }
0x156: {  	_ = 	snop  }
0x157: {  	[hbm4b:s7+s3] =	stream.indirect_vreg.scatter [tilespmem:s10], [sflag:$0x2], $0x80, v4, vm0, $0xb8;
	[tilespmem:$0x10400] =	vst v63  }
0x158: {  	_ = 	snop  }
0x159: {  	[hbm4b:s4+s3] =	stream.indirect_vreg.scatter [tilespmem:s11], [sflag:$0x2], $0x80, v3, vm0, $0xb8;
	[tilespmem:$0x10400] =	vst v63  }
0x15a: {  	_ = 	snop  }
0x15b: {  	[hbm4b:s5+s3] =	stream.indirect_vreg.scatter [tilespmem:s12], [sflag:$0x2], $0x80, v3, vm0, $0xb8;
	[tilespmem:$0x10400] =	vst v63  }
0x15c: {  	_ = 	snop  }
0x15d: {  	[hbm4b:s6+s3] =	stream.indirect_vreg.scatter [tilespmem:s21], [sflag:$0x2], $0x80, v3, vm0, $0xb8;
	[tilespmem:$0x10400] =	vst v63  }
0x15e: {  	_ = 	snop  }
0x15f: {  	[hbm4b:s7+s3] =	stream.indirect_vreg.scatter [tilespmem:s22], [sflag:$0x2], $0x80, v3, vm0, $0xb8;
	[tilespmem:$0x10400] =	vst v63  }
0x160: {  	v3 =	vld [tilespmem:$0x8090];
	_ =	sdelay $0x4  }
0x161: {  	v59 =	vshll.u32 v3, $0x3  }
0x162: {  	v3 =	vand.u32 $0x7, v3;
	v4 =	vand.u32 $0xFFFFFFC0, v59  }
0x163: {  	v3 =	vor.u32 v3, v4  }
0x164: {  	v4 =	vperm.xlane v3, v0;
	_ =	sdelay $0x1  }
0x165: {  	v4 =	vadd.s32 v1, v4;
	_ =	sdelay $0x4  }
0x166: {  	[hbm4b:s4+s3] =	stream.indirect_vreg.scatter [tilespmem:s19], [sflag:$0x2], $0x80, v4, vm0, $0xb8;
	[tilespmem:$0x10400] =	vst v63  }
0x167: {  	v3 =	vperm.xlane v3, v2  }
0x168: {  	[hbm4b:s5+s3] =	stream.indirect_vreg.scatter [tilespmem:s14], [sflag:$0x2], $0x80, v4, vm0, $0xb8;
	[tilespmem:$0x10400] =	vst v63  }
0x169: {  	v3 =	vadd.s32 v1, v3  }
0x16a: {  	[hbm4b:s6+s3] =	stream.indirect_vreg.scatter [tilespmem:s15], [sflag:$0x2], $0x80, v4, vm0, $0xb8;
	[tilespmem:$0x10400] =	vst v63  }
0x16b: {  	_ = 	snop  }
0x16c: {  	[hbm4b:s7+s3] =	stream.indirect_vreg.scatter [tilespmem:s16], [sflag:$0x2], $0x80, v4, vm0, $0xb8;
	[tilespmem:$0x10400] =	vst v63  }
0x16d: {  	_ = 	snop  }
0x16e: {  	[hbm4b:s4+s3] =	stream.indirect_vreg.scatter [tilespmem:s17], [sflag:$0x2], $0x80, v3, vm0, $0xb8;
	[tilespmem:$0x10400] =	vst v63  }
0x16f: {  	_ = 	snop  }
0x170: {  	[hbm4b:s5+s3] =	stream.indirect_vreg.scatter [tilespmem:s23], [sflag:$0x2], $0x80, v3, vm0, $0xb8;
	[tilespmem:$0x10400] =	vst v63  }
0x171: {  	_ = 	snop  }
0x172: {  	[hbm4b:s6+s3] =	stream.indirect_vreg.scatter [tilespmem:s31], [sflag:$0x2], $0x80, v3, vm0, $0xb8;
	[tilespmem:$0x10400] =	vst v63  }
0x173: {  	_ = 	snop  }
0x174: {  	[hbm4b:s7+s3] =	stream.indirect_vreg.scatter [tilespmem:s28], [sflag:$0x2], $0x80, v3, vm0, $0xb8;
	[tilespmem:$0x10400] =	vst v63  }
0x175: {  	_ = 	snop  }
0x176: {  	[hbm4b:s30+s2] =	stream.indirect.scatter [tilespmem:s29], [sflag:$0x2], $0x1, s1, s2, $0xb8;
	[tilespmem:$0x10400] =	vst v63  }
0x177: {  	_ =	swait.ge [sflag:s26], $0x8000  }
0x178: {  	[sflag:s26] =	ssyncset.done $0x0  }
0x179: {  	[sflag:s26] =	ssyncadd.s32 $0xFFFF8000  }
0x17a: {  	_ =	swait.ge [sflag:s26], $0x8000  }
0x17b: {  	[sflag:s26] =	ssyncset.done $0x0  }
0x17c: {  	[sflag:s26] =	ssyncadd.s32 $0xFFFF8000  }
0x17d: {  	_ =	swait.ge [sflag:s26], $0x40  }
0x17e: {  	[sflag:s26] =	ssyncset.done $0x0  }
0x17f: {  	s15 =	rddreg [dreg:$0x14];
	[sflag:s26] =	ssyncadd.s32 $0xFFFFFFC0  }
0x180: {  	[tilespmem:s20], [sflag:$0x3] =	stream.linear.gather [hbm4b:s15+s3], $0x8000, $0x38;
	[tilespmem:$0x10400] =	vst v63  }
0x181: {  	s18 =	simm.s32 $0x10200;
	s16 =	rddreg [dreg:$0x15]  }
0x182: {  	[tilespmem:s18], [sflag:$0x3] =	stream.linear.gather [hbm4b:s16+s3], $0x20, $0x38;
	[tilespmem:$0x10400] =	vst v63  }
0x183: {  	s21 =	simm.s32 $0x10280;
	s17 =	rddreg [dreg:$0x16]  }
0x184: {  	[tilespmem:s21], [sflag:$0x3] =	stream.linear.gather [hbm4b:s17+s3], $0x20, $0x38;
	[tilespmem:$0x10400] =	vst v63  }
0x185: {  	s23 =	simm.s32 $0x10300;
	s19 =	rddreg [dreg:$0x17]  }
0x186: {  	[tilespmem:s23], [sflag:$0x3] =	stream.linear.gather [hbm4b:s19+s3], $0x40, $0x38;
	[tilespmem:$0x10400] =	vst v63  }
0x187: {  	s9 =	simm.s32 $0x10380;
	s22 =	rddreg [dreg:$0x18]  }
0x188: {  	[tilespmem:s9], [sflag:$0x3] =	stream.linear.gather [hbm4b:s22+s3], $0x40, $0x38;
	[tilespmem:$0x10400] =	vst v63  }
0x189: {  	_ =	swait.ge [sflag:s0], $0x8000  }
0x18a: {  	[sflag:s0] =	ssyncset.done $0x0  }
0x18b: {  	[sflag:s0] =	ssyncadd.s32 $0xFFFF8000  }
0x18c: {  	_ =	swait.ge [sflag:s0], $0x20  }
0x18d: {  	[sflag:s0] =	ssyncset.done $0x0  }
0x18e: {  	[sflag:s0] =	ssyncadd.s32 $0xFFFFFFE0  }
0x18f: {  	_ =	swait.ge [sflag:s0], $0x20  }
0x190: {  	[sflag:s0] =	ssyncset.done $0x0  }
0x191: {  	[sflag:s0] =	ssyncadd.s32 $0xFFFFFFE0  }
0x192: {  	_ =	swait.ge [sflag:s0], $0x40  }
0x193: {  	[sflag:s0] =	ssyncset.done $0x0  }
0x194: {  	[sflag:s0] =	ssyncadd.s32 $0xFFFFFFC0  }
0x195: {  	_ =	swait.ge [sflag:s0], $0x40  }
0x196: {  	[sflag:s0] =	ssyncset.done $0x0  }
0x197: {  	[sflag:s0] =	ssyncadd.s32 $0xFFFFFFC0  }
0x198: {  	v3 =	vld [tilespmem:$0x10200];
	_ =	sdelay $0x4  }
0x199: {  	v60 =	vshll.u32 v3, $0x3  }
0x19a: {  	v3 =	vand.u32 $0x7, v3;
	v4 =	vand.u32 $0xFFFFFFC0, v60  }
0x19b: {  	v3 =	vor.u32 v3, v4  }
0x19c: {  	v4 =	vperm.xlane v3, v0;
	_ =	sdelay $0x1  }
0x19d: {  	v4 =	vadd.s32 v1, v4;
	_ =	sdelay $0x4  }
0x19e: {  	[hbm4b:s4+s3] =	stream.indirect_vreg.scatter [tilespmem:s20], [sflag:$0x4], $0x80, v4, vm0, $0xb8;
	[tilespmem:$0x10400] =	vst v63  }
0x19f: {  	s18 =	simm.s32 $0x8A00;
	v3 =	vperm.xlane v3, v2  }
0x1a0: {  	[hbm4b:s5+s3] =	stream.indirect_vreg.scatter [tilespmem:s18], [sflag:$0x4], $0x80, v4, vm0, $0xb8;
	[tilespmem:$0x10400] =	vst v63  }
0x1a1: {  	s17 =	simm.s32 $0x9200;
	v3 =	vadd.s32 v1, v3  }
0x1a2: {  	[hbm4b:s6+s3] =	stream.indirect_vreg.scatter [tilespmem:s17], [sflag:$0x4], $0x80, v4, vm0, $0xb8;
	[tilespmem:$0x10400] =	vst v63  }
0x1a3: {  	s1 =	simm.s32 $0x9A00  }
0x1a4: {  	[hbm4b:s7+s3] =	stream.indirect_vreg.scatter [tilespmem:s1], [sflag:$0x4], $0x80, v4, vm0, $0xb8;
	[tilespmem:$0x10400] =	vst v63  }
0x1a5: {  	s8 =	simm.s32 $0xA200  }
0x1a6: {  	[hbm4b:s4+s3] =	stream.indirect_vreg.scatter [tilespmem:s8], [sflag:$0x4], $0x80, v3, vm0, $0xb8;
	[tilespmem:$0x10400] =	vst v63  }
0x1a7: {  	s12 =	simm.s32 $0xAA00  }
0x1a8: {  	[hbm4b:s5+s3] =	stream.indirect_vreg.scatter [tilespmem:s12], [sflag:$0x4], $0x80, v3, vm0, $0xb8;
	[tilespmem:$0x10400] =	vst v63  }
0x1a9: {  	s10 =	simm.s32 $0xB200  }
0x1aa: {  	[hbm4b:s6+s3] =	stream.indirect_vreg.scatter [tilespmem:s10], [sflag:$0x4], $0x80, v3, vm0, $0xb8;
	[tilespmem:$0x10400] =	vst v63  }
0x1ab: {  	s21 =	simm.s32 $0xBA00  }
0x1ac: {  	[hbm4b:s7+s3] =	stream.indirect_vreg.scatter [tilespmem:s21], [sflag:$0x4], $0x80, v3, vm0, $0xb8;
	[tilespmem:$0x10400] =	vst v63  }
0x1ad: {  	v3 =	vld [tilespmem:$0x10210];
	_ =	sdelay $0x4  }
0x1ae: {  	v61 =	vshll.u32 v3, $0x3  }
0x1af: {  	v3 =	vand.u32 $0x7, v3;
	v4 =	vand.u32 $0xFFFFFFC0, v61  }
0x1b0: {  	v3 =	vor.u32 v3, v4  }
0x1b1: {  	v4 =	vperm.xlane v3, v0;
	_ =	sdelay $0x1  }
0x1b2: {  	v4 =	vadd.s32 v1, v4;
	_ =	sdelay $0x3  }
0x1b3: {  	s22 =	simm.s32 $0xC200  }
0x1b4: {  	[hbm4b:s4+s3] =	stream.indirect_vreg.scatter [tilespmem:s22], [sflag:$0x4], $0x80, v4, vm0, $0xb8;
	[tilespmem:$0x10400] =	vst v63  }
0x1b5: {  	s23 =	simm.s32 $0xCA00;
	v3 =	vperm.xlane v3, v2  }
0x1b6: {  	[hbm4b:s5+s3] =	stream.indirect_vreg.scatter [tilespmem:s23], [sflag:$0x4], $0x80, v4, vm0, $0xb8;
	[tilespmem:$0x10400] =	vst v63  }
0x1b7: {  	s11 =	simm.s32 $0xD200;
	v3 =	vadd.s32 v1, v3  }
0x1b8: {  	[hbm4b:s6+s3] =	stream.indirect_vreg.scatter [tilespmem:s11], [sflag:$0x4], $0x80, v4, vm0, $0xb8;
	[tilespmem:$0x10400] =	vst v63  }
0x1b9: {  	s16 =	simm.s32 $0xDA00  }
0x1ba: {  	[hbm4b:s7+s3] =	stream.indirect_vreg.scatter [tilespmem:s16], [sflag:$0x4], $0x80, v4, vm0, $0xb8;
	[tilespmem:$0x10400] =	vst v63  }
0x1bb: {  	s14 =	simm.s32 $0xE200  }
0x1bc: {  	[hbm4b:s4+s3] =	stream.indirect_vreg.scatter [tilespmem:s14], [sflag:$0x4], $0x80, v3, vm0, $0xb8;
	[tilespmem:$0x10400] =	vst v63  }
0x1bd: {  	s15 =	simm.s32 $0xEA00  }
0x1be: {  	[hbm4b:s5+s3] =	stream.indirect_vreg.scatter [tilespmem:s15], [sflag:$0x4], $0x80, v3, vm0, $0xb8;
	[tilespmem:$0x10400] =	vst v63  }
0x1bf: {  	s19 =	simm.s32 $0xF200  }
0x1c0: {  	[hbm4b:s6+s3] =	stream.indirect_vreg.scatter [tilespmem:s19], [sflag:$0x4], $0x80, v3, vm0, $0xb8;
	[tilespmem:$0x10400] =	vst v63  }
0x1c1: {  	s28 =	simm.s32 $0xFA00  }
0x1c2: {  	[hbm4b:s7+s3] =	stream.indirect_vreg.scatter [tilespmem:s28], [sflag:$0x4], $0x80, v3, vm0, $0xb8;
	[tilespmem:$0x10400] =	vst v63  }
0x1c3: {  	v3 =	vld [tilespmem:$0x10280];
	_ =	sdelay $0x4  }
0x1c4: {  	v62 =	vshll.u32 v3, $0x3  }
0x1c5: {  	v3 =	vand.u32 $0x7, v3;
	v4 =	vand.u32 $0xFFFFFFC0, v62  }
0x1c6: {  	v3 =	vor.u32 v3, v4  }
0x1c7: {  	v4 =	vperm.xlane v3, v0;
	_ =	sdelay $0x1  }
0x1c8: {  	v4 =	vadd.s32 v1, v4;
	_ =	sdelay $0x4  }
0x1c9: {  	[hbm4b:s4+s3] =	stream.indirect_vreg.scatter [tilespmem:s20], [sflag:$0x4], $0x80, v4, vm0, $0xb8;
	[tilespmem:$0x10400] =	vst v63  }
0x1ca: {  	v3 =	vperm.xlane v3, v2  }
0x1cb: {  	[hbm4b:s5+s3] =	stream.indirect_vreg.scatter [tilespmem:s18], [sflag:$0x4], $0x80, v4, vm0, $0xb8;
	[tilespmem:$0x10400] =	vst v63  }
0x1cc: {  	v3 =	vadd.s32 v1, v3  }
0x1cd: {  	[hbm4b:s6+s3] =	stream.indirect_vreg.scatter [tilespmem:s17], [sflag:$0x4], $0x80, v4, vm0, $0xb8;
	[tilespmem:$0x10400] =	vst v63  }
0x1ce: {  	_ = 	snop  }
0x1cf: {  	[hbm4b:s7+s3] =	stream.indirect_vreg.scatter [tilespmem:s1], [sflag:$0x4], $0x80, v4, vm0, $0xb8;
	[tilespmem:$0x10400] =	vst v63  }
0x1d0: {  	_ = 	snop  }
0x1d1: {  	[hbm4b:s4+s3] =	stream.indirect_vreg.scatter [tilespmem:s8], [sflag:$0x4], $0x80, v3, vm0, $0xb8;
	[tilespmem:$0x10400] =	vst v63  }
0x1d2: {  	_ = 	snop  }
0x1d3: {  	[hbm4b:s5+s3] =	stream.indirect_vreg.scatter [tilespmem:s12], [sflag:$0x4], $0x80, v3, vm0, $0xb8;
	[tilespmem:$0x10400] =	vst v63  }
0x1d4: {  	_ = 	snop  }
0x1d5: {  	[hbm4b:s6+s3] =	stream.indirect_vreg.scatter [tilespmem:s10], [sflag:$0x4], $0x80, v3, vm0, $0xb8;
	[tilespmem:$0x10400] =	vst v63  }
0x1d6: {  	_ = 	snop  }
0x1d7: {  	[hbm4b:s7+s3] =	stream.indirect_vreg.scatter [tilespmem:s21], [sflag:$0x4], $0x80, v3, vm0, $0xb8;
	[tilespmem:$0x10400] =	vst v63  }
0x1d8: {  	v3 =	vld [tilespmem:$0x10290];
	_ =	sdelay $0x4  }
0x1d9: {  	v63 =	vshll.u32 v3, $0x3  }
0x1da: {  	v3 =	vand.u32 $0x7, v3;
	v4 =	vand.u32 $0xFFFFFFC0, v63  }
0x1db: {  	v3 =	vor.u32 v3, v4  }
0x1dc: {  	v4 =	vperm.xlane v3, v0;
	_ =	sdelay $0x1  }
0x1dd: {  	v4 =	vadd.s32 v1, v4;
	_ =	sdelay $0x4  }
0x1de: {  	[hbm4b:s4+s3] =	stream.indirect_vreg.scatter [tilespmem:s22], [sflag:$0x4], $0x80, v4, vm0, $0xb8;
	[tilespmem:$0x10400] =	vst v63  }
0x1df: {  	v3 =	vperm.xlane v3, v2  }
0x1e0: {  	[hbm4b:s5+s3] =	stream.indirect_vreg.scatter [tilespmem:s23], [sflag:$0x4], $0x80, v4, vm0, $0xb8;
	[tilespmem:$0x10400] =	vst v63  }
0x1e1: {  	v3 =	vadd.s32 v1, v3  }
0x1e2: {  	[hbm4b:s6+s3] =	stream.indirect_vreg.scatter [tilespmem:s11], [sflag:$0x4], $0x80, v4, vm0, $0xb8;
	[tilespmem:$0x10400] =	vst v63  }
0x1e3: {  	_ = 	snop  }
0x1e4: {  	[hbm4b:s7+s3] =	stream.indirect_vreg.scatter [tilespmem:s16], [sflag:$0x4], $0x80, v4, vm0, $0xb8;
	[tilespmem:$0x10400] =	vst v63  }
0x1e5: {  	_ = 	snop  }
0x1e6: {  	[hbm4b:s4+s3] =	stream.indirect_vreg.scatter [tilespmem:s14], [sflag:$0x4], $0x80, v3, vm0, $0xb8;
	[tilespmem:$0x10400] =	vst v63  }
0x1e7: {  	_ = 	snop  }
0x1e8: {  	[hbm4b:s5+s3] =	stream.indirect_vreg.scatter [tilespmem:s15], [sflag:$0x4], $0x80, v3, vm0, $0xb8;
	[tilespmem:$0x10400] =	vst v63  }
0x1e9: {  	_ = 	snop  }
0x1ea: {  	[hbm4b:s6+s3] =	stream.indirect_vreg.scatter [tilespmem:s19], [sflag:$0x4], $0x80, v3, vm0, $0xb8;
	[tilespmem:$0x10400] =	vst v63  }
0x1eb: {  	_ = 	snop  }
0x1ec: {  	[hbm4b:s7+s3] =	stream.indirect_vreg.scatter [tilespmem:s28], [sflag:$0x4], $0x80, v3, vm0, $0xb8;
	[tilespmem:$0x10400] =	vst v63  }
0x1ed: {  	s2 =	simm.s32 $0x40;
	s29 =	simm.s32 $0x10300  }
0x1ee: {  	[hbm4b:s30+s2] =	stream.indirect.scatter [tilespmem:s9], [sflag:$0x4], $0x1, s29, s2, $0xb8;
	[tilespmem:$0x10400] =	vst v63  }
0x1ef: {  	_ =	swait.ge [sflag:s25], $0x8000  }
0x1f0: {  	[sflag:s25] =	ssyncset.done $0x0  }
0x1f1: {  	[sflag:s25] =	ssyncadd.s32 $0xFFFF8000  }
0x1f2: {  	_ =	swait.ge [sflag:s25], $0x8000  }
0x1f3: {  	[sflag:s25] =	ssyncset.done $0x0  }
0x1f4: {  	[sflag:s25] =	ssyncadd.s32 $0xFFFF8000  }
0x1f5: {  	_ =	swait.ge [sflag:s25], $0x40  }
0x1f6: {  	[sflag:s25] =	ssyncset.done $0x0  }
0x1f7: {  	[sflag:s25] =	ssyncadd.s32 $0xFFFFFFC0  }
0x1f8: {  	_ =	swait.ge [sflag:s26], $0x8000  }
0x1f9: {  	[sflag:s26] =	ssyncset.done $0x0  }
0x1fa: {  	[sflag:s26] =	ssyncadd.s32 $0xFFFF8000  }
0x1fb: {  	p0 =	sne.s32 s24, $0x1;
	_ =	swait.ge [sflag:s26], $0x8000  }
.Ltmp0:
0x1fc: {  	[sflag:s26] =	ssyncset.done $0x0;
	(pc) =	sbr.rel @p0 .LBB2_1-.Ltmp0, $4  }
0x1fd: {  	[sflag:s26] =	ssyncadd.s32 $0xFFFF8000  }
0x1fe: {  	_ =	swait.ge [sflag:s26], $0x40  }
0x1ff: {  	[sflag:s26] =	ssyncset.done $0x0  }
0x200: {  	s24 =	sadd.s32 $0xFFFFFFFF, s24;
	[sflag:s26] =	ssyncadd.s32 $0xFFFFFFC0  }
0x201: {  	_ =	sfence.sel $0x180000  }
0x202: {  	[bflag:$0x0] =	sbarrier.arrive $0xFFFF  }
0x203: {  	_ =	strace $0x90000047  }
0x204: {  	s0 =	stileid.u32;
	[bflag:$0x2] =	sbarrier.arrive $0xFFFF  }
0x205: {  	p0 =	sne.s32 s0, $0x0;
	s0 =	rddreg [dreg:$0x4]  }
0x206: {  	s0 =	sadd.s32 @!p0 $0x100000, s0  }
0x207: {  	[sflag:s0] =	ssyncadd.tile.s32 @!p0 $0x1;
	_ =	shalt  }
.Lfunc_end2:
_tile_overlayer_lowered:
.L_overlay_start_2:
0x208: {  	(tag) =	ssettag $0x2  }
0x209: {  	s0 =	rddreg [dreg:$0x0];
	s2 =	stileid.u32  }
0x20a: {  	s1 =	rddreg [dreg:$0x1];
	p0 =	sne.s32 s2, $0x0  }
0x20b: {  	s3 =	rddreg [dreg:$0x2];
	[bflag:$0x3] =	sbarrier.arrive $0xFFFF;
	s2 =	simm.s32 @!p0 $0x1C05  }
0x20c: {  	[timem:s3], [sflag:s2] =	dma.local @!p0 [hbm:s0], s1  }
0x20d: {  	s0 =	simm.s32 @!p0 $0x5  }
0x20e: {  	_ =	swait.ge @!p0 [sflag:s0], s1  }
0x20f: {  	s1 =	ssub.s32 @!p0 $0x0, s1;
	[sflag:s0] =	ssyncset.done @!p0 $0x0  }
0x210: {  	[sflag:s0] =	ssyncadd.s32 @!p0 s1  }
0x211: {  	[bflag:$0x3] =	sbarrier.arrive $0xFFFF  }
0x212: {  	_ =	shalt  }

</sc_bundles>
